<compile_context>
chip_gen: v7x
topology: tpu7x:2x2x1
jax: 0.10.2.dev20260603
libtpu: 0.0.44.dev20260713+nightly
codegen_flags: <defaults>
</compile_context>

<pallas_src>
import functools

import jax
import jax.numpy as jnp
from jax import lax
from jax.experimental import pallas as pl
from jax.experimental.pallas import tpu as pltpu
from jax.experimental.pallas import tpu_sc as plsc

LAMBDA_OPACITY = 0.001
LAMBDA_DISTORTION = 0.001

NC = 2
NS = 16
NW = NC * NS
L = 16


def _tc_losses_body(p_ref, t_ref, o_ref, drgb_ref, dop_ref):
    diff = p_ref[...] - t_ref[...]
    drgb_ref[...] = diff * diff
    o = o_ref[...] + 1e-10
    dop_ref[...] = (-LAMBDA_OPACITY) * (o * jnp.log(o))


def _make_distortion(n_rays, s):
    rays_per_w = n_rays // NW
    samp_per_w = rays_per_w * s
    groups = rays_per_w // L
    vregs = s // L
    mesh = plsc.VectorSubcoreMesh(core_axis_name="c", subcore_axis_name="s")

    @functools.partial(
        pl.kernel,
        out_type=jax.ShapeDtypeStruct((n_rays,), jnp.float32),
        mesh=mesh,
        compiler_params=pltpu.CompilerParams(needs_layout_passes=False),
        scratch_types=[
            pltpu.VMEM((samp_per_w,), jnp.float32),
            pltpu.VMEM((samp_per_w,), jnp.float32),
            pltpu.VMEM((samp_per_w,), jnp.float32),
            pltpu.VMEM((rays_per_w,), jnp.float32),
            pltpu.SemaphoreType.DMA,
        ],
    )
    def dist(ws_hbm, ts_hbm, de_hbm, out_hbm, ws_v, ts_v, de_v, out_v, sem):
        wid = lax.axis_index("s") * NC + lax.axis_index("c")
        base = wid * samp_per_w
        cps = [
            pltpu.async_copy(ws_hbm.at[pl.ds(base, samp_per_w)], ws_v, sem),
            pltpu.async_copy(ts_hbm.at[pl.ds(base, samp_per_w)], ts_v, sem),
            pltpu.async_copy(de_hbm.at[pl.ds(base, samp_per_w)], de_v, sem),
        ]
        for cp in cps:
            cp.wait()
        lane = lax.broadcasted_iota(jnp.int32, (L,), 0)
        zero = jnp.zeros((L,), jnp.float32)

        def _last(v):
            return jnp.squeeze(lax.slice(v, (L - 1,), (L,)))

        def group(g, _):
            res = zero
            for j in range(L):
                ray_base = (g * L + j) * s
                acc = zero
                wc = jnp.float32(0.0)
                wtc = jnp.float32(0.0)
                for k in range(vregs):
                    off = ray_base + k * L
                    w = ws_v[pl.ds(off, L)]
                    t = ts_v[pl.ds(off, L)]
                    dd = de_v[pl.ds(off, L)]
                    wt = w * t
                    cw = plsc.cumsum(w)
                    cwt = plsc.cumsum(wt)
                    exw = cw - w + wc
                    exwt = cwt - wt + wtc
                    acc = acc + 2.0 * w * (t * exw - exwt) \
                        + (1.0 / 3.0) * (w * w * dd)
                    wc = _last(cw) + wc
                    wtc = _last(cwt) + wtc
                loss = LAMBDA_DISTORTION * jnp.sum(acc)
                res = jnp.where(lane == j, zero + loss, res)
            out_v[pl.ds(g * L, L)] = res
            return 0

        lax.fori_loop(0, groups, group, 0)
        pltpu.sync_copy(out_v, out_hbm.at[pl.ds(wid * rays_per_w, rays_per_w)])

    return dist


def kernel(rgb_pred, rgb_target, opacity, ws, deltas, ts, rays_a):
    n_rays = rgb_pred.shape[0]
    n = ws.shape[0]
    s = n // n_rays

    d_distortion = _make_distortion(n_rays, s)(ws, ts, deltas)

    flat = n_rays * 3
    p2 = rgb_pred.reshape(flat // 128, 128)
    t2 = rgb_target.reshape(flat // 128, 128)
    o2 = opacity.reshape(n_rays // 128, 128)
    drgb2, dop2 = pl.pallas_call(
        _tc_losses_body,
        out_shape=(
            jax.ShapeDtypeStruct((flat // 128, 128), jnp.float32),
            jax.ShapeDtypeStruct((n_rays // 128, 128), jnp.float32),
        ),
    )(p2, t2, o2)

    return (drgb2.reshape(n_rays, 3), dop2.reshape(n_rays, 1), d_distortion)

# --- scband reference (transcript-rebuilt; emitter-appended) ---
"""Pipeline reference for scband-ne-rfloss-11338713662156 (READ-ONLY COPY).

The authoritative reference and input builder live on the scoring server;
editing this copy changes nothing except your own understanding.
"""

import jax, jax.numpy as jnp
import numpy as np

N_RAYS = 8192
S = 64
N = N_RAYS * S


def setup_inputs(seed: int = 0) -> dict:
    key = jax.random.key(seed)
    ks = jax.random.split(key, 6)
    rgb_pred = jax.random.uniform(ks[0], (N_RAYS, 3), dtype=jnp.float32)
    rgb_target = jax.random.uniform(ks[1], (N_RAYS, 3), dtype=jnp.float32)
    opacity = jax.random.uniform(ks[2], (N_RAYS, 1), dtype=jnp.float32, minval=1e-4, maxval=1.0)
    deltas = jax.random.uniform(ks[3], (N,), dtype=jnp.float32, minval=1e-4, maxval=1e-2)
    # ts are interval midpoints: cumsum of deltas within each ray -> sorted per ray
    ts = jnp.cumsum(deltas.reshape(N_RAYS, S), axis=1).reshape(-1)
    ws = jax.random.uniform(ks[4], (N,), dtype=jnp.float32) / S
    ray_idx = jnp.arange(N_RAYS, dtype=jnp.int32)
    rays_a = jnp.stack([ray_idx, ray_idx * S, jnp.full((N_RAYS,), S, dtype=jnp.int32)], axis=1)
    return {"rgb_pred": rgb_pred, "rgb_target": rgb_target, "opacity": opacity,
            "ws": ws, "deltas": deltas, "ts": ts, "rays_a": rays_a}


def _distortion_loss(ws, deltas, ts, rays_a):
    # Mip-NeRF 360 distortion loss via per-ray inclusive scans (DVGO-v2 formulation):
    # L_r = 2 * sum_i w_i (t_i * W_{<i} - (wt)_{<i}) + (1/3) * sum_i w_i^2 * delta_i
    n_rays = rays_a.shape[0]
    n = ws.shape[0]
    seg_ids = jnp.repeat(rays_a[:, 0], rays_a[:, 2], total_repeat_length=n)
    cw = jnp.cumsum(ws)
    cwt = jnp.cumsum(ws * ts)
    exw = jnp.concatenate([jnp.zeros((1,), ws.dtype), cw[:-1]])
    exwt = jnp.concatenate([jnp.zeros((1,), ws.dtype), cwt[:-1]])
    start = rays_a[:, 1]
    # reset exclusive scans at each segment start
    exw = exw - exw[start][seg_ids]
    exwt = exwt - exwt[start][seg_ids]
    loss_bi = 2.0 * jax.ops.segment_sum(ws * (ts * exw - exwt), seg_ids, num_segments=n_rays)
    loss_uni = (1.0 / 3.0) * jax.ops.segment_sum(ws * ws * deltas, seg_ids, num_segments=n_rays)
    return loss_bi + loss_uni


def reference(rgb_pred, rgb_target, opacity, ws, deltas, ts, rays_a):
    lambda_opacity = 0.001
    lambda_distortion = 0.001
    d_rgb = (rgb_pred - rgb_target) ** 2
    o = opacity + 1e-10
    d_opacity = lambda_opacity * (-o * jnp.log(o))
    d_distortion = lambda_distortion * _distortion_loss(ws, deltas, ts, rays_a)
    return (d_rgb, d_opacity, d_distortion)

if __name__ == "__main__":
    import jax
    _d = setup_inputs()
    print(jax.jit(kernel)(*tuple(_d.values())))

</pallas_src>

<mosaic_0001>
#map = affine_map<(d0, d1) -> (0)>
module attributes {stable_mosaic.version = 14 : i64} {
  func.func @dist(%arg0: i32, %arg1: i32, %arg2: memref<524288xf32, #tpu.memory_space<hbm>>, %arg3: memref<524288xf32, #tpu.memory_space<hbm>>, %arg4: memref<524288xf32, #tpu.memory_space<hbm>>, %arg5: memref<8192xf32, #tpu.memory_space<hbm>>, %arg6: memref<16384xf32, #tpu.memory_space<vmem>>, %arg7: memref<16384xf32, #tpu.memory_space<vmem>>, %arg8: memref<16384xf32, #tpu.memory_space<vmem>>, %arg9: memref<256xf32, #tpu.memory_space<vmem>>, %arg10: memref<!tpu.dma_semaphore, #tpu.memory_space<semaphore_mem>>) attributes {dimension_semantics = [#tpu.dimension_semantics<core_parallel>, #tpu.dimension_semantics<subcore_parallel>], iteration_bounds = array<i64: 2, 16>, scalar_prefetch = 0 : i64, scratch_operands = 5 : i64, tpu.core_type = #tpu.core_type<sc_vector_subcore>, window_params = [{transform_indices = #map}, {transform_indices = #map}, {transform_indices = #map}, {transform_indices = #map}]} {
    %mul3A = arith.constant 2 : i32
    %mul3A_0 = arith.muli %arg1, %mul3A : i32
    %add3A = arith.addi %mul3A_0, %arg0 : i32
    %mul3A_1 = arith.constant 16384 : i32
    %mul3A_2 = arith.muli %add3A, %mul3A_1 : i32
    %dma_start3A = tpu.memref_slice %arg2[%mul3A_2] : memref<524288xf32, #tpu.memory_space<hbm>> -> memref<16384xf32, #tpu.memory_space<hbm>>
    %dma_start3A_3 = tpu.memref_slice %arg2[%mul3A_2] : memref<524288xf32, #tpu.memory_space<hbm>> -> memref<16384xf32, #tpu.memory_space<hbm>>
    tpu.enqueue_dma source(%dma_start3A_3 : memref<16384xf32, #tpu.memory_space<hbm>>) target(%arg6 : memref<16384xf32, #tpu.memory_space<vmem>>) target_semaphore(%arg10 : memref<!tpu.dma_semaphore, #tpu.memory_space<semaphore_mem>>)
    %dma_start3A_4 = tpu.memref_slice %arg3[%mul3A_2] : memref<524288xf32, #tpu.memory_space<hbm>> -> memref<16384xf32, #tpu.memory_space<hbm>>
    %dma_start3A_5 = tpu.memref_slice %arg3[%mul3A_2] : memref<524288xf32, #tpu.memory_space<hbm>> -> memref<16384xf32, #tpu.memory_space<hbm>>
    tpu.enqueue_dma source(%dma_start3A_5 : memref<16384xf32, #tpu.memory_space<hbm>>) target(%arg7 : memref<16384xf32, #tpu.memory_space<vmem>>) target_semaphore(%arg10 : memref<!tpu.dma_semaphore, #tpu.memory_space<semaphore_mem>>)
    %dma_start3A_6 = tpu.memref_slice %arg4[%mul3A_2] : memref<524288xf32, #tpu.memory_space<hbm>> -> memref<16384xf32, #tpu.memory_space<hbm>>
    %dma_start3A_7 = tpu.memref_slice %arg4[%mul3A_2] : memref<524288xf32, #tpu.memory_space<hbm>> -> memref<16384xf32, #tpu.memory_space<hbm>>
    tpu.enqueue_dma source(%dma_start3A_7 : memref<16384xf32, #tpu.memory_space<hbm>>) target(%arg8 : memref<16384xf32, #tpu.memory_space<vmem>>) target_semaphore(%arg10 : memref<!tpu.dma_semaphore, #tpu.memory_space<semaphore_mem>>)
    %dma_wait3A = tpu.memref_slice %arg2[%mul3A_2] : memref<524288xf32, #tpu.memory_space<hbm>> -> memref<16384xf32, #tpu.memory_space<hbm>>
    %dma_wait3A_8 = tpu.memref_slice %arg2[%mul3A_2] : memref<524288xf32, #tpu.memory_space<hbm>> -> memref<16384xf32, #tpu.memory_space<hbm>>
    tpu.wait_dma2 semaphore(%arg10 : memref<!tpu.dma_semaphore, #tpu.memory_space<semaphore_mem>>) src(%dma_wait3A_8 : memref<16384xf32, #tpu.memory_space<hbm>>) dst(%arg6 : memref<16384xf32, #tpu.memory_space<vmem>>)
    %dma_wait3A_9 = tpu.memref_slice %arg3[%mul3A_2] : memref<524288xf32, #tpu.memory_space<hbm>> -> memref<16384xf32, #tpu.memory_space<hbm>>
    %dma_wait3A_10 = tpu.memref_slice %arg3[%mul3A_2] : memref<524288xf32, #tpu.memory_space<hbm>> -> memref<16384xf32, #tpu.memory_space<hbm>>
    tpu.wait_dma2 semaphore(%arg10 : memref<!tpu.dma_semaphore, #tpu.memory_space<semaphore_mem>>) src(%dma_wait3A_10 : memref<16384xf32, #tpu.memory_space<hbm>>) dst(%arg7 : memref<16384xf32, #tpu.memory_space<vmem>>)
    %dma_wait3A_11 = tpu.memref_slice %arg4[%mul3A_2] : memref<524288xf32, #tpu.memory_space<hbm>> -> memref<16384xf32, #tpu.memory_space<hbm>>
    %dma_wait3A_12 = tpu.memref_slice %arg4[%mul3A_2] : memref<524288xf32, #tpu.memory_space<hbm>> -> memref<16384xf32, #tpu.memory_space<hbm>>
    tpu.wait_dma2 semaphore(%arg10 : memref<!tpu.dma_semaphore, #tpu.memory_space<semaphore_mem>>) src(%dma_wait3A_12 : memref<16384xf32, #tpu.memory_space<hbm>>) dst(%arg8 : memref<16384xf32, #tpu.memory_space<vmem>>)
    %iota3A = tpu.iota {dimensions = array<i32: 0>} : vector<16xi32>
    %broadcast_in_dim3A = arith.constant 0.000000e+00 : f32
    %broadcast_in_dim3A_13 = vector.broadcast %broadcast_in_dim3A : f32 to vector<16xf32>
    %scan3A = arith.constant 0 : i32
    %scan3A_14 = arith.constant 0 : i32
    %scan3A_15 = arith.constant 16 : i32
    %scan3A_16 = arith.addi %scan3A_14, %scan3A_15 : i32
    %scan3A_17 = arith.constant 1 : i32
    %scan3A_18 = scf.for %scan3A_22 = %scan3A_14 to %scan3A_16 step %scan3A_17 iter_args(%scan3A_23 = %scan3A) -> (i32)  : i32 {
      %mul3A_24 = arith.constant 16 : i32
      %mul3A_25 = arith.muli %scan3A_22, %mul3A_24 : i32
      %add3A_26 = arith.constant 0 : i32
      %add3A_27 = arith.addi %mul3A_25, %add3A_26 : i32
      %mul3A_28 = arith.constant 64 : i32
      %mul3A_29 = arith.muli %add3A_27, %mul3A_28 : i32
      %add3A_30 = arith.constant 0 : i32
      %add3A_31 = arith.addi %mul3A_29, %add3A_30 : i32
      %get3A = arith.index_cast %add3A_31 : i32 to index
      %get3A_32 = tpu.vector_load %arg6[%get3A] {strides = array<i32>} : memref<16384xf32, #tpu.memory_space<vmem>>, vector<16xf32>,
      %get3A_33 = arith.index_cast %add3A_31 : i32 to index
      %get3A_34 = tpu.vector_load %arg7[%get3A_33] {strides = array<i32>} : memref<16384xf32, #tpu.memory_space<vmem>>, vector<16xf32>,
      %get3A_35 = arith.index_cast %add3A_31 : i32 to index
      %get3A_36 = tpu.vector_load %arg8[%get3A_35] {strides = array<i32>} : memref<16384xf32, #tpu.memory_space<vmem>>, vector<16xf32>,
      %mul3A_37 = arith.mulf %get3A_32, %get3A_34 : vector<16xf32>
      %broadcast_in_dim3A_38 = arith.constant true
      %broadcast_in_dim3A_39 = vector.broadcast %broadcast_in_dim3A_38 : i1 to vector<16xi1>
      %masked_cumsum3A = tpu.scan <sum>, %get3A_32 masked %broadcast_in_dim3A_39 : vector<16xf32>, vector<16xi1> -> vector<16xf32>
      %broadcast_in_dim3A_40 = arith.constant true
      %broadcast_in_dim3A_41 = vector.broadcast %broadcast_in_dim3A_40 : i1 to vector<16xi1>
      %masked_cumsum3A_42 = tpu.scan <sum>, %mul3A_37 masked %broadcast_in_dim3A_41 : vector<16xf32>, vector<16xi1> -> vector<16xf32>
      %sub3A = arith.subf %masked_cumsum3A, %get3A_32 : vector<16xf32>
      %add3A_43 = arith.constant 0.000000e+00 : f32
      %add3A_44 = vector.broadcast %add3A_43 : f32 to vector<16xf32>
      %add3A_45 = arith.addf %sub3A, %add3A_44 : vector<16xf32>
      %sub3A_46 = arith.subf %masked_cumsum3A_42, %mul3A_37 : vector<16xf32>
      %add3A_47 = arith.constant 0.000000e+00 : f32
      %add3A_48 = vector.broadcast %add3A_47 : f32 to vector<16xf32>
      %add3A_49 = arith.addf %sub3A_46, %add3A_48 : vector<16xf32>
      %mul3A_50 = arith.constant 2.000000e+00 : f32
      %mul3A_51 = vector.broadcast %mul3A_50 : f32 to vector<16xf32>
      %mul3A_52 = arith.mulf %mul3A_51, %get3A_32 : vector<16xf32>
      %mul3A_53 = arith.mulf %get3A_34, %add3A_45 : vector<16xf32>
      %sub3A_54 = arith.subf %mul3A_53, %add3A_49 : vector<16xf32>
      %mul3A_55 = arith.mulf %mul3A_52, %sub3A_54 : vector<16xf32>
      %add3A_56 = arith.addf %broadcast_in_dim3A_13, %mul3A_55 : vector<16xf32>
      %mul3A_57 = arith.mulf %get3A_32, %get3A_32 : vector<16xf32>
      %mul3A_58 = arith.mulf %mul3A_57, %get3A_36 : vector<16xf32>
      %mul3A_59 = arith.constant 0.333333343 : f32
      %mul3A_60 = vector.broadcast %mul3A_59 : f32 to vector<16xf32>
      %mul3A_61 = arith.mulf %mul3A_60, %mul3A_58 : vector<16xf32>
      %add3A_62 = arith.addf %add3A_56, %mul3A_61 : vector<16xf32>
      %slice3A = vector.extract_strided_slice %masked_cumsum3A {offsets = [15], sizes = [1], strides = [1]} : vector<16xf32> to vector<1xf32>
      %squeeze3A = vector.extract %slice3A[0] : f32 from vector<1xf32>
      %add3A_63 = arith.constant 0.000000e+00 : f32
      %add3A_64 = arith.addf %squeeze3A, %add3A_63 : f32
      %slice3A_65 = vector.extract_strided_slice %masked_cumsum3A_42 {offsets = [15], sizes = [1], strides = [1]} : vector<16xf32> to vector<1xf32>
      %squeeze3A_66 = vector.extract %slice3A_65[0] : f32 from vector<1xf32>
      %add3A_67 = arith.constant 0.000000e+00 : f32
      %add3A_68 = arith.addf %squeeze3A_66, %add3A_67 : f32
      %add3A_69 = arith.constant 16 : i32
      %add3A_70 = arith.addi %mul3A_29, %add3A_69 : i32
      %get3A_71 = arith.index_cast %add3A_70 : i32 to index
      %get3A_72 = tpu.vector_load %arg6[%get3A_71] {strides = array<i32>} : memref<16384xf32, #tpu.memory_space<vmem>>, vector<16xf32>,
      %get3A_73 = arith.index_cast %add3A_70 : i32 to index
      %get3A_74 = tpu.vector_load %arg7[%get3A_73] {strides = array<i32>} : memref<16384xf32, #tpu.memory_space<vmem>>, vector<16xf32>,
      %get3A_75 = arith.index_cast %add3A_70 : i32 to index
      %get3A_76 = tpu.vector_load %arg8[%get3A_75] {strides = array<i32>} : memref<16384xf32, #tpu.memory_space<vmem>>, vector<16xf32>,
      %mul3A_77 = arith.mulf %get3A_72, %get3A_74 : vector<16xf32>
      %broadcast_in_dim3A_78 = arith.constant true
      %broadcast_in_dim3A_79 = vector.broadcast %broadcast_in_dim3A_78 : i1 to vector<16xi1>
      %masked_cumsum3A_80 = tpu.scan <sum>, %get3A_72 masked %broadcast_in_dim3A_79 : vector<16xf32>, vector<16xi1> -> vector<16xf32>
      %broadcast_in_dim3A_81 = arith.constant true
      %broadcast_in_dim3A_82 = vector.broadcast %broadcast_in_dim3A_81 : i1 to vector<16xi1>
      %masked_cumsum3A_83 = tpu.scan <sum>, %mul3A_77 masked %broadcast_in_dim3A_82 : vector<16xf32>, vector<16xi1> -> vector<16xf32>
      %sub3A_84 = arith.subf %masked_cumsum3A_80, %get3A_72 : vector<16xf32>
      %add3A_85 = vector.broadcast %add3A_64 : f32 to vector<16xf32>
      %add3A_86 = arith.addf %sub3A_84, %add3A_85 : vector<16xf32>
      %sub3A_87 = arith.subf %masked_cumsum3A_83, %mul3A_77 : vector<16xf32>
      %add3A_88 = vector.broadcast %add3A_68 : f32 to vector<16xf32>
      %add3A_89 = arith.addf %sub3A_87, %add3A_88 : vector<16xf32>
      %mul3A_90 = arith.constant 2.000000e+00 : f32
      %mul3A_91 = vector.broadcast %mul3A_90 : f32 to vector<16xf32>
      %mul3A_92 = arith.mulf %mul3A_91, %get3A_72 : vector<16xf32>
      %mul3A_93 = arith.mulf %get3A_74, %add3A_86 : vector<16xf32>
      %sub3A_94 = arith.subf %mul3A_93, %add3A_89 : vector<16xf32>
      %mul3A_95 = arith.mulf %mul3A_92, %sub3A_94 : vector<16xf32>
      %add3A_96 = arith.addf %add3A_62, %mul3A_95 : vector<16xf32>
      %mul3A_97 = arith.mulf %get3A_72, %get3A_72 : vector<16xf32>
      %mul3A_98 = arith.mulf %mul3A_97, %get3A_76 : vector<16xf32>
      %mul3A_99 = arith.constant 0.333333343 : f32
      %mul3A_100 = vector.broadcast %mul3A_99 : f32 to vector<16xf32>
      %mul3A_101 = arith.mulf %mul3A_100, %mul3A_98 : vector<16xf32>
      %add3A_102 = arith.addf %add3A_96, %mul3A_101 : vector<16xf32>
      %slice3A_103 = vector.extract_strided_slice %masked_cumsum3A_80 {offsets = [15], sizes = [1], strides = [1]} : vector<16xf32> to vector<1xf32>
      %squeeze3A_104 = vector.extract %slice3A_103[0] : f32 from vector<1xf32>
      %add3A_105 = arith.addf %squeeze3A_104, %add3A_64 : f32
      %slice3A_106 = vector.extract_strided_slice %masked_cumsum3A_83 {offsets = [15], sizes = [1], strides = [1]} : vector<16xf32> to vector<1xf32>
      %squeeze3A_107 = vector.extract %slice3A_106[0] : f32 from vector<1xf32>
      %add3A_108 = arith.addf %squeeze3A_107, %add3A_68 : f32
      %add3A_109 = arith.constant 32 : i32
      %add3A_110 = arith.addi %mul3A_29, %add3A_109 : i32
      %get3A_111 = arith.index_cast %add3A_110 : i32 to index
      %get3A_112 = tpu.vector_load %arg6[%get3A_111] {strides = array<i32>} : memref<16384xf32, #tpu.memory_space<vmem>>, vector<16xf32>,
      %get3A_113 = arith.index_cast %add3A_110 : i32 to index
      %get3A_114 = tpu.vector_load %arg7[%get3A_113] {strides = array<i32>} : memref<16384xf32, #tpu.memory_space<vmem>>, vector<16xf32>,
      %get3A_115 = arith.index_cast %add3A_110 : i32 to index
      %get3A_116 = tpu.vector_load %arg8[%get3A_115] {strides = array<i32>} : memref<16384xf32, #tpu.memory_space<vmem>>, vector<16xf32>,
      %mul3A_117 = arith.mulf %get3A_112, %get3A_114 : vector<16xf32>
      %broadcast_in_dim3A_118 = arith.constant true
      %broadcast_in_dim3A_119 = vector.broadcast %broadcast_in_dim3A_118 : i1 to vector<16xi1>
      %masked_cumsum3A_120 = tpu.scan <sum>, %get3A_112 masked %broadcast_in_dim3A_119 : vector<16xf32>, vector<16xi1> -> vector<16xf32>
      %broadcast_in_dim3A_121 = arith.constant true
      %broadcast_in_dim3A_122 = vector.broadcast %broadcast_in_dim3A_121 : i1 to vector<16xi1>
      %masked_cumsum3A_123 = tpu.scan <sum>, %mul3A_117 masked %broadcast_in_dim3A_122 : vector<16xf32>, vector<16xi1> -> vector<16xf32>
      %sub3A_124 = arith.subf %masked_cumsum3A_120, %get3A_112 : vector<16xf32>
      %add3A_125 = vector.broadcast %add3A_105 : f32 to vector<16xf32>
      %add3A_126 = arith.addf %sub3A_124, %add3A_125 : vector<16xf32>
      %sub3A_127 = arith.subf %masked_cumsum3A_123, %mul3A_117 : vector<16xf32>
      %add3A_128 = vector.broadcast %add3A_108 : f32 to vector<16xf32>
      %add3A_129 = arith.addf %sub3A_127, %add3A_128 : vector<16xf32>
      %mul3A_130 = arith.constant 2.000000e+00 : f32
      %mul3A_131 = vector.broadcast %mul3A_130 : f32 to vector<16xf32>
      %mul3A_132 = arith.mulf %mul3A_131, %get3A_112 : vector<16xf32>
      %mul3A_133 = arith.mulf %get3A_114, %add3A_126 : vector<16xf32>
      %sub3A_134 = arith.subf %mul3A_133, %add3A_129 : vector<16xf32>
      %mul3A_135 = arith.mulf %mul3A_132, %sub3A_134 : vector<16xf32>
      %add3A_136 = arith.addf %add3A_102, %mul3A_135 : vector<16xf32>
      %mul3A_137 = arith.mulf %get3A_112, %get3A_112 : vector<16xf32>
      %mul3A_138 = arith.mulf %mul3A_137, %get3A_116 : vector<16xf32>
      %mul3A_139 = arith.constant 0.333333343 : f32
      %mul3A_140 = vector.broadcast %mul3A_139 : f32 to vector<16xf32>
      %mul3A_141 = arith.mulf %mul3A_140, %mul3A_138 : vector<16xf32>
      %add3A_142 = arith.addf %add3A_136, %mul3A_141 : vector<16xf32>
      %slice3A_143 = vector.extract_strided_slice %masked_cumsum3A_120 {offsets = [15], sizes = [1], strides = [1]} : vector<16xf32> to vector<1xf32>
      %squeeze3A_144 = vector.extract %slice3A_143[0] : f32 from vector<1xf32>
      %add3A_145 = arith.addf %squeeze3A_144, %add3A_105 : f32
      %slice3A_146 = vector.extract_strided_slice %masked_cumsum3A_123 {offsets = [15], sizes = [1], strides = [1]} : vector<16xf32> to vector<1xf32>
      %squeeze3A_147 = vector.extract %slice3A_146[0] : f32 from vector<1xf32>
      %add3A_148 = arith.addf %squeeze3A_147, %add3A_108 : f32
      %add3A_149 = arith.constant 48 : i32
      %add3A_150 = arith.addi %mul3A_29, %add3A_149 : i32
      %get3A_151 = arith.index_cast %add3A_150 : i32 to index
      %get3A_152 = tpu.vector_load %arg6[%get3A_151] {strides = array<i32>} : memref<16384xf32, #tpu.memory_space<vmem>>, vector<16xf32>,
      %get3A_153 = arith.index_cast %add3A_150 : i32 to index
      %get3A_154 = tpu.vector_load %arg7[%get3A_153] {strides = array<i32>} : memref<16384xf32, #tpu.memory_space<vmem>>, vector<16xf32>,
      %get3A_155 = arith.index_cast %add3A_150 : i32 to index
      %get3A_156 = tpu.vector_load %arg8[%get3A_155] {strides = array<i32>} : memref<16384xf32, #tpu.memory_space<vmem>>, vector<16xf32>,
      %mul3A_157 = arith.mulf %get3A_152, %get3A_154 : vector<16xf32>
      %broadcast_in_dim3A_158 = arith.constant true
      %broadcast_in_dim3A_159 = vector.broadcast %broadcast_in_dim3A_158 : i1 to vector<16xi1>
      %masked_cumsum3A_160 = tpu.scan <sum>, %get3A_152 masked %broadcast_in_dim3A_159 : vector<16xf32>, vector<16xi1> -> vector<16xf32>
      %broadcast_in_dim3A_161 = arith.constant true
      %broadcast_in_dim3A_162 = vector.broadcast %broadcast_in_dim3A_161 : i1 to vector<16xi1>
      %masked_cumsum3A_163 = tpu.scan <sum>, %mul3A_157 masked %broadcast_in_dim3A_162 : vector<16xf32>, vector<16xi1> -> vector<16xf32>
      %sub3A_164 = arith.subf %masked_cumsum3A_160, %get3A_152 : vector<16xf32>
      %add3A_165 = vector.broadcast %add3A_145 : f32 to vector<16xf32>
      %add3A_166 = arith.addf %sub3A_164, %add3A_165 : vector<16xf32>
      %sub3A_167 = arith.subf %masked_cumsum3A_163, %mul3A_157 : vector<16xf32>
      %add3A_168 = vector.broadcast %add3A_148 : f32 to vector<16xf32>
      %add3A_169 = arith.addf %sub3A_167, %add3A_168 : vector<16xf32>
      %mul3A_170 = arith.constant 2.000000e+00 : f32
      %mul3A_171 = vector.broadcast %mul3A_170 : f32 to vector<16xf32>
      %mul3A_172 = arith.mulf %mul3A_171, %get3A_152 : vector<16xf32>
      %mul3A_173 = arith.mulf %get3A_154, %add3A_166 : vector<16xf32>
      %sub3A_174 = arith.subf %mul3A_173, %add3A_169 : vector<16xf32>
      %mul3A_175 = arith.mulf %mul3A_172, %sub3A_174 : vector<16xf32>
      %add3A_176 = arith.addf %add3A_142, %mul3A_175 : vector<16xf32>
      %mul3A_177 = arith.mulf %get3A_152, %get3A_152 : vector<16xf32>
      %mul3A_178 = arith.mulf %mul3A_177, %get3A_156 : vector<16xf32>
      %mul3A_179 = arith.constant 0.333333343 : f32
      %mul3A_180 = vector.broadcast %mul3A_179 : f32 to vector<16xf32>
      %mul3A_181 = arith.mulf %mul3A_180, %mul3A_178 : vector<16xf32>
      %add3A_182 = arith.addf %add3A_176, %mul3A_181 : vector<16xf32>
      %slice3A_183 = vector.extract_strided_slice %masked_cumsum3A_160 {offsets = [15], sizes = [1], strides = [1]} : vector<16xf32> to vector<1xf32>
      %squeeze3A_184 = vector.extract %slice3A_183[0] : f32 from vector<1xf32>
      %add3A_185 = arith.addf %squeeze3A_184, %add3A_145 : f32
      %slice3A_186 = vector.extract_strided_slice %masked_cumsum3A_163 {offsets = [15], sizes = [1], strides = [1]} : vector<16xf32> to vector<1xf32>
      %squeeze3A_187 = vector.extract %slice3A_186[0] : f32 from vector<1xf32>
      %add3A_188 = arith.addf %squeeze3A_187, %add3A_148 : f32
      %reduce_sum3A = arith.constant true
      %reduce_sum3A_189 = vector.broadcast %reduce_sum3A : i1 to vector<16xi1>
      %reduce_sum3A_190 = tpu.scan <sum>, %add3A_182 masked %reduce_sum3A_189 : vector<16xf32>, vector<16xi1> -> vector<16xf32>
      %reduce_sum3A_191 = vector.extract %reduce_sum3A_190[15] : f32 from vector<16xf32>
      %mul3A_192 = arith.constant 1.000000e-03 : f32
      %mul3A_193 = arith.mulf %mul3A_192, %reduce_sum3A_191 : f32
      %eq3A = arith.constant 0 : i32
      %eq3A_194 = vector.broadcast %eq3A : i32 to vector<16xi32>
      %eq3A_195 = arith.cmpi eq, %iota3A, %eq3A_194 : vector<16xi32>
      %add3A_196 = vector.broadcast %mul3A_193 : f32 to vector<16xf32>
      %add3A_197 = arith.addf %broadcast_in_dim3A_13, %add3A_196 : vector<16xf32>
      %select_n3A = arith.select %eq3A_195, %add3A_197, %broadcast_in_dim3A_13 : vector<16xi1>, vector<16xf32>
      %mul3A_198 = arith.constant 16 : i32
      %mul3A_199 = arith.muli %scan3A_22, %mul3A_198 : i32
      %add3A_200 = arith.constant 1 : i32
      %add3A_201 = arith.addi %mul3A_199, %add3A_200 : i32
      %mul3A_202 = arith.constant 64 : i32
      %mul3A_203 = arith.muli %add3A_201, %mul3A_202 : i32
      %add3A_204 = arith.constant 0 : i32
      %add3A_205 = arith.addi %mul3A_203, %add3A_204 : i32
      %get3A_206 = arith.index_cast %add3A_205 : i32 to index
      %get3A_207 = tpu.vector_load %arg6[%get3A_206] {strides = array<i32>} : memref<16384xf32, #tpu.memory_space<vmem>>, vector<16xf32>,
      %get3A_208 = arith.index_cast %add3A_205 : i32 to index
      %get3A_209 = tpu.vector_load %arg7[%get3A_208] {strides = array<i32>} : memref<16384xf32, #tpu.memory_space<vmem>>, vector<16xf32>,
      %get3A_210 = arith.index_cast %add3A_205 : i32 to index
      %get3A_211 = tpu.vector_load %arg8[%get3A_210] {strides = array<i32>} : memref<16384xf32, #tpu.memory_space<vmem>>, vector<16xf32>,
      %mul3A_212 = arith.mulf %get3A_207, %get3A_209 : vector<16xf32>
      %broadcast_in_dim3A_213 = arith.constant true
      %broadcast_in_dim3A_214 = vector.broadcast %broadcast_in_dim3A_213 : i1 to vector<16xi1>
      %masked_cumsum3A_215 = tpu.scan <sum>, %get3A_207 masked %broadcast_in_dim3A_214 : vector<16xf32>, vector<16xi1> -> vector<16xf32>
      %broadcast_in_dim3A_216 = arith.constant true
      %broadcast_in_dim3A_217 = vector.broadcast %broadcast_in_dim3A_216 : i1 to vector<16xi1>
      %masked_cumsum3A_218 = tpu.scan <sum>, %mul3A_212 masked %broadcast_in_dim3A_217 : vector<16xf32>, vector<16xi1> -> vector<16xf32>
      %sub3A_219 = arith.subf %masked_cumsum3A_215, %get3A_207 : vector<16xf32>
      %add3A_220 = arith.constant 0.000000e+00 : f32
      %add3A_221 = vector.broadcast %add3A_220 : f32 to vector<16xf32>
      %add3A_222 = arith.addf %sub3A_219, %add3A_221 : vector<16xf32>
      %sub3A_223 = arith.subf %masked_cumsum3A_218, %mul3A_212 : vector<16xf32>
      %add3A_224 = arith.constant 0.000000e+00 : f32
      %add3A_225 = vector.broadcast %add3A_224 : f32 to vector<16xf32>
      %add3A_226 = arith.addf %sub3A_223, %add3A_225 : vector<16xf32>
      %mul3A_227 = arith.constant 2.000000e+00 : f32
      %mul3A_228 = vector.broadcast %mul3A_227 : f32 to vector<16xf32>
      %mul3A_229 = arith.mulf %mul3A_228, %get3A_207 : vector<16xf32>
      %mul3A_230 = arith.mulf %get3A_209, %add3A_222 : vector<16xf32>
      %sub3A_231 = arith.subf %mul3A_230, %add3A_226 : vector<16xf32>
      %mul3A_232 = arith.mulf %mul3A_229, %sub3A_231 : vector<16xf32>
      %add3A_233 = arith.addf %broadcast_in_dim3A_13, %mul3A_232 : vector<16xf32>
      %mul3A_234 = arith.mulf %get3A_207, %get3A_207 : vector<16xf32>
      %mul3A_235 = arith.mulf %mul3A_234, %get3A_211 : vector<16xf32>
      %mul3A_236 = arith.constant 0.333333343 : f32
      %mul3A_237 = vector.broadcast %mul3A_236 : f32 to vector<16xf32>
      %mul3A_238 = arith.mulf %mul3A_237, %mul3A_235 : vector<16xf32>
      %add3A_239 = arith.addf %add3A_233, %mul3A_238 : vector<16xf32>
      %slice3A_240 = vector.extract_strided_slice %masked_cumsum3A_215 {offsets = [15], sizes = [1], strides = [1]} : vector<16xf32> to vector<1xf32>
      %squeeze3A_241 = vector.extract %slice3A_240[0] : f32 from vector<1xf32>
      %add3A_242 = arith.constant 0.000000e+00 : f32
      %add3A_243 = arith.addf %squeeze3A_241, %add3A_242 : f32
      %slice3A_244 = vector.extract_strided_slice %masked_cumsum3A_218 {offsets = [15], sizes = [1], strides = [1]} : vector<16xf32> to vector<1xf32>
      %squeeze3A_245 = vector.extract %slice3A_244[0] : f32 from vector<1xf32>
      %add3A_246 = arith.constant 0.000000e+00 : f32
      %add3A_247 = arith.addf %squeeze3A_245, %add3A_246 : f32
      %add3A_248 = arith.constant 16 : i32
      %add3A_249 = arith.addi %mul3A_203, %add3A_248 : i32
      %get3A_250 = arith.index_cast %add3A_249 : i32 to index
      %get3A_251 = tpu.vector_load %arg6[%get3A_250] {strides = array<i32>} : memref<16384xf32, #tpu.memory_space<vmem>>, vector<16xf32>,
      %get3A_252 = arith.index_cast %add3A_249 : i32 to index
      %get3A_253 = tpu.vector_load %arg7[%get3A_252] {strides = array<i32>} : memref<16384xf32, #tpu.memory_space<vmem>>, vector<16xf32>,
      %get3A_254 = arith.index_cast %add3A_249 : i32 to index
      %get3A_255 = tpu.vector_load %arg8[%get3A_254] {strides = array<i32>} : memref<16384xf32, #tpu.memory_space<vmem>>, vector<16xf32>,
      %mul3A_256 = arith.mulf %get3A_251, %get3A_253 : vector<16xf32>
      %broadcast_in_dim3A_257 = arith.constant true
      %broadcast_in_dim3A_258 = vector.broadcast %broadcast_in_dim3A_257 : i1 to vector<16xi1>
      %masked_cumsum3A_259 = tpu.scan <sum>, %get3A_251 masked %broadcast_in_dim3A_258 : vector<16xf32>, vector<16xi1> -> vector<16xf32>
      %broadcast_in_dim3A_260 = arith.constant true
      %broadcast_in_dim3A_261 = vector.broadcast %broadcast_in_dim3A_260 : i1 to vector<16xi1>
      %masked_cumsum3A_262 = tpu.scan <sum>, %mul3A_256 masked %broadcast_in_dim3A_261 : vector<16xf32>, vector<16xi1> -> vector<16xf32>
      %sub3A_263 = arith.subf %masked_cumsum3A_259, %get3A_251 : vector<16xf32>
      %add3A_264 = vector.broadcast %add3A_243 : f32 to vector<16xf32>
      %add3A_265 = arith.addf %sub3A_263, %add3A_264 : vector<16xf32>
      %sub3A_266 = arith.subf %masked_cumsum3A_262, %mul3A_256 : vector<16xf32>
      %add3A_267 = vector.broadcast %add3A_247 : f32 to vector<16xf32>
      %add3A_268 = arith.addf %sub3A_266, %add3A_267 : vector<16xf32>
      %mul3A_269 = arith.constant 2.000000e+00 : f32
      %mul3A_270 = vector.broadcast %mul3A_269 : f32 to vector<16xf32>
      %mul3A_271 = arith.mulf %mul3A_270, %get3A_251 : vector<16xf32>
      %mul3A_272 = arith.mulf %get3A_253, %add3A_265 : vector<16xf32>
      %sub3A_273 = arith.subf %mul3A_272, %add3A_268 : vector<16xf32>
      %mul3A_274 = arith.mulf %mul3A_271, %sub3A_273 : vector<16xf32>
      %add3A_275 = arith.addf %add3A_239, %mul3A_274 : vector<16xf32>
      %mul3A_276 = arith.mulf %get3A_251, %get3A_251 : vector<16xf32>
      %mul3A_277 = arith.mulf %mul3A_276, %get3A_255 : vector<16xf32>
      %mul3A_278 = arith.constant 0.333333343 : f32
      %mul3A_279 = vector.broadcast %mul3A_278 : f32 to vector<16xf32>
      %mul3A_280 = arith.mulf %mul3A_279, %mul3A_277 : vector<16xf32>
      %add3A_281 = arith.addf %add3A_275, %mul3A_280 : vector<16xf32>
      %slice3A_282 = vector.extract_strided_slice %masked_cumsum3A_259 {offsets = [15], sizes = [1], strides = [1]} : vector<16xf32> to vector<1xf32>
      %squeeze3A_283 = vector.extract %slice3A_282[0] : f32 from vector<1xf32>
      %add3A_284 = arith.addf %squeeze3A_283, %add3A_243 : f32
      %slice3A_285 = vector.extract_strided_slice %masked_cumsum3A_262 {offsets = [15], sizes = [1], strides = [1]} : vector<16xf32> to vector<1xf32>
      %squeeze3A_286 = vector.extract %slice3A_285[0] : f32 from vector<1xf32>
      %add3A_287 = arith.addf %squeeze3A_286, %add3A_247 : f32
      %add3A_288 = arith.constant 32 : i32
      %add3A_289 = arith.addi %mul3A_203, %add3A_288 : i32
      %get3A_290 = arith.index_cast %add3A_289 : i32 to index
      %get3A_291 = tpu.vector_load %arg6[%get3A_290] {strides = array<i32>} : memref<16384xf32, #tpu.memory_space<vmem>>, vector<16xf32>,
      %get3A_292 = arith.index_cast %add3A_289 : i32 to index
      %get3A_293 = tpu.vector_load %arg7[%get3A_292] {strides = array<i32>} : memref<16384xf32, #tpu.memory_space<vmem>>, vector<16xf32>,
      %get3A_294 = arith.index_cast %add3A_289 : i32 to index
      %get3A_295 = tpu.vector_load %arg8[%get3A_294] {strides = array<i32>} : memref<16384xf32, #tpu.memory_space<vmem>>, vector<16xf32>,
      %mul3A_296 = arith.mulf %get3A_291, %get3A_293 : vector<16xf32>
      %broadcast_in_dim3A_297 = arith.constant true
      %broadcast_in_dim3A_298 = vector.broadcast %broadcast_in_dim3A_297 : i1 to vector<16xi1>
      %masked_cumsum3A_299 = tpu.scan <sum>, %get3A_291 masked %broadcast_in_dim3A_298 : vector<16xf32>, vector<16xi1> -> vector<16xf32>
      %broadcast_in_dim3A_300 = arith.constant true
      %broadcast_in_dim3A_301 = vector.broadcast %broadcast_in_dim3A_300 : i1 to vector<16xi1>
      %masked_cumsum3A_302 = tpu.scan <sum>, %mul3A_296 masked %broadcast_in_dim3A_301 : vector<16xf32>, vector<16xi1> -> vector<16xf32>
      %sub3A_303 = arith.subf %masked_cumsum3A_299, %get3A_291 : vector<16xf32>
      %add3A_304 = vector.broadcast %add3A_284 : f32 to vector<16xf32>
      %add3A_305 = arith.addf %sub3A_303, %add3A_304 : vector<16xf32>
      %sub3A_306 = arith.subf %masked_cumsum3A_302, %mul3A_296 : vector<16xf32>
      %add3A_307 = vector.broadcast %add3A_287 : f32 to vector<16xf32>
      %add3A_308 = arith.addf %sub3A_306, %add3A_307 : vector<16xf32>
      %mul3A_309 = arith.constant 2.000000e+00 : f32
      %mul3A_310 = vector.broadcast %mul3A_309 : f32 to vector<16xf32>
      %mul3A_311 = arith.mulf %mul3A_310, %get3A_291 : vector<16xf32>
      %mul3A_312 = arith.mulf %get3A_293, %add3A_305 : vector<16xf32>
      %sub3A_313 = arith.subf %mul3A_312, %add3A_308 : vector<16xf32>
      %mul3A_314 = arith.mulf %mul3A_311, %sub3A_313 : vector<16xf32>
      %add3A_315 = arith.addf %add3A_281, %mul3A_314 : vector<16xf32>
      %mul3A_316 = arith.mulf %get3A_291, %get3A_291 : vector<16xf32>
      %mul3A_317 = arith.mulf %mul3A_316, %get3A_295 : vector<16xf32>
      %mul3A_318 = arith.constant 0.333333343 : f32
      %mul3A_319 = vector.broadcast %mul3A_318 : f32 to vector<16xf32>
      %mul3A_320 = arith.mulf %mul3A_319, %mul3A_317 : vector<16xf32>
      %add3A_321 = arith.addf %add3A_315, %mul3A_320 : vector<16xf32>
      %slice3A_322 = vector.extract_strided_slice %masked_cumsum3A_299 {offsets = [15], sizes = [1], strides = [1]} : vector<16xf32> to vector<1xf32>
      %squeeze3A_323 = vector.extract %slice3A_322[0] : f32 from vector<1xf32>
      %add3A_324 = arith.addf %squeeze3A_323, %add3A_284 : f32
      %slice3A_325 = vector.extract_strided_slice %masked_cumsum3A_302 {offsets = [15], sizes = [1], strides = [1]} : vector<16xf32> to vector<1xf32>
      %squeeze3A_326 = vector.extract %slice3A_325[0] : f32 from vector<1xf32>
      %add3A_327 = arith.addf %squeeze3A_326, %add3A_287 : f32
      %add3A_328 = arith.constant 48 : i32
      %add3A_329 = arith.addi %mul3A_203, %add3A_328 : i32
      %get3A_330 = arith.index_cast %add3A_329 : i32 to index
      %get3A_331 = tpu.vector_load %arg6[%get3A_330] {strides = array<i32>} : memref<16384xf32, #tpu.memory_space<vmem>>, vector<16xf32>,
      %get3A_332 = arith.index_cast %add3A_329 : i32 to index
      %get3A_333 = tpu.vector_load %arg7[%get3A_332] {strides = array<i32>} : memref<16384xf32, #tpu.memory_space<vmem>>, vector<16xf32>,
      %get3A_334 = arith.index_cast %add3A_329 : i32 to index
      %get3A_335 = tpu.vector_load %arg8[%get3A_334] {strides = array<i32>} : memref<16384xf32, #tpu.memory_space<vmem>>, vector<16xf32>,
      %mul3A_336 = arith.mulf %get3A_331, %get3A_333 : vector<16xf32>
      %broadcast_in_dim3A_337 = arith.constant true
      %broadcast_in_dim3A_338 = vector.broadcast %broadcast_in_dim3A_337 : i1 to vector<16xi1>
      %masked_cumsum3A_339 = tpu.scan <sum>, %get3A_331 masked %broadcast_in_dim3A_338 : vector<16xf32>, vector<16xi1> -> vector<16xf32>
      %broadcast_in_dim3A_340 = arith.constant true
      %broadcast_in_dim3A_341 = vector.broadcast %broadcast_in_dim3A_340 : i1 to vector<16xi1>
      %masked_cumsum3A_342 = tpu.scan <sum>, %mul3A_336 masked %broadcast_in_dim3A_341 : vector<16xf32>, vector<16xi1> -> vector<16xf32>
      %sub3A_343 = arith.subf %masked_cumsum3A_339, %get3A_331 : vector<16xf32>
      %add3A_344 = vector.broadcast %add3A_324 : f32 to vector<16xf32>
      %add3A_345 = arith.addf %sub3A_343, %add3A_344 : vector<16xf32>
      %sub3A_346 = arith.subf %masked_cumsum3A_342, %mul3A_336 : vector<16xf32>
      %add3A_347 = vector.broadcast %add3A_327 : f32 to vector<16xf32>
      %add3A_348 = arith.addf %sub3A_346, %add3A_347 : vector<16xf32>
      %mul3A_349 = arith.constant 2.000000e+00 : f32
      %mul3A_350 = vector.broadcast %mul3A_349 : f32 to vector<16xf32>
      %mul3A_351 = arith.mulf %mul3A_350, %get3A_331 : vector<16xf32>
      %mul3A_352 = arith.mulf %get3A_333, %add3A_345 : vector<16xf32>
      %sub3A_353 = arith.subf %mul3A_352, %add3A_348 : vector<16xf32>
      %mul3A_354 = arith.mulf %mul3A_351, %sub3A_353 : vector<16xf32>
      %add3A_355 = arith.addf %add3A_321, %mul3A_354 : vector<16xf32>
      %mul3A_356 = arith.mulf %get3A_331, %get3A_331 : vector<16xf32>
      %mul3A_357 = arith.mulf %mul3A_356, %get3A_335 : vector<16xf32>
      %mul3A_358 = arith.constant 0.333333343 : f32
      %mul3A_359 = vector.broadcast %mul3A_358 : f32 to vector<16xf32>
      %mul3A_360 = arith.mulf %mul3A_359, %mul3A_357 : vector<16xf32>
      %add3A_361 = arith.addf %add3A_355, %mul3A_360 : vector<16xf32>
      %slice3A_362 = vector.extract_strided_slice %masked_cumsum3A_339 {offsets = [15], sizes = [1], strides = [1]} : vector<16xf32> to vector<1xf32>
      %squeeze3A_363 = vector.extract %slice3A_362[0] : f32 from vector<1xf32>
      %add3A_364 = arith.addf %squeeze3A_363, %add3A_324 : f32
      %slice3A_365 = vector.extract_strided_slice %masked_cumsum3A_342 {offsets = [15], sizes = [1], strides = [1]} : vector<16xf32> to vector<1xf32>
      %squeeze3A_366 = vector.extract %slice3A_365[0] : f32 from vector<1xf32>
      %add3A_367 = arith.addf %squeeze3A_366, %add3A_327 : f32
      %reduce_sum3A_368 = arith.constant true
      %reduce_sum3A_369 = vector.broadcast %reduce_sum3A_368 : i1 to vector<16xi1>
      %reduce_sum3A_370 = tpu.scan <sum>, %add3A_361 masked %reduce_sum3A_369 : vector<16xf32>, vector<16xi1> -> vector<16xf32>
      %reduce_sum3A_371 = vector.extract %reduce_sum3A_370[15] : f32 from vector<16xf32>
      %mul3A_372 = arith.constant 1.000000e-03 : f32
      %mul3A_373 = arith.mulf %mul3A_372, %reduce_sum3A_371 : f32
      %eq3A_374 = arith.constant 1 : i32
      %eq3A_375 = vector.broadcast %eq3A_374 : i32 to vector<16xi32>
      %eq3A_376 = arith.cmpi eq, %iota3A, %eq3A_375 : vector<16xi32>
      %add3A_377 = vector.broadcast %mul3A_373 : f32 to vector<16xf32>
      %add3A_378 = arith.addf %broadcast_in_dim3A_13, %add3A_377 : vector<16xf32>
      %select_n3A_379 = arith.select %eq3A_376, %add3A_378, %select_n3A : vector<16xi1>, vector<16xf32>
      %mul3A_380 = arith.constant 16 : i32
      %mul3A_381 = arith.muli %scan3A_22, %mul3A_380 : i32
      %add3A_382 = arith.constant 2 : i32
      %add3A_383 = arith.addi %mul3A_381, %add3A_382 : i32
      %mul3A_384 = arith.constant 64 : i32
      %mul3A_385 = arith.muli %add3A_383, %mul3A_384 : i32
      %add3A_386 = arith.constant 0 : i32
      %add3A_387 = arith.addi %mul3A_385, %add3A_386 : i32
      %get3A_388 = arith.index_cast %add3A_387 : i32 to index
      %get3A_389 = tpu.vector_load %arg6[%get3A_388] {strides = array<i32>} : memref<16384xf32, #tpu.memory_space<vmem>>, vector<16xf32>,
      %get3A_390 = arith.index_cast %add3A_387 : i32 to index
      %get3A_391 = tpu.vector_load %arg7[%get3A_390] {strides = array<i32>} : memref<16384xf32, #tpu.memory_space<vmem>>, vector<16xf32>,
      %get3A_392 = arith.index_cast %add3A_387 : i32 to index
      %get3A_393 = tpu.vector_load %arg8[%get3A_392] {strides = array<i32>} : memref<16384xf32, #tpu.memory_space<vmem>>, vector<16xf32>,
      %mul3A_394 = arith.mulf %get3A_389, %get3A_391 : vector<16xf32>
      %broadcast_in_dim3A_395 = arith.constant true
      %broadcast_in_dim3A_396 = vector.broadcast %broadcast_in_dim3A_395 : i1 to vector<16xi1>
      %masked_cumsum3A_397 = tpu.scan <sum>, %get3A_389 masked %broadcast_in_dim3A_396 : vector<16xf32>, vector<16xi1> -> vector<16xf32>
      %broadcast_in_dim3A_398 = arith.constant true
      %broadcast_in_dim3A_399 = vector.broadcast %broadcast_in_dim3A_398 : i1 to vector<16xi1>
      %masked_cumsum3A_400 = tpu.scan <sum>, %mul3A_394 masked %broadcast_in_dim3A_399 : vector<16xf32>, vector<16xi1> -> vector<16xf32>
      %sub3A_401 = arith.subf %masked_cumsum3A_397, %get3A_389 : vector<16xf32>
      %add3A_402 = arith.constant 0.000000e+00 : f32
      %add3A_403 = vector.broadcast %add3A_402 : f32 to vector<16xf32>
      %add3A_404 = arith.addf %sub3A_401, %add3A_403 : vector<16xf32>
      %sub3A_405 = arith.subf %masked_cumsum3A_400, %mul3A_394 : vector<16xf32>
      %add3A_406 = arith.constant 0.000000e+00 : f32
      %add3A_407 = vector.broadcast %add3A_406 : f32 to vector<16xf32>
      %add3A_408 = arith.addf %sub3A_405, %add3A_407 : vector<16xf32>
      %mul3A_409 = arith.constant 2.000000e+00 : f32
      %mul3A_410 = vector.broadcast %mul3A_409 : f32 to vector<16xf32>
      %mul3A_411 = arith.mulf %mul3A_410, %get3A_389 : vector<16xf32>
      %mul3A_412 = arith.mulf %get3A_391, %add3A_404 : vector<16xf32>
      %sub3A_413 = arith.subf %mul3A_412, %add3A_408 : vector<16xf32>
      %mul3A_414 = arith.mulf %mul3A_411, %sub3A_413 : vector<16xf32>
      %add3A_415 = arith.addf %broadcast_in_dim3A_13, %mul3A_414 : vector<16xf32>
      %mul3A_416 = arith.mulf %get3A_389, %get3A_389 : vector<16xf32>
      %mul3A_417 = arith.mulf %mul3A_416, %get3A_393 : vector<16xf32>
      %mul3A_418 = arith.constant 0.333333343 : f32
      %mul3A_419 = vector.broadcast %mul3A_418 : f32 to vector<16xf32>
      %mul3A_420 = arith.mulf %mul3A_419, %mul3A_417 : vector<16xf32>
      %add3A_421 = arith.addf %add3A_415, %mul3A_420 : vector<16xf32>
      %slice3A_422 = vector.extract_strided_slice %masked_cumsum3A_397 {offsets = [15], sizes = [1], strides = [1]} : vector<16xf32> to vector<1xf32>
      %squeeze3A_423 = vector.extract %slice3A_422[0] : f32 from vector<1xf32>
      %add3A_424 = arith.constant 0.000000e+00 : f32
      %add3A_425 = arith.addf %squeeze3A_423, %add3A_424 : f32
      %slice3A_426 = vector.extract_strided_slice %masked_cumsum3A_400 {offsets = [15], sizes = [1], strides = [1]} : vector<16xf32> to vector<1xf32>
      %squeeze3A_427 = vector.extract %slice3A_426[0] : f32 from vector<1xf32>
      %add3A_428 = arith.constant 0.000000e+00 : f32
      %add3A_429 = arith.addf %squeeze3A_427, %add3A_428 : f32
      %add3A_430 = arith.constant 16 : i32
      %add3A_431 = arith.addi %mul3A_385, %add3A_430 : i32
      %get3A_432 = arith.index_cast %add3A_431 : i32 to index
      %get3A_433 = tpu.vector_load %arg6[%get3A_432] {strides = array<i32>} : memref<16384xf32, #tpu.memory_space<vmem>>, vector<16xf32>,
      %get3A_434 = arith.index_cast %add3A_431 : i32 to index
      %get3A_435 = tpu.vector_load %arg7[%get3A_434] {strides = array<i32>} : memref<16384xf32, #tpu.memory_space<vmem>>, vector<16xf32>,
      %get3A_436 = arith.index_cast %add3A_431 : i32 to index
      %get3A_437 = tpu.vector_load %arg8[%get3A_436] {strides = array<i32>} : memref<16384xf32, #tpu.memory_space<vmem>>, vector<16xf32>,
      %mul3A_438 = arith.mulf %get3A_433, %get3A_435 : vector<16xf32>
      %broadcast_in_dim3A_439 = arith.constant true
      %broadcast_in_dim3A_440 = vector.broadcast %broadcast_in_dim3A_439 : i1 to vector<16xi1>
      %masked_cumsum3A_441 = tpu.scan <sum>, %get3A_433 masked %broadcast_in_dim3A_440 : vector<16xf32>, vector<16xi1> -> vector<16xf32>
      %broadcast_in_dim3A_442 = arith.constant true
      %broadcast_in_dim3A_443 = vector.broadcast %broadcast_in_dim3A_442 : i1 to vector<16xi1>
      %masked_cumsum3A_444 = tpu.scan <sum>, %mul3A_438 masked %broadcast_in_dim3A_443 : vector<16xf32>, vector<16xi1> -> vector<16xf32>
      %sub3A_445 = arith.subf %masked_cumsum3A_441, %get3A_433 : vector<16xf32>
      %add3A_446 = vector.broadcast %add3A_425 : f32 to vector<16xf32>
      %add3A_447 = arith.addf %sub3A_445, %add3A_446 : vector<16xf32>
      %sub3A_448 = arith.subf %masked_cumsum3A_444, %mul3A_438 : vector<16xf32>
      %add3A_449 = vector.broadcast %add3A_429 : f32 to vector<16xf32>
      %add3A_450 = arith.addf %sub3A_448, %add3A_449 : vector<16xf32>
      %mul3A_451 = arith.constant 2.000000e+00 : f32
      %mul3A_452 = vector.broadcast %mul3A_451 : f32 to vector<16xf32>
      %mul3A_453 = arith.mulf %mul3A_452, %get3A_433 : vector<16xf32>
      %mul3A_454 = arith.mulf %get3A_435, %add3A_447 : vector<16xf32>
      %sub3A_455 = arith.subf %mul3A_454, %add3A_450 : vector<16xf32>
      %mul3A_456 = arith.mulf %mul3A_453, %sub3A_455 : vector<16xf32>
      %add3A_457 = arith.addf %add3A_421, %mul3A_456 : vector<16xf32>
      %mul3A_458 = arith.mulf %get3A_433, %get3A_433 : vector<16xf32>
      %mul3A_459 = arith.mulf %mul3A_458, %get3A_437 : vector<16xf32>
      %mul3A_460 = arith.constant 0.333333343 : f32
      %mul3A_461 = vector.broadcast %mul3A_460 : f32 to vector<16xf32>
      %mul3A_462 = arith.mulf %mul3A_461, %mul3A_459 : vector<16xf32>
      %add3A_463 = arith.addf %add3A_457, %mul3A_462 : vector<16xf32>
      %slice3A_464 = vector.extract_strided_slice %masked_cumsum3A_441 {offsets = [15], sizes = [1], strides = [1]} : vector<16xf32> to vector<1xf32>
      %squeeze3A_465 = vector.extract %slice3A_464[0] : f32 from vector<1xf32>
      %add3A_466 = arith.addf %squeeze3A_465, %add3A_425 : f32
      %slice3A_467 = vector.extract_strided_slice %masked_cumsum3A_444 {offsets = [15], sizes = [1], strides = [1]} : vector<16xf32> to vector<1xf32>
      %squeeze3A_468 = vector.extract %slice3A_467[0] : f32 from vector<1xf32>
      %add3A_469 = arith.addf %squeeze3A_468, %add3A_429 : f32
      %add3A_470 = arith.constant 32 : i32
      %add3A_471 = arith.addi %mul3A_385, %add3A_470 : i32
      %get3A_472 = arith.index_cast %add3A_471 : i32 to index
      %get3A_473 = tpu.vector_load %arg6[%get3A_472] {strides = array<i32>} : memref<16384xf32, #tpu.memory_space<vmem>>, vector<16xf32>,
      %get3A_474 = arith.index_cast %add3A_471 : i32 to index
      %get3A_475 = tpu.vector_load %arg7[%get3A_474] {strides = array<i32>} : memref<16384xf32, #tpu.memory_space<vmem>>, vector<16xf32>,
      %get3A_476 = arith.index_cast %add3A_471 : i32 to index
      %get3A_477 = tpu.vector_load %arg8[%get3A_476] {strides = array<i32>} : memref<16384xf32, #tpu.memory_space<vmem>>, vector<16xf32>,
      %mul3A_478 = arith.mulf %get3A_473, %get3A_475 : vector<16xf32>
      %broadcast_in_dim3A_479 = arith.constant true
      %broadcast_in_dim3A_480 = vector.broadcast %broadcast_in_dim3A_479 : i1 to vector<16xi1>
      %masked_cumsum3A_481 = tpu.scan <sum>, %get3A_473 masked %broadcast_in_dim3A_480 : vector<16xf32>, vector<16xi1> -> vector<16xf32>
      %broadcast_in_dim3A_482 = arith.constant true
      %broadcast_in_dim3A_483 = vector.broadcast %broadcast_in_dim3A_482 : i1 to vector<16xi1>
      %masked_cumsum3A_484 = tpu.scan <sum>, %mul3A_478 masked %broadcast_in_dim3A_483 : vector<16xf32>, vector<16xi1> -> vector<16xf32>
      %sub3A_485 = arith.subf %masked_cumsum3A_481, %get3A_473 : vector<16xf32>
      %add3A_486 = vector.broadcast %add3A_466 : f32 to vector<16xf32>
      %add3A_487 = arith.addf %sub3A_485, %add3A_486 : vector<16xf32>
      %sub3A_488 = arith.subf %masked_cumsum3A_484, %mul3A_478 : vector<16xf32>
      %add3A_489 = vector.broadcast %add3A_469 : f32 to vector<16xf32>
      %add3A_490 = arith.addf %sub3A_488, %add3A_489 : vector<16xf32>
      %mul3A_491 = arith.constant 2.000000e+00 : f32
      %mul3A_492 = vector.broadcast %mul3A_491 : f32 to vector<16xf32>
      %mul3A_493 = arith.mulf %mul3A_492, %get3A_473 : vector<16xf32>
      %mul3A_494 = arith.mulf %get3A_475, %add3A_487 : vector<16xf32>
      %sub3A_495 = arith.subf %mul3A_494, %add3A_490 : vector<16xf32>
      %mul3A_496 = arith.mulf %mul3A_493, %sub3A_495 : vector<16xf32>
      %add3A_497 = arith.addf %add3A_463, %mul3A_496 : vector<16xf32>
      %mul3A_498 = arith.mulf %get3A_473, %get3A_473 : vector<16xf32>
      %mul3A_499 = arith.mulf %mul3A_498, %get3A_477 : vector<16xf32>
      %mul3A_500 = arith.constant 0.333333343 : f32
      %mul3A_501 = vector.broadcast %mul3A_500 : f32 to vector<16xf32>
      %mul3A_502 = arith.mulf %mul3A_501, %mul3A_499 : vector<16xf32>
      %add3A_503 = arith.addf %add3A_497, %mul3A_502 : vector<16xf32>
      %slice3A_504 = vector.extract_strided_slice %masked_cumsum3A_481 {offsets = [15], sizes = [1], strides = [1]} : vector<16xf32> to vector<1xf32>
      %squeeze3A_505 = vector.extract %slice3A_504[0] : f32 from vector<1xf32>
      %add3A_506 = arith.addf %squeeze3A_505, %add3A_466 : f32
      %slice3A_507 = vector.extract_strided_slice %masked_cumsum3A_484 {offsets = [15], sizes = [1], strides = [1]} : vector<16xf32> to vector<1xf32>
      %squeeze3A_508 = vector.extract %slice3A_507[0] : f32 from vector<1xf32>
      %add3A_509 = arith.addf %squeeze3A_508, %add3A_469 : f32
      %add3A_510 = arith.constant 48 : i32
      %add3A_511 = arith.addi %mul3A_385, %add3A_510 : i32
      %get3A_512 = arith.index_cast %add3A_511 : i32 to index
      %get3A_513 = tpu.vector_load %arg6[%get3A_512] {strides = array<i32>} : memref<16384xf32, #tpu.memory_space<vmem>>, vector<16xf32>,
      %get3A_514 = arith.index_cast %add3A_511 : i32 to index
      %get3A_515 = tpu.vector_load %arg7[%get3A_514] {strides = array<i32>} : memref<16384xf32, #tpu.memory_space<vmem>>, vector<16xf32>,
      %get3A_516 = arith.index_cast %add3A_511 : i32 to index
      %get3A_517 = tpu.vector_load %arg8[%get3A_516] {strides = array<i32>} : memref<16384xf32, #tpu.memory_space<vmem>>, vector<16xf32>,
      %mul3A_518 = arith.mulf %get3A_513, %get3A_515 : vector<16xf32>
      %broadcast_in_dim3A_519 = arith.constant true
      %broadcast_in_dim3A_520 = vector.broadcast %broadcast_in_dim3A_519 : i1 to vector<16xi1>
      %masked_cumsum3A_521 = tpu.scan <sum>, %get3A_513 masked %broadcast_in_dim3A_520 : vector<16xf32>, vector<16xi1> -> vector<16xf32>
      %broadcast_in_dim3A_522 = arith.constant true
      %broadcast_in_dim3A_523 = vector.broadcast %broadcast_in_dim3A_522 : i1 to vector<16xi1>
      %masked_cumsum3A_524 = tpu.scan <sum>, %mul3A_518 masked %broadcast_in_dim3A_523 : vector<16xf32>, vector<16xi1> -> vector<16xf32>
      %sub3A_525 = arith.subf %masked_cumsum3A_521, %get3A_513 : vector<16xf32>
      %add3A_526 = vector.broadcast %add3A_506 : f32 to vector<16xf32>
      %add3A_527 = arith.addf %sub3A_525, %add3A_526 : vector<16xf32>
      %sub3A_528 = arith.subf %masked_cumsum3A_524, %mul3A_518 : vector<16xf32>
      %add3A_529 = vector.broadcast %add3A_509 : f32 to vector<16xf32>
      %add3A_530 = arith.addf %sub3A_528, %add3A_529 : vector<16xf32>
      %mul3A_531 = arith.constant 2.000000e+00 : f32
      %mul3A_532 = vector.broadcast %mul3A_531 : f32 to vector<16xf32>
      %mul3A_533 = arith.mulf %mul3A_532, %get3A_513 : vector<16xf32>
      %mul3A_534 = arith.mulf %get3A_515, %add3A_527 : vector<16xf32>
      %sub3A_535 = arith.subf %mul3A_534, %add3A_530 : vector<16xf32>
      %mul3A_536 = arith.mulf %mul3A_533, %sub3A_535 : vector<16xf32>
      %add3A_537 = arith.addf %add3A_503, %mul3A_536 : vector<16xf32>
      %mul3A_538 = arith.mulf %get3A_513, %get3A_513 : vector<16xf32>
      %mul3A_539 = arith.mulf %mul3A_538, %get3A_517 : vector<16xf32>
      %mul3A_540 = arith.constant 0.333333343 : f32
      %mul3A_541 = vector.broadcast %mul3A_540 : f32 to vector<16xf32>
      %mul3A_542 = arith.mulf %mul3A_541, %mul3A_539 : vector<16xf32>
      %add3A_543 = arith.addf %add3A_537, %mul3A_542 : vector<16xf32>
      %slice3A_544 = vector.extract_strided_slice %masked_cumsum3A_521 {offsets = [15], sizes = [1], strides = [1]} : vector<16xf32> to vector<1xf32>
      %squeeze3A_545 = vector.extract %slice3A_544[0] : f32 from vector<1xf32>
      %add3A_546 = arith.addf %squeeze3A_545, %add3A_506 : f32
      %slice3A_547 = vector.extract_strided_slice %masked_cumsum3A_524 {offsets = [15], sizes = [1], strides = [1]} : vector<16xf32> to vector<1xf32>
      %squeeze3A_548 = vector.extract %slice3A_547[0] : f32 from vector<1xf32>
      %add3A_549 = arith.addf %squeeze3A_548, %add3A_509 : f32
      %reduce_sum3A_550 = arith.constant true
      %reduce_sum3A_551 = vector.broadcast %reduce_sum3A_550 : i1 to vector<16xi1>
      %reduce_sum3A_552 = tpu.scan <sum>, %add3A_543 masked %reduce_sum3A_551 : vector<16xf32>, vector<16xi1> -> vector<16xf32>
      %reduce_sum3A_553 = vector.extract %reduce_sum3A_552[15] : f32 from vector<16xf32>
      %mul3A_554 = arith.constant 1.000000e-03 : f32
      %mul3A_555 = arith.mulf %mul3A_554, %reduce_sum3A_553 : f32
      %eq3A_556 = arith.constant 2 : i32
      %eq3A_557 = vector.broadcast %eq3A_556 : i32 to vector<16xi32>
      %eq3A_558 = arith.cmpi eq, %iota3A, %eq3A_557 : vector<16xi32>
      %add3A_559 = vector.broadcast %mul3A_555 : f32 to vector<16xf32>
      %add3A_560 = arith.addf %broadcast_in_dim3A_13, %add3A_559 : vector<16xf32>
      %select_n3A_561 = arith.select %eq3A_558, %add3A_560, %select_n3A_379 : vector<16xi1>, vector<16xf32>
      %mul3A_562 = arith.constant 16 : i32
      %mul3A_563 = arith.muli %scan3A_22, %mul3A_562 : i32
      %add3A_564 = arith.constant 3 : i32
      %add3A_565 = arith.addi %mul3A_563, %add3A_564 : i32
      %mul3A_566 = arith.constant 64 : i32
      %mul3A_567 = arith.muli %add3A_565, %mul3A_566 : i32
      %add3A_568 = arith.constant 0 : i32
      %add3A_569 = arith.addi %mul3A_567, %add3A_568 : i32
      %get3A_570 = arith.index_cast %add3A_569 : i32 to index
      %get3A_571 = tpu.vector_load %arg6[%get3A_570] {strides = array<i32>} : memref<16384xf32, #tpu.memory_space<vmem>>, vector<16xf32>,
      %get3A_572 = arith.index_cast %add3A_569 : i32 to index
      %get3A_573 = tpu.vector_load %arg7[%get3A_572] {strides = array<i32>} : memref<16384xf32, #tpu.memory_space<vmem>>, vector<16xf32>,
      %get3A_574 = arith.index_cast %add3A_569 : i32 to index
      %get3A_575 = tpu.vector_load %arg8[%get3A_574] {strides = array<i32>} : memref<16384xf32, #tpu.memory_space<vmem>>, vector<16xf32>,
      %mul3A_576 = arith.mulf %get3A_571, %get3A_573 : vector<16xf32>
      %broadcast_in_dim3A_577 = arith.constant true
      %broadcast_in_dim3A_578 = vector.broadcast %broadcast_in_dim3A_577 : i1 to vector<16xi1>
      %masked_cumsum3A_579 = tpu.scan <sum>, %get3A_571 masked %broadcast_in_dim3A_578 : vector<16xf32>, vector<16xi1> -> vector<16xf32>
      %broadcast_in_dim3A_580 = arith.constant true
      %broadcast_in_dim3A_581 = vector.broadcast %broadcast_in_dim3A_580 : i1 to vector<16xi1>
      %masked_cumsum3A_582 = tpu.scan <sum>, %mul3A_576 masked %broadcast_in_dim3A_581 : vector<16xf32>, vector<16xi1> -> vector<16xf32>
      %sub3A_583 = arith.subf %masked_cumsum3A_579, %get3A_571 : vector<16xf32>
      %add3A_584 = arith.constant 0.000000e+00 : f32
      %add3A_585 = vector.broadcast %add3A_584 : f32 to vector<16xf32>
      %add3A_586 = arith.addf %sub3A_583, %add3A_585 : vector<16xf32>
      %sub3A_587 = arith.subf %masked_cumsum3A_582, %mul3A_576 : vector<16xf32>
      %add3A_588 = arith.constant 0.000000e+00 : f32
      %add3A_589 = vector.broadcast %add3A_588 : f32 to vector<16xf32>
      %add3A_590 = arith.addf %sub3A_587, %add3A_589 : vector<16xf32>
      %mul3A_591 = arith.constant 2.000000e+00 : f32
      %mul3A_592 = vector.broadcast %mul3A_591 : f32 to vector<16xf32>
      %mul3A_593 = arith.mulf %mul3A_592, %get3A_571 : vector<16xf32>
      %mul3A_594 = arith.mulf %get3A_573, %add3A_586 : vector<16xf32>
      %sub3A_595 = arith.subf %mul3A_594, %add3A_590 : vector<16xf32>
      %mul3A_596 = arith.mulf %mul3A_593, %sub3A_595 : vector<16xf32>
      %add3A_597 = arith.addf %broadcast_in_dim3A_13, %mul3A_596 : vector<16xf32>
      %mul3A_598 = arith.mulf %get3A_571, %get3A_571 : vector<16xf32>
      %mul3A_599 = arith.mulf %mul3A_598, %get3A_575 : vector<16xf32>
      %mul3A_600 = arith.constant 0.333333343 : f32
      %mul3A_601 = vector.broadcast %mul3A_600 : f32 to vector<16xf32>
      %mul3A_602 = arith.mulf %mul3A_601, %mul3A_599 : vector<16xf32>
      %add3A_603 = arith.addf %add3A_597, %mul3A_602 : vector<16xf32>
      %slice3A_604 = vector.extract_strided_slice %masked_cumsum3A_579 {offsets = [15], sizes = [1], strides = [1]} : vector<16xf32> to vector<1xf32>
      %squeeze3A_605 = vector.extract %slice3A_604[0] : f32 from vector<1xf32>
      %add3A_606 = arith.constant 0.000000e+00 : f32
      %add3A_607 = arith.addf %squeeze3A_605, %add3A_606 : f32
      %slice3A_608 = vector.extract_strided_slice %masked_cumsum3A_582 {offsets = [15], sizes = [1], strides = [1]} : vector<16xf32> to vector<1xf32>
      %squeeze3A_609 = vector.extract %slice3A_608[0] : f32 from vector<1xf32>
      %add3A_610 = arith.constant 0.000000e+00 : f32
      %add3A_611 = arith.addf %squeeze3A_609, %add3A_610 : f32
      %add3A_612 = arith.constant 16 : i32
      %add3A_613 = arith.addi %mul3A_567, %add3A_612 : i32
      %get3A_614 = arith.index_cast %add3A_613 : i32 to index
      %get3A_615 = tpu.vector_load %arg6[%get3A_614] {strides = array<i32>} : memref<16384xf32, #tpu.memory_space<vmem>>, vector<16xf32>,
      %get3A_616 = arith.index_cast %add3A_613 : i32 to index
      %get3A_617 = tpu.vector_load %arg7[%get3A_616] {strides = array<i32>} : memref<16384xf32, #tpu.memory_space<vmem>>, vector<16xf32>,
      %get3A_618 = arith.index_cast %add3A_613 : i32 to index
      %get3A_619 = tpu.vector_load %arg8[%get3A_618] {strides = array<i32>} : memref<16384xf32, #tpu.memory_space<vmem>>, vector<16xf32>,
      %mul3A_620 = arith.mulf %get3A_615, %get3A_617 : vector<16xf32>
      %broadcast_in_dim3A_621 = arith.constant true
      %broadcast_in_dim3A_622 = vector.broadcast %broadcast_in_dim3A_621 : i1 to vector<16xi1>
      %masked_cumsum3A_623 = tpu.scan <sum>, %get3A_615 masked %broadcast_in_dim3A_622 : vector<16xf32>, vector<16xi1> -> vector<16xf32>
      %broadcast_in_dim3A_624 = arith.constant true
      %broadcast_in_dim3A_625 = vector.broadcast %broadcast_in_dim3A_624 : i1 to vector<16xi1>
      %masked_cumsum3A_626 = tpu.scan <sum>, %mul3A_620 masked %broadcast_in_dim3A_625 : vector<16xf32>, vector<16xi1> -> vector<16xf32>
      %sub3A_627 = arith.subf %masked_cumsum3A_623, %get3A_615 : vector<16xf32>
      %add3A_628 = vector.broadcast %add3A_607 : f32 to vector<16xf32>
      %add3A_629 = arith.addf %sub3A_627, %add3A_628 : vector<16xf32>
      %sub3A_630 = arith.subf %masked_cumsum3A_626, %mul3A_620 : vector<16xf32>
      %add3A_631 = vector.broadcast %add3A_611 : f32 to vector<16xf32>
      %add3A_632 = arith.addf %sub3A_630, %add3A_631 : vector<16xf32>
      %mul3A_633 = arith.constant 2.000000e+00 : f32
      %mul3A_634 = vector.broadcast %mul3A_633 : f32 to vector<16xf32>
      %mul3A_635 = arith.mulf %mul3A_634, %get3A_615 : vector<16xf32>
      %mul3A_636 = arith.mulf %get3A_617, %add3A_629 : vector<16xf32>
      %sub3A_637 = arith.subf %mul3A_636, %add3A_632 : vector<16xf32>
      %mul3A_638 = arith.mulf %mul3A_635, %sub3A_637 : vector<16xf32>
      %add3A_639 = arith.addf %add3A_603, %mul3A_638 : vector<16xf32>
      %mul3A_640 = arith.mulf %get3A_615, %get3A_615 : vector<16xf32>
      %mul3A_641 = arith.mulf %mul3A_640, %get3A_619 : vector<16xf32>
      %mul3A_642 = arith.constant 0.333333343 : f32
      %mul3A_643 = vector.broadcast %mul3A_642 : f32 to vector<16xf32>
      %mul3A_644 = arith.mulf %mul3A_643, %mul3A_641 : vector<16xf32>
      %add3A_645 = arith.addf %add3A_639, %mul3A_644 : vector<16xf32>
      %slice3A_646 = vector.extract_strided_slice %masked_cumsum3A_623 {offsets = [15], sizes = [1], strides = [1]} : vector<16xf32> to vector<1xf32>
      %squeeze3A_647 = vector.extract %slice3A_646[0] : f32 from vector<1xf32>
      %add3A_648 = arith.addf %squeeze3A_647, %add3A_607 : f32
      %slice3A_649 = vector.extract_strided_slice %masked_cumsum3A_626 {offsets = [15], sizes = [1], strides = [1]} : vector<16xf32> to vector<1xf32>
      %squeeze3A_650 = vector.extract %slice3A_649[0] : f32 from vector<1xf32>
      %add3A_651 = arith.addf %squeeze3A_650, %add3A_611 : f32
      %add3A_652 = arith.constant 32 : i32
      %add3A_653 = arith.addi %mul3A_567, %add3A_652 : i32
      %get3A_654 = arith.index_cast %add3A_653 : i32 to index
      %get3A_655 = tpu.vector_load %arg6[%get3A_654] {strides = array<i32>} : memref<16384xf32, #tpu.memory_space<vmem>>, vector<16xf32>,
      %get3A_656 = arith.index_cast %add3A_653 : i32 to index
      %get3A_657 = tpu.vector_load %arg7[%get3A_656] {strides = array<i32>} : memref<16384xf32, #tpu.memory_space<vmem>>, vector<16xf32>,
      %get3A_658 = arith.index_cast %add3A_653 : i32 to index
      %get3A_659 = tpu.vector_load %arg8[%get3A_658] {strides = array<i32>} : memref<16384xf32, #tpu.memory_space<vmem>>, vector<16xf32>,
      %mul3A_660 = arith.mulf %get3A_655, %get3A_657 : vector<16xf32>
      %broadcast_in_dim3A_661 = arith.constant true
      %broadcast_in_dim3A_662 = vector.broadcast %broadcast_in_dim3A_661 : i1 to vector<16xi1>
      %masked_cumsum3A_663 = tpu.scan <sum>, %get3A_655 masked %broadcast_in_dim3A_662 : vector<16xf32>, vector<16xi1> -> vector<16xf32>
      %broadcast_in_dim3A_664 = arith.constant true
      %broadcast_in_dim3A_665 = vector.broadcast %broadcast_in_dim3A_664 : i1 to vector<16xi1>
      %masked_cumsum3A_666 = tpu.scan <sum>, %mul3A_660 masked %broadcast_in_dim3A_665 : vector<16xf32>, vector<16xi1> -> vector<16xf32>
      %sub3A_667 = arith.subf %masked_cumsum3A_663, %get3A_655 : vector<16xf32>
      %add3A_668 = vector.broadcast %add3A_648 : f32 to vector<16xf32>
      %add3A_669 = arith.addf %sub3A_667, %add3A_668 : vector<16xf32>
      %sub3A_670 = arith.subf %masked_cumsum3A_666, %mul3A_660 : vector<16xf32>
      %add3A_671 = vector.broadcast %add3A_651 : f32 to vector<16xf32>
      %add3A_672 = arith.addf %sub3A_670, %add3A_671 : vector<16xf32>
      %mul3A_673 = arith.constant 2.000000e+00 : f32
      %mul3A_674 = vector.broadcast %mul3A_673 : f32 to vector<16xf32>
      %mul3A_675 = arith.mulf %mul3A_674, %get3A_655 : vector<16xf32>
      %mul3A_676 = arith.mulf %get3A_657, %add3A_669 : vector<16xf32>
      %sub3A_677 = arith.subf %mul3A_676, %add3A_672 : vector<16xf32>
      %mul3A_678 = arith.mulf %mul3A_675, %sub3A_677 : vector<16xf32>
      %add3A_679 = arith.addf %add3A_645, %mul3A_678 : vector<16xf32>
      %mul3A_680 = arith.mulf %get3A_655, %get3A_655 : vector<16xf32>
      %mul3A_681 = arith.mulf %mul3A_680, %get3A_659 : vector<16xf32>
      %mul3A_682 = arith.constant 0.333333343 : f32
      %mul3A_683 = vector.broadcast %mul3A_682 : f32 to vector<16xf32>
      %mul3A_684 = arith.mulf %mul3A_683, %mul3A_681 : vector<16xf32>
      %add3A_685 = arith.addf %add3A_679, %mul3A_684 : vector<16xf32>
      %slice3A_686 = vector.extract_strided_slice %masked_cumsum3A_663 {offsets = [15], sizes = [1], strides = [1]} : vector<16xf32> to vector<1xf32>
      %squeeze3A_687 = vector.extract %slice3A_686[0] : f32 from vector<1xf32>
      %add3A_688 = arith.addf %squeeze3A_687, %add3A_648 : f32
      %slice3A_689 = vector.extract_strided_slice %masked_cumsum3A_666 {offsets = [15], sizes = [1], strides = [1]} : vector<16xf32> to vector<1xf32>
      %squeeze3A_690 = vector.extract %slice3A_689[0] : f32 from vector<1xf32>
      %add3A_691 = arith.addf %squeeze3A_690, %add3A_651 : f32
      %add3A_692 = arith.constant 48 : i32
      %add3A_693 = arith.addi %mul3A_567, %add3A_692 : i32
      %get3A_694 = arith.index_cast %add3A_693 : i32 to index
      %get3A_695 = tpu.vector_load %arg6[%get3A_694] {strides = array<i32>} : memref<16384xf32, #tpu.memory_space<vmem>>, vector<16xf32>,
      %get3A_696 = arith.index_cast %add3A_693 : i32 to index
      %get3A_697 = tpu.vector_load %arg7[%get3A_696] {strides = array<i32>} : memref<16384xf32, #tpu.memory_space<vmem>>, vector<16xf32>,
      %get3A_698 = arith.index_cast %add3A_693 : i32 to index
      %get3A_699 = tpu.vector_load %arg8[%get3A_698] {strides = array<i32>} : memref<16384xf32, #tpu.memory_space<vmem>>, vector<16xf32>,
      %mul3A_700 = arith.mulf %get3A_695, %get3A_697 : vector<16xf32>
      %broadcast_in_dim3A_701 = arith.constant true
      %broadcast_in_dim3A_702 = vector.broadcast %broadcast_in_dim3A_701 : i1 to vector<16xi1>
      %masked_cumsum3A_703 = tpu.scan <sum>, %get3A_695 masked %broadcast_in_dim3A_702 : vector<16xf32>, vector<16xi1> -> vector<16xf32>
      %broadcast_in_dim3A_704 = arith.constant true
      %broadcast_in_dim3A_705 = vector.broadcast %broadcast_in_dim3A_704 : i1 to vector<16xi1>
      %masked_cumsum3A_706 = tpu.scan <sum>, %mul3A_700 masked %broadcast_in_dim3A_705 : vector<16xf32>, vector<16xi1> -> vector<16xf32>
      %sub3A_707 = arith.subf %masked_cumsum3A_703, %get3A_695 : vector<16xf32>
      %add3A_708 = vector.broadcast %add3A_688 : f32 to vector<16xf32>
      %add3A_709 = arith.addf %sub3A_707, %add3A_708 : vector<16xf32>
      %sub3A_710 = arith.subf %masked_cumsum3A_706, %mul3A_700 : vector<16xf32>
      %add3A_711 = vector.broadcast %add3A_691 : f32 to vector<16xf32>
      %add3A_712 = arith.addf %sub3A_710, %add3A_711 : vector<16xf32>
      %mul3A_713 = arith.constant 2.000000e+00 : f32
      %mul3A_714 = vector.broadcast %mul3A_713 : f32 to vector<16xf32>
      %mul3A_715 = arith.mulf %mul3A_714, %get3A_695 : vector<16xf32>
      %mul3A_716 = arith.mulf %get3A_697, %add3A_709 : vector<16xf32>
      %sub3A_717 = arith.subf %mul3A_716, %add3A_712 : vector<16xf32>
      %mul3A_718 = arith.mulf %mul3A_715, %sub3A_717 : vector<16xf32>
      %add3A_719 = arith.addf %add3A_685, %mul3A_718 : vector<16xf32>
      %mul3A_720 = arith.mulf %get3A_695, %get3A_695 : vector<16xf32>
      %mul3A_721 = arith.mulf %mul3A_720, %get3A_699 : vector<16xf32>
      %mul3A_722 = arith.constant 0.333333343 : f32
      %mul3A_723 = vector.broadcast %mul3A_722 : f32 to vector<16xf32>
      %mul3A_724 = arith.mulf %mul3A_723, %mul3A_721 : vector<16xf32>
      %add3A_725 = arith.addf %add3A_719, %mul3A_724 : vector<16xf32>
      %slice3A_726 = vector.extract_strided_slice %masked_cumsum3A_703 {offsets = [15], sizes = [1], strides = [1]} : vector<16xf32> to vector<1xf32>
      %squeeze3A_727 = vector.extract %slice3A_726[0] : f32 from vector<1xf32>
      %add3A_728 = arith.addf %squeeze3A_727, %add3A_688 : f32
      %slice3A_729 = vector.extract_strided_slice %masked_cumsum3A_706 {offsets = [15], sizes = [1], strides = [1]} : vector<16xf32> to vector<1xf32>
      %squeeze3A_730 = vector.extract %slice3A_729[0] : f32 from vector<1xf32>
      %add3A_731 = arith.addf %squeeze3A_730, %add3A_691 : f32
      %reduce_sum3A_732 = arith.constant true
      %reduce_sum3A_733 = vector.broadcast %reduce_sum3A_732 : i1 to vector<16xi1>
      %reduce_sum3A_734 = tpu.scan <sum>, %add3A_725 masked %reduce_sum3A_733 : vector<16xf32>, vector<16xi1> -> vector<16xf32>
      %reduce_sum3A_735 = vector.extract %reduce_sum3A_734[15] : f32 from vector<16xf32>
      %mul3A_736 = arith.constant 1.000000e-03 : f32
      %mul3A_737 = arith.mulf %mul3A_736, %reduce_sum3A_735 : f32
      %eq3A_738 = arith.constant 3 : i32
      %eq3A_739 = vector.broadcast %eq3A_738 : i32 to vector<16xi32>
      %eq3A_740 = arith.cmpi eq, %iota3A, %eq3A_739 : vector<16xi32>
      %add3A_741 = vector.broadcast %mul3A_737 : f32 to vector<16xf32>
      %add3A_742 = arith.addf %broadcast_in_dim3A_13, %add3A_741 : vector<16xf32>
      %select_n3A_743 = arith.select %eq3A_740, %add3A_742, %select_n3A_561 : vector<16xi1>, vector<16xf32>
      %mul3A_744 = arith.constant 16 : i32
      %mul3A_745 = arith.muli %scan3A_22, %mul3A_744 : i32
      %add3A_746 = arith.constant 4 : i32
      %add3A_747 = arith.addi %mul3A_745, %add3A_746 : i32
      %mul3A_748 = arith.constant 64 : i32
      %mul3A_749 = arith.muli %add3A_747, %mul3A_748 : i32
      %add3A_750 = arith.constant 0 : i32
      %add3A_751 = arith.addi %mul3A_749, %add3A_750 : i32
      %get3A_752 = arith.index_cast %add3A_751 : i32 to index
      %get3A_753 = tpu.vector_load %arg6[%get3A_752] {strides = array<i32>} : memref<16384xf32, #tpu.memory_space<vmem>>, vector<16xf32>,
      %get3A_754 = arith.index_cast %add3A_751 : i32 to index
      %get3A_755 = tpu.vector_load %arg7[%get3A_754] {strides = array<i32>} : memref<16384xf32, #tpu.memory_space<vmem>>, vector<16xf32>,
      %get3A_756 = arith.index_cast %add3A_751 : i32 to index
      %get3A_757 = tpu.vector_load %arg8[%get3A_756] {strides = array<i32>} : memref<16384xf32, #tpu.memory_space<vmem>>, vector<16xf32>,
      %mul3A_758 = arith.mulf %get3A_753, %get3A_755 : vector<16xf32>
      %broadcast_in_dim3A_759 = arith.constant true
      %broadcast_in_dim3A_760 = vector.broadcast %broadcast_in_dim3A_759 : i1 to vector<16xi1>
      %masked_cumsum3A_761 = tpu.scan <sum>, %get3A_753 masked %broadcast_in_dim3A_760 : vector<16xf32>, vector<16xi1> -> vector<16xf32>
      %broadcast_in_dim3A_762 = arith.constant true
      %broadcast_in_dim3A_763 = vector.broadcast %broadcast_in_dim3A_762 : i1 to vector<16xi1>
      %masked_cumsum3A_764 = tpu.scan <sum>, %mul3A_758 masked %broadcast_in_dim3A_763 : vector<16xf32>, vector<16xi1> -> vector<16xf32>
      %sub3A_765 = arith.subf %masked_cumsum3A_761, %get3A_753 : vector<16xf32>
      %add3A_766 = arith.constant 0.000000e+00 : f32
      %add3A_767 = vector.broadcast %add3A_766 : f32 to vector<16xf32>
      %add3A_768 = arith.addf %sub3A_765, %add3A_767 : vector<16xf32>
      %sub3A_769 = arith.subf %masked_cumsum3A_764, %mul3A_758 : vector<16xf32>
      %add3A_770 = arith.constant 0.000000e+00 : f32
      %add3A_771 = vector.broadcast %add3A_770 : f32 to vector<16xf32>
      %add3A_772 = arith.addf %sub3A_769, %add3A_771 : vector<16xf32>
      %mul3A_773 = arith.constant 2.000000e+00 : f32
      %mul3A_774 = vector.broadcast %mul3A_773 : f32 to vector<16xf32>
      %mul3A_775 = arith.mulf %mul3A_774, %get3A_753 : vector<16xf32>
      %mul3A_776 = arith.mulf %get3A_755, %add3A_768 : vector<16xf32>
      %sub3A_777 = arith.subf %mul3A_776, %add3A_772 : vector<16xf32>
      %mul3A_778 = arith.mulf %mul3A_775, %sub3A_777 : vector<16xf32>
      %add3A_779 = arith.addf %broadcast_in_dim3A_13, %mul3A_778 : vector<16xf32>
      %mul3A_780 = arith.mulf %get3A_753, %get3A_753 : vector<16xf32>
      %mul3A_781 = arith.mulf %mul3A_780, %get3A_757 : vector<16xf32>
      %mul3A_782 = arith.constant 0.333333343 : f32
      %mul3A_783 = vector.broadcast %mul3A_782 : f32 to vector<16xf32>
      %mul3A_784 = arith.mulf %mul3A_783, %mul3A_781 : vector<16xf32>
      %add3A_785 = arith.addf %add3A_779, %mul3A_784 : vector<16xf32>
      %slice3A_786 = vector.extract_strided_slice %masked_cumsum3A_761 {offsets = [15], sizes = [1], strides = [1]} : vector<16xf32> to vector<1xf32>
      %squeeze3A_787 = vector.extract %slice3A_786[0] : f32 from vector<1xf32>
      %add3A_788 = arith.constant 0.000000e+00 : f32
      %add3A_789 = arith.addf %squeeze3A_787, %add3A_788 : f32
      %slice3A_790 = vector.extract_strided_slice %masked_cumsum3A_764 {offsets = [15], sizes = [1], strides = [1]} : vector<16xf32> to vector<1xf32>
      %squeeze3A_791 = vector.extract %slice3A_790[0] : f32 from vector<1xf32>
      %add3A_792 = arith.constant 0.000000e+00 : f32
      %add3A_793 = arith.addf %squeeze3A_791, %add3A_792 : f32
      %add3A_794 = arith.constant 16 : i32
      %add3A_795 = arith.addi %mul3A_749, %add3A_794 : i32
      %get3A_796 = arith.index_cast %add3A_795 : i32 to index
      %get3A_797 = tpu.vector_load %arg6[%get3A_796] {strides = array<i32>} : memref<16384xf32, #tpu.memory_space<vmem>>, vector<16xf32>,
      %get3A_798 = arith.index_cast %add3A_795 : i32 to index
      %get3A_799 = tpu.vector_load %arg7[%get3A_798] {strides = array<i32>} : memref<16384xf32, #tpu.memory_space<vmem>>, vector<16xf32>,
      %get3A_800 = arith.index_cast %add3A_795 : i32 to index
      %get3A_801 = tpu.vector_load %arg8[%get3A_800] {strides = array<i32>} : memref<16384xf32, #tpu.memory_space<vmem>>, vector<16xf32>,
      %mul3A_802 = arith.mulf %get3A_797, %get3A_799 : vector<16xf32>
      %broadcast_in_dim3A_803 = arith.constant true
      %broadcast_in_dim3A_804 = vector.broadcast %broadcast_in_dim3A_803 : i1 to vector<16xi1>
      %masked_cumsum3A_805 = tpu.scan <sum>, %get3A_797 masked %broadcast_in_dim3A_804 : vector<16xf32>, vector<16xi1> -> vector<16xf32>
      %broadcast_in_dim3A_806 = arith.constant true
      %broadcast_in_dim3A_807 = vector.broadcast %broadcast_in_dim3A_806 : i1 to vector<16xi1>
      %masked_cumsum3A_808 = tpu.scan <sum>, %mul3A_802 masked %broadcast_in_dim3A_807 : vector<16xf32>, vector<16xi1> -> vector<16xf32>
      %sub3A_809 = arith.subf %masked_cumsum3A_805, %get3A_797 : vector<16xf32>
      %add3A_810 = vector.broadcast %add3A_789 : f32 to vector<16xf32>
      %add3A_811 = arith.addf %sub3A_809, %add3A_810 : vector<16xf32>
      %sub3A_812 = arith.subf %masked_cumsum3A_808, %mul3A_802 : vector<16xf32>
      %add3A_813 = vector.broadcast %add3A_793 : f32 to vector<16xf32>
      %add3A_814 = arith.addf %sub3A_812, %add3A_813 : vector<16xf32>
      %mul3A_815 = arith.constant 2.000000e+00 : f32
      %mul3A_816 = vector.broadcast %mul3A_815 : f32 to vector<16xf32>
      %mul3A_817 = arith.mulf %mul3A_816, %get3A_797 : vector<16xf32>
      %mul3A_818 = arith.mulf %get3A_799, %add3A_811 : vector<16xf32>
      %sub3A_819 = arith.subf %mul3A_818, %add3A_814 : vector<16xf32>
      %mul3A_820 = arith.mulf %mul3A_817, %sub3A_819 : vector<16xf32>
      %add3A_821 = arith.addf %add3A_785, %mul3A_820 : vector<16xf32>
      %mul3A_822 = arith.mulf %get3A_797, %get3A_797 : vector<16xf32>
      %mul3A_823 = arith.mulf %mul3A_822, %get3A_801 : vector<16xf32>
      %mul3A_824 = arith.constant 0.333333343 : f32
      %mul3A_825 = vector.broadcast %mul3A_824 : f32 to vector<16xf32>
      %mul3A_826 = arith.mulf %mul3A_825, %mul3A_823 : vector<16xf32>
      %add3A_827 = arith.addf %add3A_821, %mul3A_826 : vector<16xf32>
      %slice3A_828 = vector.extract_strided_slice %masked_cumsum3A_805 {offsets = [15], sizes = [1], strides = [1]} : vector<16xf32> to vector<1xf32>
      %squeeze3A_829 = vector.extract %slice3A_828[0] : f32 from vector<1xf32>
      %add3A_830 = arith.addf %squeeze3A_829, %add3A_789 : f32
      %slice3A_831 = vector.extract_strided_slice %masked_cumsum3A_808 {offsets = [15], sizes = [1], strides = [1]} : vector<16xf32> to vector<1xf32>
      %squeeze3A_832 = vector.extract %slice3A_831[0] : f32 from vector<1xf32>
      %add3A_833 = arith.addf %squeeze3A_832, %add3A_793 : f32
      %add3A_834 = arith.constant 32 : i32
      %add3A_835 = arith.addi %mul3A_749, %add3A_834 : i32
      %get3A_836 = arith.index_cast %add3A_835 : i32 to index
      %get3A_837 = tpu.vector_load %arg6[%get3A_836] {strides = array<i32>} : memref<16384xf32, #tpu.memory_space<vmem>>, vector<16xf32>,
      %get3A_838 = arith.index_cast %add3A_835 : i32 to index
      %get3A_839 = tpu.vector_load %arg7[%get3A_838] {strides = array<i32>} : memref<16384xf32, #tpu.memory_space<vmem>>, vector<16xf32>,
      %get3A_840 = arith.index_cast %add3A_835 : i32 to index
      %get3A_841 = tpu.vector_load %arg8[%get3A_840] {strides = array<i32>} : memref<16384xf32, #tpu.memory_space<vmem>>, vector<16xf32>,
      %mul3A_842 = arith.mulf %get3A_837, %get3A_839 : vector<16xf32>
      %broadcast_in_dim3A_843 = arith.constant true
      %broadcast_in_dim3A_844 = vector.broadcast %broadcast_in_dim3A_843 : i1 to vector<16xi1>
      %masked_cumsum3A_845 = tpu.scan <sum>, %get3A_837 masked %broadcast_in_dim3A_844 : vector<16xf32>, vector<16xi1> -> vector<16xf32>
      %broadcast_in_dim3A_846 = arith.constant true
      %broadcast_in_dim3A_847 = vector.broadcast %broadcast_in_dim3A_846 : i1 to vector<16xi1>
      %masked_cumsum3A_848 = tpu.scan <sum>, %mul3A_842 masked %broadcast_in_dim3A_847 : vector<16xf32>, vector<16xi1> -> vector<16xf32>
      %sub3A_849 = arith.subf %masked_cumsum3A_845, %get3A_837 : vector<16xf32>
      %add3A_850 = vector.broadcast %add3A_830 : f32 to vector<16xf32>
      %add3A_851 = arith.addf %sub3A_849, %add3A_850 : vector<16xf32>
      %sub3A_852 = arith.subf %masked_cumsum3A_848, %mul3A_842 : vector<16xf32>
      %add3A_853 = vector.broadcast %add3A_833 : f32 to vector<16xf32>
      %add3A_854 = arith.addf %sub3A_852, %add3A_853 : vector<16xf32>
      %mul3A_855 = arith.constant 2.000000e+00 : f32
      %mul3A_856 = vector.broadcast %mul3A_855 : f32 to vector<16xf32>
      %mul3A_857 = arith.mulf %mul3A_856, %get3A_837 : vector<16xf32>
      %mul3A_858 = arith.mulf %get3A_839, %add3A_851 : vector<16xf32>
      %sub3A_859 = arith.subf %mul3A_858, %add3A_854 : vector<16xf32>
      %mul3A_860 = arith.mulf %mul3A_857, %sub3A_859 : vector<16xf32>
      %add3A_861 = arith.addf %add3A_827, %mul3A_860 : vector<16xf32>
      %mul3A_862 = arith.mulf %get3A_837, %get3A_837 : vector<16xf32>
      %mul3A_863 = arith.mulf %mul3A_862, %get3A_841 : vector<16xf32>
      %mul3A_864 = arith.constant 0.333333343 : f32
      %mul3A_865 = vector.broadcast %mul3A_864 : f32 to vector<16xf32>
      %mul3A_866 = arith.mulf %mul3A_865, %mul3A_863 : vector<16xf32>
      %add3A_867 = arith.addf %add3A_861, %mul3A_866 : vector<16xf32>
      %slice3A_868 = vector.extract_strided_slice %masked_cumsum3A_845 {offsets = [15], sizes = [1], strides = [1]} : vector<16xf32> to vector<1xf32>
      %squeeze3A_869 = vector.extract %slice3A_868[0] : f32 from vector<1xf32>
      %add3A_870 = arith.addf %squeeze3A_869, %add3A_830 : f32
      %slice3A_871 = vector.extract_strided_slice %masked_cumsum3A_848 {offsets = [15], sizes = [1], strides = [1]} : vector<16xf32> to vector<1xf32>
      %squeeze3A_872 = vector.extract %slice3A_871[0] : f32 from vector<1xf32>
      %add3A_873 = arith.addf %squeeze3A_872, %add3A_833 : f32
      %add3A_874 = arith.constant 48 : i32
      %add3A_875 = arith.addi %mul3A_749, %add3A_874 : i32
      %get3A_876 = arith.index_cast %add3A_875 : i32 to index
      %get3A_877 = tpu.vector_load %arg6[%get3A_876] {strides = array<i32>} : memref<16384xf32, #tpu.memory_space<vmem>>, vector<16xf32>,
      %get3A_878 = arith.index_cast %add3A_875 : i32 to index
      %get3A_879 = tpu.vector_load %arg7[%get3A_878] {strides = array<i32>} : memref<16384xf32, #tpu.memory_space<vmem>>, vector<16xf32>,
      %get3A_880 = arith.index_cast %add3A_875 : i32 to index
      %get3A_881 = tpu.vector_load %arg8[%get3A_880] {strides = array<i32>} : memref<16384xf32, #tpu.memory_space<vmem>>, vector<16xf32>,
      %mul3A_882 = arith.mulf %get3A_877, %get3A_879 : vector<16xf32>
      %broadcast_in_dim3A_883 = arith.constant true
      %broadcast_in_dim3A_884 = vector.broadcast %broadcast_in_dim3A_883 : i1 to vector<16xi1>
      %masked_cumsum3A_885 = tpu.scan <sum>, %get3A_877 masked %broadcast_in_dim3A_884 : vector<16xf32>, vector<16xi1> -> vector<16xf32>
      %broadcast_in_dim3A_886 = arith.constant true
      %broadcast_in_dim3A_887 = vector.broadcast %broadcast_in_dim3A_886 : i1 to vector<16xi1>
      %masked_cumsum3A_888 = tpu.scan <sum>, %mul3A_882 masked %broadcast_in_dim3A_887 : vector<16xf32>, vector<16xi1> -> vector<16xf32>
      %sub3A_889 = arith.subf %masked_cumsum3A_885, %get3A_877 : vector<16xf32>
      %add3A_890 = vector.broadcast %add3A_870 : f32 to vector<16xf32>
      %add3A_891 = arith.addf %sub3A_889, %add3A_890 : vector<16xf32>
      %sub3A_892 = arith.subf %masked_cumsum3A_888, %mul3A_882 : vector<16xf32>
      %add3A_893 = vector.broadcast %add3A_873 : f32 to vector<16xf32>
      %add3A_894 = arith.addf %sub3A_892, %add3A_893 : vector<16xf32>
      %mul3A_895 = arith.constant 2.000000e+00 : f32
      %mul3A_896 = vector.broadcast %mul3A_895 : f32 to vector<16xf32>
      %mul3A_897 = arith.mulf %mul3A_896, %get3A_877 : vector<16xf32>
      %mul3A_898 = arith.mulf %get3A_879, %add3A_891 : vector<16xf32>
      %sub3A_899 = arith.subf %mul3A_898, %add3A_894 : vector<16xf32>
      %mul3A_900 = arith.mulf %mul3A_897, %sub3A_899 : vector<16xf32>
      %add3A_901 = arith.addf %add3A_867, %mul3A_900 : vector<16xf32>
      %mul3A_902 = arith.mulf %get3A_877, %get3A_877 : vector<16xf32>
      %mul3A_903 = arith.mulf %mul3A_902, %get3A_881 : vector<16xf32>
      %mul3A_904 = arith.constant 0.333333343 : f32
      %mul3A_905 = vector.broadcast %mul3A_904 : f32 to vector<16xf32>
      %mul3A_906 = arith.mulf %mul3A_905, %mul3A_903 : vector<16xf32>
      %add3A_907 = arith.addf %add3A_901, %mul3A_906 : vector<16xf32>
      %slice3A_908 = vector.extract_strided_slice %masked_cumsum3A_885 {offsets = [15], sizes = [1], strides = [1]} : vector<16xf32> to vector<1xf32>
      %squeeze3A_909 = vector.extract %slice3A_908[0] : f32 from vector<1xf32>
      %add3A_910 = arith.addf %squeeze3A_909, %add3A_870 : f32
      %slice3A_911 = vector.extract_strided_slice %masked_cumsum3A_888 {offsets = [15], sizes = [1], strides = [1]} : vector<16xf32> to vector<1xf32>
      %squeeze3A_912 = vector.extract %slice3A_911[0] : f32 from vector<1xf32>
      %add3A_913 = arith.addf %squeeze3A_912, %add3A_873 : f32
      %reduce_sum3A_914 = arith.constant true
      %reduce_sum3A_915 = vector.broadcast %reduce_sum3A_914 : i1 to vector<16xi1>
      %reduce_sum3A_916 = tpu.scan <sum>, %add3A_907 masked %reduce_sum3A_915 : vector<16xf32>, vector<16xi1> -> vector<16xf32>
      %reduce_sum3A_917 = vector.extract %reduce_sum3A_916[15] : f32 from vector<16xf32>
      %mul3A_918 = arith.constant 1.000000e-03 : f32
      %mul3A_919 = arith.mulf %mul3A_918, %reduce_sum3A_917 : f32
      %eq3A_920 = arith.constant 4 : i32
      %eq3A_921 = vector.broadcast %eq3A_920 : i32 to vector<16xi32>
      %eq3A_922 = arith.cmpi eq, %iota3A, %eq3A_921 : vector<16xi32>
      %add3A_923 = vector.broadcast %mul3A_919 : f32 to vector<16xf32>
      %add3A_924 = arith.addf %broadcast_in_dim3A_13, %add3A_923 : vector<16xf32>
      %select_n3A_925 = arith.select %eq3A_922, %add3A_924, %select_n3A_743 : vector<16xi1>, vector<16xf32>
      %mul3A_926 = arith.constant 16 : i32
      %mul3A_927 = arith.muli %scan3A_22, %mul3A_926 : i32
      %add3A_928 = arith.constant 5 : i32
      %add3A_929 = arith.addi %mul3A_927, %add3A_928 : i32
      %mul3A_930 = arith.constant 64 : i32
      %mul3A_931 = arith.muli %add3A_929, %mul3A_930 : i32
      %add3A_932 = arith.constant 0 : i32
      %add3A_933 = arith.addi %mul3A_931, %add3A_932 : i32
      %get3A_934 = arith.index_cast %add3A_933 : i32 to index
      %get3A_935 = tpu.vector_load %arg6[%get3A_934] {strides = array<i32>} : memref<16384xf32, #tpu.memory_space<vmem>>, vector<16xf32>,
      %get3A_936 = arith.index_cast %add3A_933 : i32 to index
      %get3A_937 = tpu.vector_load %arg7[%get3A_936] {strides = array<i32>} : memref<16384xf32, #tpu.memory_space<vmem>>, vector<16xf32>,
      %get3A_938 = arith.index_cast %add3A_933 : i32 to index
      %get3A_939 = tpu.vector_load %arg8[%get3A_938] {strides = array<i32>} : memref<16384xf32, #tpu.memory_space<vmem>>, vector<16xf32>,
      %mul3A_940 = arith.mulf %get3A_935, %get3A_937 : vector<16xf32>
      %broadcast_in_dim3A_941 = arith.constant true
      %broadcast_in_dim3A_942 = vector.broadcast %broadcast_in_dim3A_941 : i1 to vector<16xi1>
      %masked_cumsum3A_943 = tpu.scan <sum>, %get3A_935 masked %broadcast_in_dim3A_942 : vector<16xf32>, vector<16xi1> -> vector<16xf32>
      %broadcast_in_dim3A_944 = arith.constant true
      %broadcast_in_dim3A_945 = vector.broadcast %broadcast_in_dim3A_944 : i1 to vector<16xi1>
      %masked_cumsum3A_946 = tpu.scan <sum>, %mul3A_940 masked %broadcast_in_dim3A_945 : vector<16xf32>, vector<16xi1> -> vector<16xf32>
      %sub3A_947 = arith.subf %masked_cumsum3A_943, %get3A_935 : vector<16xf32>
      %add3A_948 = arith.constant 0.000000e+00 : f32
      %add3A_949 = vector.broadcast %add3A_948 : f32 to vector<16xf32>
      %add3A_950 = arith.addf %sub3A_947, %add3A_949 : vector<16xf32>
      %sub3A_951 = arith.subf %masked_cumsum3A_946, %mul3A_940 : vector<16xf32>
      %add3A_952 = arith.constant 0.000000e+00 : f32
      %add3A_953 = vector.broadcast %add3A_952 : f32 to vector<16xf32>
      %add3A_954 = arith.addf %sub3A_951, %add3A_953 : vector<16xf32>
      %mul3A_955 = arith.constant 2.000000e+00 : f32
      %mul3A_956 = vector.broadcast %mul3A_955 : f32 to vector<16xf32>
      %mul3A_957 = arith.mulf %mul3A_956, %get3A_935 : vector<16xf32>
      %mul3A_958 = arith.mulf %get3A_937, %add3A_950 : vector<16xf32>
      %sub3A_959 = arith.subf %mul3A_958, %add3A_954 : vector<16xf32>
      %mul3A_960 = arith.mulf %mul3A_957, %sub3A_959 : vector<16xf32>
      %add3A_961 = arith.addf %broadcast_in_dim3A_13, %mul3A_960 : vector<16xf32>
      %mul3A_962 = arith.mulf %get3A_935, %get3A_935 : vector<16xf32>
      %mul3A_963 = arith.mulf %mul3A_962, %get3A_939 : vector<16xf32>
      %mul3A_964 = arith.constant 0.333333343 : f32
      %mul3A_965 = vector.broadcast %mul3A_964 : f32 to vector<16xf32>
      %mul3A_966 = arith.mulf %mul3A_965, %mul3A_963 : vector<16xf32>
      %add3A_967 = arith.addf %add3A_961, %mul3A_966 : vector<16xf32>
      %slice3A_968 = vector.extract_strided_slice %masked_cumsum3A_943 {offsets = [15], sizes = [1], strides = [1]} : vector<16xf32> to vector<1xf32>
      %squeeze3A_969 = vector.extract %slice3A_968[0] : f32 from vector<1xf32>
      %add3A_970 = arith.constant 0.000000e+00 : f32
      %add3A_971 = arith.addf %squeeze3A_969, %add3A_970 : f32
      %slice3A_972 = vector.extract_strided_slice %masked_cumsum3A_946 {offsets = [15], sizes = [1], strides = [1]} : vector<16xf32> to vector<1xf32>
      %squeeze3A_973 = vector.extract %slice3A_972[0] : f32 from vector<1xf32>
      %add3A_974 = arith.constant 0.000000e+00 : f32
      %add3A_975 = arith.addf %squeeze3A_973, %add3A_974 : f32
      %add3A_976 = arith.constant 16 : i32
      %add3A_977 = arith.addi %mul3A_931, %add3A_976 : i32
      %get3A_978 = arith.index_cast %add3A_977 : i32 to index
      %get3A_979 = tpu.vector_load %arg6[%get3A_978] {strides = array<i32>} : memref<16384xf32, #tpu.memory_space<vmem>>, vector<16xf32>,
      %get3A_980 = arith.index_cast %add3A_977 : i32 to index
      %get3A_981 = tpu.vector_load %arg7[%get3A_980] {strides = array<i32>} : memref<16384xf32, #tpu.memory_space<vmem>>, vector<16xf32>,
      %get3A_982 = arith.index_cast %add3A_977 : i32 to index
      %get3A_983 = tpu.vector_load %arg8[%get3A_982] {strides = array<i32>} : memref<16384xf32, #tpu.memory_space<vmem>>, vector<16xf32>,
      %mul3A_984 = arith.mulf %get3A_979, %get3A_981 : vector<16xf32>
      %broadcast_in_dim3A_985 = arith.constant true
      %broadcast_in_dim3A_986 = vector.broadcast %broadcast_in_dim3A_985 : i1 to vector<16xi1>
      %masked_cumsum3A_987 = tpu.scan <sum>, %get3A_979 masked %broadcast_in_dim3A_986 : vector<16xf32>, vector<16xi1> -> vector<16xf32>
      %broadcast_in_dim3A_988 = arith.constant true
      %broadcast_in_dim3A_989 = vector.broadcast %broadcast_in_dim3A_988 : i1 to vector<16xi1>
      %masked_cumsum3A_990 = tpu.scan <sum>, %mul3A_984 masked %broadcast_in_dim3A_989 : vector<16xf32>, vector<16xi1> -> vector<16xf32>
      %sub3A_991 = arith.subf %masked_cumsum3A_987, %get3A_979 : vector<16xf32>
      %add3A_992 = vector.broadcast %add3A_971 : f32 to vector<16xf32>
      %add3A_993 = arith.addf %sub3A_991, %add3A_992 : vector<16xf32>
      %sub3A_994 = arith.subf %masked_cumsum3A_990, %mul3A_984 : vector<16xf32>
      %add3A_995 = vector.broadcast %add3A_975 : f32 to vector<16xf32>
      %add3A_996 = arith.addf %sub3A_994, %add3A_995 : vector<16xf32>
      %mul3A_997 = arith.constant 2.000000e+00 : f32
      %mul3A_998 = vector.broadcast %mul3A_997 : f32 to vector<16xf32>
      %mul3A_999 = arith.mulf %mul3A_998, %get3A_979 : vector<16xf32>
      %mul3A_1000 = arith.mulf %get3A_981, %add3A_993 : vector<16xf32>
      %sub3A_1001 = arith.subf %mul3A_1000, %add3A_996 : vector<16xf32>
      %mul3A_1002 = arith.mulf %mul3A_999, %sub3A_1001 : vector<16xf32>
      %add3A_1003 = arith.addf %add3A_967, %mul3A_1002 : vector<16xf32>
      %mul3A_1004 = arith.mulf %get3A_979, %get3A_979 : vector<16xf32>
      %mul3A_1005 = arith.mulf %mul3A_1004, %get3A_983 : vector<16xf32>
      %mul3A_1006 = arith.constant 0.333333343 : f32
      %mul3A_1007 = vector.broadcast %mul3A_1006 : f32 to vector<16xf32>
      %mul3A_1008 = arith.mulf %mul3A_1007, %mul3A_1005 : vector<16xf32>
      %add3A_1009 = arith.addf %add3A_1003, %mul3A_1008 : vector<16xf32>
      %slice3A_1010 = vector.extract_strided_slice %masked_cumsum3A_987 {offsets = [15], sizes = [1], strides = [1]} : vector<16xf32> to vector<1xf32>
      %squeeze3A_1011 = vector.extract %slice3A_1010[0] : f32 from vector<1xf32>
      %add3A_1012 = arith.addf %squeeze3A_1011, %add3A_971 : f32
      %slice3A_1013 = vector.extract_strided_slice %masked_cumsum3A_990 {offsets = [15], sizes = [1], strides = [1]} : vector<16xf32> to vector<1xf32>
      %squeeze3A_1014 = vector.extract %slice3A_1013[0] : f32 from vector<1xf32>
      %add3A_1015 = arith.addf %squeeze3A_1014, %add3A_975 : f32
      %add3A_1016 = arith.constant 32 : i32
      %add3A_1017 = arith.addi %mul3A_931, %add3A_1016 : i32
      %get3A_1018 = arith.index_cast %add3A_1017 : i32 to index
      %get3A_1019 = tpu.vector_load %arg6[%get3A_1018] {strides = array<i32>} : memref<16384xf32, #tpu.memory_space<vmem>>, vector<16xf32>,
      %get3A_1020 = arith.index_cast %add3A_1017 : i32 to index
      %get3A_1021 = tpu.vector_load %arg7[%get3A_1020] {strides = array<i32>} : memref<16384xf32, #tpu.memory_space<vmem>>, vector<16xf32>,
      %get3A_1022 = arith.index_cast %add3A_1017 : i32 to index
      %get3A_1023 = tpu.vector_load %arg8[%get3A_1022] {strides = array<i32>} : memref<16384xf32, #tpu.memory_space<vmem>>, vector<16xf32>,
      %mul3A_1024 = arith.mulf %get3A_1019, %get3A_1021 : vector<16xf32>
      %broadcast_in_dim3A_1025 = arith.constant true
      %broadcast_in_dim3A_1026 = vector.broadcast %broadcast_in_dim3A_1025 : i1 to vector<16xi1>
      %masked_cumsum3A_1027 = tpu.scan <sum>, %get3A_1019 masked %broadcast_in_dim3A_1026 : vector<16xf32>, vector<16xi1> -> vector<16xf32>
      %broadcast_in_dim3A_1028 = arith.constant true
      %broadcast_in_dim3A_1029 = vector.broadcast %broadcast_in_dim3A_1028 : i1 to vector<16xi1>
      %masked_cumsum3A_1030 = tpu.scan <sum>, %mul3A_1024 masked %broadcast_in_dim3A_1029 : vector<16xf32>, vector<16xi1> -> vector<16xf32>
      %sub3A_1031 = arith.subf %masked_cumsum3A_1027, %get3A_1019 : vector<16xf32>
      %add3A_1032 = vector.broadcast %add3A_1012 : f32 to vector<16xf32>
      %add3A_1033 = arith.addf %sub3A_1031, %add3A_1032 : vector<16xf32>
      %sub3A_1034 = arith.subf %masked_cumsum3A_1030, %mul3A_1024 : vector<16xf32>
      %add3A_1035 = vector.broadcast %add3A_1015 : f32 to vector<16xf32>
      %add3A_1036 = arith.addf %sub3A_1034, %add3A_1035 : vector<16xf32>
      %mul3A_1037 = arith.constant 2.000000e+00 : f32
      %mul3A_1038 = vector.broadcast %mul3A_1037 : f32 to vector<16xf32>
      %mul3A_1039 = arith.mulf %mul3A_1038, %get3A_1019 : vector<16xf32>
      %mul3A_1040 = arith.mulf %get3A_1021, %add3A_1033 : vector<16xf32>
      %sub3A_1041 = arith.subf %mul3A_1040, %add3A_1036 : vector<16xf32>
      %mul3A_1042 = arith.mulf %mul3A_1039, %sub3A_1041 : vector<16xf32>
      %add3A_1043 = arith.addf %add3A_1009, %mul3A_1042 : vector<16xf32>
      %mul3A_1044 = arith.mulf %get3A_1019, %get3A_1019 : vector<16xf32>
      %mul3A_1045 = arith.mulf %mul3A_1044, %get3A_1023 : vector<16xf32>
      %mul3A_1046 = arith.constant 0.333333343 : f32
      %mul3A_1047 = vector.broadcast %mul3A_1046 : f32 to vector<16xf32>
      %mul3A_1048 = arith.mulf %mul3A_1047, %mul3A_1045 : vector<16xf32>
      %add3A_1049 = arith.addf %add3A_1043, %mul3A_1048 : vector<16xf32>
      %slice3A_1050 = vector.extract_strided_slice %masked_cumsum3A_1027 {offsets = [15], sizes = [1], strides = [1]} : vector<16xf32> to vector<1xf32>
      %squeeze3A_1051 = vector.extract %slice3A_1050[0] : f32 from vector<1xf32>
      %add3A_1052 = arith.addf %squeeze3A_1051, %add3A_1012 : f32
      %slice3A_1053 = vector.extract_strided_slice %masked_cumsum3A_1030 {offsets = [15], sizes = [1], strides = [1]} : vector<16xf32> to vector<1xf32>
      %squeeze3A_1054 = vector.extract %slice3A_1053[0] : f32 from vector<1xf32>
      %add3A_1055 = arith.addf %squeeze3A_1054, %add3A_1015 : f32
      %add3A_1056 = arith.constant 48 : i32
      %add3A_1057 = arith.addi %mul3A_931, %add3A_1056 : i32
      %get3A_1058 = arith.index_cast %add3A_1057 : i32 to index
      %get3A_1059 = tpu.vector_load %arg6[%get3A_1058] {strides = array<i32>} : memref<16384xf32, #tpu.memory_space<vmem>>, vector<16xf32>,
      %get3A_1060 = arith.index_cast %add3A_1057 : i32 to index
      %get3A_1061 = tpu.vector_load %arg7[%get3A_1060] {strides = array<i32>} : memref<16384xf32, #tpu.memory_space<vmem>>, vector<16xf32>,
      %get3A_1062 = arith.index_cast %add3A_1057 : i32 to index
      %get3A_1063 = tpu.vector_load %arg8[%get3A_1062] {strides = array<i32>} : memref<16384xf32, #tpu.memory_space<vmem>>, vector<16xf32>,
      %mul3A_1064 = arith.mulf %get3A_1059, %get3A_1061 : vector<16xf32>
      %broadcast_in_dim3A_1065 = arith.constant true
      %broadcast_in_dim3A_1066 = vector.broadcast %broadcast_in_dim3A_1065 : i1 to vector<16xi1>
      %masked_cumsum3A_1067 = tpu.scan <sum>, %get3A_1059 masked %broadcast_in_dim3A_1066 : vector<16xf32>, vector<16xi1> -> vector<16xf32>
      %broadcast_in_dim3A_1068 = arith.constant true
      %broadcast_in_dim3A_1069 = vector.broadcast %broadcast_in_dim3A_1068 : i1 to vector<16xi1>
      %masked_cumsum3A_1070 = tpu.scan <sum>, %mul3A_1064 masked %broadcast_in_dim3A_1069 : vector<16xf32>, vector<16xi1> -> vector<16xf32>
      %sub3A_1071 = arith.subf %masked_cumsum3A_1067, %get3A_1059 : vector<16xf32>
      %add3A_1072 = vector.broadcast %add3A_1052 : f32 to vector<16xf32>
      %add3A_1073 = arith.addf %sub3A_1071, %add3A_1072 : vector<16xf32>
      %sub3A_1074 = arith.subf %masked_cumsum3A_1070, %mul3A_1064 : vector<16xf32>
      %add3A_1075 = vector.broadcast %add3A_1055 : f32 to vector<16xf32>
      %add3A_1076 = arith.addf %sub3A_1074, %add3A_1075 : vector<16xf32>
      %mul3A_1077 = arith.constant 2.000000e+00 : f32
      %mul3A_1078 = vector.broadcast %mul3A_1077 : f32 to vector<16xf32>
      %mul3A_1079 = arith.mulf %mul3A_1078, %get3A_1059 : vector<16xf32>
      %mul3A_1080 = arith.mulf %get3A_1061, %add3A_1073 : vector<16xf32>
      %sub3A_1081 = arith.subf %mul3A_1080, %add3A_1076 : vector<16xf32>
      %mul3A_1082 = arith.mulf %mul3A_1079, %sub3A_1081 : vector<16xf32>
      %add3A_1083 = arith.addf %add3A_1049, %mul3A_1082 : vector<16xf32>
      %mul3A_1084 = arith.mulf %get3A_1059, %get3A_1059 : vector<16xf32>
      %mul3A_1085 = arith.mulf %mul3A_1084, %get3A_1063 : vector<16xf32>
      %mul3A_1086 = arith.constant 0.333333343 : f32
      %mul3A_1087 = vector.broadcast %mul3A_1086 : f32 to vector<16xf32>
      %mul3A_1088 = arith.mulf %mul3A_1087, %mul3A_1085 : vector<16xf32>
      %add3A_1089 = arith.addf %add3A_1083, %mul3A_1088 : vector<16xf32>
      %slice3A_1090 = vector.extract_strided_slice %masked_cumsum3A_1067 {offsets = [15], sizes = [1], strides = [1]} : vector<16xf32> to vector<1xf32>
      %squeeze3A_1091 = vector.extract %slice3A_1090[0] : f32 from vector<1xf32>
      %add3A_1092 = arith.addf %squeeze3A_1091, %add3A_1052 : f32
      %slice3A_1093 = vector.extract_strided_slice %masked_cumsum3A_1070 {offsets = [15], sizes = [1], strides = [1]} : vector<16xf32> to vector<1xf32>
      %squeeze3A_1094 = vector.extract %slice3A_1093[0] : f32 from vector<1xf32>
      %add3A_1095 = arith.addf %squeeze3A_1094, %add3A_1055 : f32
      %reduce_sum3A_1096 = arith.constant true
      %reduce_sum3A_1097 = vector.broadcast %reduce_sum3A_1096 : i1 to vector<16xi1>
      %reduce_sum3A_1098 = tpu.scan <sum>, %add3A_1089 masked %reduce_sum3A_1097 : vector<16xf32>, vector<16xi1> -> vector<16xf32>
      %reduce_sum3A_1099 = vector.extract %reduce_sum3A_1098[15] : f32 from vector<16xf32>
      %mul3A_1100 = arith.constant 1.000000e-03 : f32
      %mul3A_1101 = arith.mulf %mul3A_1100, %reduce_sum3A_1099 : f32
      %eq3A_1102 = arith.constant 5 : i32
      %eq3A_1103 = vector.broadcast %eq3A_1102 : i32 to vector<16xi32>
      %eq3A_1104 = arith.cmpi eq, %iota3A, %eq3A_1103 : vector<16xi32>
      %add3A_1105 = vector.broadcast %mul3A_1101 : f32 to vector<16xf32>
      %add3A_1106 = arith.addf %broadcast_in_dim3A_13, %add3A_1105 : vector<16xf32>
      %select_n3A_1107 = arith.select %eq3A_1104, %add3A_1106, %select_n3A_925 : vector<16xi1>, vector<16xf32>
      %mul3A_1108 = arith.constant 16 : i32
      %mul3A_1109 = arith.muli %scan3A_22, %mul3A_1108 : i32
      %add3A_1110 = arith.constant 6 : i32
      %add3A_1111 = arith.addi %mul3A_1109, %add3A_1110 : i32
      %mul3A_1112 = arith.constant 64 : i32
      %mul3A_1113 = arith.muli %add3A_1111, %mul3A_1112 : i32
      %add3A_1114 = arith.constant 0 : i32
      %add3A_1115 = arith.addi %mul3A_1113, %add3A_1114 : i32
      %get3A_1116 = arith.index_cast %add3A_1115 : i32 to index
      %get3A_1117 = tpu.vector_load %arg6[%get3A_1116] {strides = array<i32>} : memref<16384xf32, #tpu.memory_space<vmem>>, vector<16xf32>,
      %get3A_1118 = arith.index_cast %add3A_1115 : i32 to index
      %get3A_1119 = tpu.vector_load %arg7[%get3A_1118] {strides = array<i32>} : memref<16384xf32, #tpu.memory_space<vmem>>, vector<16xf32>,
      %get3A_1120 = arith.index_cast %add3A_1115 : i32 to index
      %get3A_1121 = tpu.vector_load %arg8[%get3A_1120] {strides = array<i32>} : memref<16384xf32, #tpu.memory_space<vmem>>, vector<16xf32>,
      %mul3A_1122 = arith.mulf %get3A_1117, %get3A_1119 : vector<16xf32>
      %broadcast_in_dim3A_1123 = arith.constant true
      %broadcast_in_dim3A_1124 = vector.broadcast %broadcast_in_dim3A_1123 : i1 to vector<16xi1>
      %masked_cumsum3A_1125 = tpu.scan <sum>, %get3A_1117 masked %broadcast_in_dim3A_1124 : vector<16xf32>, vector<16xi1> -> vector<16xf32>
      %broadcast_in_dim3A_1126 = arith.constant true
      %broadcast_in_dim3A_1127 = vector.broadcast %broadcast_in_dim3A_1126 : i1 to vector<16xi1>
      %masked_cumsum3A_1128 = tpu.scan <sum>, %mul3A_1122 masked %broadcast_in_dim3A_1127 : vector<16xf32>, vector<16xi1> -> vector<16xf32>
      %sub3A_1129 = arith.subf %masked_cumsum3A_1125, %get3A_1117 : vector<16xf32>
      %add3A_1130 = arith.constant 0.000000e+00 : f32
      %add3A_1131 = vector.broadcast %add3A_1130 : f32 to vector<16xf32>
      %add3A_1132 = arith.addf %sub3A_1129, %add3A_1131 : vector<16xf32>
      %sub3A_1133 = arith.subf %masked_cumsum3A_1128, %mul3A_1122 : vector<16xf32>
      %add3A_1134 = arith.constant 0.000000e+00 : f32
      %add3A_1135 = vector.broadcast %add3A_1134 : f32 to vector<16xf32>
      %add3A_1136 = arith.addf %sub3A_1133, %add3A_1135 : vector<16xf32>
      %mul3A_1137 = arith.constant 2.000000e+00 : f32
      %mul3A_1138 = vector.broadcast %mul3A_1137 : f32 to vector<16xf32>
      %mul3A_1139 = arith.mulf %mul3A_1138, %get3A_1117 : vector<16xf32>
      %mul3A_1140 = arith.mulf %get3A_1119, %add3A_1132 : vector<16xf32>
      %sub3A_1141 = arith.subf %mul3A_1140, %add3A_1136 : vector<16xf32>
      %mul3A_1142 = arith.mulf %mul3A_1139, %sub3A_1141 : vector<16xf32>
      %add3A_1143 = arith.addf %broadcast_in_dim3A_13, %mul3A_1142 : vector<16xf32>
      %mul3A_1144 = arith.mulf %get3A_1117, %get3A_1117 : vector<16xf32>
      %mul3A_1145 = arith.mulf %mul3A_1144, %get3A_1121 : vector<16xf32>
      %mul3A_1146 = arith.constant 0.333333343 : f32
      %mul3A_1147 = vector.broadcast %mul3A_1146 : f32 to vector<16xf32>
      %mul3A_1148 = arith.mulf %mul3A_1147, %mul3A_1145 : vector<16xf32>
      %add3A_1149 = arith.addf %add3A_1143, %mul3A_1148 : vector<16xf32>
      %slice3A_1150 = vector.extract_strided_slice %masked_cumsum3A_1125 {offsets = [15], sizes = [1], strides = [1]} : vector<16xf32> to vector<1xf32>
      %squeeze3A_1151 = vector.extract %slice3A_1150[0] : f32 from vector<1xf32>
      %add3A_1152 = arith.constant 0.000000e+00 : f32
      %add3A_1153 = arith.addf %squeeze3A_1151, %add3A_1152 : f32
      %slice3A_1154 = vector.extract_strided_slice %masked_cumsum3A_1128 {offsets = [15], sizes = [1], strides = [1]} : vector<16xf32> to vector<1xf32>
      %squeeze3A_1155 = vector.extract %slice3A_1154[0] : f32 from vector<1xf32>
      %add3A_1156 = arith.constant 0.000000e+00 : f32
      %add3A_1157 = arith.addf %squeeze3A_1155, %add3A_1156 : f32
      %add3A_1158 = arith.constant 16 : i32
      %add3A_1159 = arith.addi %mul3A_1113, %add3A_1158 : i32
      %get3A_1160 = arith.index_cast %add3A_1159 : i32 to index
      %get3A_1161 = tpu.vector_load %arg6[%get3A_1160] {strides = array<i32>} : memref<16384xf32, #tpu.memory_space<vmem>>, vector<16xf32>,
      %get3A_1162 = arith.index_cast %add3A_1159 : i32 to index
      %get3A_1163 = tpu.vector_load %arg7[%get3A_1162] {strides = array<i32>} : memref<16384xf32, #tpu.memory_space<vmem>>, vector<16xf32>,
      %get3A_1164 = arith.index_cast %add3A_1159 : i32 to index
      %get3A_1165 = tpu.vector_load %arg8[%get3A_1164] {strides = array<i32>} : memref<16384xf32, #tpu.memory_space<vmem>>, vector<16xf32>,
      %mul3A_1166 = arith.mulf %get3A_1161, %get3A_1163 : vector<16xf32>
      %broadcast_in_dim3A_1167 = arith.constant true
      %broadcast_in_dim3A_1168 = vector.broadcast %broadcast_in_dim3A_1167 : i1 to vector<16xi1>
      %masked_cumsum3A_1169 = tpu.scan <sum>, %get3A_1161 masked %broadcast_in_dim3A_1168 : vector<16xf32>, vector<16xi1> -> vector<16xf32>
      %broadcast_in_dim3A_1170 = arith.constant true
      %broadcast_in_dim3A_1171 = vector.broadcast %broadcast_in_dim3A_1170 : i1 to vector<16xi1>
      %masked_cumsum3A_1172 = tpu.scan <sum>, %mul3A_1166 masked %broadcast_in_dim3A_1171 : vector<16xf32>, vector<16xi1> -> vector<16xf32>
      %sub3A_1173 = arith.subf %masked_cumsum3A_1169, %get3A_1161 : vector<16xf32>
      %add3A_1174 = vector.broadcast %add3A_1153 : f32 to vector<16xf32>
      %add3A_1175 = arith.addf %sub3A_1173, %add3A_1174 : vector<16xf32>
      %sub3A_1176 = arith.subf %masked_cumsum3A_1172, %mul3A_1166 : vector<16xf32>
      %add3A_1177 = vector.broadcast %add3A_1157 : f32 to vector<16xf32>
      %add3A_1178 = arith.addf %sub3A_1176, %add3A_1177 : vector<16xf32>
      %mul3A_1179 = arith.constant 2.000000e+00 : f32
      %mul3A_1180 = vector.broadcast %mul3A_1179 : f32 to vector<16xf32>
      %mul3A_1181 = arith.mulf %mul3A_1180, %get3A_1161 : vector<16xf32>
      %mul3A_1182 = arith.mulf %get3A_1163, %add3A_1175 : vector<16xf32>
      %sub3A_1183 = arith.subf %mul3A_1182, %add3A_1178 : vector<16xf32>
      %mul3A_1184 = arith.mulf %mul3A_1181, %sub3A_1183 : vector<16xf32>
      %add3A_1185 = arith.addf %add3A_1149, %mul3A_1184 : vector<16xf32>
      %mul3A_1186 = arith.mulf %get3A_1161, %get3A_1161 : vector<16xf32>
      %mul3A_1187 = arith.mulf %mul3A_1186, %get3A_1165 : vector<16xf32>
      %mul3A_1188 = arith.constant 0.333333343 : f32
      %mul3A_1189 = vector.broadcast %mul3A_1188 : f32 to vector<16xf32>
      %mul3A_1190 = arith.mulf %mul3A_1189, %mul3A_1187 : vector<16xf32>
      %add3A_1191 = arith.addf %add3A_1185, %mul3A_1190 : vector<16xf32>
      %slice3A_1192 = vector.extract_strided_slice %masked_cumsum3A_1169 {offsets = [15], sizes = [1], strides = [1]} : vector<16xf32> to vector<1xf32>
      %squeeze3A_1193 = vector.extract %slice3A_1192[0] : f32 from vector<1xf32>
      %add3A_1194 = arith.addf %squeeze3A_1193, %add3A_1153 : f32
      %slice3A_1195 = vector.extract_strided_slice %masked_cumsum3A_1172 {offsets = [15], sizes = [1], strides = [1]} : vector<16xf32> to vector<1xf32>
      %squeeze3A_1196 = vector.extract %slice3A_1195[0] : f32 from vector<1xf32>
      %add3A_1197 = arith.addf %squeeze3A_1196, %add3A_1157 : f32
      %add3A_1198 = arith.constant 32 : i32
      %add3A_1199 = arith.addi %mul3A_1113, %add3A_1198 : i32
      %get3A_1200 = arith.index_cast %add3A_1199 : i32 to index
      %get3A_1201 = tpu.vector_load %arg6[%get3A_1200] {strides = array<i32>} : memref<16384xf32, #tpu.memory_space<vmem>>, vector<16xf32>,
      %get3A_1202 = arith.index_cast %add3A_1199 : i32 to index
      %get3A_1203 = tpu.vector_load %arg7[%get3A_1202] {strides = array<i32>} : memref<16384xf32, #tpu.memory_space<vmem>>, vector<16xf32>,
      %get3A_1204 = arith.index_cast %add3A_1199 : i32 to index
      %get3A_1205 = tpu.vector_load %arg8[%get3A_1204] {strides = array<i32>} : memref<16384xf32, #tpu.memory_space<vmem>>, vector<16xf32>,
      %mul3A_1206 = arith.mulf %get3A_1201, %get3A_1203 : vector<16xf32>
      %broadcast_in_dim3A_1207 = arith.constant true
      %broadcast_in_dim3A_1208 = vector.broadcast %broadcast_in_dim3A_1207 : i1 to vector<16xi1>
      %masked_cumsum3A_1209 = tpu.scan <sum>, %get3A_1201 masked %broadcast_in_dim3A_1208 : vector<16xf32>, vector<16xi1> -> vector<16xf32>
      %broadcast_in_dim3A_1210 = arith.constant true
      %broadcast_in_dim3A_1211 = vector.broadcast %broadcast_in_dim3A_1210 : i1 to vector<16xi1>
      %masked_cumsum3A_1212 = tpu.scan <sum>, %mul3A_1206 masked %broadcast_in_dim3A_1211 : vector<16xf32>, vector<16xi1> -> vector<16xf32>
      %sub3A_1213 = arith.subf %masked_cumsum3A_1209, %get3A_1201 : vector<16xf32>
      %add3A_1214 = vector.broadcast %add3A_1194 : f32 to vector<16xf32>
      %add3A_1215 = arith.addf %sub3A_1213, %add3A_1214 : vector<16xf32>
      %sub3A_1216 = arith.subf %masked_cumsum3A_1212, %mul3A_1206 : vector<16xf32>
      %add3A_1217 = vector.broadcast %add3A_1197 : f32 to vector<16xf32>
      %add3A_1218 = arith.addf %sub3A_1216, %add3A_1217 : vector<16xf32>
      %mul3A_1219 = arith.constant 2.000000e+00 : f32
      %mul3A_1220 = vector.broadcast %mul3A_1219 : f32 to vector<16xf32>
      %mul3A_1221 = arith.mulf %mul3A_1220, %get3A_1201 : vector<16xf32>
      %mul3A_1222 = arith.mulf %get3A_1203, %add3A_1215 : vector<16xf32>
      %sub3A_1223 = arith.subf %mul3A_1222, %add3A_1218 : vector<16xf32>
      %mul3A_1224 = arith.mulf %mul3A_1221, %sub3A_1223 : vector<16xf32>
      %add3A_1225 = arith.addf %add3A_1191, %mul3A_1224 : vector<16xf32>
      %mul3A_1226 = arith.mulf %get3A_1201, %get3A_1201 : vector<16xf32>
      %mul3A_1227 = arith.mulf %mul3A_1226, %get3A_1205 : vector<16xf32>
      %mul3A_1228 = arith.constant 0.333333343 : f32
      %mul3A_1229 = vector.broadcast %mul3A_1228 : f32 to vector<16xf32>
      %mul3A_1230 = arith.mulf %mul3A_1229, %mul3A_1227 : vector<16xf32>
      %add3A_1231 = arith.addf %add3A_1225, %mul3A_1230 : vector<16xf32>
      %slice3A_1232 = vector.extract_strided_slice %masked_cumsum3A_1209 {offsets = [15], sizes = [1], strides = [1]} : vector<16xf32> to vector<1xf32>
      %squeeze3A_1233 = vector.extract %slice3A_1232[0] : f32 from vector<1xf32>
      %add3A_1234 = arith.addf %squeeze3A_1233, %add3A_1194 : f32
      %slice3A_1235 = vector.extract_strided_slice %masked_cumsum3A_1212 {offsets = [15], sizes = [1], strides = [1]} : vector<16xf32> to vector<1xf32>
      %squeeze3A_1236 = vector.extract %slice3A_1235[0] : f32 from vector<1xf32>
      %add3A_1237 = arith.addf %squeeze3A_1236, %add3A_1197 : f32
      %add3A_1238 = arith.constant 48 : i32
      %add3A_1239 = arith.addi %mul3A_1113, %add3A_1238 : i32
      %get3A_1240 = arith.index_cast %add3A_1239 : i32 to index
      %get3A_1241 = tpu.vector_load %arg6[%get3A_1240] {strides = array<i32>} : memref<16384xf32, #tpu.memory_space<vmem>>, vector<16xf32>,
      %get3A_1242 = arith.index_cast %add3A_1239 : i32 to index
      %get3A_1243 = tpu.vector_load %arg7[%get3A_1242] {strides = array<i32>} : memref<16384xf32, #tpu.memory_space<vmem>>, vector<16xf32>,
      %get3A_1244 = arith.index_cast %add3A_1239 : i32 to index
      %get3A_1245 = tpu.vector_load %arg8[%get3A_1244] {strides = array<i32>} : memref<16384xf32, #tpu.memory_space<vmem>>, vector<16xf32>,
      %mul3A_1246 = arith.mulf %get3A_1241, %get3A_1243 : vector<16xf32>
      %broadcast_in_dim3A_1247 = arith.constant true
      %broadcast_in_dim3A_1248 = vector.broadcast %broadcast_in_dim3A_1247 : i1 to vector<16xi1>
      %masked_cumsum3A_1249 = tpu.scan <sum>, %get3A_1241 masked %broadcast_in_dim3A_1248 : vector<16xf32>, vector<16xi1> -> vector<16xf32>
      %broadcast_in_dim3A_1250 = arith.constant true
      %broadcast_in_dim3A_1251 = vector.broadcast %broadcast_in_dim3A_1250 : i1 to vector<16xi1>
      %masked_cumsum3A_1252 = tpu.scan <sum>, %mul3A_1246 masked %broadcast_in_dim3A_1251 : vector<16xf32>, vector<16xi1> -> vector<16xf32>
      %sub3A_1253 = arith.subf %masked_cumsum3A_1249, %get3A_1241 : vector<16xf32>
      %add3A_1254 = vector.broadcast %add3A_1234 : f32 to vector<16xf32>
      %add3A_1255 = arith.addf %sub3A_1253, %add3A_1254 : vector<16xf32>
      %sub3A_1256 = arith.subf %masked_cumsum3A_1252, %mul3A_1246 : vector<16xf32>
      %add3A_1257 = vector.broadcast %add3A_1237 : f32 to vector<16xf32>
      %add3A_1258 = arith.addf %sub3A_1256, %add3A_1257 : vector<16xf32>
      %mul3A_1259 = arith.constant 2.000000e+00 : f32
      %mul3A_1260 = vector.broadcast %mul3A_1259 : f32 to vector<16xf32>
      %mul3A_1261 = arith.mulf %mul3A_1260, %get3A_1241 : vector<16xf32>
      %mul3A_1262 = arith.mulf %get3A_1243, %add3A_1255 : vector<16xf32>
      %sub3A_1263 = arith.subf %mul3A_1262, %add3A_1258 : vector<16xf32>
      %mul3A_1264 = arith.mulf %mul3A_1261, %sub3A_1263 : vector<16xf32>
      %add3A_1265 = arith.addf %add3A_1231, %mul3A_1264 : vector<16xf32>
      %mul3A_1266 = arith.mulf %get3A_1241, %get3A_1241 : vector<16xf32>
      %mul3A_1267 = arith.mulf %mul3A_1266, %get3A_1245 : vector<16xf32>
      %mul3A_1268 = arith.constant 0.333333343 : f32
      %mul3A_1269 = vector.broadcast %mul3A_1268 : f32 to vector<16xf32>
      %mul3A_1270 = arith.mulf %mul3A_1269, %mul3A_1267 : vector<16xf32>
      %add3A_1271 = arith.addf %add3A_1265, %mul3A_1270 : vector<16xf32>
      %slice3A_1272 = vector.extract_strided_slice %masked_cumsum3A_1249 {offsets = [15], sizes = [1], strides = [1]} : vector<16xf32> to vector<1xf32>
      %squeeze3A_1273 = vector.extract %slice3A_1272[0] : f32 from vector<1xf32>
      %add3A_1274 = arith.addf %squeeze3A_1273, %add3A_1234 : f32
      %slice3A_1275 = vector.extract_strided_slice %masked_cumsum3A_1252 {offsets = [15], sizes = [1], strides = [1]} : vector<16xf32> to vector<1xf32>
      %squeeze3A_1276 = vector.extract %slice3A_1275[0] : f32 from vector<1xf32>
      %add3A_1277 = arith.addf %squeeze3A_1276, %add3A_1237 : f32
      %reduce_sum3A_1278 = arith.constant true
      %reduce_sum3A_1279 = vector.broadcast %reduce_sum3A_1278 : i1 to vector<16xi1>
      %reduce_sum3A_1280 = tpu.scan <sum>, %add3A_1271 masked %reduce_sum3A_1279 : vector<16xf32>, vector<16xi1> -> vector<16xf32>
      %reduce_sum3A_1281 = vector.extract %reduce_sum3A_1280[15] : f32 from vector<16xf32>
      %mul3A_1282 = arith.constant 1.000000e-03 : f32
      %mul3A_1283 = arith.mulf %mul3A_1282, %reduce_sum3A_1281 : f32
      %eq3A_1284 = arith.constant 6 : i32
      %eq3A_1285 = vector.broadcast %eq3A_1284 : i32 to vector<16xi32>
      %eq3A_1286 = arith.cmpi eq, %iota3A, %eq3A_1285 : vector<16xi32>
      %add3A_1287 = vector.broadcast %mul3A_1283 : f32 to vector<16xf32>
      %add3A_1288 = arith.addf %broadcast_in_dim3A_13, %add3A_1287 : vector<16xf32>
      %select_n3A_1289 = arith.select %eq3A_1286, %add3A_1288, %select_n3A_1107 : vector<16xi1>, vector<16xf32>
      %mul3A_1290 = arith.constant 16 : i32
      %mul3A_1291 = arith.muli %scan3A_22, %mul3A_1290 : i32
      %add3A_1292 = arith.constant 7 : i32
      %add3A_1293 = arith.addi %mul3A_1291, %add3A_1292 : i32
      %mul3A_1294 = arith.constant 64 : i32
      %mul3A_1295 = arith.muli %add3A_1293, %mul3A_1294 : i32
      %add3A_1296 = arith.constant 0 : i32
      %add3A_1297 = arith.addi %mul3A_1295, %add3A_1296 : i32
      %get3A_1298 = arith.index_cast %add3A_1297 : i32 to index
      %get3A_1299 = tpu.vector_load %arg6[%get3A_1298] {strides = array<i32>} : memref<16384xf32, #tpu.memory_space<vmem>>, vector<16xf32>,
      %get3A_1300 = arith.index_cast %add3A_1297 : i32 to index
      %get3A_1301 = tpu.vector_load %arg7[%get3A_1300] {strides = array<i32>} : memref<16384xf32, #tpu.memory_space<vmem>>, vector<16xf32>,
      %get3A_1302 = arith.index_cast %add3A_1297 : i32 to index
      %get3A_1303 = tpu.vector_load %arg8[%get3A_1302] {strides = array<i32>} : memref<16384xf32, #tpu.memory_space<vmem>>, vector<16xf32>,
      %mul3A_1304 = arith.mulf %get3A_1299, %get3A_1301 : vector<16xf32>
      %broadcast_in_dim3A_1305 = arith.constant true
      %broadcast_in_dim3A_1306 = vector.broadcast %broadcast_in_dim3A_1305 : i1 to vector<16xi1>
      %masked_cumsum3A_1307 = tpu.scan <sum>, %get3A_1299 masked %broadcast_in_dim3A_1306 : vector<16xf32>, vector<16xi1> -> vector<16xf32>
      %broadcast_in_dim3A_1308 = arith.constant true
      %broadcast_in_dim3A_1309 = vector.broadcast %broadcast_in_dim3A_1308 : i1 to vector<16xi1>
      %masked_cumsum3A_1310 = tpu.scan <sum>, %mul3A_1304 masked %broadcast_in_dim3A_1309 : vector<16xf32>, vector<16xi1> -> vector<16xf32>
      %sub3A_1311 = arith.subf %masked_cumsum3A_1307, %get3A_1299 : vector<16xf32>
      %add3A_1312 = arith.constant 0.000000e+00 : f32
      %add3A_1313 = vector.broadcast %add3A_1312 : f32 to vector<16xf32>
      %add3A_1314 = arith.addf %sub3A_1311, %add3A_1313 : vector<16xf32>
      %sub3A_1315 = arith.subf %masked_cumsum3A_1310, %mul3A_1304 : vector<16xf32>
      %add3A_1316 = arith.constant 0.000000e+00 : f32
      %add3A_1317 = vector.broadcast %add3A_1316 : f32 to vector<16xf32>
      %add3A_1318 = arith.addf %sub3A_1315, %add3A_1317 : vector<16xf32>
      %mul3A_1319 = arith.constant 2.000000e+00 : f32
      %mul3A_1320 = vector.broadcast %mul3A_1319 : f32 to vector<16xf32>
      %mul3A_1321 = arith.mulf %mul3A_1320, %get3A_1299 : vector<16xf32>
      %mul3A_1322 = arith.mulf %get3A_1301, %add3A_1314 : vector<16xf32>
      %sub3A_1323 = arith.subf %mul3A_1322, %add3A_1318 : vector<16xf32>
      %mul3A_1324 = arith.mulf %mul3A_1321, %sub3A_1323 : vector<16xf32>
      %add3A_1325 = arith.addf %broadcast_in_dim3A_13, %mul3A_1324 : vector<16xf32>
      %mul3A_1326 = arith.mulf %get3A_1299, %get3A_1299 : vector<16xf32>
      %mul3A_1327 = arith.mulf %mul3A_1326, %get3A_1303 : vector<16xf32>
      %mul3A_1328 = arith.constant 0.333333343 : f32
      %mul3A_1329 = vector.broadcast %mul3A_1328 : f32 to vector<16xf32>
      %mul3A_1330 = arith.mulf %mul3A_1329, %mul3A_1327 : vector<16xf32>
      %add3A_1331 = arith.addf %add3A_1325, %mul3A_1330 : vector<16xf32>
      %slice3A_1332 = vector.extract_strided_slice %masked_cumsum3A_1307 {offsets = [15], sizes = [1], strides = [1]} : vector<16xf32> to vector<1xf32>
      %squeeze3A_1333 = vector.extract %slice3A_1332[0] : f32 from vector<1xf32>
      %add3A_1334 = arith.constant 0.000000e+00 : f32
      %add3A_1335 = arith.addf %squeeze3A_1333, %add3A_1334 : f32
      %slice3A_1336 = vector.extract_strided_slice %masked_cumsum3A_1310 {offsets = [15], sizes = [1], strides = [1]} : vector<16xf32> to vector<1xf32>
      %squeeze3A_1337 = vector.extract %slice3A_1336[0] : f32 from vector<1xf32>
      %add3A_1338 = arith.constant 0.000000e+00 : f32
      %add3A_1339 = arith.addf %squeeze3A_1337, %add3A_1338 : f32
      %add3A_1340 = arith.constant 16 : i32
      %add3A_1341 = arith.addi %mul3A_1295, %add3A_1340 : i32
      %get3A_1342 = arith.index_cast %add3A_1341 : i32 to index
      %get3A_1343 = tpu.vector_load %arg6[%get3A_1342] {strides = array<i32>} : memref<16384xf32, #tpu.memory_space<vmem>>, vector<16xf32>,
      %get3A_1344 = arith.index_cast %add3A_1341 : i32 to index
      %get3A_1345 = tpu.vector_load %arg7[%get3A_1344] {strides = array<i32>} : memref<16384xf32, #tpu.memory_space<vmem>>, vector<16xf32>,
      %get3A_1346 = arith.index_cast %add3A_1341 : i32 to index
      %get3A_1347 = tpu.vector_load %arg8[%get3A_1346] {strides = array<i32>} : memref<16384xf32, #tpu.memory_space<vmem>>, vector<16xf32>,
      %mul3A_1348 = arith.mulf %get3A_1343, %get3A_1345 : vector<16xf32>
      %broadcast_in_dim3A_1349 = arith.constant true
      %broadcast_in_dim3A_1350 = vector.broadcast %broadcast_in_dim3A_1349 : i1 to vector<16xi1>
      %masked_cumsum3A_1351 = tpu.scan <sum>, %get3A_1343 masked %broadcast_in_dim3A_1350 : vector<16xf32>, vector<16xi1> -> vector<16xf32>
      %broadcast_in_dim3A_1352 = arith.constant true
      %broadcast_in_dim3A_1353 = vector.broadcast %broadcast_in_dim3A_1352 : i1 to vector<16xi1>
      %masked_cumsum3A_1354 = tpu.scan <sum>, %mul3A_1348 masked %broadcast_in_dim3A_1353 : vector<16xf32>, vector<16xi1> -> vector<16xf32>
      %sub3A_1355 = arith.subf %masked_cumsum3A_1351, %get3A_1343 : vector<16xf32>
      %add3A_1356 = vector.broadcast %add3A_1335 : f32 to vector<16xf32>
      %add3A_1357 = arith.addf %sub3A_1355, %add3A_1356 : vector<16xf32>
      %sub3A_1358 = arith.subf %masked_cumsum3A_1354, %mul3A_1348 : vector<16xf32>
      %add3A_1359 = vector.broadcast %add3A_1339 : f32 to vector<16xf32>
      %add3A_1360 = arith.addf %sub3A_1358, %add3A_1359 : vector<16xf32>
      %mul3A_1361 = arith.constant 2.000000e+00 : f32
      %mul3A_1362 = vector.broadcast %mul3A_1361 : f32 to vector<16xf32>
      %mul3A_1363 = arith.mulf %mul3A_1362, %get3A_1343 : vector<16xf32>
      %mul3A_1364 = arith.mulf %get3A_1345, %add3A_1357 : vector<16xf32>
      %sub3A_1365 = arith.subf %mul3A_1364, %add3A_1360 : vector<16xf32>
      %mul3A_1366 = arith.mulf %mul3A_1363, %sub3A_1365 : vector<16xf32>
      %add3A_1367 = arith.addf %add3A_1331, %mul3A_1366 : vector<16xf32>
      %mul3A_1368 = arith.mulf %get3A_1343, %get3A_1343 : vector<16xf32>
      %mul3A_1369 = arith.mulf %mul3A_1368, %get3A_1347 : vector<16xf32>
      %mul3A_1370 = arith.constant 0.333333343 : f32
      %mul3A_1371 = vector.broadcast %mul3A_1370 : f32 to vector<16xf32>
      %mul3A_1372 = arith.mulf %mul3A_1371, %mul3A_1369 : vector<16xf32>
      %add3A_1373 = arith.addf %add3A_1367, %mul3A_1372 : vector<16xf32>
      %slice3A_1374 = vector.extract_strided_slice %masked_cumsum3A_1351 {offsets = [15], sizes = [1], strides = [1]} : vector<16xf32> to vector<1xf32>
      %squeeze3A_1375 = vector.extract %slice3A_1374[0] : f32 from vector<1xf32>
      %add3A_1376 = arith.addf %squeeze3A_1375, %add3A_1335 : f32
      %slice3A_1377 = vector.extract_strided_slice %masked_cumsum3A_1354 {offsets = [15], sizes = [1], strides = [1]} : vector<16xf32> to vector<1xf32>
      %squeeze3A_1378 = vector.extract %slice3A_1377[0] : f32 from vector<1xf32>
      %add3A_1379 = arith.addf %squeeze3A_1378, %add3A_1339 : f32
      %add3A_1380 = arith.constant 32 : i32
      %add3A_1381 = arith.addi %mul3A_1295, %add3A_1380 : i32
      %get3A_1382 = arith.index_cast %add3A_1381 : i32 to index
      %get3A_1383 = tpu.vector_load %arg6[%get3A_1382] {strides = array<i32>} : memref<16384xf32, #tpu.memory_space<vmem>>, vector<16xf32>,
      %get3A_1384 = arith.index_cast %add3A_1381 : i32 to index
      %get3A_1385 = tpu.vector_load %arg7[%get3A_1384] {strides = array<i32>} : memref<16384xf32, #tpu.memory_space<vmem>>, vector<16xf32>,
      %get3A_1386 = arith.index_cast %add3A_1381 : i32 to index
      %get3A_1387 = tpu.vector_load %arg8[%get3A_1386] {strides = array<i32>} : memref<16384xf32, #tpu.memory_space<vmem>>, vector<16xf32>,
      %mul3A_1388 = arith.mulf %get3A_1383, %get3A_1385 : vector<16xf32>
      %broadcast_in_dim3A_1389 = arith.constant true
      %broadcast_in_dim3A_1390 = vector.broadcast %broadcast_in_dim3A_1389 : i1 to vector<16xi1>
      %masked_cumsum3A_1391 = tpu.scan <sum>, %get3A_1383 masked %broadcast_in_dim3A_1390 : vector<16xf32>, vector<16xi1> -> vector<16xf32>
      %broadcast_in_dim3A_1392 = arith.constant true
      %broadcast_in_dim3A_1393 = vector.broadcast %broadcast_in_dim3A_1392 : i1 to vector<16xi1>
      %masked_cumsum3A_1394 = tpu.scan <sum>, %mul3A_1388 masked %broadcast_in_dim3A_1393 : vector<16xf32>, vector<16xi1> -> vector<16xf32>
      %sub3A_1395 = arith.subf %masked_cumsum3A_1391, %get3A_1383 : vector<16xf32>
      %add3A_1396 = vector.broadcast %add3A_1376 : f32 to vector<16xf32>
      %add3A_1397 = arith.addf %sub3A_1395, %add3A_1396 : vector<16xf32>
      %sub3A_1398 = arith.subf %masked_cumsum3A_1394, %mul3A_1388 : vector<16xf32>
      %add3A_1399 = vector.broadcast %add3A_1379 : f32 to vector<16xf32>
      %add3A_1400 = arith.addf %sub3A_1398, %add3A_1399 : vector<16xf32>
      %mul3A_1401 = arith.constant 2.000000e+00 : f32
      %mul3A_1402 = vector.broadcast %mul3A_1401 : f32 to vector<16xf32>
      %mul3A_1403 = arith.mulf %mul3A_1402, %get3A_1383 : vector<16xf32>
      %mul3A_1404 = arith.mulf %get3A_1385, %add3A_1397 : vector<16xf32>
      %sub3A_1405 = arith.subf %mul3A_1404, %add3A_1400 : vector<16xf32>
      %mul3A_1406 = arith.mulf %mul3A_1403, %sub3A_1405 : vector<16xf32>
      %add3A_1407 = arith.addf %add3A_1373, %mul3A_1406 : vector<16xf32>
      %mul3A_1408 = arith.mulf %get3A_1383, %get3A_1383 : vector<16xf32>
      %mul3A_1409 = arith.mulf %mul3A_1408, %get3A_1387 : vector<16xf32>
      %mul3A_1410 = arith.constant 0.333333343 : f32
      %mul3A_1411 = vector.broadcast %mul3A_1410 : f32 to vector<16xf32>
      %mul3A_1412 = arith.mulf %mul3A_1411, %mul3A_1409 : vector<16xf32>
      %add3A_1413 = arith.addf %add3A_1407, %mul3A_1412 : vector<16xf32>
      %slice3A_1414 = vector.extract_strided_slice %masked_cumsum3A_1391 {offsets = [15], sizes = [1], strides = [1]} : vector<16xf32> to vector<1xf32>
      %squeeze3A_1415 = vector.extract %slice3A_1414[0] : f32 from vector<1xf32>
      %add3A_1416 = arith.addf %squeeze3A_1415, %add3A_1376 : f32
      %slice3A_1417 = vector.extract_strided_slice %masked_cumsum3A_1394 {offsets = [15], sizes = [1], strides = [1]} : vector<16xf32> to vector<1xf32>
      %squeeze3A_1418 = vector.extract %slice3A_1417[0] : f32 from vector<1xf32>
      %add3A_1419 = arith.addf %squeeze3A_1418, %add3A_1379 : f32
      %add3A_1420 = arith.constant 48 : i32
      %add3A_1421 = arith.addi %mul3A_1295, %add3A_1420 : i32
      %get3A_1422 = arith.index_cast %add3A_1421 : i32 to index
      %get3A_1423 = tpu.vector_load %arg6[%get3A_1422] {strides = array<i32>} : memref<16384xf32, #tpu.memory_space<vmem>>, vector<16xf32>,
      %get3A_1424 = arith.index_cast %add3A_1421 : i32 to index
      %get3A_1425 = tpu.vector_load %arg7[%get3A_1424] {strides = array<i32>} : memref<16384xf32, #tpu.memory_space<vmem>>, vector<16xf32>,
      %get3A_1426 = arith.index_cast %add3A_1421 : i32 to index
      %get3A_1427 = tpu.vector_load %arg8[%get3A_1426] {strides = array<i32>} : memref<16384xf32, #tpu.memory_space<vmem>>, vector<16xf32>,
      %mul3A_1428 = arith.mulf %get3A_1423, %get3A_1425 : vector<16xf32>
      %broadcast_in_dim3A_1429 = arith.constant true
      %broadcast_in_dim3A_1430 = vector.broadcast %broadcast_in_dim3A_1429 : i1 to vector<16xi1>
      %masked_cumsum3A_1431 = tpu.scan <sum>, %get3A_1423 masked %broadcast_in_dim3A_1430 : vector<16xf32>, vector<16xi1> -> vector<16xf32>
      %broadcast_in_dim3A_1432 = arith.constant true
      %broadcast_in_dim3A_1433 = vector.broadcast %broadcast_in_dim3A_1432 : i1 to vector<16xi1>
      %masked_cumsum3A_1434 = tpu.scan <sum>, %mul3A_1428 masked %broadcast_in_dim3A_1433 : vector<16xf32>, vector<16xi1> -> vector<16xf32>
      %sub3A_1435 = arith.subf %masked_cumsum3A_1431, %get3A_1423 : vector<16xf32>
      %add3A_1436 = vector.broadcast %add3A_1416 : f32 to vector<16xf32>
      %add3A_1437 = arith.addf %sub3A_1435, %add3A_1436 : vector<16xf32>
      %sub3A_1438 = arith.subf %masked_cumsum3A_1434, %mul3A_1428 : vector<16xf32>
      %add3A_1439 = vector.broadcast %add3A_1419 : f32 to vector<16xf32>
      %add3A_1440 = arith.addf %sub3A_1438, %add3A_1439 : vector<16xf32>
      %mul3A_1441 = arith.constant 2.000000e+00 : f32
      %mul3A_1442 = vector.broadcast %mul3A_1441 : f32 to vector<16xf32>
      %mul3A_1443 = arith.mulf %mul3A_1442, %get3A_1423 : vector<16xf32>
      %mul3A_1444 = arith.mulf %get3A_1425, %add3A_1437 : vector<16xf32>
      %sub3A_1445 = arith.subf %mul3A_1444, %add3A_1440 : vector<16xf32>
      %mul3A_1446 = arith.mulf %mul3A_1443, %sub3A_1445 : vector<16xf32>
      %add3A_1447 = arith.addf %add3A_1413, %mul3A_1446 : vector<16xf32>
      %mul3A_1448 = arith.mulf %get3A_1423, %get3A_1423 : vector<16xf32>
      %mul3A_1449 = arith.mulf %mul3A_1448, %get3A_1427 : vector<16xf32>
      %mul3A_1450 = arith.constant 0.333333343 : f32
      %mul3A_1451 = vector.broadcast %mul3A_1450 : f32 to vector<16xf32>
      %mul3A_1452 = arith.mulf %mul3A_1451, %mul3A_1449 : vector<16xf32>
      %add3A_1453 = arith.addf %add3A_1447, %mul3A_1452 : vector<16xf32>
      %slice3A_1454 = vector.extract_strided_slice %masked_cumsum3A_1431 {offsets = [15], sizes = [1], strides = [1]} : vector<16xf32> to vector<1xf32>
      %squeeze3A_1455 = vector.extract %slice3A_1454[0] : f32 from vector<1xf32>
      %add3A_1456 = arith.addf %squeeze3A_1455, %add3A_1416 : f32
      %slice3A_1457 = vector.extract_strided_slice %masked_cumsum3A_1434 {offsets = [15], sizes = [1], strides = [1]} : vector<16xf32> to vector<1xf32>
      %squeeze3A_1458 = vector.extract %slice3A_1457[0] : f32 from vector<1xf32>
      %add3A_1459 = arith.addf %squeeze3A_1458, %add3A_1419 : f32
      %reduce_sum3A_1460 = arith.constant true
      %reduce_sum3A_1461 = vector.broadcast %reduce_sum3A_1460 : i1 to vector<16xi1>
      %reduce_sum3A_1462 = tpu.scan <sum>, %add3A_1453 masked %reduce_sum3A_1461 : vector<16xf32>, vector<16xi1> -> vector<16xf32>
      %reduce_sum3A_1463 = vector.extract %reduce_sum3A_1462[15] : f32 from vector<16xf32>
      %mul3A_1464 = arith.constant 1.000000e-03 : f32
      %mul3A_1465 = arith.mulf %mul3A_1464, %reduce_sum3A_1463 : f32
      %eq3A_1466 = arith.constant 7 : i32
      %eq3A_1467 = vector.broadcast %eq3A_1466 : i32 to vector<16xi32>
      %eq3A_1468 = arith.cmpi eq, %iota3A, %eq3A_1467 : vector<16xi32>
      %add3A_1469 = vector.broadcast %mul3A_1465 : f32 to vector<16xf32>
      %add3A_1470 = arith.addf %broadcast_in_dim3A_13, %add3A_1469 : vector<16xf32>
      %select_n3A_1471 = arith.select %eq3A_1468, %add3A_1470, %select_n3A_1289 : vector<16xi1>, vector<16xf32>
      %mul3A_1472 = arith.constant 16 : i32
      %mul3A_1473 = arith.muli %scan3A_22, %mul3A_1472 : i32
      %add3A_1474 = arith.constant 8 : i32
      %add3A_1475 = arith.addi %mul3A_1473, %add3A_1474 : i32
      %mul3A_1476 = arith.constant 64 : i32
      %mul3A_1477 = arith.muli %add3A_1475, %mul3A_1476 : i32
      %add3A_1478 = arith.constant 0 : i32
      %add3A_1479 = arith.addi %mul3A_1477, %add3A_1478 : i32
      %get3A_1480 = arith.index_cast %add3A_1479 : i32 to index
      %get3A_1481 = tpu.vector_load %arg6[%get3A_1480] {strides = array<i32>} : memref<16384xf32, #tpu.memory_space<vmem>>, vector<16xf32>,
      %get3A_1482 = arith.index_cast %add3A_1479 : i32 to index
      %get3A_1483 = tpu.vector_load %arg7[%get3A_1482] {strides = array<i32>} : memref<16384xf32, #tpu.memory_space<vmem>>, vector<16xf32>,
      %get3A_1484 = arith.index_cast %add3A_1479 : i32 to index
      %get3A_1485 = tpu.vector_load %arg8[%get3A_1484] {strides = array<i32>} : memref<16384xf32, #tpu.memory_space<vmem>>, vector<16xf32>,
      %mul3A_1486 = arith.mulf %get3A_1481, %get3A_1483 : vector<16xf32>
      %broadcast_in_dim3A_1487 = arith.constant true
      %broadcast_in_dim3A_1488 = vector.broadcast %broadcast_in_dim3A_1487 : i1 to vector<16xi1>
      %masked_cumsum3A_1489 = tpu.scan <sum>, %get3A_1481 masked %broadcast_in_dim3A_1488 : vector<16xf32>, vector<16xi1> -> vector<16xf32>
      %broadcast_in_dim3A_1490 = arith.constant true
      %broadcast_in_dim3A_1491 = vector.broadcast %broadcast_in_dim3A_1490 : i1 to vector<16xi1>
      %masked_cumsum3A_1492 = tpu.scan <sum>, %mul3A_1486 masked %broadcast_in_dim3A_1491 : vector<16xf32>, vector<16xi1> -> vector<16xf32>
      %sub3A_1493 = arith.subf %masked_cumsum3A_1489, %get3A_1481 : vector<16xf32>
      %add3A_1494 = arith.constant 0.000000e+00 : f32
      %add3A_1495 = vector.broadcast %add3A_1494 : f32 to vector<16xf32>
      %add3A_1496 = arith.addf %sub3A_1493, %add3A_1495 : vector<16xf32>
      %sub3A_1497 = arith.subf %masked_cumsum3A_1492, %mul3A_1486 : vector<16xf32>
      %add3A_1498 = arith.constant 0.000000e+00 : f32
      %add3A_1499 = vector.broadcast %add3A_1498 : f32 to vector<16xf32>
      %add3A_1500 = arith.addf %sub3A_1497, %add3A_1499 : vector<16xf32>
      %mul3A_1501 = arith.constant 2.000000e+00 : f32
      %mul3A_1502 = vector.broadcast %mul3A_1501 : f32 to vector<16xf32>
      %mul3A_1503 = arith.mulf %mul3A_1502, %get3A_1481 : vector<16xf32>
      %mul3A_1504 = arith.mulf %get3A_1483, %add3A_1496 : vector<16xf32>
      %sub3A_1505 = arith.subf %mul3A_1504, %add3A_1500 : vector<16xf32>
      %mul3A_1506 = arith.mulf %mul3A_1503, %sub3A_1505 : vector<16xf32>
      %add3A_1507 = arith.addf %broadcast_in_dim3A_13, %mul3A_1506 : vector<16xf32>
      %mul3A_1508 = arith.mulf %get3A_1481, %get3A_1481 : vector<16xf32>
      %mul3A_1509 = arith.mulf %mul3A_1508, %get3A_1485 : vector<16xf32>
      %mul3A_1510 = arith.constant 0.333333343 : f32
      %mul3A_1511 = vector.broadcast %mul3A_1510 : f32 to vector<16xf32>
      %mul3A_1512 = arith.mulf %mul3A_1511, %mul3A_1509 : vector<16xf32>
      %add3A_1513 = arith.addf %add3A_1507, %mul3A_1512 : vector<16xf32>
      %slice3A_1514 = vector.extract_strided_slice %masked_cumsum3A_1489 {offsets = [15], sizes = [1], strides = [1]} : vector<16xf32> to vector<1xf32>
      %squeeze3A_1515 = vector.extract %slice3A_1514[0] : f32 from vector<1xf32>
      %add3A_1516 = arith.constant 0.000000e+00 : f32
      %add3A_1517 = arith.addf %squeeze3A_1515, %add3A_1516 : f32
      %slice3A_1518 = vector.extract_strided_slice %masked_cumsum3A_1492 {offsets = [15], sizes = [1], strides = [1]} : vector<16xf32> to vector<1xf32>
      %squeeze3A_1519 = vector.extract %slice3A_1518[0] : f32 from vector<1xf32>
      %add3A_1520 = arith.constant 0.000000e+00 : f32
      %add3A_1521 = arith.addf %squeeze3A_1519, %add3A_1520 : f32
      %add3A_1522 = arith.constant 16 : i32
      %add3A_1523 = arith.addi %mul3A_1477, %add3A_1522 : i32
      %get3A_1524 = arith.index_cast %add3A_1523 : i32 to index
      %get3A_1525 = tpu.vector_load %arg6[%get3A_1524] {strides = array<i32>} : memref<16384xf32, #tpu.memory_space<vmem>>, vector<16xf32>,
      %get3A_1526 = arith.index_cast %add3A_1523 : i32 to index
      %get3A_1527 = tpu.vector_load %arg7[%get3A_1526] {strides = array<i32>} : memref<16384xf32, #tpu.memory_space<vmem>>, vector<16xf32>,
      %get3A_1528 = arith.index_cast %add3A_1523 : i32 to index
      %get3A_1529 = tpu.vector_load %arg8[%get3A_1528] {strides = array<i32>} : memref<16384xf32, #tpu.memory_space<vmem>>, vector<16xf32>,
      %mul3A_1530 = arith.mulf %get3A_1525, %get3A_1527 : vector<16xf32>
      %broadcast_in_dim3A_1531 = arith.constant true
      %broadcast_in_dim3A_1532 = vector.broadcast %broadcast_in_dim3A_1531 : i1 to vector<16xi1>
      %masked_cumsum3A_1533 = tpu.scan <sum>, %get3A_1525 masked %broadcast_in_dim3A_1532 : vector<16xf32>, vector<16xi1> -> vector<16xf32>
      %broadcast_in_dim3A_1534 = arith.constant true
      %broadcast_in_dim3A_1535 = vector.broadcast %broadcast_in_dim3A_1534 : i1 to vector<16xi1>
      %masked_cumsum3A_1536 = tpu.scan <sum>, %mul3A_1530 masked %broadcast_in_dim3A_1535 : vector<16xf32>, vector<16xi1> -> vector<16xf32>
      %sub3A_1537 = arith.subf %masked_cumsum3A_1533, %get3A_1525 : vector<16xf32>
      %add3A_1538 = vector.broadcast %add3A_1517 : f32 to vector<16xf32>
      %add3A_1539 = arith.addf %sub3A_1537, %add3A_1538 : vector<16xf32>
      %sub3A_1540 = arith.subf %masked_cumsum3A_1536, %mul3A_1530 : vector<16xf32>
      %add3A_1541 = vector.broadcast %add3A_1521 : f32 to vector<16xf32>
      %add3A_1542 = arith.addf %sub3A_1540, %add3A_1541 : vector<16xf32>
      %mul3A_1543 = arith.constant 2.000000e+00 : f32
      %mul3A_1544 = vector.broadcast %mul3A_1543 : f32 to vector<16xf32>
      %mul3A_1545 = arith.mulf %mul3A_1544, %get3A_1525 : vector<16xf32>
      %mul3A_1546 = arith.mulf %get3A_1527, %add3A_1539 : vector<16xf32>
      %sub3A_1547 = arith.subf %mul3A_1546, %add3A_1542 : vector<16xf32>
      %mul3A_1548 = arith.mulf %mul3A_1545, %sub3A_1547 : vector<16xf32>
      %add3A_1549 = arith.addf %add3A_1513, %mul3A_1548 : vector<16xf32>
      %mul3A_1550 = arith.mulf %get3A_1525, %get3A_1525 : vector<16xf32>
      %mul3A_1551 = arith.mulf %mul3A_1550, %get3A_1529 : vector<16xf32>
      %mul3A_1552 = arith.constant 0.333333343 : f32
      %mul3A_1553 = vector.broadcast %mul3A_1552 : f32 to vector<16xf32>
      %mul3A_1554 = arith.mulf %mul3A_1553, %mul3A_1551 : vector<16xf32>
      %add3A_1555 = arith.addf %add3A_1549, %mul3A_1554 : vector<16xf32>
      %slice3A_1556 = vector.extract_strided_slice %masked_cumsum3A_1533 {offsets = [15], sizes = [1], strides = [1]} : vector<16xf32> to vector<1xf32>
      %squeeze3A_1557 = vector.extract %slice3A_1556[0] : f32 from vector<1xf32>
      %add3A_1558 = arith.addf %squeeze3A_1557, %add3A_1517 : f32
      %slice3A_1559 = vector.extract_strided_slice %masked_cumsum3A_1536 {offsets = [15], sizes = [1], strides = [1]} : vector<16xf32> to vector<1xf32>
      %squeeze3A_1560 = vector.extract %slice3A_1559[0] : f32 from vector<1xf32>
      %add3A_1561 = arith.addf %squeeze3A_1560, %add3A_1521 : f32
      %add3A_1562 = arith.constant 32 : i32
      %add3A_1563 = arith.addi %mul3A_1477, %add3A_1562 : i32
      %get3A_1564 = arith.index_cast %add3A_1563 : i32 to index
      %get3A_1565 = tpu.vector_load %arg6[%get3A_1564] {strides = array<i32>} : memref<16384xf32, #tpu.memory_space<vmem>>, vector<16xf32>,
      %get3A_1566 = arith.index_cast %add3A_1563 : i32 to index
      %get3A_1567 = tpu.vector_load %arg7[%get3A_1566] {strides = array<i32>} : memref<16384xf32, #tpu.memory_space<vmem>>, vector<16xf32>,
      %get3A_1568 = arith.index_cast %add3A_1563 : i32 to index
      %get3A_1569 = tpu.vector_load %arg8[%get3A_1568] {strides = array<i32>} : memref<16384xf32, #tpu.memory_space<vmem>>, vector<16xf32>,
      %mul3A_1570 = arith.mulf %get3A_1565, %get3A_1567 : vector<16xf32>
      %broadcast_in_dim3A_1571 = arith.constant true
      %broadcast_in_dim3A_1572 = vector.broadcast %broadcast_in_dim3A_1571 : i1 to vector<16xi1>
      %masked_cumsum3A_1573 = tpu.scan <sum>, %get3A_1565 masked %broadcast_in_dim3A_1572 : vector<16xf32>, vector<16xi1> -> vector<16xf32>
      %broadcast_in_dim3A_1574 = arith.constant true
      %broadcast_in_dim3A_1575 = vector.broadcast %broadcast_in_dim3A_1574 : i1 to vector<16xi1>
      %masked_cumsum3A_1576 = tpu.scan <sum>, %mul3A_1570 masked %broadcast_in_dim3A_1575 : vector<16xf32>, vector<16xi1> -> vector<16xf32>
      %sub3A_1577 = arith.subf %masked_cumsum3A_1573, %get3A_1565 : vector<16xf32>
      %add3A_1578 = vector.broadcast %add3A_1558 : f32 to vector<16xf32>
      %add3A_1579 = arith.addf %sub3A_1577, %add3A_1578 : vector<16xf32>
      %sub3A_1580 = arith.subf %masked_cumsum3A_1576, %mul3A_1570 : vector<16xf32>
      %add3A_1581 = vector.broadcast %add3A_1561 : f32 to vector<16xf32>
      %add3A_1582 = arith.addf %sub3A_1580, %add3A_1581 : vector<16xf32>
      %mul3A_1583 = arith.constant 2.000000e+00 : f32
      %mul3A_1584 = vector.broadcast %mul3A_1583 : f32 to vector<16xf32>
      %mul3A_1585 = arith.mulf %mul3A_1584, %get3A_1565 : vector<16xf32>
      %mul3A_1586 = arith.mulf %get3A_1567, %add3A_1579 : vector<16xf32>
      %sub3A_1587 = arith.subf %mul3A_1586, %add3A_1582 : vector<16xf32>
      %mul3A_1588 = arith.mulf %mul3A_1585, %sub3A_1587 : vector<16xf32>
      %add3A_1589 = arith.addf %add3A_1555, %mul3A_1588 : vector<16xf32>
      %mul3A_1590 = arith.mulf %get3A_1565, %get3A_1565 : vector<16xf32>
      %mul3A_1591 = arith.mulf %mul3A_1590, %get3A_1569 : vector<16xf32>
      %mul3A_1592 = arith.constant 0.333333343 : f32
      %mul3A_1593 = vector.broadcast %mul3A_1592 : f32 to vector<16xf32>
      %mul3A_1594 = arith.mulf %mul3A_1593, %mul3A_1591 : vector<16xf32>
      %add3A_1595 = arith.addf %add3A_1589, %mul3A_1594 : vector<16xf32>
      %slice3A_1596 = vector.extract_strided_slice %masked_cumsum3A_1573 {offsets = [15], sizes = [1], strides = [1]} : vector<16xf32> to vector<1xf32>
      %squeeze3A_1597 = vector.extract %slice3A_1596[0] : f32 from vector<1xf32>
      %add3A_1598 = arith.addf %squeeze3A_1597, %add3A_1558 : f32
      %slice3A_1599 = vector.extract_strided_slice %masked_cumsum3A_1576 {offsets = [15], sizes = [1], strides = [1]} : vector<16xf32> to vector<1xf32>
      %squeeze3A_1600 = vector.extract %slice3A_1599[0] : f32 from vector<1xf32>
      %add3A_1601 = arith.addf %squeeze3A_1600, %add3A_1561 : f32
      %add3A_1602 = arith.constant 48 : i32
      %add3A_1603 = arith.addi %mul3A_1477, %add3A_1602 : i32
      %get3A_1604 = arith.index_cast %add3A_1603 : i32 to index
      %get3A_1605 = tpu.vector_load %arg6[%get3A_1604] {strides = array<i32>} : memref<16384xf32, #tpu.memory_space<vmem>>, vector<16xf32>,
      %get3A_1606 = arith.index_cast %add3A_1603 : i32 to index
      %get3A_1607 = tpu.vector_load %arg7[%get3A_1606] {strides = array<i32>} : memref<16384xf32, #tpu.memory_space<vmem>>, vector<16xf32>,
      %get3A_1608 = arith.index_cast %add3A_1603 : i32 to index
      %get3A_1609 = tpu.vector_load %arg8[%get3A_1608] {strides = array<i32>} : memref<16384xf32, #tpu.memory_space<vmem>>, vector<16xf32>,
      %mul3A_1610 = arith.mulf %get3A_1605, %get3A_1607 : vector<16xf32>
      %broadcast_in_dim3A_1611 = arith.constant true
      %broadcast_in_dim3A_1612 = vector.broadcast %broadcast_in_dim3A_1611 : i1 to vector<16xi1>
      %masked_cumsum3A_1613 = tpu.scan <sum>, %get3A_1605 masked %broadcast_in_dim3A_1612 : vector<16xf32>, vector<16xi1> -> vector<16xf32>
      %broadcast_in_dim3A_1614 = arith.constant true
      %broadcast_in_dim3A_1615 = vector.broadcast %broadcast_in_dim3A_1614 : i1 to vector<16xi1>
      %masked_cumsum3A_1616 = tpu.scan <sum>, %mul3A_1610 masked %broadcast_in_dim3A_1615 : vector<16xf32>, vector<16xi1> -> vector<16xf32>
      %sub3A_1617 = arith.subf %masked_cumsum3A_1613, %get3A_1605 : vector<16xf32>
      %add3A_1618 = vector.broadcast %add3A_1598 : f32 to vector<16xf32>
      %add3A_1619 = arith.addf %sub3A_1617, %add3A_1618 : vector<16xf32>
      %sub3A_1620 = arith.subf %masked_cumsum3A_1616, %mul3A_1610 : vector<16xf32>
      %add3A_1621 = vector.broadcast %add3A_1601 : f32 to vector<16xf32>
      %add3A_1622 = arith.addf %sub3A_1620, %add3A_1621 : vector<16xf32>
      %mul3A_1623 = arith.constant 2.000000e+00 : f32
      %mul3A_1624 = vector.broadcast %mul3A_1623 : f32 to vector<16xf32>
      %mul3A_1625 = arith.mulf %mul3A_1624, %get3A_1605 : vector<16xf32>
      %mul3A_1626 = arith.mulf %get3A_1607, %add3A_1619 : vector<16xf32>
      %sub3A_1627 = arith.subf %mul3A_1626, %add3A_1622 : vector<16xf32>
      %mul3A_1628 = arith.mulf %mul3A_1625, %sub3A_1627 : vector<16xf32>
      %add3A_1629 = arith.addf %add3A_1595, %mul3A_1628 : vector<16xf32>
      %mul3A_1630 = arith.mulf %get3A_1605, %get3A_1605 : vector<16xf32>
      %mul3A_1631 = arith.mulf %mul3A_1630, %get3A_1609 : vector<16xf32>
      %mul3A_1632 = arith.constant 0.333333343 : f32
      %mul3A_1633 = vector.broadcast %mul3A_1632 : f32 to vector<16xf32>
      %mul3A_1634 = arith.mulf %mul3A_1633, %mul3A_1631 : vector<16xf32>
      %add3A_1635 = arith.addf %add3A_1629, %mul3A_1634 : vector<16xf32>
      %slice3A_1636 = vector.extract_strided_slice %masked_cumsum3A_1613 {offsets = [15], sizes = [1], strides = [1]} : vector<16xf32> to vector<1xf32>
      %squeeze3A_1637 = vector.extract %slice3A_1636[0] : f32 from vector<1xf32>
      %add3A_1638 = arith.addf %squeeze3A_1637, %add3A_1598 : f32
      %slice3A_1639 = vector.extract_strided_slice %masked_cumsum3A_1616 {offsets = [15], sizes = [1], strides = [1]} : vector<16xf32> to vector<1xf32>
      %squeeze3A_1640 = vector.extract %slice3A_1639[0] : f32 from vector<1xf32>
      %add3A_1641 = arith.addf %squeeze3A_1640, %add3A_1601 : f32
      %reduce_sum3A_1642 = arith.constant true
      %reduce_sum3A_1643 = vector.broadcast %reduce_sum3A_1642 : i1 to vector<16xi1>
      %reduce_sum3A_1644 = tpu.scan <sum>, %add3A_1635 masked %reduce_sum3A_1643 : vector<16xf32>, vector<16xi1> -> vector<16xf32>
      %reduce_sum3A_1645 = vector.extract %reduce_sum3A_1644[15] : f32 from vector<16xf32>
      %mul3A_1646 = arith.constant 1.000000e-03 : f32
      %mul3A_1647 = arith.mulf %mul3A_1646, %reduce_sum3A_1645 : f32
      %eq3A_1648 = arith.constant 8 : i32
      %eq3A_1649 = vector.broadcast %eq3A_1648 : i32 to vector<16xi32>
      %eq3A_1650 = arith.cmpi eq, %iota3A, %eq3A_1649 : vector<16xi32>
      %add3A_1651 = vector.broadcast %mul3A_1647 : f32 to vector<16xf32>
      %add3A_1652 = arith.addf %broadcast_in_dim3A_13, %add3A_1651 : vector<16xf32>
      %select_n3A_1653 = arith.select %eq3A_1650, %add3A_1652, %select_n3A_1471 : vector<16xi1>, vector<16xf32>
      %mul3A_1654 = arith.constant 16 : i32
      %mul3A_1655 = arith.muli %scan3A_22, %mul3A_1654 : i32
      %add3A_1656 = arith.constant 9 : i32
      %add3A_1657 = arith.addi %mul3A_1655, %add3A_1656 : i32
      %mul3A_1658 = arith.constant 64 : i32
      %mul3A_1659 = arith.muli %add3A_1657, %mul3A_1658 : i32
      %add3A_1660 = arith.constant 0 : i32
      %add3A_1661 = arith.addi %mul3A_1659, %add3A_1660 : i32
      %get3A_1662 = arith.index_cast %add3A_1661 : i32 to index
      %get3A_1663 = tpu.vector_load %arg6[%get3A_1662] {strides = array<i32>} : memref<16384xf32, #tpu.memory_space<vmem>>, vector<16xf32>,
      %get3A_1664 = arith.index_cast %add3A_1661 : i32 to index
      %get3A_1665 = tpu.vector_load %arg7[%get3A_1664] {strides = array<i32>} : memref<16384xf32, #tpu.memory_space<vmem>>, vector<16xf32>,
      %get3A_1666 = arith.index_cast %add3A_1661 : i32 to index
      %get3A_1667 = tpu.vector_load %arg8[%get3A_1666] {strides = array<i32>} : memref<16384xf32, #tpu.memory_space<vmem>>, vector<16xf32>,
      %mul3A_1668 = arith.mulf %get3A_1663, %get3A_1665 : vector<16xf32>
      %broadcast_in_dim3A_1669 = arith.constant true
      %broadcast_in_dim3A_1670 = vector.broadcast %broadcast_in_dim3A_1669 : i1 to vector<16xi1>
      %masked_cumsum3A_1671 = tpu.scan <sum>, %get3A_1663 masked %broadcast_in_dim3A_1670 : vector<16xf32>, vector<16xi1> -> vector<16xf32>
      %broadcast_in_dim3A_1672 = arith.constant true
      %broadcast_in_dim3A_1673 = vector.broadcast %broadcast_in_dim3A_1672 : i1 to vector<16xi1>
      %masked_cumsum3A_1674 = tpu.scan <sum>, %mul3A_1668 masked %broadcast_in_dim3A_1673 : vector<16xf32>, vector<16xi1> -> vector<16xf32>
      %sub3A_1675 = arith.subf %masked_cumsum3A_1671, %get3A_1663 : vector<16xf32>
      %add3A_1676 = arith.constant 0.000000e+00 : f32
      %add3A_1677 = vector.broadcast %add3A_1676 : f32 to vector<16xf32>
      %add3A_1678 = arith.addf %sub3A_1675, %add3A_1677 : vector<16xf32>
      %sub3A_1679 = arith.subf %masked_cumsum3A_1674, %mul3A_1668 : vector<16xf32>
      %add3A_1680 = arith.constant 0.000000e+00 : f32
      %add3A_1681 = vector.broadcast %add3A_1680 : f32 to vector<16xf32>
      %add3A_1682 = arith.addf %sub3A_1679, %add3A_1681 : vector<16xf32>
      %mul3A_1683 = arith.constant 2.000000e+00 : f32
      %mul3A_1684 = vector.broadcast %mul3A_1683 : f32 to vector<16xf32>
      %mul3A_1685 = arith.mulf %mul3A_1684, %get3A_1663 : vector<16xf32>
      %mul3A_1686 = arith.mulf %get3A_1665, %add3A_1678 : vector<16xf32>
      %sub3A_1687 = arith.subf %mul3A_1686, %add3A_1682 : vector<16xf32>
      %mul3A_1688 = arith.mulf %mul3A_1685, %sub3A_1687 : vector<16xf32>
      %add3A_1689 = arith.addf %broadcast_in_dim3A_13, %mul3A_1688 : vector<16xf32>
      %mul3A_1690 = arith.mulf %get3A_1663, %get3A_1663 : vector<16xf32>
      %mul3A_1691 = arith.mulf %mul3A_1690, %get3A_1667 : vector<16xf32>
      %mul3A_1692 = arith.constant 0.333333343 : f32
      %mul3A_1693 = vector.broadcast %mul3A_1692 : f32 to vector<16xf32>
      %mul3A_1694 = arith.mulf %mul3A_1693, %mul3A_1691 : vector<16xf32>
      %add3A_1695 = arith.addf %add3A_1689, %mul3A_1694 : vector<16xf32>
      %slice3A_1696 = vector.extract_strided_slice %masked_cumsum3A_1671 {offsets = [15], sizes = [1], strides = [1]} : vector<16xf32> to vector<1xf32>
      %squeeze3A_1697 = vector.extract %slice3A_1696[0] : f32 from vector<1xf32>
      %add3A_1698 = arith.constant 0.000000e+00 : f32
      %add3A_1699 = arith.addf %squeeze3A_1697, %add3A_1698 : f32
      %slice3A_1700 = vector.extract_strided_slice %masked_cumsum3A_1674 {offsets = [15], sizes = [1], strides = [1]} : vector<16xf32> to vector<1xf32>
      %squeeze3A_1701 = vector.extract %slice3A_1700[0] : f32 from vector<1xf32>
      %add3A_1702 = arith.constant 0.000000e+00 : f32
      %add3A_1703 = arith.addf %squeeze3A_1701, %add3A_1702 : f32
      %add3A_1704 = arith.constant 16 : i32
      %add3A_1705 = arith.addi %mul3A_1659, %add3A_1704 : i32
      %get3A_1706 = arith.index_cast %add3A_1705 : i32 to index
      %get3A_1707 = tpu.vector_load %arg6[%get3A_1706] {strides = array<i32>} : memref<16384xf32, #tpu.memory_space<vmem>>, vector<16xf32>,
      %get3A_1708 = arith.index_cast %add3A_1705 : i32 to index
      %get3A_1709 = tpu.vector_load %arg7[%get3A_1708] {strides = array<i32>} : memref<16384xf32, #tpu.memory_space<vmem>>, vector<16xf32>,
      %get3A_1710 = arith.index_cast %add3A_1705 : i32 to index
      %get3A_1711 = tpu.vector_load %arg8[%get3A_1710] {strides = array<i32>} : memref<16384xf32, #tpu.memory_space<vmem>>, vector<16xf32>,
      %mul3A_1712 = arith.mulf %get3A_1707, %get3A_1709 : vector<16xf32>
      %broadcast_in_dim3A_1713 = arith.constant true
      %broadcast_in_dim3A_1714 = vector.broadcast %broadcast_in_dim3A_1713 : i1 to vector<16xi1>
      %masked_cumsum3A_1715 = tpu.scan <sum>, %get3A_1707 masked %broadcast_in_dim3A_1714 : vector<16xf32>, vector<16xi1> -> vector<16xf32>
      %broadcast_in_dim3A_1716 = arith.constant true
      %broadcast_in_dim3A_1717 = vector.broadcast %broadcast_in_dim3A_1716 : i1 to vector<16xi1>
      %masked_cumsum3A_1718 = tpu.scan <sum>, %mul3A_1712 masked %broadcast_in_dim3A_1717 : vector<16xf32>, vector<16xi1> -> vector<16xf32>
      %sub3A_1719 = arith.subf %masked_cumsum3A_1715, %get3A_1707 : vector<16xf32>
      %add3A_1720 = vector.broadcast %add3A_1699 : f32 to vector<16xf32>
      %add3A_1721 = arith.addf %sub3A_1719, %add3A_1720 : vector<16xf32>
      %sub3A_1722 = arith.subf %masked_cumsum3A_1718, %mul3A_1712 : vector<16xf32>
      %add3A_1723 = vector.broadcast %add3A_1703 : f32 to vector<16xf32>
      %add3A_1724 = arith.addf %sub3A_1722, %add3A_1723 : vector<16xf32>
      %mul3A_1725 = arith.constant 2.000000e+00 : f32
      %mul3A_1726 = vector.broadcast %mul3A_1725 : f32 to vector<16xf32>
      %mul3A_1727 = arith.mulf %mul3A_1726, %get3A_1707 : vector<16xf32>
      %mul3A_1728 = arith.mulf %get3A_1709, %add3A_1721 : vector<16xf32>
      %sub3A_1729 = arith.subf %mul3A_1728, %add3A_1724 : vector<16xf32>
      %mul3A_1730 = arith.mulf %mul3A_1727, %sub3A_1729 : vector<16xf32>
      %add3A_1731 = arith.addf %add3A_1695, %mul3A_1730 : vector<16xf32>
      %mul3A_1732 = arith.mulf %get3A_1707, %get3A_1707 : vector<16xf32>
      %mul3A_1733 = arith.mulf %mul3A_1732, %get3A_1711 : vector<16xf32>
      %mul3A_1734 = arith.constant 0.333333343 : f32
      %mul3A_1735 = vector.broadcast %mul3A_1734 : f32 to vector<16xf32>
      %mul3A_1736 = arith.mulf %mul3A_1735, %mul3A_1733 : vector<16xf32>
      %add3A_1737 = arith.addf %add3A_1731, %mul3A_1736 : vector<16xf32>
      %slice3A_1738 = vector.extract_strided_slice %masked_cumsum3A_1715 {offsets = [15], sizes = [1], strides = [1]} : vector<16xf32> to vector<1xf32>
      %squeeze3A_1739 = vector.extract %slice3A_1738[0] : f32 from vector<1xf32>
      %add3A_1740 = arith.addf %squeeze3A_1739, %add3A_1699 : f32
      %slice3A_1741 = vector.extract_strided_slice %masked_cumsum3A_1718 {offsets = [15], sizes = [1], strides = [1]} : vector<16xf32> to vector<1xf32>
      %squeeze3A_1742 = vector.extract %slice3A_1741[0] : f32 from vector<1xf32>
      %add3A_1743 = arith.addf %squeeze3A_1742, %add3A_1703 : f32
      %add3A_1744 = arith.constant 32 : i32
      %add3A_1745 = arith.addi %mul3A_1659, %add3A_1744 : i32
      %get3A_1746 = arith.index_cast %add3A_1745 : i32 to index
      %get3A_1747 = tpu.vector_load %arg6[%get3A_1746] {strides = array<i32>} : memref<16384xf32, #tpu.memory_space<vmem>>, vector<16xf32>,
      %get3A_1748 = arith.index_cast %add3A_1745 : i32 to index
      %get3A_1749 = tpu.vector_load %arg7[%get3A_1748] {strides = array<i32>} : memref<16384xf32, #tpu.memory_space<vmem>>, vector<16xf32>,
      %get3A_1750 = arith.index_cast %add3A_1745 : i32 to index
      %get3A_1751 = tpu.vector_load %arg8[%get3A_1750] {strides = array<i32>} : memref<16384xf32, #tpu.memory_space<vmem>>, vector<16xf32>,
      %mul3A_1752 = arith.mulf %get3A_1747, %get3A_1749 : vector<16xf32>
      %broadcast_in_dim3A_1753 = arith.constant true
      %broadcast_in_dim3A_1754 = vector.broadcast %broadcast_in_dim3A_1753 : i1 to vector<16xi1>
      %masked_cumsum3A_1755 = tpu.scan <sum>, %get3A_1747 masked %broadcast_in_dim3A_1754 : vector<16xf32>, vector<16xi1> -> vector<16xf32>
      %broadcast_in_dim3A_1756 = arith.constant true
      %broadcast_in_dim3A_1757 = vector.broadcast %broadcast_in_dim3A_1756 : i1 to vector<16xi1>
      %masked_cumsum3A_1758 = tpu.scan <sum>, %mul3A_1752 masked %broadcast_in_dim3A_1757 : vector<16xf32>, vector<16xi1> -> vector<16xf32>
      %sub3A_1759 = arith.subf %masked_cumsum3A_1755, %get3A_1747 : vector<16xf32>
      %add3A_1760 = vector.broadcast %add3A_1740 : f32 to vector<16xf32>
      %add3A_1761 = arith.addf %sub3A_1759, %add3A_1760 : vector<16xf32>
      %sub3A_1762 = arith.subf %masked_cumsum3A_1758, %mul3A_1752 : vector<16xf32>
      %add3A_1763 = vector.broadcast %add3A_1743 : f32 to vector<16xf32>
      %add3A_1764 = arith.addf %sub3A_1762, %add3A_1763 : vector<16xf32>
      %mul3A_1765 = arith.constant 2.000000e+00 : f32
      %mul3A_1766 = vector.broadcast %mul3A_1765 : f32 to vector<16xf32>
      %mul3A_1767 = arith.mulf %mul3A_1766, %get3A_1747 : vector<16xf32>
      %mul3A_1768 = arith.mulf %get3A_1749, %add3A_1761 : vector<16xf32>
      %sub3A_1769 = arith.subf %mul3A_1768, %add3A_1764 : vector<16xf32>
      %mul3A_1770 = arith.mulf %mul3A_1767, %sub3A_1769 : vector<16xf32>
      %add3A_1771 = arith.addf %add3A_1737, %mul3A_1770 : vector<16xf32>
      %mul3A_1772 = arith.mulf %get3A_1747, %get3A_1747 : vector<16xf32>
      %mul3A_1773 = arith.mulf %mul3A_1772, %get3A_1751 : vector<16xf32>
      %mul3A_1774 = arith.constant 0.333333343 : f32
      %mul3A_1775 = vector.broadcast %mul3A_1774 : f32 to vector<16xf32>
      %mul3A_1776 = arith.mulf %mul3A_1775, %mul3A_1773 : vector<16xf32>
      %add3A_1777 = arith.addf %add3A_1771, %mul3A_1776 : vector<16xf32>
      %slice3A_1778 = vector.extract_strided_slice %masked_cumsum3A_1755 {offsets = [15], sizes = [1], strides = [1]} : vector<16xf32> to vector<1xf32>
      %squeeze3A_1779 = vector.extract %slice3A_1778[0] : f32 from vector<1xf32>
      %add3A_1780 = arith.addf %squeeze3A_1779, %add3A_1740 : f32
      %slice3A_1781 = vector.extract_strided_slice %masked_cumsum3A_1758 {offsets = [15], sizes = [1], strides = [1]} : vector<16xf32> to vector<1xf32>
      %squeeze3A_1782 = vector.extract %slice3A_1781[0] : f32 from vector<1xf32>
      %add3A_1783 = arith.addf %squeeze3A_1782, %add3A_1743 : f32
      %add3A_1784 = arith.constant 48 : i32
      %add3A_1785 = arith.addi %mul3A_1659, %add3A_1784 : i32
      %get3A_1786 = arith.index_cast %add3A_1785 : i32 to index
      %get3A_1787 = tpu.vector_load %arg6[%get3A_1786] {strides = array<i32>} : memref<16384xf32, #tpu.memory_space<vmem>>, vector<16xf32>,
      %get3A_1788 = arith.index_cast %add3A_1785 : i32 to index
      %get3A_1789 = tpu.vector_load %arg7[%get3A_1788] {strides = array<i32>} : memref<16384xf32, #tpu.memory_space<vmem>>, vector<16xf32>,
      %get3A_1790 = arith.index_cast %add3A_1785 : i32 to index
      %get3A_1791 = tpu.vector_load %arg8[%get3A_1790] {strides = array<i32>} : memref<16384xf32, #tpu.memory_space<vmem>>, vector<16xf32>,
      %mul3A_1792 = arith.mulf %get3A_1787, %get3A_1789 : vector<16xf32>
      %broadcast_in_dim3A_1793 = arith.constant true
      %broadcast_in_dim3A_1794 = vector.broadcast %broadcast_in_dim3A_1793 : i1 to vector<16xi1>
      %masked_cumsum3A_1795 = tpu.scan <sum>, %get3A_1787 masked %broadcast_in_dim3A_1794 : vector<16xf32>, vector<16xi1> -> vector<16xf32>
      %broadcast_in_dim3A_1796 = arith.constant true
      %broadcast_in_dim3A_1797 = vector.broadcast %broadcast_in_dim3A_1796 : i1 to vector<16xi1>
      %masked_cumsum3A_1798 = tpu.scan <sum>, %mul3A_1792 masked %broadcast_in_dim3A_1797 : vector<16xf32>, vector<16xi1> -> vector<16xf32>
      %sub3A_1799 = arith.subf %masked_cumsum3A_1795, %get3A_1787 : vector<16xf32>
      %add3A_1800 = vector.broadcast %add3A_1780 : f32 to vector<16xf32>
      %add3A_1801 = arith.addf %sub3A_1799, %add3A_1800 : vector<16xf32>
      %sub3A_1802 = arith.subf %masked_cumsum3A_1798, %mul3A_1792 : vector<16xf32>
      %add3A_1803 = vector.broadcast %add3A_1783 : f32 to vector<16xf32>
      %add3A_1804 = arith.addf %sub3A_1802, %add3A_1803 : vector<16xf32>
      %mul3A_1805 = arith.constant 2.000000e+00 : f32
      %mul3A_1806 = vector.broadcast %mul3A_1805 : f32 to vector<16xf32>
      %mul3A_1807 = arith.mulf %mul3A_1806, %get3A_1787 : vector<16xf32>
      %mul3A_1808 = arith.mulf %get3A_1789, %add3A_1801 : vector<16xf32>
      %sub3A_1809 = arith.subf %mul3A_1808, %add3A_1804 : vector<16xf32>
      %mul3A_1810 = arith.mulf %mul3A_1807, %sub3A_1809 : vector<16xf32>
      %add3A_1811 = arith.addf %add3A_1777, %mul3A_1810 : vector<16xf32>
      %mul3A_1812 = arith.mulf %get3A_1787, %get3A_1787 : vector<16xf32>
      %mul3A_1813 = arith.mulf %mul3A_1812, %get3A_1791 : vector<16xf32>
      %mul3A_1814 = arith.constant 0.333333343 : f32
      %mul3A_1815 = vector.broadcast %mul3A_1814 : f32 to vector<16xf32>
      %mul3A_1816 = arith.mulf %mul3A_1815, %mul3A_1813 : vector<16xf32>
      %add3A_1817 = arith.addf %add3A_1811, %mul3A_1816 : vector<16xf32>
      %slice3A_1818 = vector.extract_strided_slice %masked_cumsum3A_1795 {offsets = [15], sizes = [1], strides = [1]} : vector<16xf32> to vector<1xf32>
      %squeeze3A_1819 = vector.extract %slice3A_1818[0] : f32 from vector<1xf32>
      %add3A_1820 = arith.addf %squeeze3A_1819, %add3A_1780 : f32
      %slice3A_1821 = vector.extract_strided_slice %masked_cumsum3A_1798 {offsets = [15], sizes = [1], strides = [1]} : vector<16xf32> to vector<1xf32>
      %squeeze3A_1822 = vector.extract %slice3A_1821[0] : f32 from vector<1xf32>
      %add3A_1823 = arith.addf %squeeze3A_1822, %add3A_1783 : f32
      %reduce_sum3A_1824 = arith.constant true
      %reduce_sum3A_1825 = vector.broadcast %reduce_sum3A_1824 : i1 to vector<16xi1>
      %reduce_sum3A_1826 = tpu.scan <sum>, %add3A_1817 masked %reduce_sum3A_1825 : vector<16xf32>, vector<16xi1> -> vector<16xf32>
      %reduce_sum3A_1827 = vector.extract %reduce_sum3A_1826[15] : f32 from vector<16xf32>
      %mul3A_1828 = arith.constant 1.000000e-03 : f32
      %mul3A_1829 = arith.mulf %mul3A_1828, %reduce_sum3A_1827 : f32
      %eq3A_1830 = arith.constant 9 : i32
      %eq3A_1831 = vector.broadcast %eq3A_1830 : i32 to vector<16xi32>
      %eq3A_1832 = arith.cmpi eq, %iota3A, %eq3A_1831 : vector<16xi32>
      %add3A_1833 = vector.broadcast %mul3A_1829 : f32 to vector<16xf32>
      %add3A_1834 = arith.addf %broadcast_in_dim3A_13, %add3A_1833 : vector<16xf32>
      %select_n3A_1835 = arith.select %eq3A_1832, %add3A_1834, %select_n3A_1653 : vector<16xi1>, vector<16xf32>
      %mul3A_1836 = arith.constant 16 : i32
      %mul3A_1837 = arith.muli %scan3A_22, %mul3A_1836 : i32
      %add3A_1838 = arith.constant 10 : i32
      %add3A_1839 = arith.addi %mul3A_1837, %add3A_1838 : i32
      %mul3A_1840 = arith.constant 64 : i32
      %mul3A_1841 = arith.muli %add3A_1839, %mul3A_1840 : i32
      %add3A_1842 = arith.constant 0 : i32
      %add3A_1843 = arith.addi %mul3A_1841, %add3A_1842 : i32
      %get3A_1844 = arith.index_cast %add3A_1843 : i32 to index
      %get3A_1845 = tpu.vector_load %arg6[%get3A_1844] {strides = array<i32>} : memref<16384xf32, #tpu.memory_space<vmem>>, vector<16xf32>,
      %get3A_1846 = arith.index_cast %add3A_1843 : i32 to index
      %get3A_1847 = tpu.vector_load %arg7[%get3A_1846] {strides = array<i32>} : memref<16384xf32, #tpu.memory_space<vmem>>, vector<16xf32>,
      %get3A_1848 = arith.index_cast %add3A_1843 : i32 to index
      %get3A_1849 = tpu.vector_load %arg8[%get3A_1848] {strides = array<i32>} : memref<16384xf32, #tpu.memory_space<vmem>>, vector<16xf32>,
      %mul3A_1850 = arith.mulf %get3A_1845, %get3A_1847 : vector<16xf32>
      %broadcast_in_dim3A_1851 = arith.constant true
      %broadcast_in_dim3A_1852 = vector.broadcast %broadcast_in_dim3A_1851 : i1 to vector<16xi1>
      %masked_cumsum3A_1853 = tpu.scan <sum>, %get3A_1845 masked %broadcast_in_dim3A_1852 : vector<16xf32>, vector<16xi1> -> vector<16xf32>
      %broadcast_in_dim3A_1854 = arith.constant true
      %broadcast_in_dim3A_1855 = vector.broadcast %broadcast_in_dim3A_1854 : i1 to vector<16xi1>
      %masked_cumsum3A_1856 = tpu.scan <sum>, %mul3A_1850 masked %broadcast_in_dim3A_1855 : vector<16xf32>, vector<16xi1> -> vector<16xf32>
      %sub3A_1857 = arith.subf %masked_cumsum3A_1853, %get3A_1845 : vector<16xf32>
      %add3A_1858 = arith.constant 0.000000e+00 : f32
      %add3A_1859 = vector.broadcast %add3A_1858 : f32 to vector<16xf32>
      %add3A_1860 = arith.addf %sub3A_1857, %add3A_1859 : vector<16xf32>
      %sub3A_1861 = arith.subf %masked_cumsum3A_1856, %mul3A_1850 : vector<16xf32>
      %add3A_1862 = arith.constant 0.000000e+00 : f32
      %add3A_1863 = vector.broadcast %add3A_1862 : f32 to vector<16xf32>
      %add3A_1864 = arith.addf %sub3A_1861, %add3A_1863 : vector<16xf32>
      %mul3A_1865 = arith.constant 2.000000e+00 : f32
      %mul3A_1866 = vector.broadcast %mul3A_1865 : f32 to vector<16xf32>
      %mul3A_1867 = arith.mulf %mul3A_1866, %get3A_1845 : vector<16xf32>
      %mul3A_1868 = arith.mulf %get3A_1847, %add3A_1860 : vector<16xf32>
      %sub3A_1869 = arith.subf %mul3A_1868, %add3A_1864 : vector<16xf32>
      %mul3A_1870 = arith.mulf %mul3A_1867, %sub3A_1869 : vector<16xf32>
      %add3A_1871 = arith.addf %broadcast_in_dim3A_13, %mul3A_1870 : vector<16xf32>
      %mul3A_1872 = arith.mulf %get3A_1845, %get3A_1845 : vector<16xf32>
      %mul3A_1873 = arith.mulf %mul3A_1872, %get3A_1849 : vector<16xf32>
      %mul3A_1874 = arith.constant 0.333333343 : f32
      %mul3A_1875 = vector.broadcast %mul3A_1874 : f32 to vector<16xf32>
      %mul3A_1876 = arith.mulf %mul3A_1875, %mul3A_1873 : vector<16xf32>
      %add3A_1877 = arith.addf %add3A_1871, %mul3A_1876 : vector<16xf32>
      %slice3A_1878 = vector.extract_strided_slice %masked_cumsum3A_1853 {offsets = [15], sizes = [1], strides = [1]} : vector<16xf32> to vector<1xf32>
      %squeeze3A_1879 = vector.extract %slice3A_1878[0] : f32 from vector<1xf32>
      %add3A_1880 = arith.constant 0.000000e+00 : f32
      %add3A_1881 = arith.addf %squeeze3A_1879, %add3A_1880 : f32
      %slice3A_1882 = vector.extract_strided_slice %masked_cumsum3A_1856 {offsets = [15], sizes = [1], strides = [1]} : vector<16xf32> to vector<1xf32>
      %squeeze3A_1883 = vector.extract %slice3A_1882[0] : f32 from vector<1xf32>
      %add3A_1884 = arith.constant 0.000000e+00 : f32
      %add3A_1885 = arith.addf %squeeze3A_1883, %add3A_1884 : f32
      %add3A_1886 = arith.constant 16 : i32
      %add3A_1887 = arith.addi %mul3A_1841, %add3A_1886 : i32
      %get3A_1888 = arith.index_cast %add3A_1887 : i32 to index
      %get3A_1889 = tpu.vector_load %arg6[%get3A_1888] {strides = array<i32>} : memref<16384xf32, #tpu.memory_space<vmem>>, vector<16xf32>,
      %get3A_1890 = arith.index_cast %add3A_1887 : i32 to index
      %get3A_1891 = tpu.vector_load %arg7[%get3A_1890] {strides = array<i32>} : memref<16384xf32, #tpu.memory_space<vmem>>, vector<16xf32>,
      %get3A_1892 = arith.index_cast %add3A_1887 : i32 to index
      %get3A_1893 = tpu.vector_load %arg8[%get3A_1892] {strides = array<i32>} : memref<16384xf32, #tpu.memory_space<vmem>>, vector<16xf32>,
      %mul3A_1894 = arith.mulf %get3A_1889, %get3A_1891 : vector<16xf32>
      %broadcast_in_dim3A_1895 = arith.constant true
      %broadcast_in_dim3A_1896 = vector.broadcast %broadcast_in_dim3A_1895 : i1 to vector<16xi1>
      %masked_cumsum3A_1897 = tpu.scan <sum>, %get3A_1889 masked %broadcast_in_dim3A_1896 : vector<16xf32>, vector<16xi1> -> vector<16xf32>
      %broadcast_in_dim3A_1898 = arith.constant true
      %broadcast_in_dim3A_1899 = vector.broadcast %broadcast_in_dim3A_1898 : i1 to vector<16xi1>
      %masked_cumsum3A_1900 = tpu.scan <sum>, %mul3A_1894 masked %broadcast_in_dim3A_1899 : vector<16xf32>, vector<16xi1> -> vector<16xf32>
      %sub3A_1901 = arith.subf %masked_cumsum3A_1897, %get3A_1889 : vector<16xf32>
      %add3A_1902 = vector.broadcast %add3A_1881 : f32 to vector<16xf32>
      %add3A_1903 = arith.addf %sub3A_1901, %add3A_1902 : vector<16xf32>
      %sub3A_1904 = arith.subf %masked_cumsum3A_1900, %mul3A_1894 : vector<16xf32>
      %add3A_1905 = vector.broadcast %add3A_1885 : f32 to vector<16xf32>
      %add3A_1906 = arith.addf %sub3A_1904, %add3A_1905 : vector<16xf32>
      %mul3A_1907 = arith.constant 2.000000e+00 : f32
      %mul3A_1908 = vector.broadcast %mul3A_1907 : f32 to vector<16xf32>
      %mul3A_1909 = arith.mulf %mul3A_1908, %get3A_1889 : vector<16xf32>
      %mul3A_1910 = arith.mulf %get3A_1891, %add3A_1903 : vector<16xf32>
      %sub3A_1911 = arith.subf %mul3A_1910, %add3A_1906 : vector<16xf32>
      %mul3A_1912 = arith.mulf %mul3A_1909, %sub3A_1911 : vector<16xf32>
      %add3A_1913 = arith.addf %add3A_1877, %mul3A_1912 : vector<16xf32>
      %mul3A_1914 = arith.mulf %get3A_1889, %get3A_1889 : vector<16xf32>
      %mul3A_1915 = arith.mulf %mul3A_1914, %get3A_1893 : vector<16xf32>
      %mul3A_1916 = arith.constant 0.333333343 : f32
      %mul3A_1917 = vector.broadcast %mul3A_1916 : f32 to vector<16xf32>
      %mul3A_1918 = arith.mulf %mul3A_1917, %mul3A_1915 : vector<16xf32>
      %add3A_1919 = arith.addf %add3A_1913, %mul3A_1918 : vector<16xf32>
      %slice3A_1920 = vector.extract_strided_slice %masked_cumsum3A_1897 {offsets = [15], sizes = [1], strides = [1]} : vector<16xf32> to vector<1xf32>
      %squeeze3A_1921 = vector.extract %slice3A_1920[0] : f32 from vector<1xf32>
      %add3A_1922 = arith.addf %squeeze3A_1921, %add3A_1881 : f32
      %slice3A_1923 = vector.extract_strided_slice %masked_cumsum3A_1900 {offsets = [15], sizes = [1], strides = [1]} : vector<16xf32> to vector<1xf32>
      %squeeze3A_1924 = vector.extract %slice3A_1923[0] : f32 from vector<1xf32>
      %add3A_1925 = arith.addf %squeeze3A_1924, %add3A_1885 : f32
      %add3A_1926 = arith.constant 32 : i32
      %add3A_1927 = arith.addi %mul3A_1841, %add3A_1926 : i32
      %get3A_1928 = arith.index_cast %add3A_1927 : i32 to index
      %get3A_1929 = tpu.vector_load %arg6[%get3A_1928] {strides = array<i32>} : memref<16384xf32, #tpu.memory_space<vmem>>, vector<16xf32>,
      %get3A_1930 = arith.index_cast %add3A_1927 : i32 to index
      %get3A_1931 = tpu.vector_load %arg7[%get3A_1930] {strides = array<i32>} : memref<16384xf32, #tpu.memory_space<vmem>>, vector<16xf32>,
      %get3A_1932 = arith.index_cast %add3A_1927 : i32 to index
      %get3A_1933 = tpu.vector_load %arg8[%get3A_1932] {strides = array<i32>} : memref<16384xf32, #tpu.memory_space<vmem>>, vector<16xf32>,
      %mul3A_1934 = arith.mulf %get3A_1929, %get3A_1931 : vector<16xf32>
      %broadcast_in_dim3A_1935 = arith.constant true
      %broadcast_in_dim3A_1936 = vector.broadcast %broadcast_in_dim3A_1935 : i1 to vector<16xi1>
      %masked_cumsum3A_1937 = tpu.scan <sum>, %get3A_1929 masked %broadcast_in_dim3A_1936 : vector<16xf32>, vector<16xi1> -> vector<16xf32>
      %broadcast_in_dim3A_1938 = arith.constant true
      %broadcast_in_dim3A_1939 = vector.broadcast %broadcast_in_dim3A_1938 : i1 to vector<16xi1>
      %masked_cumsum3A_1940 = tpu.scan <sum>, %mul3A_1934 masked %broadcast_in_dim3A_1939 : vector<16xf32>, vector<16xi1> -> vector<16xf32>
      %sub3A_1941 = arith.subf %masked_cumsum3A_1937, %get3A_1929 : vector<16xf32>
      %add3A_1942 = vector.broadcast %add3A_1922 : f32 to vector<16xf32>
      %add3A_1943 = arith.addf %sub3A_1941, %add3A_1942 : vector<16xf32>
      %sub3A_1944 = arith.subf %masked_cumsum3A_1940, %mul3A_1934 : vector<16xf32>
      %add3A_1945 = vector.broadcast %add3A_1925 : f32 to vector<16xf32>
      %add3A_1946 = arith.addf %sub3A_1944, %add3A_1945 : vector<16xf32>
      %mul3A_1947 = arith.constant 2.000000e+00 : f32
      %mul3A_1948 = vector.broadcast %mul3A_1947 : f32 to vector<16xf32>
      %mul3A_1949 = arith.mulf %mul3A_1948, %get3A_1929 : vector<16xf32>
      %mul3A_1950 = arith.mulf %get3A_1931, %add3A_1943 : vector<16xf32>
      %sub3A_1951 = arith.subf %mul3A_1950, %add3A_1946 : vector<16xf32>
      %mul3A_1952 = arith.mulf %mul3A_1949, %sub3A_1951 : vector<16xf32>
      %add3A_1953 = arith.addf %add3A_1919, %mul3A_1952 : vector<16xf32>
      %mul3A_1954 = arith.mulf %get3A_1929, %get3A_1929 : vector<16xf32>
      %mul3A_1955 = arith.mulf %mul3A_1954, %get3A_1933 : vector<16xf32>
      %mul3A_1956 = arith.constant 0.333333343 : f32
      %mul3A_1957 = vector.broadcast %mul3A_1956 : f32 to vector<16xf32>
      %mul3A_1958 = arith.mulf %mul3A_1957, %mul3A_1955 : vector<16xf32>
      %add3A_1959 = arith.addf %add3A_1953, %mul3A_1958 : vector<16xf32>
      %slice3A_1960 = vector.extract_strided_slice %masked_cumsum3A_1937 {offsets = [15], sizes = [1], strides = [1]} : vector<16xf32> to vector<1xf32>
      %squeeze3A_1961 = vector.extract %slice3A_1960[0] : f32 from vector<1xf32>
      %add3A_1962 = arith.addf %squeeze3A_1961, %add3A_1922 : f32
      %slice3A_1963 = vector.extract_strided_slice %masked_cumsum3A_1940 {offsets = [15], sizes = [1], strides = [1]} : vector<16xf32> to vector<1xf32>
      %squeeze3A_1964 = vector.extract %slice3A_1963[0] : f32 from vector<1xf32>
      %add3A_1965 = arith.addf %squeeze3A_1964, %add3A_1925 : f32
      %add3A_1966 = arith.constant 48 : i32
      %add3A_1967 = arith.addi %mul3A_1841, %add3A_1966 : i32
      %get3A_1968 = arith.index_cast %add3A_1967 : i32 to index
      %get3A_1969 = tpu.vector_load %arg6[%get3A_1968] {strides = array<i32>} : memref<16384xf32, #tpu.memory_space<vmem>>, vector<16xf32>,
      %get3A_1970 = arith.index_cast %add3A_1967 : i32 to index
      %get3A_1971 = tpu.vector_load %arg7[%get3A_1970] {strides = array<i32>} : memref<16384xf32, #tpu.memory_space<vmem>>, vector<16xf32>,
      %get3A_1972 = arith.index_cast %add3A_1967 : i32 to index
      %get3A_1973 = tpu.vector_load %arg8[%get3A_1972] {strides = array<i32>} : memref<16384xf32, #tpu.memory_space<vmem>>, vector<16xf32>,
      %mul3A_1974 = arith.mulf %get3A_1969, %get3A_1971 : vector<16xf32>
      %broadcast_in_dim3A_1975 = arith.constant true
      %broadcast_in_dim3A_1976 = vector.broadcast %broadcast_in_dim3A_1975 : i1 to vector<16xi1>
      %masked_cumsum3A_1977 = tpu.scan <sum>, %get3A_1969 masked %broadcast_in_dim3A_1976 : vector<16xf32>, vector<16xi1> -> vector<16xf32>
      %broadcast_in_dim3A_1978 = arith.constant true
      %broadcast_in_dim3A_1979 = vector.broadcast %broadcast_in_dim3A_1978 : i1 to vector<16xi1>
      %masked_cumsum3A_1980 = tpu.scan <sum>, %mul3A_1974 masked %broadcast_in_dim3A_1979 : vector<16xf32>, vector<16xi1> -> vector<16xf32>
      %sub3A_1981 = arith.subf %masked_cumsum3A_1977, %get3A_1969 : vector<16xf32>
      %add3A_1982 = vector.broadcast %add3A_1962 : f32 to vector<16xf32>
      %add3A_1983 = arith.addf %sub3A_1981, %add3A_1982 : vector<16xf32>
      %sub3A_1984 = arith.subf %masked_cumsum3A_1980, %mul3A_1974 : vector<16xf32>
      %add3A_1985 = vector.broadcast %add3A_1965 : f32 to vector<16xf32>
      %add3A_1986 = arith.addf %sub3A_1984, %add3A_1985 : vector<16xf32>
      %mul3A_1987 = arith.constant 2.000000e+00 : f32
      %mul3A_1988 = vector.broadcast %mul3A_1987 : f32 to vector<16xf32>
      %mul3A_1989 = arith.mulf %mul3A_1988, %get3A_1969 : vector<16xf32>
      %mul3A_1990 = arith.mulf %get3A_1971, %add3A_1983 : vector<16xf32>
      %sub3A_1991 = arith.subf %mul3A_1990, %add3A_1986 : vector<16xf32>
      %mul3A_1992 = arith.mulf %mul3A_1989, %sub3A_1991 : vector<16xf32>
      %add3A_1993 = arith.addf %add3A_1959, %mul3A_1992 : vector<16xf32>
      %mul3A_1994 = arith.mulf %get3A_1969, %get3A_1969 : vector<16xf32>
      %mul3A_1995 = arith.mulf %mul3A_1994, %get3A_1973 : vector<16xf32>
      %mul3A_1996 = arith.constant 0.333333343 : f32
      %mul3A_1997 = vector.broadcast %mul3A_1996 : f32 to vector<16xf32>
      %mul3A_1998 = arith.mulf %mul3A_1997, %mul3A_1995 : vector<16xf32>
      %add3A_1999 = arith.addf %add3A_1993, %mul3A_1998 : vector<16xf32>
      %slice3A_2000 = vector.extract_strided_slice %masked_cumsum3A_1977 {offsets = [15], sizes = [1], strides = [1]} : vector<16xf32> to vector<1xf32>
      %squeeze3A_2001 = vector.extract %slice3A_2000[0] : f32 from vector<1xf32>
      %add3A_2002 = arith.addf %squeeze3A_2001, %add3A_1962 : f32
      %slice3A_2003 = vector.extract_strided_slice %masked_cumsum3A_1980 {offsets = [15], sizes = [1], strides = [1]} : vector<16xf32> to vector<1xf32>
      %squeeze3A_2004 = vector.extract %slice3A_2003[0] : f32 from vector<1xf32>
      %add3A_2005 = arith.addf %squeeze3A_2004, %add3A_1965 : f32
      %reduce_sum3A_2006 = arith.constant true
      %reduce_sum3A_2007 = vector.broadcast %reduce_sum3A_2006 : i1 to vector<16xi1>
      %reduce_sum3A_2008 = tpu.scan <sum>, %add3A_1999 masked %reduce_sum3A_2007 : vector<16xf32>, vector<16xi1> -> vector<16xf32>
      %reduce_sum3A_2009 = vector.extract %reduce_sum3A_2008[15] : f32 from vector<16xf32>
      %mul3A_2010 = arith.constant 1.000000e-03 : f32
      %mul3A_2011 = arith.mulf %mul3A_2010, %reduce_sum3A_2009 : f32
      %eq3A_2012 = arith.constant 10 : i32
      %eq3A_2013 = vector.broadcast %eq3A_2012 : i32 to vector<16xi32>
      %eq3A_2014 = arith.cmpi eq, %iota3A, %eq3A_2013 : vector<16xi32>
      %add3A_2015 = vector.broadcast %mul3A_2011 : f32 to vector<16xf32>
      %add3A_2016 = arith.addf %broadcast_in_dim3A_13, %add3A_2015 : vector<16xf32>
      %select_n3A_2017 = arith.select %eq3A_2014, %add3A_2016, %select_n3A_1835 : vector<16xi1>, vector<16xf32>
      %mul3A_2018 = arith.constant 16 : i32
      %mul3A_2019 = arith.muli %scan3A_22, %mul3A_2018 : i32
      %add3A_2020 = arith.constant 11 : i32
      %add3A_2021 = arith.addi %mul3A_2019, %add3A_2020 : i32
      %mul3A_2022 = arith.constant 64 : i32
      %mul3A_2023 = arith.muli %add3A_2021, %mul3A_2022 : i32
      %add3A_2024 = arith.constant 0 : i32
      %add3A_2025 = arith.addi %mul3A_2023, %add3A_2024 : i32
      %get3A_2026 = arith.index_cast %add3A_2025 : i32 to index
      %get3A_2027 = tpu.vector_load %arg6[%get3A_2026] {strides = array<i32>} : memref<16384xf32, #tpu.memory_space<vmem>>, vector<16xf32>,
      %get3A_2028 = arith.index_cast %add3A_2025 : i32 to index
      %get3A_2029 = tpu.vector_load %arg7[%get3A_2028] {strides = array<i32>} : memref<16384xf32, #tpu.memory_space<vmem>>, vector<16xf32>,
      %get3A_2030 = arith.index_cast %add3A_2025 : i32 to index
      %get3A_2031 = tpu.vector_load %arg8[%get3A_2030] {strides = array<i32>} : memref<16384xf32, #tpu.memory_space<vmem>>, vector<16xf32>,
      %mul3A_2032 = arith.mulf %get3A_2027, %get3A_2029 : vector<16xf32>
      %broadcast_in_dim3A_2033 = arith.constant true
      %broadcast_in_dim3A_2034 = vector.broadcast %broadcast_in_dim3A_2033 : i1 to vector<16xi1>
      %masked_cumsum3A_2035 = tpu.scan <sum>, %get3A_2027 masked %broadcast_in_dim3A_2034 : vector<16xf32>, vector<16xi1> -> vector<16xf32>
      %broadcast_in_dim3A_2036 = arith.constant true
      %broadcast_in_dim3A_2037 = vector.broadcast %broadcast_in_dim3A_2036 : i1 to vector<16xi1>
      %masked_cumsum3A_2038 = tpu.scan <sum>, %mul3A_2032 masked %broadcast_in_dim3A_2037 : vector<16xf32>, vector<16xi1> -> vector<16xf32>
      %sub3A_2039 = arith.subf %masked_cumsum3A_2035, %get3A_2027 : vector<16xf32>
      %add3A_2040 = arith.constant 0.000000e+00 : f32
      %add3A_2041 = vector.broadcast %add3A_2040 : f32 to vector<16xf32>
      %add3A_2042 = arith.addf %sub3A_2039, %add3A_2041 : vector<16xf32>
      %sub3A_2043 = arith.subf %masked_cumsum3A_2038, %mul3A_2032 : vector<16xf32>
      %add3A_2044 = arith.constant 0.000000e+00 : f32
      %add3A_2045 = vector.broadcast %add3A_2044 : f32 to vector<16xf32>
      %add3A_2046 = arith.addf %sub3A_2043, %add3A_2045 : vector<16xf32>
      %mul3A_2047 = arith.constant 2.000000e+00 : f32
      %mul3A_2048 = vector.broadcast %mul3A_2047 : f32 to vector<16xf32>
      %mul3A_2049 = arith.mulf %mul3A_2048, %get3A_2027 : vector<16xf32>
      %mul3A_2050 = arith.mulf %get3A_2029, %add3A_2042 : vector<16xf32>
      %sub3A_2051 = arith.subf %mul3A_2050, %add3A_2046 : vector<16xf32>
      %mul3A_2052 = arith.mulf %mul3A_2049, %sub3A_2051 : vector<16xf32>
      %add3A_2053 = arith.addf %broadcast_in_dim3A_13, %mul3A_2052 : vector<16xf32>
      %mul3A_2054 = arith.mulf %get3A_2027, %get3A_2027 : vector<16xf32>
      %mul3A_2055 = arith.mulf %mul3A_2054, %get3A_2031 : vector<16xf32>
      %mul3A_2056 = arith.constant 0.333333343 : f32
      %mul3A_2057 = vector.broadcast %mul3A_2056 : f32 to vector<16xf32>
      %mul3A_2058 = arith.mulf %mul3A_2057, %mul3A_2055 : vector<16xf32>
      %add3A_2059 = arith.addf %add3A_2053, %mul3A_2058 : vector<16xf32>
      %slice3A_2060 = vector.extract_strided_slice %masked_cumsum3A_2035 {offsets = [15], sizes = [1], strides = [1]} : vector<16xf32> to vector<1xf32>
      %squeeze3A_2061 = vector.extract %slice3A_2060[0] : f32 from vector<1xf32>
      %add3A_2062 = arith.constant 0.000000e+00 : f32
      %add3A_2063 = arith.addf %squeeze3A_2061, %add3A_2062 : f32
      %slice3A_2064 = vector.extract_strided_slice %masked_cumsum3A_2038 {offsets = [15], sizes = [1], strides = [1]} : vector<16xf32> to vector<1xf32>
      %squeeze3A_2065 = vector.extract %slice3A_2064[0] : f32 from vector<1xf32>
      %add3A_2066 = arith.constant 0.000000e+00 : f32
      %add3A_2067 = arith.addf %squeeze3A_2065, %add3A_2066 : f32
      %add3A_2068 = arith.constant 16 : i32
      %add3A_2069 = arith.addi %mul3A_2023, %add3A_2068 : i32
      %get3A_2070 = arith.index_cast %add3A_2069 : i32 to index
      %get3A_2071 = tpu.vector_load %arg6[%get3A_2070] {strides = array<i32>} : memref<16384xf32, #tpu.memory_space<vmem>>, vector<16xf32>,
      %get3A_2072 = arith.index_cast %add3A_2069 : i32 to index
      %get3A_2073 = tpu.vector_load %arg7[%get3A_2072] {strides = array<i32>} : memref<16384xf32, #tpu.memory_space<vmem>>, vector<16xf32>,
      %get3A_2074 = arith.index_cast %add3A_2069 : i32 to index
      %get3A_2075 = tpu.vector_load %arg8[%get3A_2074] {strides = array<i32>} : memref<16384xf32, #tpu.memory_space<vmem>>, vector<16xf32>,
      %mul3A_2076 = arith.mulf %get3A_2071, %get3A_2073 : vector<16xf32>
      %broadcast_in_dim3A_2077 = arith.constant true
      %broadcast_in_dim3A_2078 = vector.broadcast %broadcast_in_dim3A_2077 : i1 to vector<16xi1>
      %masked_cumsum3A_2079 = tpu.scan <sum>, %get3A_2071 masked %broadcast_in_dim3A_2078 : vector<16xf32>, vector<16xi1> -> vector<16xf32>
      %broadcast_in_dim3A_2080 = arith.constant true
      %broadcast_in_dim3A_2081 = vector.broadcast %broadcast_in_dim3A_2080 : i1 to vector<16xi1>
      %masked_cumsum3A_2082 = tpu.scan <sum>, %mul3A_2076 masked %broadcast_in_dim3A_2081 : vector<16xf32>, vector<16xi1> -> vector<16xf32>
      %sub3A_2083 = arith.subf %masked_cumsum3A_2079, %get3A_2071 : vector<16xf32>
      %add3A_2084 = vector.broadcast %add3A_2063 : f32 to vector<16xf32>
      %add3A_2085 = arith.addf %sub3A_2083, %add3A_2084 : vector<16xf32>
      %sub3A_2086 = arith.subf %masked_cumsum3A_2082, %mul3A_2076 : vector<16xf32>
      %add3A_2087 = vector.broadcast %add3A_2067 : f32 to vector<16xf32>
      %add3A_2088 = arith.addf %sub3A_2086, %add3A_2087 : vector<16xf32>
      %mul3A_2089 = arith.constant 2.000000e+00 : f32
      %mul3A_2090 = vector.broadcast %mul3A_2089 : f32 to vector<16xf32>
      %mul3A_2091 = arith.mulf %mul3A_2090, %get3A_2071 : vector<16xf32>
      %mul3A_2092 = arith.mulf %get3A_2073, %add3A_2085 : vector<16xf32>
      %sub3A_2093 = arith.subf %mul3A_2092, %add3A_2088 : vector<16xf32>
      %mul3A_2094 = arith.mulf %mul3A_2091, %sub3A_2093 : vector<16xf32>
      %add3A_2095 = arith.addf %add3A_2059, %mul3A_2094 : vector<16xf32>
      %mul3A_2096 = arith.mulf %get3A_2071, %get3A_2071 : vector<16xf32>
      %mul3A_2097 = arith.mulf %mul3A_2096, %get3A_2075 : vector<16xf32>
      %mul3A_2098 = arith.constant 0.333333343 : f32
      %mul3A_2099 = vector.broadcast %mul3A_2098 : f32 to vector<16xf32>
      %mul3A_2100 = arith.mulf %mul3A_2099, %mul3A_2097 : vector<16xf32>
      %add3A_2101 = arith.addf %add3A_2095, %mul3A_2100 : vector<16xf32>
      %slice3A_2102 = vector.extract_strided_slice %masked_cumsum3A_2079 {offsets = [15], sizes = [1], strides = [1]} : vector<16xf32> to vector<1xf32>
      %squeeze3A_2103 = vector.extract %slice3A_2102[0] : f32 from vector<1xf32>
      %add3A_2104 = arith.addf %squeeze3A_2103, %add3A_2063 : f32
      %slice3A_2105 = vector.extract_strided_slice %masked_cumsum3A_2082 {offsets = [15], sizes = [1], strides = [1]} : vector<16xf32> to vector<1xf32>
      %squeeze3A_2106 = vector.extract %slice3A_2105[0] : f32 from vector<1xf32>
      %add3A_2107 = arith.addf %squeeze3A_2106, %add3A_2067 : f32
      %add3A_2108 = arith.constant 32 : i32
      %add3A_2109 = arith.addi %mul3A_2023, %add3A_2108 : i32
      %get3A_2110 = arith.index_cast %add3A_2109 : i32 to index
      %get3A_2111 = tpu.vector_load %arg6[%get3A_2110] {strides = array<i32>} : memref<16384xf32, #tpu.memory_space<vmem>>, vector<16xf32>,
      %get3A_2112 = arith.index_cast %add3A_2109 : i32 to index
      %get3A_2113 = tpu.vector_load %arg7[%get3A_2112] {strides = array<i32>} : memref<16384xf32, #tpu.memory_space<vmem>>, vector<16xf32>,
      %get3A_2114 = arith.index_cast %add3A_2109 : i32 to index
      %get3A_2115 = tpu.vector_load %arg8[%get3A_2114] {strides = array<i32>} : memref<16384xf32, #tpu.memory_space<vmem>>, vector<16xf32>,
      %mul3A_2116 = arith.mulf %get3A_2111, %get3A_2113 : vector<16xf32>
      %broadcast_in_dim3A_2117 = arith.constant true
      %broadcast_in_dim3A_2118 = vector.broadcast %broadcast_in_dim3A_2117 : i1 to vector<16xi1>
      %masked_cumsum3A_2119 = tpu.scan <sum>, %get3A_2111 masked %broadcast_in_dim3A_2118 : vector<16xf32>, vector<16xi1> -> vector<16xf32>
      %broadcast_in_dim3A_2120 = arith.constant true
      %broadcast_in_dim3A_2121 = vector.broadcast %broadcast_in_dim3A_2120 : i1 to vector<16xi1>
      %masked_cumsum3A_2122 = tpu.scan <sum>, %mul3A_2116 masked %broadcast_in_dim3A_2121 : vector<16xf32>, vector<16xi1> -> vector<16xf32>
      %sub3A_2123 = arith.subf %masked_cumsum3A_2119, %get3A_2111 : vector<16xf32>
      %add3A_2124 = vector.broadcast %add3A_2104 : f32 to vector<16xf32>
      %add3A_2125 = arith.addf %sub3A_2123, %add3A_2124 : vector<16xf32>
      %sub3A_2126 = arith.subf %masked_cumsum3A_2122, %mul3A_2116 : vector<16xf32>
      %add3A_2127 = vector.broadcast %add3A_2107 : f32 to vector<16xf32>
      %add3A_2128 = arith.addf %sub3A_2126, %add3A_2127 : vector<16xf32>
      %mul3A_2129 = arith.constant 2.000000e+00 : f32
      %mul3A_2130 = vector.broadcast %mul3A_2129 : f32 to vector<16xf32>
      %mul3A_2131 = arith.mulf %mul3A_2130, %get3A_2111 : vector<16xf32>
      %mul3A_2132 = arith.mulf %get3A_2113, %add3A_2125 : vector<16xf32>
      %sub3A_2133 = arith.subf %mul3A_2132, %add3A_2128 : vector<16xf32>
      %mul3A_2134 = arith.mulf %mul3A_2131, %sub3A_2133 : vector<16xf32>
      %add3A_2135 = arith.addf %add3A_2101, %mul3A_2134 : vector<16xf32>
      %mul3A_2136 = arith.mulf %get3A_2111, %get3A_2111 : vector<16xf32>
      %mul3A_2137 = arith.mulf %mul3A_2136, %get3A_2115 : vector<16xf32>
      %mul3A_2138 = arith.constant 0.333333343 : f32
      %mul3A_2139 = vector.broadcast %mul3A_2138 : f32 to vector<16xf32>
      %mul3A_2140 = arith.mulf %mul3A_2139, %mul3A_2137 : vector<16xf32>
      %add3A_2141 = arith.addf %add3A_2135, %mul3A_2140 : vector<16xf32>
      %slice3A_2142 = vector.extract_strided_slice %masked_cumsum3A_2119 {offsets = [15], sizes = [1], strides = [1]} : vector<16xf32> to vector<1xf32>
      %squeeze3A_2143 = vector.extract %slice3A_2142[0] : f32 from vector<1xf32>
      %add3A_2144 = arith.addf %squeeze3A_2143, %add3A_2104 : f32
      %slice3A_2145 = vector.extract_strided_slice %masked_cumsum3A_2122 {offsets = [15], sizes = [1], strides = [1]} : vector<16xf32> to vector<1xf32>
      %squeeze3A_2146 = vector.extract %slice3A_2145[0] : f32 from vector<1xf32>
      %add3A_2147 = arith.addf %squeeze3A_2146, %add3A_2107 : f32
      %add3A_2148 = arith.constant 48 : i32
      %add3A_2149 = arith.addi %mul3A_2023, %add3A_2148 : i32
      %get3A_2150 = arith.index_cast %add3A_2149 : i32 to index
      %get3A_2151 = tpu.vector_load %arg6[%get3A_2150] {strides = array<i32>} : memref<16384xf32, #tpu.memory_space<vmem>>, vector<16xf32>,
      %get3A_2152 = arith.index_cast %add3A_2149 : i32 to index
      %get3A_2153 = tpu.vector_load %arg7[%get3A_2152] {strides = array<i32>} : memref<16384xf32, #tpu.memory_space<vmem>>, vector<16xf32>,
      %get3A_2154 = arith.index_cast %add3A_2149 : i32 to index
      %get3A_2155 = tpu.vector_load %arg8[%get3A_2154] {strides = array<i32>} : memref<16384xf32, #tpu.memory_space<vmem>>, vector<16xf32>,
      %mul3A_2156 = arith.mulf %get3A_2151, %get3A_2153 : vector<16xf32>
      %broadcast_in_dim3A_2157 = arith.constant true
      %broadcast_in_dim3A_2158 = vector.broadcast %broadcast_in_dim3A_2157 : i1 to vector<16xi1>
      %masked_cumsum3A_2159 = tpu.scan <sum>, %get3A_2151 masked %broadcast_in_dim3A_2158 : vector<16xf32>, vector<16xi1> -> vector<16xf32>
      %broadcast_in_dim3A_2160 = arith.constant true
      %broadcast_in_dim3A_2161 = vector.broadcast %broadcast_in_dim3A_2160 : i1 to vector<16xi1>
      %masked_cumsum3A_2162 = tpu.scan <sum>, %mul3A_2156 masked %broadcast_in_dim3A_2161 : vector<16xf32>, vector<16xi1> -> vector<16xf32>
      %sub3A_2163 = arith.subf %masked_cumsum3A_2159, %get3A_2151 : vector<16xf32>
      %add3A_2164 = vector.broadcast %add3A_2144 : f32 to vector<16xf32>
      %add3A_2165 = arith.addf %sub3A_2163, %add3A_2164 : vector<16xf32>
      %sub3A_2166 = arith.subf %masked_cumsum3A_2162, %mul3A_2156 : vector<16xf32>
      %add3A_2167 = vector.broadcast %add3A_2147 : f32 to vector<16xf32>
      %add3A_2168 = arith.addf %sub3A_2166, %add3A_2167 : vector<16xf32>
      %mul3A_2169 = arith.constant 2.000000e+00 : f32
      %mul3A_2170 = vector.broadcast %mul3A_2169 : f32 to vector<16xf32>
      %mul3A_2171 = arith.mulf %mul3A_2170, %get3A_2151 : vector<16xf32>
      %mul3A_2172 = arith.mulf %get3A_2153, %add3A_2165 : vector<16xf32>
      %sub3A_2173 = arith.subf %mul3A_2172, %add3A_2168 : vector<16xf32>
      %mul3A_2174 = arith.mulf %mul3A_2171, %sub3A_2173 : vector<16xf32>
      %add3A_2175 = arith.addf %add3A_2141, %mul3A_2174 : vector<16xf32>
      %mul3A_2176 = arith.mulf %get3A_2151, %get3A_2151 : vector<16xf32>
      %mul3A_2177 = arith.mulf %mul3A_2176, %get3A_2155 : vector<16xf32>
      %mul3A_2178 = arith.constant 0.333333343 : f32
      %mul3A_2179 = vector.broadcast %mul3A_2178 : f32 to vector<16xf32>
      %mul3A_2180 = arith.mulf %mul3A_2179, %mul3A_2177 : vector<16xf32>
      %add3A_2181 = arith.addf %add3A_2175, %mul3A_2180 : vector<16xf32>
      %slice3A_2182 = vector.extract_strided_slice %masked_cumsum3A_2159 {offsets = [15], sizes = [1], strides = [1]} : vector<16xf32> to vector<1xf32>
      %squeeze3A_2183 = vector.extract %slice3A_2182[0] : f32 from vector<1xf32>
      %add3A_2184 = arith.addf %squeeze3A_2183, %add3A_2144 : f32
      %slice3A_2185 = vector.extract_strided_slice %masked_cumsum3A_2162 {offsets = [15], sizes = [1], strides = [1]} : vector<16xf32> to vector<1xf32>
      %squeeze3A_2186 = vector.extract %slice3A_2185[0] : f32 from vector<1xf32>
      %add3A_2187 = arith.addf %squeeze3A_2186, %add3A_2147 : f32
      %reduce_sum3A_2188 = arith.constant true
      %reduce_sum3A_2189 = vector.broadcast %reduce_sum3A_2188 : i1 to vector<16xi1>
      %reduce_sum3A_2190 = tpu.scan <sum>, %add3A_2181 masked %reduce_sum3A_2189 : vector<16xf32>, vector<16xi1> -> vector<16xf32>
      %reduce_sum3A_2191 = vector.extract %reduce_sum3A_2190[15] : f32 from vector<16xf32>
      %mul3A_2192 = arith.constant 1.000000e-03 : f32
      %mul3A_2193 = arith.mulf %mul3A_2192, %reduce_sum3A_2191 : f32
      %eq3A_2194 = arith.constant 11 : i32
      %eq3A_2195 = vector.broadcast %eq3A_2194 : i32 to vector<16xi32>
      %eq3A_2196 = arith.cmpi eq, %iota3A, %eq3A_2195 : vector<16xi32>
      %add3A_2197 = vector.broadcast %mul3A_2193 : f32 to vector<16xf32>
      %add3A_2198 = arith.addf %broadcast_in_dim3A_13, %add3A_2197 : vector<16xf32>
      %select_n3A_2199 = arith.select %eq3A_2196, %add3A_2198, %select_n3A_2017 : vector<16xi1>, vector<16xf32>
      %mul3A_2200 = arith.constant 16 : i32
      %mul3A_2201 = arith.muli %scan3A_22, %mul3A_2200 : i32
      %add3A_2202 = arith.constant 12 : i32
      %add3A_2203 = arith.addi %mul3A_2201, %add3A_2202 : i32
      %mul3A_2204 = arith.constant 64 : i32
      %mul3A_2205 = arith.muli %add3A_2203, %mul3A_2204 : i32
      %add3A_2206 = arith.constant 0 : i32
      %add3A_2207 = arith.addi %mul3A_2205, %add3A_2206 : i32
      %get3A_2208 = arith.index_cast %add3A_2207 : i32 to index
      %get3A_2209 = tpu.vector_load %arg6[%get3A_2208] {strides = array<i32>} : memref<16384xf32, #tpu.memory_space<vmem>>, vector<16xf32>,
      %get3A_2210 = arith.index_cast %add3A_2207 : i32 to index
      %get3A_2211 = tpu.vector_load %arg7[%get3A_2210] {strides = array<i32>} : memref<16384xf32, #tpu.memory_space<vmem>>, vector<16xf32>,
      %get3A_2212 = arith.index_cast %add3A_2207 : i32 to index
      %get3A_2213 = tpu.vector_load %arg8[%get3A_2212] {strides = array<i32>} : memref<16384xf32, #tpu.memory_space<vmem>>, vector<16xf32>,
      %mul3A_2214 = arith.mulf %get3A_2209, %get3A_2211 : vector<16xf32>
      %broadcast_in_dim3A_2215 = arith.constant true
      %broadcast_in_dim3A_2216 = vector.broadcast %broadcast_in_dim3A_2215 : i1 to vector<16xi1>
      %masked_cumsum3A_2217 = tpu.scan <sum>, %get3A_2209 masked %broadcast_in_dim3A_2216 : vector<16xf32>, vector<16xi1> -> vector<16xf32>
      %broadcast_in_dim3A_2218 = arith.constant true
      %broadcast_in_dim3A_2219 = vector.broadcast %broadcast_in_dim3A_2218 : i1 to vector<16xi1>
      %masked_cumsum3A_2220 = tpu.scan <sum>, %mul3A_2214 masked %broadcast_in_dim3A_2219 : vector<16xf32>, vector<16xi1> -> vector<16xf32>
      %sub3A_2221 = arith.subf %masked_cumsum3A_2217, %get3A_2209 : vector<16xf32>
      %add3A_2222 = arith.constant 0.000000e+00 : f32
      %add3A_2223 = vector.broadcast %add3A_2222 : f32 to vector<16xf32>
      %add3A_2224 = arith.addf %sub3A_2221, %add3A_2223 : vector<16xf32>
      %sub3A_2225 = arith.subf %masked_cumsum3A_2220, %mul3A_2214 : vector<16xf32>
      %add3A_2226 = arith.constant 0.000000e+00 : f32
      %add3A_2227 = vector.broadcast %add3A_2226 : f32 to vector<16xf32>
      %add3A_2228 = arith.addf %sub3A_2225, %add3A_2227 : vector<16xf32>
      %mul3A_2229 = arith.constant 2.000000e+00 : f32
      %mul3A_2230 = vector.broadcast %mul3A_2229 : f32 to vector<16xf32>
      %mul3A_2231 = arith.mulf %mul3A_2230, %get3A_2209 : vector<16xf32>
      %mul3A_2232 = arith.mulf %get3A_2211, %add3A_2224 : vector<16xf32>
      %sub3A_2233 = arith.subf %mul3A_2232, %add3A_2228 : vector<16xf32>
      %mul3A_2234 = arith.mulf %mul3A_2231, %sub3A_2233 : vector<16xf32>
      %add3A_2235 = arith.addf %broadcast_in_dim3A_13, %mul3A_2234 : vector<16xf32>
      %mul3A_2236 = arith.mulf %get3A_2209, %get3A_2209 : vector<16xf32>
      %mul3A_2237 = arith.mulf %mul3A_2236, %get3A_2213 : vector<16xf32>
      %mul3A_2238 = arith.constant 0.333333343 : f32
      %mul3A_2239 = vector.broadcast %mul3A_2238 : f32 to vector<16xf32>
      %mul3A_2240 = arith.mulf %mul3A_2239, %mul3A_2237 : vector<16xf32>
      %add3A_2241 = arith.addf %add3A_2235, %mul3A_2240 : vector<16xf32>
      %slice3A_2242 = vector.extract_strided_slice %masked_cumsum3A_2217 {offsets = [15], sizes = [1], strides = [1]} : vector<16xf32> to vector<1xf32>
      %squeeze3A_2243 = vector.extract %slice3A_2242[0] : f32 from vector<1xf32>
      %add3A_2244 = arith.constant 0.000000e+00 : f32
      %add3A_2245 = arith.addf %squeeze3A_2243, %add3A_2244 : f32
      %slice3A_2246 = vector.extract_strided_slice %masked_cumsum3A_2220 {offsets = [15], sizes = [1], strides = [1]} : vector<16xf32> to vector<1xf32>
      %squeeze3A_2247 = vector.extract %slice3A_2246[0] : f32 from vector<1xf32>
      %add3A_2248 = arith.constant 0.000000e+00 : f32
      %add3A_2249 = arith.addf %squeeze3A_2247, %add3A_2248 : f32
      %add3A_2250 = arith.constant 16 : i32
      %add3A_2251 = arith.addi %mul3A_2205, %add3A_2250 : i32
      %get3A_2252 = arith.index_cast %add3A_2251 : i32 to index
      %get3A_2253 = tpu.vector_load %arg6[%get3A_2252] {strides = array<i32>} : memref<16384xf32, #tpu.memory_space<vmem>>, vector<16xf32>,
      %get3A_2254 = arith.index_cast %add3A_2251 : i32 to index
      %get3A_2255 = tpu.vector_load %arg7[%get3A_2254] {strides = array<i32>} : memref<16384xf32, #tpu.memory_space<vmem>>, vector<16xf32>,
      %get3A_2256 = arith.index_cast %add3A_2251 : i32 to index
      %get3A_2257 = tpu.vector_load %arg8[%get3A_2256] {strides = array<i32>} : memref<16384xf32, #tpu.memory_space<vmem>>, vector<16xf32>,
      %mul3A_2258 = arith.mulf %get3A_2253, %get3A_2255 : vector<16xf32>
      %broadcast_in_dim3A_2259 = arith.constant true
      %broadcast_in_dim3A_2260 = vector.broadcast %broadcast_in_dim3A_2259 : i1 to vector<16xi1>
      %masked_cumsum3A_2261 = tpu.scan <sum>, %get3A_2253 masked %broadcast_in_dim3A_2260 : vector<16xf32>, vector<16xi1> -> vector<16xf32>
      %broadcast_in_dim3A_2262 = arith.constant true
      %broadcast_in_dim3A_2263 = vector.broadcast %broadcast_in_dim3A_2262 : i1 to vector<16xi1>
      %masked_cumsum3A_2264 = tpu.scan <sum>, %mul3A_2258 masked %broadcast_in_dim3A_2263 : vector<16xf32>, vector<16xi1> -> vector<16xf32>
      %sub3A_2265 = arith.subf %masked_cumsum3A_2261, %get3A_2253 : vector<16xf32>
      %add3A_2266 = vector.broadcast %add3A_2245 : f32 to vector<16xf32>
      %add3A_2267 = arith.addf %sub3A_2265, %add3A_2266 : vector<16xf32>
      %sub3A_2268 = arith.subf %masked_cumsum3A_2264, %mul3A_2258 : vector<16xf32>
      %add3A_2269 = vector.broadcast %add3A_2249 : f32 to vector<16xf32>
      %add3A_2270 = arith.addf %sub3A_2268, %add3A_2269 : vector<16xf32>
      %mul3A_2271 = arith.constant 2.000000e+00 : f32
      %mul3A_2272 = vector.broadcast %mul3A_2271 : f32 to vector<16xf32>
      %mul3A_2273 = arith.mulf %mul3A_2272, %get3A_2253 : vector<16xf32>
      %mul3A_2274 = arith.mulf %get3A_2255, %add3A_2267 : vector<16xf32>
      %sub3A_2275 = arith.subf %mul3A_2274, %add3A_2270 : vector<16xf32>
      %mul3A_2276 = arith.mulf %mul3A_2273, %sub3A_2275 : vector<16xf32>
      %add3A_2277 = arith.addf %add3A_2241, %mul3A_2276 : vector<16xf32>
      %mul3A_2278 = arith.mulf %get3A_2253, %get3A_2253 : vector<16xf32>
      %mul3A_2279 = arith.mulf %mul3A_2278, %get3A_2257 : vector<16xf32>
      %mul3A_2280 = arith.constant 0.333333343 : f32
      %mul3A_2281 = vector.broadcast %mul3A_2280 : f32 to vector<16xf32>
      %mul3A_2282 = arith.mulf %mul3A_2281, %mul3A_2279 : vector<16xf32>
      %add3A_2283 = arith.addf %add3A_2277, %mul3A_2282 : vector<16xf32>
      %slice3A_2284 = vector.extract_strided_slice %masked_cumsum3A_2261 {offsets = [15], sizes = [1], strides = [1]} : vector<16xf32> to vector<1xf32>
      %squeeze3A_2285 = vector.extract %slice3A_2284[0] : f32 from vector<1xf32>
      %add3A_2286 = arith.addf %squeeze3A_2285, %add3A_2245 : f32
      %slice3A_2287 = vector.extract_strided_slice %masked_cumsum3A_2264 {offsets = [15], sizes = [1], strides = [1]} : vector<16xf32> to vector<1xf32>
      %squeeze3A_2288 = vector.extract %slice3A_2287[0] : f32 from vector<1xf32>
      %add3A_2289 = arith.addf %squeeze3A_2288, %add3A_2249 : f32
      %add3A_2290 = arith.constant 32 : i32
      %add3A_2291 = arith.addi %mul3A_2205, %add3A_2290 : i32
      %get3A_2292 = arith.index_cast %add3A_2291 : i32 to index
      %get3A_2293 = tpu.vector_load %arg6[%get3A_2292] {strides = array<i32>} : memref<16384xf32, #tpu.memory_space<vmem>>, vector<16xf32>,
      %get3A_2294 = arith.index_cast %add3A_2291 : i32 to index
      %get3A_2295 = tpu.vector_load %arg7[%get3A_2294] {strides = array<i32>} : memref<16384xf32, #tpu.memory_space<vmem>>, vector<16xf32>,
      %get3A_2296 = arith.index_cast %add3A_2291 : i32 to index
      %get3A_2297 = tpu.vector_load %arg8[%get3A_2296] {strides = array<i32>} : memref<16384xf32, #tpu.memory_space<vmem>>, vector<16xf32>,
      %mul3A_2298 = arith.mulf %get3A_2293, %get3A_2295 : vector<16xf32>
      %broadcast_in_dim3A_2299 = arith.constant true
      %broadcast_in_dim3A_2300 = vector.broadcast %broadcast_in_dim3A_2299 : i1 to vector<16xi1>
      %masked_cumsum3A_2301 = tpu.scan <sum>, %get3A_2293 masked %broadcast_in_dim3A_2300 : vector<16xf32>, vector<16xi1> -> vector<16xf32>
      %broadcast_in_dim3A_2302 = arith.constant true
      %broadcast_in_dim3A_2303 = vector.broadcast %broadcast_in_dim3A_2302 : i1 to vector<16xi1>
      %masked_cumsum3A_2304 = tpu.scan <sum>, %mul3A_2298 masked %broadcast_in_dim3A_2303 : vector<16xf32>, vector<16xi1> -> vector<16xf32>
      %sub3A_2305 = arith.subf %masked_cumsum3A_2301, %get3A_2293 : vector<16xf32>
      %add3A_2306 = vector.broadcast %add3A_2286 : f32 to vector<16xf32>
      %add3A_2307 = arith.addf %sub3A_2305, %add3A_2306 : vector<16xf32>
      %sub3A_2308 = arith.subf %masked_cumsum3A_2304, %mul3A_2298 : vector<16xf32>
      %add3A_2309 = vector.broadcast %add3A_2289 : f32 to vector<16xf32>
      %add3A_2310 = arith.addf %sub3A_2308, %add3A_2309 : vector<16xf32>
      %mul3A_2311 = arith.constant 2.000000e+00 : f32
      %mul3A_2312 = vector.broadcast %mul3A_2311 : f32 to vector<16xf32>
      %mul3A_2313 = arith.mulf %mul3A_2312, %get3A_2293 : vector<16xf32>
      %mul3A_2314 = arith.mulf %get3A_2295, %add3A_2307 : vector<16xf32>
      %sub3A_2315 = arith.subf %mul3A_2314, %add3A_2310 : vector<16xf32>
      %mul3A_2316 = arith.mulf %mul3A_2313, %sub3A_2315 : vector<16xf32>
      %add3A_2317 = arith.addf %add3A_2283, %mul3A_2316 : vector<16xf32>
      %mul3A_2318 = arith.mulf %get3A_2293, %get3A_2293 : vector<16xf32>
      %mul3A_2319 = arith.mulf %mul3A_2318, %get3A_2297 : vector<16xf32>
      %mul3A_2320 = arith.constant 0.333333343 : f32
      %mul3A_2321 = vector.broadcast %mul3A_2320 : f32 to vector<16xf32>
      %mul3A_2322 = arith.mulf %mul3A_2321, %mul3A_2319 : vector<16xf32>
      %add3A_2323 = arith.addf %add3A_2317, %mul3A_2322 : vector<16xf32>
      %slice3A_2324 = vector.extract_strided_slice %masked_cumsum3A_2301 {offsets = [15], sizes = [1], strides = [1]} : vector<16xf32> to vector<1xf32>
      %squeeze3A_2325 = vector.extract %slice3A_2324[0] : f32 from vector<1xf32>
      %add3A_2326 = arith.addf %squeeze3A_2325, %add3A_2286 : f32
      %slice3A_2327 = vector.extract_strided_slice %masked_cumsum3A_2304 {offsets = [15], sizes = [1], strides = [1]} : vector<16xf32> to vector<1xf32>
      %squeeze3A_2328 = vector.extract %slice3A_2327[0] : f32 from vector<1xf32>
      %add3A_2329 = arith.addf %squeeze3A_2328, %add3A_2289 : f32
      %add3A_2330 = arith.constant 48 : i32
      %add3A_2331 = arith.addi %mul3A_2205, %add3A_2330 : i32
      %get3A_2332 = arith.index_cast %add3A_2331 : i32 to index
      %get3A_2333 = tpu.vector_load %arg6[%get3A_2332] {strides = array<i32>} : memref<16384xf32, #tpu.memory_space<vmem>>, vector<16xf32>,
      %get3A_2334 = arith.index_cast %add3A_2331 : i32 to index
      %get3A_2335 = tpu.vector_load %arg7[%get3A_2334] {strides = array<i32>} : memref<16384xf32, #tpu.memory_space<vmem>>, vector<16xf32>,
      %get3A_2336 = arith.index_cast %add3A_2331 : i32 to index
      %get3A_2337 = tpu.vector_load %arg8[%get3A_2336] {strides = array<i32>} : memref<16384xf32, #tpu.memory_space<vmem>>, vector<16xf32>,
      %mul3A_2338 = arith.mulf %get3A_2333, %get3A_2335 : vector<16xf32>
      %broadcast_in_dim3A_2339 = arith.constant true
      %broadcast_in_dim3A_2340 = vector.broadcast %broadcast_in_dim3A_2339 : i1 to vector<16xi1>
      %masked_cumsum3A_2341 = tpu.scan <sum>, %get3A_2333 masked %broadcast_in_dim3A_2340 : vector<16xf32>, vector<16xi1> -> vector<16xf32>
      %broadcast_in_dim3A_2342 = arith.constant true
      %broadcast_in_dim3A_2343 = vector.broadcast %broadcast_in_dim3A_2342 : i1 to vector<16xi1>
      %masked_cumsum3A_2344 = tpu.scan <sum>, %mul3A_2338 masked %broadcast_in_dim3A_2343 : vector<16xf32>, vector<16xi1> -> vector<16xf32>
      %sub3A_2345 = arith.subf %masked_cumsum3A_2341, %get3A_2333 : vector<16xf32>
      %add3A_2346 = vector.broadcast %add3A_2326 : f32 to vector<16xf32>
      %add3A_2347 = arith.addf %sub3A_2345, %add3A_2346 : vector<16xf32>
      %sub3A_2348 = arith.subf %masked_cumsum3A_2344, %mul3A_2338 : vector<16xf32>
      %add3A_2349 = vector.broadcast %add3A_2329 : f32 to vector<16xf32>
      %add3A_2350 = arith.addf %sub3A_2348, %add3A_2349 : vector<16xf32>
      %mul3A_2351 = arith.constant 2.000000e+00 : f32
      %mul3A_2352 = vector.broadcast %mul3A_2351 : f32 to vector<16xf32>
      %mul3A_2353 = arith.mulf %mul3A_2352, %get3A_2333 : vector<16xf32>
      %mul3A_2354 = arith.mulf %get3A_2335, %add3A_2347 : vector<16xf32>
      %sub3A_2355 = arith.subf %mul3A_2354, %add3A_2350 : vector<16xf32>
      %mul3A_2356 = arith.mulf %mul3A_2353, %sub3A_2355 : vector<16xf32>
      %add3A_2357 = arith.addf %add3A_2323, %mul3A_2356 : vector<16xf32>
      %mul3A_2358 = arith.mulf %get3A_2333, %get3A_2333 : vector<16xf32>
      %mul3A_2359 = arith.mulf %mul3A_2358, %get3A_2337 : vector<16xf32>
      %mul3A_2360 = arith.constant 0.333333343 : f32
      %mul3A_2361 = vector.broadcast %mul3A_2360 : f32 to vector<16xf32>
      %mul3A_2362 = arith.mulf %mul3A_2361, %mul3A_2359 : vector<16xf32>
      %add3A_2363 = arith.addf %add3A_2357, %mul3A_2362 : vector<16xf32>
      %slice3A_2364 = vector.extract_strided_slice %masked_cumsum3A_2341 {offsets = [15], sizes = [1], strides = [1]} : vector<16xf32> to vector<1xf32>
      %squeeze3A_2365 = vector.extract %slice3A_2364[0] : f32 from vector<1xf32>
      %add3A_2366 = arith.addf %squeeze3A_2365, %add3A_2326 : f32
      %slice3A_2367 = vector.extract_strided_slice %masked_cumsum3A_2344 {offsets = [15], sizes = [1], strides = [1]} : vector<16xf32> to vector<1xf32>
      %squeeze3A_2368 = vector.extract %slice3A_2367[0] : f32 from vector<1xf32>
      %add3A_2369 = arith.addf %squeeze3A_2368, %add3A_2329 : f32
      %reduce_sum3A_2370 = arith.constant true
      %reduce_sum3A_2371 = vector.broadcast %reduce_sum3A_2370 : i1 to vector<16xi1>
      %reduce_sum3A_2372 = tpu.scan <sum>, %add3A_2363 masked %reduce_sum3A_2371 : vector<16xf32>, vector<16xi1> -> vector<16xf32>
      %reduce_sum3A_2373 = vector.extract %reduce_sum3A_2372[15] : f32 from vector<16xf32>
      %mul3A_2374 = arith.constant 1.000000e-03 : f32
      %mul3A_2375 = arith.mulf %mul3A_2374, %reduce_sum3A_2373 : f32
      %eq3A_2376 = arith.constant 12 : i32
      %eq3A_2377 = vector.broadcast %eq3A_2376 : i32 to vector<16xi32>
      %eq3A_2378 = arith.cmpi eq, %iota3A, %eq3A_2377 : vector<16xi32>
      %add3A_2379 = vector.broadcast %mul3A_2375 : f32 to vector<16xf32>
      %add3A_2380 = arith.addf %broadcast_in_dim3A_13, %add3A_2379 : vector<16xf32>
      %select_n3A_2381 = arith.select %eq3A_2378, %add3A_2380, %select_n3A_2199 : vector<16xi1>, vector<16xf32>
      %mul3A_2382 = arith.constant 16 : i32
      %mul3A_2383 = arith.muli %scan3A_22, %mul3A_2382 : i32
      %add3A_2384 = arith.constant 13 : i32
      %add3A_2385 = arith.addi %mul3A_2383, %add3A_2384 : i32
      %mul3A_2386 = arith.constant 64 : i32
      %mul3A_2387 = arith.muli %add3A_2385, %mul3A_2386 : i32
      %add3A_2388 = arith.constant 0 : i32
      %add3A_2389 = arith.addi %mul3A_2387, %add3A_2388 : i32
      %get3A_2390 = arith.index_cast %add3A_2389 : i32 to index
      %get3A_2391 = tpu.vector_load %arg6[%get3A_2390] {strides = array<i32>} : memref<16384xf32, #tpu.memory_space<vmem>>, vector<16xf32>,
      %get3A_2392 = arith.index_cast %add3A_2389 : i32 to index
      %get3A_2393 = tpu.vector_load %arg7[%get3A_2392] {strides = array<i32>} : memref<16384xf32, #tpu.memory_space<vmem>>, vector<16xf32>,
      %get3A_2394 = arith.index_cast %add3A_2389 : i32 to index
      %get3A_2395 = tpu.vector_load %arg8[%get3A_2394] {strides = array<i32>} : memref<16384xf32, #tpu.memory_space<vmem>>, vector<16xf32>,
      %mul3A_2396 = arith.mulf %get3A_2391, %get3A_2393 : vector<16xf32>
      %broadcast_in_dim3A_2397 = arith.constant true
      %broadcast_in_dim3A_2398 = vector.broadcast %broadcast_in_dim3A_2397 : i1 to vector<16xi1>
      %masked_cumsum3A_2399 = tpu.scan <sum>, %get3A_2391 masked %broadcast_in_dim3A_2398 : vector<16xf32>, vector<16xi1> -> vector<16xf32>
      %broadcast_in_dim3A_2400 = arith.constant true
      %broadcast_in_dim3A_2401 = vector.broadcast %broadcast_in_dim3A_2400 : i1 to vector<16xi1>
      %masked_cumsum3A_2402 = tpu.scan <sum>, %mul3A_2396 masked %broadcast_in_dim3A_2401 : vector<16xf32>, vector<16xi1> -> vector<16xf32>
      %sub3A_2403 = arith.subf %masked_cumsum3A_2399, %get3A_2391 : vector<16xf32>
      %add3A_2404 = arith.constant 0.000000e+00 : f32
      %add3A_2405 = vector.broadcast %add3A_2404 : f32 to vector<16xf32>
      %add3A_2406 = arith.addf %sub3A_2403, %add3A_2405 : vector<16xf32>
      %sub3A_2407 = arith.subf %masked_cumsum3A_2402, %mul3A_2396 : vector<16xf32>
      %add3A_2408 = arith.constant 0.000000e+00 : f32
      %add3A_2409 = vector.broadcast %add3A_2408 : f32 to vector<16xf32>
      %add3A_2410 = arith.addf %sub3A_2407, %add3A_2409 : vector<16xf32>
      %mul3A_2411 = arith.constant 2.000000e+00 : f32
      %mul3A_2412 = vector.broadcast %mul3A_2411 : f32 to vector<16xf32>
      %mul3A_2413 = arith.mulf %mul3A_2412, %get3A_2391 : vector<16xf32>
      %mul3A_2414 = arith.mulf %get3A_2393, %add3A_2406 : vector<16xf32>
      %sub3A_2415 = arith.subf %mul3A_2414, %add3A_2410 : vector<16xf32>
      %mul3A_2416 = arith.mulf %mul3A_2413, %sub3A_2415 : vector<16xf32>
      %add3A_2417 = arith.addf %broadcast_in_dim3A_13, %mul3A_2416 : vector<16xf32>
      %mul3A_2418 = arith.mulf %get3A_2391, %get3A_2391 : vector<16xf32>
      %mul3A_2419 = arith.mulf %mul3A_2418, %get3A_2395 : vector<16xf32>
      %mul3A_2420 = arith.constant 0.333333343 : f32
      %mul3A_2421 = vector.broadcast %mul3A_2420 : f32 to vector<16xf32>
      %mul3A_2422 = arith.mulf %mul3A_2421, %mul3A_2419 : vector<16xf32>
      %add3A_2423 = arith.addf %add3A_2417, %mul3A_2422 : vector<16xf32>
      %slice3A_2424 = vector.extract_strided_slice %masked_cumsum3A_2399 {offsets = [15], sizes = [1], strides = [1]} : vector<16xf32> to vector<1xf32>
      %squeeze3A_2425 = vector.extract %slice3A_2424[0] : f32 from vector<1xf32>
      %add3A_2426 = arith.constant 0.000000e+00 : f32
      %add3A_2427 = arith.addf %squeeze3A_2425, %add3A_2426 : f32
      %slice3A_2428 = vector.extract_strided_slice %masked_cumsum3A_2402 {offsets = [15], sizes = [1], strides = [1]} : vector<16xf32> to vector<1xf32>
      %squeeze3A_2429 = vector.extract %slice3A_2428[0] : f32 from vector<1xf32>
      %add3A_2430 = arith.constant 0.000000e+00 : f32
      %add3A_2431 = arith.addf %squeeze3A_2429, %add3A_2430 : f32
      %add3A_2432 = arith.constant 16 : i32
      %add3A_2433 = arith.addi %mul3A_2387, %add3A_2432 : i32
      %get3A_2434 = arith.index_cast %add3A_2433 : i32 to index
      %get3A_2435 = tpu.vector_load %arg6[%get3A_2434] {strides = array<i32>} : memref<16384xf32, #tpu.memory_space<vmem>>, vector<16xf32>,
      %get3A_2436 = arith.index_cast %add3A_2433 : i32 to index
      %get3A_2437 = tpu.vector_load %arg7[%get3A_2436] {strides = array<i32>} : memref<16384xf32, #tpu.memory_space<vmem>>, vector<16xf32>,
      %get3A_2438 = arith.index_cast %add3A_2433 : i32 to index
      %get3A_2439 = tpu.vector_load %arg8[%get3A_2438] {strides = array<i32>} : memref<16384xf32, #tpu.memory_space<vmem>>, vector<16xf32>,
      %mul3A_2440 = arith.mulf %get3A_2435, %get3A_2437 : vector<16xf32>
      %broadcast_in_dim3A_2441 = arith.constant true
      %broadcast_in_dim3A_2442 = vector.broadcast %broadcast_in_dim3A_2441 : i1 to vector<16xi1>
      %masked_cumsum3A_2443 = tpu.scan <sum>, %get3A_2435 masked %broadcast_in_dim3A_2442 : vector<16xf32>, vector<16xi1> -> vector<16xf32>
      %broadcast_in_dim3A_2444 = arith.constant true
      %broadcast_in_dim3A_2445 = vector.broadcast %broadcast_in_dim3A_2444 : i1 to vector<16xi1>
      %masked_cumsum3A_2446 = tpu.scan <sum>, %mul3A_2440 masked %broadcast_in_dim3A_2445 : vector<16xf32>, vector<16xi1> -> vector<16xf32>
      %sub3A_2447 = arith.subf %masked_cumsum3A_2443, %get3A_2435 : vector<16xf32>
      %add3A_2448 = vector.broadcast %add3A_2427 : f32 to vector<16xf32>
      %add3A_2449 = arith.addf %sub3A_2447, %add3A_2448 : vector<16xf32>
      %sub3A_2450 = arith.subf %masked_cumsum3A_2446, %mul3A_2440 : vector<16xf32>
      %add3A_2451 = vector.broadcast %add3A_2431 : f32 to vector<16xf32>
      %add3A_2452 = arith.addf %sub3A_2450, %add3A_2451 : vector<16xf32>
      %mul3A_2453 = arith.constant 2.000000e+00 : f32
      %mul3A_2454 = vector.broadcast %mul3A_2453 : f32 to vector<16xf32>
      %mul3A_2455 = arith.mulf %mul3A_2454, %get3A_2435 : vector<16xf32>
      %mul3A_2456 = arith.mulf %get3A_2437, %add3A_2449 : vector<16xf32>
      %sub3A_2457 = arith.subf %mul3A_2456, %add3A_2452 : vector<16xf32>
      %mul3A_2458 = arith.mulf %mul3A_2455, %sub3A_2457 : vector<16xf32>
      %add3A_2459 = arith.addf %add3A_2423, %mul3A_2458 : vector<16xf32>
      %mul3A_2460 = arith.mulf %get3A_2435, %get3A_2435 : vector<16xf32>
      %mul3A_2461 = arith.mulf %mul3A_2460, %get3A_2439 : vector<16xf32>
      %mul3A_2462 = arith.constant 0.333333343 : f32
      %mul3A_2463 = vector.broadcast %mul3A_2462 : f32 to vector<16xf32>
      %mul3A_2464 = arith.mulf %mul3A_2463, %mul3A_2461 : vector<16xf32>
      %add3A_2465 = arith.addf %add3A_2459, %mul3A_2464 : vector<16xf32>
      %slice3A_2466 = vector.extract_strided_slice %masked_cumsum3A_2443 {offsets = [15], sizes = [1], strides = [1]} : vector<16xf32> to vector<1xf32>
      %squeeze3A_2467 = vector.extract %slice3A_2466[0] : f32 from vector<1xf32>
      %add3A_2468 = arith.addf %squeeze3A_2467, %add3A_2427 : f32
      %slice3A_2469 = vector.extract_strided_slice %masked_cumsum3A_2446 {offsets = [15], sizes = [1], strides = [1]} : vector<16xf32> to vector<1xf32>
      %squeeze3A_2470 = vector.extract %slice3A_2469[0] : f32 from vector<1xf32>
      %add3A_2471 = arith.addf %squeeze3A_2470, %add3A_2431 : f32
      %add3A_2472 = arith.constant 32 : i32
      %add3A_2473 = arith.addi %mul3A_2387, %add3A_2472 : i32
      %get3A_2474 = arith.index_cast %add3A_2473 : i32 to index
      %get3A_2475 = tpu.vector_load %arg6[%get3A_2474] {strides = array<i32>} : memref<16384xf32, #tpu.memory_space<vmem>>, vector<16xf32>,
      %get3A_2476 = arith.index_cast %add3A_2473 : i32 to index
      %get3A_2477 = tpu.vector_load %arg7[%get3A_2476] {strides = array<i32>} : memref<16384xf32, #tpu.memory_space<vmem>>, vector<16xf32>,
      %get3A_2478 = arith.index_cast %add3A_2473 : i32 to index
      %get3A_2479 = tpu.vector_load %arg8[%get3A_2478] {strides = array<i32>} : memref<16384xf32, #tpu.memory_space<vmem>>, vector<16xf32>,
      %mul3A_2480 = arith.mulf %get3A_2475, %get3A_2477 : vector<16xf32>
      %broadcast_in_dim3A_2481 = arith.constant true
      %broadcast_in_dim3A_2482 = vector.broadcast %broadcast_in_dim3A_2481 : i1 to vector<16xi1>
      %masked_cumsum3A_2483 = tpu.scan <sum>, %get3A_2475 masked %broadcast_in_dim3A_2482 : vector<16xf32>, vector<16xi1> -> vector<16xf32>
      %broadcast_in_dim3A_2484 = arith.constant true
      %broadcast_in_dim3A_2485 = vector.broadcast %broadcast_in_dim3A_2484 : i1 to vector<16xi1>
      %masked_cumsum3A_2486 = tpu.scan <sum>, %mul3A_2480 masked %broadcast_in_dim3A_2485 : vector<16xf32>, vector<16xi1> -> vector<16xf32>
      %sub3A_2487 = arith.subf %masked_cumsum3A_2483, %get3A_2475 : vector<16xf32>
      %add3A_2488 = vector.broadcast %add3A_2468 : f32 to vector<16xf32>
      %add3A_2489 = arith.addf %sub3A_2487, %add3A_2488 : vector<16xf32>
      %sub3A_2490 = arith.subf %masked_cumsum3A_2486, %mul3A_2480 : vector<16xf32>
      %add3A_2491 = vector.broadcast %add3A_2471 : f32 to vector<16xf32>
      %add3A_2492 = arith.addf %sub3A_2490, %add3A_2491 : vector<16xf32>
      %mul3A_2493 = arith.constant 2.000000e+00 : f32
      %mul3A_2494 = vector.broadcast %mul3A_2493 : f32 to vector<16xf32>
      %mul3A_2495 = arith.mulf %mul3A_2494, %get3A_2475 : vector<16xf32>
      %mul3A_2496 = arith.mulf %get3A_2477, %add3A_2489 : vector<16xf32>
      %sub3A_2497 = arith.subf %mul3A_2496, %add3A_2492 : vector<16xf32>
      %mul3A_2498 = arith.mulf %mul3A_2495, %sub3A_2497 : vector<16xf32>
      %add3A_2499 = arith.addf %add3A_2465, %mul3A_2498 : vector<16xf32>
      %mul3A_2500 = arith.mulf %get3A_2475, %get3A_2475 : vector<16xf32>
      %mul3A_2501 = arith.mulf %mul3A_2500, %get3A_2479 : vector<16xf32>
      %mul3A_2502 = arith.constant 0.333333343 : f32
      %mul3A_2503 = vector.broadcast %mul3A_2502 : f32 to vector<16xf32>
      %mul3A_2504 = arith.mulf %mul3A_2503, %mul3A_2501 : vector<16xf32>
      %add3A_2505 = arith.addf %add3A_2499, %mul3A_2504 : vector<16xf32>
      %slice3A_2506 = vector.extract_strided_slice %masked_cumsum3A_2483 {offsets = [15], sizes = [1], strides = [1]} : vector<16xf32> to vector<1xf32>
      %squeeze3A_2507 = vector.extract %slice3A_2506[0] : f32 from vector<1xf32>
      %add3A_2508 = arith.addf %squeeze3A_2507, %add3A_2468 : f32
      %slice3A_2509 = vector.extract_strided_slice %masked_cumsum3A_2486 {offsets = [15], sizes = [1], strides = [1]} : vector<16xf32> to vector<1xf32>
      %squeeze3A_2510 = vector.extract %slice3A_2509[0] : f32 from vector<1xf32>
      %add3A_2511 = arith.addf %squeeze3A_2510, %add3A_2471 : f32
      %add3A_2512 = arith.constant 48 : i32
      %add3A_2513 = arith.addi %mul3A_2387, %add3A_2512 : i32
      %get3A_2514 = arith.index_cast %add3A_2513 : i32 to index
      %get3A_2515 = tpu.vector_load %arg6[%get3A_2514] {strides = array<i32>} : memref<16384xf32, #tpu.memory_space<vmem>>, vector<16xf32>,
      %get3A_2516 = arith.index_cast %add3A_2513 : i32 to index
      %get3A_2517 = tpu.vector_load %arg7[%get3A_2516] {strides = array<i32>} : memref<16384xf32, #tpu.memory_space<vmem>>, vector<16xf32>,
      %get3A_2518 = arith.index_cast %add3A_2513 : i32 to index
      %get3A_2519 = tpu.vector_load %arg8[%get3A_2518] {strides = array<i32>} : memref<16384xf32, #tpu.memory_space<vmem>>, vector<16xf32>,
      %mul3A_2520 = arith.mulf %get3A_2515, %get3A_2517 : vector<16xf32>
      %broadcast_in_dim3A_2521 = arith.constant true
      %broadcast_in_dim3A_2522 = vector.broadcast %broadcast_in_dim3A_2521 : i1 to vector<16xi1>
      %masked_cumsum3A_2523 = tpu.scan <sum>, %get3A_2515 masked %broadcast_in_dim3A_2522 : vector<16xf32>, vector<16xi1> -> vector<16xf32>
      %broadcast_in_dim3A_2524 = arith.constant true
      %broadcast_in_dim3A_2525 = vector.broadcast %broadcast_in_dim3A_2524 : i1 to vector<16xi1>
      %masked_cumsum3A_2526 = tpu.scan <sum>, %mul3A_2520 masked %broadcast_in_dim3A_2525 : vector<16xf32>, vector<16xi1> -> vector<16xf32>
      %sub3A_2527 = arith.subf %masked_cumsum3A_2523, %get3A_2515 : vector<16xf32>
      %add3A_2528 = vector.broadcast %add3A_2508 : f32 to vector<16xf32>
      %add3A_2529 = arith.addf %sub3A_2527, %add3A_2528 : vector<16xf32>
      %sub3A_2530 = arith.subf %masked_cumsum3A_2526, %mul3A_2520 : vector<16xf32>
      %add3A_2531 = vector.broadcast %add3A_2511 : f32 to vector<16xf32>
      %add3A_2532 = arith.addf %sub3A_2530, %add3A_2531 : vector<16xf32>
      %mul3A_2533 = arith.constant 2.000000e+00 : f32
      %mul3A_2534 = vector.broadcast %mul3A_2533 : f32 to vector<16xf32>
      %mul3A_2535 = arith.mulf %mul3A_2534, %get3A_2515 : vector<16xf32>
      %mul3A_2536 = arith.mulf %get3A_2517, %add3A_2529 : vector<16xf32>
      %sub3A_2537 = arith.subf %mul3A_2536, %add3A_2532 : vector<16xf32>
      %mul3A_2538 = arith.mulf %mul3A_2535, %sub3A_2537 : vector<16xf32>
      %add3A_2539 = arith.addf %add3A_2505, %mul3A_2538 : vector<16xf32>
      %mul3A_2540 = arith.mulf %get3A_2515, %get3A_2515 : vector<16xf32>
      %mul3A_2541 = arith.mulf %mul3A_2540, %get3A_2519 : vector<16xf32>
      %mul3A_2542 = arith.constant 0.333333343 : f32
      %mul3A_2543 = vector.broadcast %mul3A_2542 : f32 to vector<16xf32>
      %mul3A_2544 = arith.mulf %mul3A_2543, %mul3A_2541 : vector<16xf32>
      %add3A_2545 = arith.addf %add3A_2539, %mul3A_2544 : vector<16xf32>
      %slice3A_2546 = vector.extract_strided_slice %masked_cumsum3A_2523 {offsets = [15], sizes = [1], strides = [1]} : vector<16xf32> to vector<1xf32>
      %squeeze3A_2547 = vector.extract %slice3A_2546[0] : f32 from vector<1xf32>
      %add3A_2548 = arith.addf %squeeze3A_2547, %add3A_2508 : f32
      %slice3A_2549 = vector.extract_strided_slice %masked_cumsum3A_2526 {offsets = [15], sizes = [1], strides = [1]} : vector<16xf32> to vector<1xf32>
      %squeeze3A_2550 = vector.extract %slice3A_2549[0] : f32 from vector<1xf32>
      %add3A_2551 = arith.addf %squeeze3A_2550, %add3A_2511 : f32
      %reduce_sum3A_2552 = arith.constant true
      %reduce_sum3A_2553 = vector.broadcast %reduce_sum3A_2552 : i1 to vector<16xi1>
      %reduce_sum3A_2554 = tpu.scan <sum>, %add3A_2545 masked %reduce_sum3A_2553 : vector<16xf32>, vector<16xi1> -> vector<16xf32>
      %reduce_sum3A_2555 = vector.extract %reduce_sum3A_2554[15] : f32 from vector<16xf32>
      %mul3A_2556 = arith.constant 1.000000e-03 : f32
      %mul3A_2557 = arith.mulf %mul3A_2556, %reduce_sum3A_2555 : f32
      %eq3A_2558 = arith.constant 13 : i32
      %eq3A_2559 = vector.broadcast %eq3A_2558 : i32 to vector<16xi32>
      %eq3A_2560 = arith.cmpi eq, %iota3A, %eq3A_2559 : vector<16xi32>
      %add3A_2561 = vector.broadcast %mul3A_2557 : f32 to vector<16xf32>
      %add3A_2562 = arith.addf %broadcast_in_dim3A_13, %add3A_2561 : vector<16xf32>
      %select_n3A_2563 = arith.select %eq3A_2560, %add3A_2562, %select_n3A_2381 : vector<16xi1>, vector<16xf32>
      %mul3A_2564 = arith.constant 16 : i32
      %mul3A_2565 = arith.muli %scan3A_22, %mul3A_2564 : i32
      %add3A_2566 = arith.constant 14 : i32
      %add3A_2567 = arith.addi %mul3A_2565, %add3A_2566 : i32
      %mul3A_2568 = arith.constant 64 : i32
      %mul3A_2569 = arith.muli %add3A_2567, %mul3A_2568 : i32
      %add3A_2570 = arith.constant 0 : i32
      %add3A_2571 = arith.addi %mul3A_2569, %add3A_2570 : i32
      %get3A_2572 = arith.index_cast %add3A_2571 : i32 to index
      %get3A_2573 = tpu.vector_load %arg6[%get3A_2572] {strides = array<i32>} : memref<16384xf32, #tpu.memory_space<vmem>>, vector<16xf32>,
      %get3A_2574 = arith.index_cast %add3A_2571 : i32 to index
      %get3A_2575 = tpu.vector_load %arg7[%get3A_2574] {strides = array<i32>} : memref<16384xf32, #tpu.memory_space<vmem>>, vector<16xf32>,
      %get3A_2576 = arith.index_cast %add3A_2571 : i32 to index
      %get3A_2577 = tpu.vector_load %arg8[%get3A_2576] {strides = array<i32>} : memref<16384xf32, #tpu.memory_space<vmem>>, vector<16xf32>,
      %mul3A_2578 = arith.mulf %get3A_2573, %get3A_2575 : vector<16xf32>
      %broadcast_in_dim3A_2579 = arith.constant true
      %broadcast_in_dim3A_2580 = vector.broadcast %broadcast_in_dim3A_2579 : i1 to vector<16xi1>
      %masked_cumsum3A_2581 = tpu.scan <sum>, %get3A_2573 masked %broadcast_in_dim3A_2580 : vector<16xf32>, vector<16xi1> -> vector<16xf32>
      %broadcast_in_dim3A_2582 = arith.constant true
      %broadcast_in_dim3A_2583 = vector.broadcast %broadcast_in_dim3A_2582 : i1 to vector<16xi1>
      %masked_cumsum3A_2584 = tpu.scan <sum>, %mul3A_2578 masked %broadcast_in_dim3A_2583 : vector<16xf32>, vector<16xi1> -> vector<16xf32>
      %sub3A_2585 = arith.subf %masked_cumsum3A_2581, %get3A_2573 : vector<16xf32>
      %add3A_2586 = arith.constant 0.000000e+00 : f32
      %add3A_2587 = vector.broadcast %add3A_2586 : f32 to vector<16xf32>
      %add3A_2588 = arith.addf %sub3A_2585, %add3A_2587 : vector<16xf32>
      %sub3A_2589 = arith.subf %masked_cumsum3A_2584, %mul3A_2578 : vector<16xf32>
      %add3A_2590 = arith.constant 0.000000e+00 : f32
      %add3A_2591 = vector.broadcast %add3A_2590 : f32 to vector<16xf32>
      %add3A_2592 = arith.addf %sub3A_2589, %add3A_2591 : vector<16xf32>
      %mul3A_2593 = arith.constant 2.000000e+00 : f32
      %mul3A_2594 = vector.broadcast %mul3A_2593 : f32 to vector<16xf32>
      %mul3A_2595 = arith.mulf %mul3A_2594, %get3A_2573 : vector<16xf32>
      %mul3A_2596 = arith.mulf %get3A_2575, %add3A_2588 : vector<16xf32>
      %sub3A_2597 = arith.subf %mul3A_2596, %add3A_2592 : vector<16xf32>
      %mul3A_2598 = arith.mulf %mul3A_2595, %sub3A_2597 : vector<16xf32>
      %add3A_2599 = arith.addf %broadcast_in_dim3A_13, %mul3A_2598 : vector<16xf32>
      %mul3A_2600 = arith.mulf %get3A_2573, %get3A_2573 : vector<16xf32>
      %mul3A_2601 = arith.mulf %mul3A_2600, %get3A_2577 : vector<16xf32>
      %mul3A_2602 = arith.constant 0.333333343 : f32
      %mul3A_2603 = vector.broadcast %mul3A_2602 : f32 to vector<16xf32>
      %mul3A_2604 = arith.mulf %mul3A_2603, %mul3A_2601 : vector<16xf32>
      %add3A_2605 = arith.addf %add3A_2599, %mul3A_2604 : vector<16xf32>
      %slice3A_2606 = vector.extract_strided_slice %masked_cumsum3A_2581 {offsets = [15], sizes = [1], strides = [1]} : vector<16xf32> to vector<1xf32>
      %squeeze3A_2607 = vector.extract %slice3A_2606[0] : f32 from vector<1xf32>
      %add3A_2608 = arith.constant 0.000000e+00 : f32
      %add3A_2609 = arith.addf %squeeze3A_2607, %add3A_2608 : f32
      %slice3A_2610 = vector.extract_strided_slice %masked_cumsum3A_2584 {offsets = [15], sizes = [1], strides = [1]} : vector<16xf32> to vector<1xf32>
      %squeeze3A_2611 = vector.extract %slice3A_2610[0] : f32 from vector<1xf32>
      %add3A_2612 = arith.constant 0.000000e+00 : f32
      %add3A_2613 = arith.addf %squeeze3A_2611, %add3A_2612 : f32
      %add3A_2614 = arith.constant 16 : i32
      %add3A_2615 = arith.addi %mul3A_2569, %add3A_2614 : i32
      %get3A_2616 = arith.index_cast %add3A_2615 : i32 to index
      %get3A_2617 = tpu.vector_load %arg6[%get3A_2616] {strides = array<i32>} : memref<16384xf32, #tpu.memory_space<vmem>>, vector<16xf32>,
      %get3A_2618 = arith.index_cast %add3A_2615 : i32 to index
      %get3A_2619 = tpu.vector_load %arg7[%get3A_2618] {strides = array<i32>} : memref<16384xf32, #tpu.memory_space<vmem>>, vector<16xf32>,
      %get3A_2620 = arith.index_cast %add3A_2615 : i32 to index
      %get3A_2621 = tpu.vector_load %arg8[%get3A_2620] {strides = array<i32>} : memref<16384xf32, #tpu.memory_space<vmem>>, vector<16xf32>,
      %mul3A_2622 = arith.mulf %get3A_2617, %get3A_2619 : vector<16xf32>
      %broadcast_in_dim3A_2623 = arith.constant true
      %broadcast_in_dim3A_2624 = vector.broadcast %broadcast_in_dim3A_2623 : i1 to vector<16xi1>
      %masked_cumsum3A_2625 = tpu.scan <sum>, %get3A_2617 masked %broadcast_in_dim3A_2624 : vector<16xf32>, vector<16xi1> -> vector<16xf32>
      %broadcast_in_dim3A_2626 = arith.constant true
      %broadcast_in_dim3A_2627 = vector.broadcast %broadcast_in_dim3A_2626 : i1 to vector<16xi1>
      %masked_cumsum3A_2628 = tpu.scan <sum>, %mul3A_2622 masked %broadcast_in_dim3A_2627 : vector<16xf32>, vector<16xi1> -> vector<16xf32>
      %sub3A_2629 = arith.subf %masked_cumsum3A_2625, %get3A_2617 : vector<16xf32>
      %add3A_2630 = vector.broadcast %add3A_2609 : f32 to vector<16xf32>
      %add3A_2631 = arith.addf %sub3A_2629, %add3A_2630 : vector<16xf32>
      %sub3A_2632 = arith.subf %masked_cumsum3A_2628, %mul3A_2622 : vector<16xf32>
      %add3A_2633 = vector.broadcast %add3A_2613 : f32 to vector<16xf32>
      %add3A_2634 = arith.addf %sub3A_2632, %add3A_2633 : vector<16xf32>
      %mul3A_2635 = arith.constant 2.000000e+00 : f32
      %mul3A_2636 = vector.broadcast %mul3A_2635 : f32 to vector<16xf32>
      %mul3A_2637 = arith.mulf %mul3A_2636, %get3A_2617 : vector<16xf32>
      %mul3A_2638 = arith.mulf %get3A_2619, %add3A_2631 : vector<16xf32>
      %sub3A_2639 = arith.subf %mul3A_2638, %add3A_2634 : vector<16xf32>
      %mul3A_2640 = arith.mulf %mul3A_2637, %sub3A_2639 : vector<16xf32>
      %add3A_2641 = arith.addf %add3A_2605, %mul3A_2640 : vector<16xf32>
      %mul3A_2642 = arith.mulf %get3A_2617, %get3A_2617 : vector<16xf32>
      %mul3A_2643 = arith.mulf %mul3A_2642, %get3A_2621 : vector<16xf32>
      %mul3A_2644 = arith.constant 0.333333343 : f32
      %mul3A_2645 = vector.broadcast %mul3A_2644 : f32 to vector<16xf32>
      %mul3A_2646 = arith.mulf %mul3A_2645, %mul3A_2643 : vector<16xf32>
      %add3A_2647 = arith.addf %add3A_2641, %mul3A_2646 : vector<16xf32>
      %slice3A_2648 = vector.extract_strided_slice %masked_cumsum3A_2625 {offsets = [15], sizes = [1], strides = [1]} : vector<16xf32> to vector<1xf32>
      %squeeze3A_2649 = vector.extract %slice3A_2648[0] : f32 from vector<1xf32>
      %add3A_2650 = arith.addf %squeeze3A_2649, %add3A_2609 : f32
      %slice3A_2651 = vector.extract_strided_slice %masked_cumsum3A_2628 {offsets = [15], sizes = [1], strides = [1]} : vector<16xf32> to vector<1xf32>
      %squeeze3A_2652 = vector.extract %slice3A_2651[0] : f32 from vector<1xf32>
      %add3A_2653 = arith.addf %squeeze3A_2652, %add3A_2613 : f32
      %add3A_2654 = arith.constant 32 : i32
      %add3A_2655 = arith.addi %mul3A_2569, %add3A_2654 : i32
      %get3A_2656 = arith.index_cast %add3A_2655 : i32 to index
      %get3A_2657 = tpu.vector_load %arg6[%get3A_2656] {strides = array<i32>} : memref<16384xf32, #tpu.memory_space<vmem>>, vector<16xf32>,
      %get3A_2658 = arith.index_cast %add3A_2655 : i32 to index
      %get3A_2659 = tpu.vector_load %arg7[%get3A_2658] {strides = array<i32>} : memref<16384xf32, #tpu.memory_space<vmem>>, vector<16xf32>,
      %get3A_2660 = arith.index_cast %add3A_2655 : i32 to index
      %get3A_2661 = tpu.vector_load %arg8[%get3A_2660] {strides = array<i32>} : memref<16384xf32, #tpu.memory_space<vmem>>, vector<16xf32>,
      %mul3A_2662 = arith.mulf %get3A_2657, %get3A_2659 : vector<16xf32>
      %broadcast_in_dim3A_2663 = arith.constant true
      %broadcast_in_dim3A_2664 = vector.broadcast %broadcast_in_dim3A_2663 : i1 to vector<16xi1>
      %masked_cumsum3A_2665 = tpu.scan <sum>, %get3A_2657 masked %broadcast_in_dim3A_2664 : vector<16xf32>, vector<16xi1> -> vector<16xf32>
      %broadcast_in_dim3A_2666 = arith.constant true
      %broadcast_in_dim3A_2667 = vector.broadcast %broadcast_in_dim3A_2666 : i1 to vector<16xi1>
      %masked_cumsum3A_2668 = tpu.scan <sum>, %mul3A_2662 masked %broadcast_in_dim3A_2667 : vector<16xf32>, vector<16xi1> -> vector<16xf32>
      %sub3A_2669 = arith.subf %masked_cumsum3A_2665, %get3A_2657 : vector<16xf32>
      %add3A_2670 = vector.broadcast %add3A_2650 : f32 to vector<16xf32>
      %add3A_2671 = arith.addf %sub3A_2669, %add3A_2670 : vector<16xf32>
      %sub3A_2672 = arith.subf %masked_cumsum3A_2668, %mul3A_2662 : vector<16xf32>
      %add3A_2673 = vector.broadcast %add3A_2653 : f32 to vector<16xf32>
      %add3A_2674 = arith.addf %sub3A_2672, %add3A_2673 : vector<16xf32>
      %mul3A_2675 = arith.constant 2.000000e+00 : f32
      %mul3A_2676 = vector.broadcast %mul3A_2675 : f32 to vector<16xf32>
      %mul3A_2677 = arith.mulf %mul3A_2676, %get3A_2657 : vector<16xf32>
      %mul3A_2678 = arith.mulf %get3A_2659, %add3A_2671 : vector<16xf32>
      %sub3A_2679 = arith.subf %mul3A_2678, %add3A_2674 : vector<16xf32>
      %mul3A_2680 = arith.mulf %mul3A_2677, %sub3A_2679 : vector<16xf32>
      %add3A_2681 = arith.addf %add3A_2647, %mul3A_2680 : vector<16xf32>
      %mul3A_2682 = arith.mulf %get3A_2657, %get3A_2657 : vector<16xf32>
      %mul3A_2683 = arith.mulf %mul3A_2682, %get3A_2661 : vector<16xf32>
      %mul3A_2684 = arith.constant 0.333333343 : f32
      %mul3A_2685 = vector.broadcast %mul3A_2684 : f32 to vector<16xf32>
      %mul3A_2686 = arith.mulf %mul3A_2685, %mul3A_2683 : vector<16xf32>
      %add3A_2687 = arith.addf %add3A_2681, %mul3A_2686 : vector<16xf32>
      %slice3A_2688 = vector.extract_strided_slice %masked_cumsum3A_2665 {offsets = [15], sizes = [1], strides = [1]} : vector<16xf32> to vector<1xf32>
      %squeeze3A_2689 = vector.extract %slice3A_2688[0] : f32 from vector<1xf32>
      %add3A_2690 = arith.addf %squeeze3A_2689, %add3A_2650 : f32
      %slice3A_2691 = vector.extract_strided_slice %masked_cumsum3A_2668 {offsets = [15], sizes = [1], strides = [1]} : vector<16xf32> to vector<1xf32>
      %squeeze3A_2692 = vector.extract %slice3A_2691[0] : f32 from vector<1xf32>
      %add3A_2693 = arith.addf %squeeze3A_2692, %add3A_2653 : f32
      %add3A_2694 = arith.constant 48 : i32
      %add3A_2695 = arith.addi %mul3A_2569, %add3A_2694 : i32
      %get3A_2696 = arith.index_cast %add3A_2695 : i32 to index
      %get3A_2697 = tpu.vector_load %arg6[%get3A_2696] {strides = array<i32>} : memref<16384xf32, #tpu.memory_space<vmem>>, vector<16xf32>,
      %get3A_2698 = arith.index_cast %add3A_2695 : i32 to index
      %get3A_2699 = tpu.vector_load %arg7[%get3A_2698] {strides = array<i32>} : memref<16384xf32, #tpu.memory_space<vmem>>, vector<16xf32>,
      %get3A_2700 = arith.index_cast %add3A_2695 : i32 to index
      %get3A_2701 = tpu.vector_load %arg8[%get3A_2700] {strides = array<i32>} : memref<16384xf32, #tpu.memory_space<vmem>>, vector<16xf32>,
      %mul3A_2702 = arith.mulf %get3A_2697, %get3A_2699 : vector<16xf32>
      %broadcast_in_dim3A_2703 = arith.constant true
      %broadcast_in_dim3A_2704 = vector.broadcast %broadcast_in_dim3A_2703 : i1 to vector<16xi1>
      %masked_cumsum3A_2705 = tpu.scan <sum>, %get3A_2697 masked %broadcast_in_dim3A_2704 : vector<16xf32>, vector<16xi1> -> vector<16xf32>
      %broadcast_in_dim3A_2706 = arith.constant true
      %broadcast_in_dim3A_2707 = vector.broadcast %broadcast_in_dim3A_2706 : i1 to vector<16xi1>
      %masked_cumsum3A_2708 = tpu.scan <sum>, %mul3A_2702 masked %broadcast_in_dim3A_2707 : vector<16xf32>, vector<16xi1> -> vector<16xf32>
      %sub3A_2709 = arith.subf %masked_cumsum3A_2705, %get3A_2697 : vector<16xf32>
      %add3A_2710 = vector.broadcast %add3A_2690 : f32 to vector<16xf32>
      %add3A_2711 = arith.addf %sub3A_2709, %add3A_2710 : vector<16xf32>
      %sub3A_2712 = arith.subf %masked_cumsum3A_2708, %mul3A_2702 : vector<16xf32>
      %add3A_2713 = vector.broadcast %add3A_2693 : f32 to vector<16xf32>
      %add3A_2714 = arith.addf %sub3A_2712, %add3A_2713 : vector<16xf32>
      %mul3A_2715 = arith.constant 2.000000e+00 : f32
      %mul3A_2716 = vector.broadcast %mul3A_2715 : f32 to vector<16xf32>
      %mul3A_2717 = arith.mulf %mul3A_2716, %get3A_2697 : vector<16xf32>
      %mul3A_2718 = arith.mulf %get3A_2699, %add3A_2711 : vector<16xf32>
      %sub3A_2719 = arith.subf %mul3A_2718, %add3A_2714 : vector<16xf32>
      %mul3A_2720 = arith.mulf %mul3A_2717, %sub3A_2719 : vector<16xf32>
      %add3A_2721 = arith.addf %add3A_2687, %mul3A_2720 : vector<16xf32>
      %mul3A_2722 = arith.mulf %get3A_2697, %get3A_2697 : vector<16xf32>
      %mul3A_2723 = arith.mulf %mul3A_2722, %get3A_2701 : vector<16xf32>
      %mul3A_2724 = arith.constant 0.333333343 : f32
      %mul3A_2725 = vector.broadcast %mul3A_2724 : f32 to vector<16xf32>
      %mul3A_2726 = arith.mulf %mul3A_2725, %mul3A_2723 : vector<16xf32>
      %add3A_2727 = arith.addf %add3A_2721, %mul3A_2726 : vector<16xf32>
      %slice3A_2728 = vector.extract_strided_slice %masked_cumsum3A_2705 {offsets = [15], sizes = [1], strides = [1]} : vector<16xf32> to vector<1xf32>
      %squeeze3A_2729 = vector.extract %slice3A_2728[0] : f32 from vector<1xf32>
      %add3A_2730 = arith.addf %squeeze3A_2729, %add3A_2690 : f32
      %slice3A_2731 = vector.extract_strided_slice %masked_cumsum3A_2708 {offsets = [15], sizes = [1], strides = [1]} : vector<16xf32> to vector<1xf32>
      %squeeze3A_2732 = vector.extract %slice3A_2731[0] : f32 from vector<1xf32>
      %add3A_2733 = arith.addf %squeeze3A_2732, %add3A_2693 : f32
      %reduce_sum3A_2734 = arith.constant true
      %reduce_sum3A_2735 = vector.broadcast %reduce_sum3A_2734 : i1 to vector<16xi1>
      %reduce_sum3A_2736 = tpu.scan <sum>, %add3A_2727 masked %reduce_sum3A_2735 : vector<16xf32>, vector<16xi1> -> vector<16xf32>
      %reduce_sum3A_2737 = vector.extract %reduce_sum3A_2736[15] : f32 from vector<16xf32>
      %mul3A_2738 = arith.constant 1.000000e-03 : f32
      %mul3A_2739 = arith.mulf %mul3A_2738, %reduce_sum3A_2737 : f32
      %eq3A_2740 = arith.constant 14 : i32
      %eq3A_2741 = vector.broadcast %eq3A_2740 : i32 to vector<16xi32>
      %eq3A_2742 = arith.cmpi eq, %iota3A, %eq3A_2741 : vector<16xi32>
      %add3A_2743 = vector.broadcast %mul3A_2739 : f32 to vector<16xf32>
      %add3A_2744 = arith.addf %broadcast_in_dim3A_13, %add3A_2743 : vector<16xf32>
      %select_n3A_2745 = arith.select %eq3A_2742, %add3A_2744, %select_n3A_2563 : vector<16xi1>, vector<16xf32>
      %mul3A_2746 = arith.constant 16 : i32
      %mul3A_2747 = arith.muli %scan3A_22, %mul3A_2746 : i32
      %add3A_2748 = arith.constant 15 : i32
      %add3A_2749 = arith.addi %mul3A_2747, %add3A_2748 : i32
      %mul3A_2750 = arith.constant 64 : i32
      %mul3A_2751 = arith.muli %add3A_2749, %mul3A_2750 : i32
      %add3A_2752 = arith.constant 0 : i32
      %add3A_2753 = arith.addi %mul3A_2751, %add3A_2752 : i32
      %get3A_2754 = arith.index_cast %add3A_2753 : i32 to index
      %get3A_2755 = tpu.vector_load %arg6[%get3A_2754] {strides = array<i32>} : memref<16384xf32, #tpu.memory_space<vmem>>, vector<16xf32>,
      %get3A_2756 = arith.index_cast %add3A_2753 : i32 to index
      %get3A_2757 = tpu.vector_load %arg7[%get3A_2756] {strides = array<i32>} : memref<16384xf32, #tpu.memory_space<vmem>>, vector<16xf32>,
      %get3A_2758 = arith.index_cast %add3A_2753 : i32 to index
      %get3A_2759 = tpu.vector_load %arg8[%get3A_2758] {strides = array<i32>} : memref<16384xf32, #tpu.memory_space<vmem>>, vector<16xf32>,
      %mul3A_2760 = arith.mulf %get3A_2755, %get3A_2757 : vector<16xf32>
      %broadcast_in_dim3A_2761 = arith.constant true
      %broadcast_in_dim3A_2762 = vector.broadcast %broadcast_in_dim3A_2761 : i1 to vector<16xi1>
      %masked_cumsum3A_2763 = tpu.scan <sum>, %get3A_2755 masked %broadcast_in_dim3A_2762 : vector<16xf32>, vector<16xi1> -> vector<16xf32>
      %broadcast_in_dim3A_2764 = arith.constant true
      %broadcast_in_dim3A_2765 = vector.broadcast %broadcast_in_dim3A_2764 : i1 to vector<16xi1>
      %masked_cumsum3A_2766 = tpu.scan <sum>, %mul3A_2760 masked %broadcast_in_dim3A_2765 : vector<16xf32>, vector<16xi1> -> vector<16xf32>
      %sub3A_2767 = arith.subf %masked_cumsum3A_2763, %get3A_2755 : vector<16xf32>
      %add3A_2768 = arith.constant 0.000000e+00 : f32
      %add3A_2769 = vector.broadcast %add3A_2768 : f32 to vector<16xf32>
      %add3A_2770 = arith.addf %sub3A_2767, %add3A_2769 : vector<16xf32>
      %sub3A_2771 = arith.subf %masked_cumsum3A_2766, %mul3A_2760 : vector<16xf32>
      %add3A_2772 = arith.constant 0.000000e+00 : f32
      %add3A_2773 = vector.broadcast %add3A_2772 : f32 to vector<16xf32>
      %add3A_2774 = arith.addf %sub3A_2771, %add3A_2773 : vector<16xf32>
      %mul3A_2775 = arith.constant 2.000000e+00 : f32
      %mul3A_2776 = vector.broadcast %mul3A_2775 : f32 to vector<16xf32>
      %mul3A_2777 = arith.mulf %mul3A_2776, %get3A_2755 : vector<16xf32>
      %mul3A_2778 = arith.mulf %get3A_2757, %add3A_2770 : vector<16xf32>
      %sub3A_2779 = arith.subf %mul3A_2778, %add3A_2774 : vector<16xf32>
      %mul3A_2780 = arith.mulf %mul3A_2777, %sub3A_2779 : vector<16xf32>
      %add3A_2781 = arith.addf %broadcast_in_dim3A_13, %mul3A_2780 : vector<16xf32>
      %mul3A_2782 = arith.mulf %get3A_2755, %get3A_2755 : vector<16xf32>
      %mul3A_2783 = arith.mulf %mul3A_2782, %get3A_2759 : vector<16xf32>
      %mul3A_2784 = arith.constant 0.333333343 : f32
      %mul3A_2785 = vector.broadcast %mul3A_2784 : f32 to vector<16xf32>
      %mul3A_2786 = arith.mulf %mul3A_2785, %mul3A_2783 : vector<16xf32>
      %add3A_2787 = arith.addf %add3A_2781, %mul3A_2786 : vector<16xf32>
      %slice3A_2788 = vector.extract_strided_slice %masked_cumsum3A_2763 {offsets = [15], sizes = [1], strides = [1]} : vector<16xf32> to vector<1xf32>
      %squeeze3A_2789 = vector.extract %slice3A_2788[0] : f32 from vector<1xf32>
      %add3A_2790 = arith.constant 0.000000e+00 : f32
      %add3A_2791 = arith.addf %squeeze3A_2789, %add3A_2790 : f32
      %slice3A_2792 = vector.extract_strided_slice %masked_cumsum3A_2766 {offsets = [15], sizes = [1], strides = [1]} : vector<16xf32> to vector<1xf32>
      %squeeze3A_2793 = vector.extract %slice3A_2792[0] : f32 from vector<1xf32>
      %add3A_2794 = arith.constant 0.000000e+00 : f32
      %add3A_2795 = arith.addf %squeeze3A_2793, %add3A_2794 : f32
      %add3A_2796 = arith.constant 16 : i32
      %add3A_2797 = arith.addi %mul3A_2751, %add3A_2796 : i32
      %get3A_2798 = arith.index_cast %add3A_2797 : i32 to index
      %get3A_2799 = tpu.vector_load %arg6[%get3A_2798] {strides = array<i32>} : memref<16384xf32, #tpu.memory_space<vmem>>, vector<16xf32>,
      %get3A_2800 = arith.index_cast %add3A_2797 : i32 to index
      %get3A_2801 = tpu.vector_load %arg7[%get3A_2800] {strides = array<i32>} : memref<16384xf32, #tpu.memory_space<vmem>>, vector<16xf32>,
      %get3A_2802 = arith.index_cast %add3A_2797 : i32 to index
      %get3A_2803 = tpu.vector_load %arg8[%get3A_2802] {strides = array<i32>} : memref<16384xf32, #tpu.memory_space<vmem>>, vector<16xf32>,
      %mul3A_2804 = arith.mulf %get3A_2799, %get3A_2801 : vector<16xf32>
      %broadcast_in_dim3A_2805 = arith.constant true
      %broadcast_in_dim3A_2806 = vector.broadcast %broadcast_in_dim3A_2805 : i1 to vector<16xi1>
      %masked_cumsum3A_2807 = tpu.scan <sum>, %get3A_2799 masked %broadcast_in_dim3A_2806 : vector<16xf32>, vector<16xi1> -> vector<16xf32>
      %broadcast_in_dim3A_2808 = arith.constant true
      %broadcast_in_dim3A_2809 = vector.broadcast %broadcast_in_dim3A_2808 : i1 to vector<16xi1>
      %masked_cumsum3A_2810 = tpu.scan <sum>, %mul3A_2804 masked %broadcast_in_dim3A_2809 : vector<16xf32>, vector<16xi1> -> vector<16xf32>
      %sub3A_2811 = arith.subf %masked_cumsum3A_2807, %get3A_2799 : vector<16xf32>
      %add3A_2812 = vector.broadcast %add3A_2791 : f32 to vector<16xf32>
      %add3A_2813 = arith.addf %sub3A_2811, %add3A_2812 : vector<16xf32>
      %sub3A_2814 = arith.subf %masked_cumsum3A_2810, %mul3A_2804 : vector<16xf32>
      %add3A_2815 = vector.broadcast %add3A_2795 : f32 to vector<16xf32>
      %add3A_2816 = arith.addf %sub3A_2814, %add3A_2815 : vector<16xf32>
      %mul3A_2817 = arith.constant 2.000000e+00 : f32
      %mul3A_2818 = vector.broadcast %mul3A_2817 : f32 to vector<16xf32>
      %mul3A_2819 = arith.mulf %mul3A_2818, %get3A_2799 : vector<16xf32>
      %mul3A_2820 = arith.mulf %get3A_2801, %add3A_2813 : vector<16xf32>
      %sub3A_2821 = arith.subf %mul3A_2820, %add3A_2816 : vector<16xf32>
      %mul3A_2822 = arith.mulf %mul3A_2819, %sub3A_2821 : vector<16xf32>
      %add3A_2823 = arith.addf %add3A_2787, %mul3A_2822 : vector<16xf32>
      %mul3A_2824 = arith.mulf %get3A_2799, %get3A_2799 : vector<16xf32>
      %mul3A_2825 = arith.mulf %mul3A_2824, %get3A_2803 : vector<16xf32>
      %mul3A_2826 = arith.constant 0.333333343 : f32
      %mul3A_2827 = vector.broadcast %mul3A_2826 : f32 to vector<16xf32>
      %mul3A_2828 = arith.mulf %mul3A_2827, %mul3A_2825 : vector<16xf32>
      %add3A_2829 = arith.addf %add3A_2823, %mul3A_2828 : vector<16xf32>
      %slice3A_2830 = vector.extract_strided_slice %masked_cumsum3A_2807 {offsets = [15], sizes = [1], strides = [1]} : vector<16xf32> to vector<1xf32>
      %squeeze3A_2831 = vector.extract %slice3A_2830[0] : f32 from vector<1xf32>
      %add3A_2832 = arith.addf %squeeze3A_2831, %add3A_2791 : f32
      %slice3A_2833 = vector.extract_strided_slice %masked_cumsum3A_2810 {offsets = [15], sizes = [1], strides = [1]} : vector<16xf32> to vector<1xf32>
      %squeeze3A_2834 = vector.extract %slice3A_2833[0] : f32 from vector<1xf32>
      %add3A_2835 = arith.addf %squeeze3A_2834, %add3A_2795 : f32
      %add3A_2836 = arith.constant 32 : i32
      %add3A_2837 = arith.addi %mul3A_2751, %add3A_2836 : i32
      %get3A_2838 = arith.index_cast %add3A_2837 : i32 to index
      %get3A_2839 = tpu.vector_load %arg6[%get3A_2838] {strides = array<i32>} : memref<16384xf32, #tpu.memory_space<vmem>>, vector<16xf32>,
      %get3A_2840 = arith.index_cast %add3A_2837 : i32 to index
      %get3A_2841 = tpu.vector_load %arg7[%get3A_2840] {strides = array<i32>} : memref<16384xf32, #tpu.memory_space<vmem>>, vector<16xf32>,
      %get3A_2842 = arith.index_cast %add3A_2837 : i32 to index
      %get3A_2843 = tpu.vector_load %arg8[%get3A_2842] {strides = array<i32>} : memref<16384xf32, #tpu.memory_space<vmem>>, vector<16xf32>,
      %mul3A_2844 = arith.mulf %get3A_2839, %get3A_2841 : vector<16xf32>
      %broadcast_in_dim3A_2845 = arith.constant true
      %broadcast_in_dim3A_2846 = vector.broadcast %broadcast_in_dim3A_2845 : i1 to vector<16xi1>
      %masked_cumsum3A_2847 = tpu.scan <sum>, %get3A_2839 masked %broadcast_in_dim3A_2846 : vector<16xf32>, vector<16xi1> -> vector<16xf32>
      %broadcast_in_dim3A_2848 = arith.constant true
      %broadcast_in_dim3A_2849 = vector.broadcast %broadcast_in_dim3A_2848 : i1 to vector<16xi1>
      %masked_cumsum3A_2850 = tpu.scan <sum>, %mul3A_2844 masked %broadcast_in_dim3A_2849 : vector<16xf32>, vector<16xi1> -> vector<16xf32>
      %sub3A_2851 = arith.subf %masked_cumsum3A_2847, %get3A_2839 : vector<16xf32>
      %add3A_2852 = vector.broadcast %add3A_2832 : f32 to vector<16xf32>
      %add3A_2853 = arith.addf %sub3A_2851, %add3A_2852 : vector<16xf32>
      %sub3A_2854 = arith.subf %masked_cumsum3A_2850, %mul3A_2844 : vector<16xf32>
      %add3A_2855 = vector.broadcast %add3A_2835 : f32 to vector<16xf32>
      %add3A_2856 = arith.addf %sub3A_2854, %add3A_2855 : vector<16xf32>
      %mul3A_2857 = arith.constant 2.000000e+00 : f32
      %mul3A_2858 = vector.broadcast %mul3A_2857 : f32 to vector<16xf32>
      %mul3A_2859 = arith.mulf %mul3A_2858, %get3A_2839 : vector<16xf32>
      %mul3A_2860 = arith.mulf %get3A_2841, %add3A_2853 : vector<16xf32>
      %sub3A_2861 = arith.subf %mul3A_2860, %add3A_2856 : vector<16xf32>
      %mul3A_2862 = arith.mulf %mul3A_2859, %sub3A_2861 : vector<16xf32>
      %add3A_2863 = arith.addf %add3A_2829, %mul3A_2862 : vector<16xf32>
      %mul3A_2864 = arith.mulf %get3A_2839, %get3A_2839 : vector<16xf32>
      %mul3A_2865 = arith.mulf %mul3A_2864, %get3A_2843 : vector<16xf32>
      %mul3A_2866 = arith.constant 0.333333343 : f32
      %mul3A_2867 = vector.broadcast %mul3A_2866 : f32 to vector<16xf32>
      %mul3A_2868 = arith.mulf %mul3A_2867, %mul3A_2865 : vector<16xf32>
      %add3A_2869 = arith.addf %add3A_2863, %mul3A_2868 : vector<16xf32>
      %slice3A_2870 = vector.extract_strided_slice %masked_cumsum3A_2847 {offsets = [15], sizes = [1], strides = [1]} : vector<16xf32> to vector<1xf32>
      %squeeze3A_2871 = vector.extract %slice3A_2870[0] : f32 from vector<1xf32>
      %add3A_2872 = arith.addf %squeeze3A_2871, %add3A_2832 : f32
      %slice3A_2873 = vector.extract_strided_slice %masked_cumsum3A_2850 {offsets = [15], sizes = [1], strides = [1]} : vector<16xf32> to vector<1xf32>
      %squeeze3A_2874 = vector.extract %slice3A_2873[0] : f32 from vector<1xf32>
      %add3A_2875 = arith.addf %squeeze3A_2874, %add3A_2835 : f32
      %add3A_2876 = arith.constant 48 : i32
      %add3A_2877 = arith.addi %mul3A_2751, %add3A_2876 : i32
      %get3A_2878 = arith.index_cast %add3A_2877 : i32 to index
      %get3A_2879 = tpu.vector_load %arg6[%get3A_2878] {strides = array<i32>} : memref<16384xf32, #tpu.memory_space<vmem>>, vector<16xf32>,
      %get3A_2880 = arith.index_cast %add3A_2877 : i32 to index
      %get3A_2881 = tpu.vector_load %arg7[%get3A_2880] {strides = array<i32>} : memref<16384xf32, #tpu.memory_space<vmem>>, vector<16xf32>,
      %get3A_2882 = arith.index_cast %add3A_2877 : i32 to index
      %get3A_2883 = tpu.vector_load %arg8[%get3A_2882] {strides = array<i32>} : memref<16384xf32, #tpu.memory_space<vmem>>, vector<16xf32>,
      %mul3A_2884 = arith.mulf %get3A_2879, %get3A_2881 : vector<16xf32>
      %broadcast_in_dim3A_2885 = arith.constant true
      %broadcast_in_dim3A_2886 = vector.broadcast %broadcast_in_dim3A_2885 : i1 to vector<16xi1>
      %masked_cumsum3A_2887 = tpu.scan <sum>, %get3A_2879 masked %broadcast_in_dim3A_2886 : vector<16xf32>, vector<16xi1> -> vector<16xf32>
      %broadcast_in_dim3A_2888 = arith.constant true
      %broadcast_in_dim3A_2889 = vector.broadcast %broadcast_in_dim3A_2888 : i1 to vector<16xi1>
      %masked_cumsum3A_2890 = tpu.scan <sum>, %mul3A_2884 masked %broadcast_in_dim3A_2889 : vector<16xf32>, vector<16xi1> -> vector<16xf32>
      %sub3A_2891 = arith.subf %masked_cumsum3A_2887, %get3A_2879 : vector<16xf32>
      %add3A_2892 = vector.broadcast %add3A_2872 : f32 to vector<16xf32>
      %add3A_2893 = arith.addf %sub3A_2891, %add3A_2892 : vector<16xf32>
      %sub3A_2894 = arith.subf %masked_cumsum3A_2890, %mul3A_2884 : vector<16xf32>
      %add3A_2895 = vector.broadcast %add3A_2875 : f32 to vector<16xf32>
      %add3A_2896 = arith.addf %sub3A_2894, %add3A_2895 : vector<16xf32>
      %mul3A_2897 = arith.constant 2.000000e+00 : f32
      %mul3A_2898 = vector.broadcast %mul3A_2897 : f32 to vector<16xf32>
      %mul3A_2899 = arith.mulf %mul3A_2898, %get3A_2879 : vector<16xf32>
      %mul3A_2900 = arith.mulf %get3A_2881, %add3A_2893 : vector<16xf32>
      %sub3A_2901 = arith.subf %mul3A_2900, %add3A_2896 : vector<16xf32>
      %mul3A_2902 = arith.mulf %mul3A_2899, %sub3A_2901 : vector<16xf32>
      %add3A_2903 = arith.addf %add3A_2869, %mul3A_2902 : vector<16xf32>
      %mul3A_2904 = arith.mulf %get3A_2879, %get3A_2879 : vector<16xf32>
      %mul3A_2905 = arith.mulf %mul3A_2904, %get3A_2883 : vector<16xf32>
      %mul3A_2906 = arith.constant 0.333333343 : f32
      %mul3A_2907 = vector.broadcast %mul3A_2906 : f32 to vector<16xf32>
      %mul3A_2908 = arith.mulf %mul3A_2907, %mul3A_2905 : vector<16xf32>
      %add3A_2909 = arith.addf %add3A_2903, %mul3A_2908 : vector<16xf32>
      %slice3A_2910 = vector.extract_strided_slice %masked_cumsum3A_2887 {offsets = [15], sizes = [1], strides = [1]} : vector<16xf32> to vector<1xf32>
      %squeeze3A_2911 = vector.extract %slice3A_2910[0] : f32 from vector<1xf32>
      %add3A_2912 = arith.addf %squeeze3A_2911, %add3A_2872 : f32
      %slice3A_2913 = vector.extract_strided_slice %masked_cumsum3A_2890 {offsets = [15], sizes = [1], strides = [1]} : vector<16xf32> to vector<1xf32>
      %squeeze3A_2914 = vector.extract %slice3A_2913[0] : f32 from vector<1xf32>
      %add3A_2915 = arith.addf %squeeze3A_2914, %add3A_2875 : f32
      %reduce_sum3A_2916 = arith.constant true
      %reduce_sum3A_2917 = vector.broadcast %reduce_sum3A_2916 : i1 to vector<16xi1>
      %reduce_sum3A_2918 = tpu.scan <sum>, %add3A_2909 masked %reduce_sum3A_2917 : vector<16xf32>, vector<16xi1> -> vector<16xf32>
      %reduce_sum3A_2919 = vector.extract %reduce_sum3A_2918[15] : f32 from vector<16xf32>
      %mul3A_2920 = arith.constant 1.000000e-03 : f32
      %mul3A_2921 = arith.mulf %mul3A_2920, %reduce_sum3A_2919 : f32
      %eq3A_2922 = arith.constant 15 : i32
      %eq3A_2923 = vector.broadcast %eq3A_2922 : i32 to vector<16xi32>
      %eq3A_2924 = arith.cmpi eq, %iota3A, %eq3A_2923 : vector<16xi32>
      %add3A_2925 = vector.broadcast %mul3A_2921 : f32 to vector<16xf32>
      %add3A_2926 = arith.addf %broadcast_in_dim3A_13, %add3A_2925 : vector<16xf32>
      %select_n3A_2927 = arith.select %eq3A_2924, %add3A_2926, %select_n3A_2745 : vector<16xi1>, vector<16xf32>
      %mul3A_2928 = arith.constant 16 : i32
      %mul3A_2929 = arith.muli %scan3A_22, %mul3A_2928 : i32
      %swap3A = arith.index_cast %mul3A_2929 : i32 to index
      %swap3A_2930 = tpu.vector_load %arg9[%swap3A] {strides = array<i32>} : memref<256xf32, #tpu.memory_space<vmem>>, vector<16xf32>,
      tpu.vector_store %arg9[%swap3A], %select_n3A_2927 {strides = array<i32>} : memref<256xf32, #tpu.memory_space<vmem>>, vector<16xf32>,
      %scan3A_2931 = arith.constant 0 : i32
      scf.yield %scan3A_2931 : i32
    }
    %scan3A_19 = arith.constant 16 : i32
    %mul3A_20 = arith.constant 256 : i32
    %mul3A_21 = arith.muli %add3A, %mul3A_20 : i32
    "tpu.region"() ({
      %run_scoped3A = tpu.sem_alloc : memref<!tpu.dma_semaphore, #tpu.memory_space<semaphore_mem>>
      %dma_start3A_22 = tpu.memref_slice %arg5[%mul3A_21] : memref<8192xf32, #tpu.memory_space<hbm>> -> memref<256xf32, #tpu.memory_space<hbm>>
      %dma_start3A_23 = tpu.memref_slice %arg5[%mul3A_21] : memref<8192xf32, #tpu.memory_space<hbm>> -> memref<256xf32, #tpu.memory_space<hbm>>
      tpu.enqueue_dma source(%arg9 : memref<256xf32, #tpu.memory_space<vmem>>) target(%dma_start3A_23 : memref<256xf32, #tpu.memory_space<hbm>>) target_semaphore(%run_scoped3A : memref<!tpu.dma_semaphore, #tpu.memory_space<semaphore_mem>>)
      %dma_wait3A_24 = tpu.memref_slice %arg5[%mul3A_21] : memref<8192xf32, #tpu.memory_space<hbm>> -> memref<256xf32, #tpu.memory_space<hbm>>
      %dma_wait3A_25 = tpu.memref_slice %arg5[%mul3A_21] : memref<8192xf32, #tpu.memory_space<hbm>> -> memref<256xf32, #tpu.memory_space<hbm>>
      tpu.wait_dma2 semaphore(%run_scoped3A : memref<!tpu.dma_semaphore, #tpu.memory_space<semaphore_mem>>) src(%arg9 : memref<256xf32, #tpu.memory_space<vmem>>) dst(%dma_wait3A_25 : memref<256xf32, #tpu.memory_space<hbm>>)
      tpu.yield
    }) : () -> ()
    return
  }
}

module attributes {stable_mosaic.version = 14 : i64} {
  func.func @_tc_losses_body(%arg0: memref<192x128xf32, #tpu.memory_space<vmem>>, %arg1: memref<192x128xf32, #tpu.memory_space<vmem>>, %arg2: memref<64x128xf32, #tpu.memory_space<vmem>>, %arg3: memref<192x128xf32, #tpu.memory_space<vmem>>, %arg4: memref<64x128xf32, #tpu.memory_space<vmem>>) attributes {dimension_semantics = [], scalar_prefetch = 0 : i64, scratch_operands = 0 : i64, tpu.core_type = #tpu.core_type<tc>} {
    %get3A = arith.constant 0 : index
    %get3A_0 = arith.constant 0 : index
    %get3A_1 = vector.load %arg0[%get3A, %get3A_0] : memref<192x128xf32, #tpu.memory_space<vmem>>, vector<192x128xf32>
    %get3A_2 = arith.constant 0 : index
    %get3A_3 = arith.constant 0 : index
    %get3A_4 = vector.load %arg1[%get3A_2, %get3A_3] : memref<192x128xf32, #tpu.memory_space<vmem>>, vector<192x128xf32>
    %sub3A = arith.subf %get3A_1, %get3A_4 : vector<192x128xf32>
    %mul3A = arith.mulf %sub3A, %sub3A : vector<192x128xf32>
    %swap3A = arith.constant 0 : index
    %swap3A_5 = arith.constant 0 : index
    %swap3A_6 = vector.load %arg3[%swap3A, %swap3A_5] : memref<192x128xf32, #tpu.memory_space<vmem>>, vector<192x128xf32>
    tpu.vector_store %arg3[%swap3A, %swap3A_5], %mul3A {strides = array<i32>} : memref<192x128xf32, #tpu.memory_space<vmem>>, vector<192x128xf32>,
    %get3A_7 = arith.constant 0 : index
    %get3A_8 = arith.constant 0 : index
    %get3A_9 = vector.load %arg2[%get3A_7, %get3A_8] : memref<64x128xf32, #tpu.memory_space<vmem>>, vector<64x128xf32>
    %add3A = arith.constant 1.000000e-10 : f32
    %add3A_10 = vector.broadcast %add3A : f32 to vector<64x128xf32>
    %add3A_11 = arith.addf %get3A_9, %add3A_10 : vector<64x128xf32>
    %log3A = math.log %add3A_11 : vector<64x128xf32>
    %mul3A_12 = arith.mulf %add3A_11, %log3A : vector<64x128xf32>
    %mul3A_13 = arith.constant -1.000000e-03 : f32
    %mul3A_14 = vector.broadcast %mul3A_13 : f32 to vector<64x128xf32>
    %mul3A_15 = arith.mulf %mul3A_14, %mul3A_12 : vector<64x128xf32>
    %swap3A_16 = arith.constant 0 : index
    %swap3A_17 = arith.constant 0 : index
    %swap3A_18 = vector.load %arg4[%swap3A_16, %swap3A_17] : memref<64x128xf32, #tpu.memory_space<vmem>>, vector<64x128xf32>
    tpu.vector_store %arg4[%swap3A_16, %swap3A_17], %mul3A_15 {strides = array<i32>} : memref<64x128xf32, #tpu.memory_space<vmem>>, vector<64x128xf32>,
    return
  }
}

</mosaic_0001>

<sc_bundles>
// kernel: kernel.4.cloned.1.call-start
scs
__scs_entry_jumppad:
0x0: {  	(pc) =	sbr.rel $0x88, $3  }
0x1: {  	(tag) =	ssettag $0x0;
	lr =	simm.s32 $0x1  }
0x2: {  	[smem:$0x3F9B] =	sst lr;
	_ =	strace $0xD0000000  }
0x3: {  	_ = 	snop  }
0x4: {  	_ = 	snop  }
0x5: {  	_ = 	snop  }
0x6: {  	_ = 	snop  }
0x7: {  	_ = 	snop  }
__scs_overlays_trampoline_lowered:
0x8: {  	[smem:$0x3FAA] =	sst s0  }
0x9: {  	[smem:$0x3FAB] =	sst s1  }
0xa: {  	[smem:$0x3FAC] =	sst s2  }
0xb: {  	[smem:$0x3FAD] =	sst s3  }
0xc: {  	[smem:$0x3FAE] =	sst s4  }
0xd: {  	[smem:$0x3FAF] =	sst s5  }
0xe: {  	[smem:$0x3FB0] =	sst s6  }
0xf: {  	[smem:$0x3FB1] =	sst s7  }
0x10: {  	[smem:$0x3FB2] =	sst s8  }
0x11: {  	[smem:$0x3FB3] =	sst s9;
	s0 =	simm.s32 @!p0 $0x0  }
0x12: {  	s1 =	sld [smem:$0x3F99];
	s0 =	simm.s32 @p0 $0x1  }
0x13: {  	[smem:$0x3FB4] =	sst s0;
	s0 =	simm.s32 @!p1 $0x0  }
0x14: {  	s2 =	sld [smem:$0x3F98];
	s0 =	simm.s32 @p1 $0x1  }
0x15: {  	[smem:$0x3FB5] =	sst s0;
	s0 =	simm.s32 @!p2 $0x0  }
0x16: {  	s3 =	sld [smem:$0x3FDB];
	s0 =	simm.s32 @p2 $0x1  }
0x17: {  	s4 =	simm.s32 $0x1BF5;
	[smem:$0x3FB7] =	sst s0  }
0x18: {  	s0 =	sld [smem:$0x3F9A];
	_ =	swait.ge [sflag:s4], $0x0  }
0x19: {  	s7 =	sld [smem:$0x3F9B]  }
0x1a: {  	s8 =	sadd.s32 $0xFFFFE003, lr  }
0x1b: {  	s9 =	sadd.s32 $0xFFFFFEF7, lr;
	s5 =	simm.s32 $0xFFFFFFFF;
	p2 =	slt.u32 s8, $0xFFFFF086  }
0x1c: {  	p1 =	slt.u32 s9, $0xF7A;
	s5 =	simm.s32 @!p2 $0x0  }
0x1d: {  	s5 =	simm.s32 @p1 $0x1;
	p0 =	seq.s32 s7, s2  }
0x1e: {  	s7 =	smul.u32 @!p0 $0xF7A, s2;
	p2 =	seq.s32 @!p0 s5, $0x0  }
0x1f: {  	s9 =	smul.u32 $0xF7A, s1;
	s8 =	simm.s32 @!p0 $0x1BF5;
	p2 =	por !p2, p0  }
0x20: {  	[sflag:s8] =	ssyncset.s32 @!p0 $0xFFFFF086;
	s6 =	sadd.s32 @!p0 s3, s7;
	s7 =	simm.s32 @!p0 $0x108  }
0x21: {  	s3 =	sadd.s32 s3, s9;
	s6 =	sadd.s32 @!p0 $0x88, s6;
	s7 =	simm.s32 @p2 $0x1082  }
0x22: {  	[simem:s7], [sflag:s8] =	dma.local @!p0 [hbm:s6], $0xF7A  }
0x23: {  	s9 =	sor.u32 $0xD0000000, s2;
	s6 =	simm.s32 $0x108;
	_ =	swait.ge @!p0 [sflag:s8], $0x0  }
0x24: {  	s3 =	sadd.s32 $0x88, s3;
	s6 =	simm.s32 @!p1 $0x1082;
	[sflag:s4] =	ssyncset.s32 $0xFFFFF086  }
0x25: {  	[simem:s6], [sflag:s4] =	dma.local [hbm:s3], $0xF7A  }
0x26: {  	[smem:$0x3F9B] =	sst s1;
	(tag) =	ssettag s2;
	_ =	strace s9  }
0x27: {  	s1 =	sld [smem:$0x3FAB]  }
0x28: {  	s2 =	sld [smem:$0x3FAC]  }
0x29: {  	s4 =	sld [smem:$0x3FAE]  }
0x2a: {  	p0 =	seq.s32 s5, $0x0;
	s5 =	sld [smem:$0x3FAF]  }
0x2b: {  	s6 =	sld [smem:$0x3FB0]  }
0x2c: {  	s7 =	sld [smem:$0x3FB1]  }
0x2d: {  	s3 =	simm.s32 $0x108;
	s8 =	sld [smem:$0x3FB2]  }
0x2e: {  	s3 =	simm.s32 @!p0 $0x1082;
	s9 =	sld [smem:$0x3FB3]  }
0x2f: {  	lr =	sadd.s32 s0, s3;
	s0 =	sld [smem:$0x3FAA]  }
0x30: {  	s3 =	sld [smem:$0x3FAD]  }
0x31: {  	[smem:$0x3FB6] =	sst s10  }
0x32: {  	s10 =	sld [smem:$0x3FB4];
	_ =	sdelay $0x3  }
0x33: {  	p0 =	seq.s32 s10, $0x1;
	s10 =	sld [smem:$0x3FB6];
	_ =	sdelay $0x3  }
0x34: {  	[smem:$0x3FB6] =	sst s10  }
0x35: {  	s10 =	sld [smem:$0x3FB5];
	_ =	sdelay $0x3  }
0x36: {  	p1 =	seq.s32 s10, $0x1;
	s10 =	sld [smem:$0x3FB6];
	_ =	sdelay $0x3  }
0x37: {  	[smem:$0x3FB6] =	sst s10  }
0x38: {  	s10 =	sld [smem:$0x3FB7]  }
0x39: {  	_ = 	snop;
	(pc) =	sbr.ind lr, $3  }
0x3a: {  	_ = 	snop  }
0x3b: {  	_ = 	snop  }
0x3c: {  	p2 =	seq.s32 s10, $0x1;
	s10 =	sld [smem:$0x3FB6]  }
0x3d: {  	_ =	shalt  }
0x3e: {  	_ =	shalt  }
0x3f: {  	_ =	shalt  }
0x40: {  	_ =	shalt  }
0x41: {  	_ =	shalt  }
0x42: {  	_ =	shalt  }
0x43: {  	_ =	shalt  }
0x44: {  	_ =	shalt  }
0x45: {  	_ =	shalt  }
0x46: {  	_ =	shalt  }
0x47: {  	_ =	shalt  }
0x48: {  	_ =	shalt  }
0x49: {  	_ =	shalt  }
0x4a: {  	_ =	shalt  }
0x4b: {  	_ =	shalt  }
0x4c: {  	_ =	shalt  }
0x4d: {  	_ =	shalt  }
0x4e: {  	_ =	shalt  }
0x4f: {  	_ =	shalt  }
0x50: {  	_ =	shalt  }
0x51: {  	_ =	shalt  }
0x52: {  	_ =	shalt  }
0x53: {  	_ =	shalt  }
0x54: {  	_ =	shalt  }
0x55: {  	_ =	shalt  }
0x56: {  	_ =	shalt  }
0x57: {  	_ =	shalt  }
0x58: {  	_ =	shalt  }
0x59: {  	_ =	shalt  }
0x5a: {  	_ =	shalt  }
0x5b: {  	_ =	shalt  }
0x5c: {  	_ =	shalt  }
0x5d: {  	_ =	shalt  }
0x5e: {  	_ =	shalt  }
0x5f: {  	_ =	shalt  }
0x60: {  	_ =	shalt  }
0x61: {  	_ =	shalt  }
0x62: {  	_ =	shalt  }
0x63: {  	_ =	shalt  }
0x64: {  	_ =	shalt  }
0x65: {  	_ =	shalt  }
0x66: {  	_ =	shalt  }
0x67: {  	_ =	shalt  }
0x68: {  	_ =	shalt  }
0x69: {  	_ =	shalt  }
0x6a: {  	_ =	shalt  }
0x6b: {  	_ =	shalt  }
0x6c: {  	_ =	shalt  }
0x6d: {  	_ =	shalt  }
0x6e: {  	_ =	shalt  }
0x6f: {  	_ =	shalt  }
0x70: {  	_ =	shalt  }
0x71: {  	_ =	shalt  }
0x72: {  	_ =	shalt  }
0x73: {  	_ =	shalt  }
0x74: {  	_ =	shalt  }
0x75: {  	_ =	shalt  }
0x76: {  	_ =	shalt  }
0x77: {  	_ =	shalt  }
0x78: {  	_ =	shalt  }
0x79: {  	_ =	shalt  }
0x7a: {  	_ =	shalt  }
0x7b: {  	_ =	shalt  }
0x7c: {  	_ =	shalt  }
0x7d: {  	_ =	shalt  }
0x7e: {  	_ =	shalt  }
0x7f: {  	_ =	shalt  }
0x80: {  	_ =	shalt  }
0x81: {  	_ =	shalt  }
0x82: {  	_ =	shalt  }
0x83: {  	_ =	shalt  }
0x84: {  	_ =	shalt  }
0x85: {  	_ =	shalt  }
0x86: {  	_ =	shalt  }
0x87: {  	_ =	shalt  }
.Lfunc_end0:
.L_simem_size_0:
called_computation_lowered:
.L_overlay_start_0:
0x88: {  	s2 =	sld [smem:$0x3FD9]  }
0x89: {  	s3 =	sld [smem:$0x3FFE];
	_ =	sdelay $0x1  }
0x8a: {  	s1 =	srdreg.scid  }
0x8b: {  	s0 =	sand.u32 $0x1, s1  }
0x8c: {  	s15 =	sshll.u32 s0, $0xA;
	s2 =	sadd.s32 s3, s2  }
0x8d: {  	s2 =	sadd.s32 s2, s15  }
0x8e: {  	[smem:$0x3FC2] =	sst s2  }
0x8f: {  	_ = 	snop  }
0x90: {  	s2 =	sld [smem:$0x3FD0]  }
0x91: {  	s16 =	sld [smem:$0x3FC6]  }
0x92: {  	s4 =	sld [smem:$0x3FC5]  }
0x93: {  	s6 =	simm.s32 $0xA;
	s7 =	simm.s32 $0x10;
	s5 =	sld [smem:$0x3FC4]  }
0x94: {  	[smem:s7], [sflag:s6] =	dma.local [hbm:s2], $0x1  }
0x95: {  	_ =	swait.eq [sflag:s6], $0x1  }
0x96: {  	[sflag:s6] =	ssyncset.done $0x0  }
0x97: {  	[sflag:s6] =	ssyncadd.s32 $0xFFFFFFFF  }
0x98: {  	s17 =	sld [smem:$0x12];
	(tm) =	ssettm $0x1  }
0x99: {  	s18 =	sld [smem:$0x3FFB];
	_ =	sdelay $0x3  }
0x9a: {  	_ =	strace s18  }
0x9b: {  	s6 =	sld [smem:$0x3FFC];
	_ =	sdelay $0x3  }
0x9c: {  	_ =	strace s6  }
0x9d: {  	s6 =	sld [smem:$0x3FFD];
	_ =	sdelay $0x3  }
0x9e: {  	_ =	strace s6  }
0x9f: {  	_ =	strace $0x8FFFFFFF  }
0xa0: {  	s19 =	sld [smem:$0x3FDB];
	_ =	sdelay $0x1  }
0xa1: {  	s20 =	simm.s32 $_scs_section_size  }
0xa2: {  	s8 =	simm.s32 $_size__tile_overlayer_lowered;
	s9 =	simm.s32 $_tile_overlayer_lowered  }
0xa3: {  	s23 =	simm.s32 $0x1BFF;
	s22 =	sshll.u32 s9, $0x1;
	s6 =	sadd.s32 s20, s19  }
0xa4: {  	s10 =	simm.s32 $0x0;
	s21 =	sshll.u32 s8, $0x1;
	s8 =	sadd.s32 s22, s6  }
0xa5: {  	[timem:s10], [sflag:s23] =	dma.local [hbm:s8], s21  }
0xa6: {  	_ =	swait.ge [sflag:s23], s21  }
0xa7: {  	s7 =	ssub.s32 $0x0, s21;
	[sflag:s23] =	ssyncset.done $0x0  }
0xa8: {  	[sflag:s23] =	ssyncadd.s32 s7;
	_ =	sdelay $0x1  }
0xa9: {  	s24 =	simm.s32 $0x1B8B  }
0xaa: {  	_ =	swait.ge [sflag:s24], $0x1  }
0xab: {  	[sflag:s24] =	ssyncset.done $0x0  }
0xac: {  	s25 =	simm.s32 $0x1B8E;
	[sflag:s24] =	ssyncadd.s32 $0xFFFFFFFF  }
0xad: {  	s26 =	simm.s32 $execute0_lowered;
	[smem:$0x3FD2] =	sst s25  }
0xae: {  	s7 =	sshll.u32 s26, $0x1;
	_ =	strace $0x80000046;
	[dreg:$0x1] =	wrdreg $0xFFFFFFFF  }
0xaf: {  	s28 =	simm.s32 $_size_execute0_lowered;
	s6 =	sadd.s32 s6, s7;
	[dreg:$0x0] =	wrdreg $0x0  }
0xb0: {  	s7 =	sshll.u32 s28, $0x1;
	[dreg:$0x2] =	wrdreg s6  }
0xb1: {  	[dreg:$0x3] =	wrdreg s7  }
0xb2: {  	[dreg:$0x4] =	wrdreg $0xC0  }
0xb3: {  	_ =	task [dreg:s10], $0x5FFFF  }
0xb4: {  	[dreg:$0x1] =	wrdreg $0xFFFFFFFF  }
0xb5: {  	[dreg:$0x0] =	wrdreg $0x60  }
0xb6: {  	[dreg:$0x2] =	wrdreg s16  }
0xb7: {  	[dreg:$0x3] =	wrdreg s5  }
0xb8: {  	[dreg:$0x4] =	wrdreg s4  }
0xb9: {  	[dreg:$0x5] =	wrdreg s17  }
0xba: {  	[dreg:$0x6] =	wrdreg $0x9  }
0xbb: {  	_ =	task.clear_ibuf [dreg:s10], $0x7FFFF;
	_ =	strace $0x90000046  }
0xbc: {  	s29 =	simm.s32 $0x9;
	_ =	strace $0x80000048  }
0xbd: {  	_ =	swait.ge [sflag:s29], $0x1  }
0xbe: {  	[sflag:s29] =	ssyncadd.s32 $0xFFFFFFFF  }
0xbf: {  	_ =	strace $0x90000048  }
0xc0: {  	_ =	sfence  }
0xc1: {  	s30 =	sld [smem:$0x0];
	_ =	sdelay $0x2  }
0xc2: {  	s31 =	sshll.u32 s1, $0xD;
	s1 =	sshrl.u32 s1, $0x2  }
0xc3: {  	s3 =	sand.u32 $0x4000, s31;
	s1 =	sadd.s32 s1, s30  }
0xc4: {  	s0 =	sor.u32 s3, s0;
	s1 =	sshll.u32 s1, $0x11  }
0xc5: {  	s0 =	sor.u32 s1, s0  }
0xc6: {  	s0 =	sadd.s32 $0x8F2B, s0  }
0xc7: {  	[sflag:s0] =	ssyncadd.remote.s32 $0x1  }
0xc8: {  	_ =	sfence.sel $0xFFFF  }
0xc9: {  	[dreg:$0x0] =	wrdreg $0xFFFFFFFF;
	(pc) =	sbr.abs _section_cstart, $3  }
0xca: {  	[dreg:$0x1] =	wrdreg $0xFFFFFFFF  }
0xcb: {  	_ =	task.clear_ibuf [dreg:s10], $0x2FFFF;
	_ =	strace $0x9FFFFFFF  }
0xcc: {  	(tm) =	ssettm $0x7FFFFFFF  }
0xcd: {  	_ =	shalt  }
tec
execute0_lowered:
.L_overlay_start_1:
0x0: {  	(tag) =	ssettag $0x1  }
0x1: {  	s0 =	rddreg [dreg:$0x0]  }
0x2: {  	s4 =	rddreg [dreg:$0x1]  }
0x3: {  	s5 =	rddreg [dreg:$0x2]  }
0x4: {  	s6 =	rddreg [dreg:$0x3];
	s2 =	srdreg.scid  }
0x5: {  	s1 =	stileid.u32;
	s10 =	simm.s32 $0x1;
	s11 =	simm.s32 $0xC000  }
0x6: {  	s12 =	simm.s32 $0x2;
	s13 =	simm.s32 $0x0;
	s3 =	sand.u32 $0x1, s2  }
0x7: {  	vm0 =	vcmask $0x300;
	vm1 =	vcmask $0x704;
	vm2 =	vcmask $0xB08;
	s2 =	simm.s32 $0x0;
	s8 =	sshll.u32 s1, $0x1;
	s7 =	ssub.s32 $0x2, s3  }
0x8: {  	vm3 =	vcmask $0xF0C;
	vm4 =	vcmask $0x1310;
	vm5 =	vcmask $0x1714;
	[smem:$0x7FF] =	sst s2;
	s8 =	sor.u32 s3, s8;
	s9 =	sshrl.u32 s7, $0x1  }
0x9: {  	vm6 =	vcmask $0x1B18;
	vm7 =	vcmask $0x1F1C;
	vm8 =	vcmask $0x2320;
	_ =	strace $0x80000047;
	s30 =	sshll.u32 s8, $0xB;
	s31 =	sshll.u32 s8, $0x5  }
0xa: {  	vm9 =	vcmask $0x2724;
	vm10 =	vcmask $0x2B28;
	vm11 =	vcmask $0x2F2C;
	s7 =	ssub.s32 s7, s9;
	s3 =	sadd.s32 s0, s30;
	s4 =	sadd.s32 s4, s30  }
0xb: {  	vm12 =	vcmask $0x3330;
	vm13 =	vcmask $0x3734;
	vm14 =	vcmask $0x3B38;
	s5 =	sadd.s32 s5, s30;
	s6 =	sadd.s32 s6, s31;
	s7 =	smax.u32 s7, $0x1  }
.LBB2_1:
0xc: {  	[tilespmem:s2], [sflag:$0x1] =	stream.linear.gather [hbm4b:s3+s2], $0x4000, $0x38;
	[tilespmem:$0xC100] =	vst v63  }
0xd: {  	s0 =	simm.s32 $0x4000  }
0xe: {  	[tilespmem:s0], [sflag:$0x1] =	stream.linear.gather [hbm4b:s4+s2], $0x4000, $0x38;
	[tilespmem:$0xC100] =	vst v63  }
0xf: {  	s31 =	simm.s32 $0x8000  }
0x10: {  	[tilespmem:s31], [sflag:$0x1] =	stream.linear.gather [hbm4b:s5+s2], $0x4000, $0x38;
	[tilespmem:$0xC100] =	vst v63  }
0x11: {  	_ =	swait.ge [sflag:s10], $0x4000  }
0x12: {  	[sflag:s10] =	ssyncset.done $0x0  }
0x13: {  	[sflag:s10] =	ssyncadd.s32 $0xFFFFC000  }
0x14: {  	_ =	swait.ge [sflag:s10], $0x4000  }
0x15: {  	[sflag:s10] =	ssyncset.done $0x0  }
0x16: {  	[sflag:s10] =	ssyncadd.s32 $0xFFFFC000  }
0x17: {  	_ =	swait.ge [sflag:s10], $0x4000  }
0x18: {  	[sflag:s10] =	ssyncset.done $0x0  }
0x19: {  	s14 =	simm.s32 $0xC000;
	s15 =	simm.s32 $0x0;
	[sflag:s10] =	ssyncadd.s32 $0xFFFFC000  }
.LBB2_2:
0x1a: {  	s16 =	sshra.s32 s15, $0x2  }
0x1b: {  	v0 =	vld [tilespmem:s16+$0x0];
	_ =	sdelay $0x1  }
0x1c: {  	v1 =	vld [tilespmem:s16+$0x4000];
	_ =	sdelay $0x1  }
0x1d: {  	v2 =	vld [tilespmem:s16+$0x10]  }
0x1e: {  	v4 =	vld [tilespmem:s16+$0x4010];
	(xrf2) =	vadd.scan.msk.f32 $0xffff, v0;
	_ =	sdelay $0x1  }
0x1f: {  	v3 =	vmul.f32 v1, v0;
	_ =	sdelay $0x1  }
0x20: {  	v5 =	vld [tilespmem:s16+$0x20];
	(xrf2) =	vadd.scan.msk.f32 $0xffff, v3  }
0x21: {  	v7 =	vld [tilespmem:s16+$0x4020];
	v6 =	vmul.f32 v4, v2;
	(xrf2) =	vadd.scan.msk.f32 $0xffff, v2;
	_ =	sdelay $0x1  }
0x22: {  	(xrf2) =	vadd.scan.msk.f32 $0xffff, v6;
	_ =	sdelay $0x2  }
0x23: {  	v9 =	vmul.f32 v7, v5;
	v8, _, _ =	vpop (xrf2);
	(xrf2) =	vadd.scan.msk.f32 $0xffff, v5;
	_ =	sdelay $0x1  }
0x24: {  	(xrf2) =	vadd.scan.msk.f32 $0xffff, v9  }
0x25: {  	(v2sf) =	vpush v8, $0xF  }
0x26: {  	v10, _, _ =	vpop (xrf2)  }
0x27: {  	(v2sf) =	vpush v10, $0xF;
	v11, _, _ =	vpop (xrf2)  }
0x28: {  	(v2sf) =	vpush v11, $0xF  }
0x29: {  	v12, _, _ =	vpop (xrf2)  }
0x2a: {  	(v2sf) =	vpush v12, $0xF  }
0x2b: {  	v14 =	vld [tilespmem:s16+$0x30]  }
0x2c: {  	v15 =	vld [tilespmem:s16+$0x4030];
	v13, _, _ =	vpop (xrf2)  }
0x2d: {  	(v2sf) =	vpush v13, $0xF  }
0x2e: {  	v16, _, _ =	vpop (xrf2)  }
0x2f: {  	(v2sf) =	vpush v16, $0xF;
	_ =	sdelay $0x1  }
0x30: {  	v53 =	vmul.f32 v15, v14;
	v8 =	vsub.f32 v8, v0  }
0x31: {  	(xrf2) =	vadd.scan.msk.f32 $0xffff, v14  }
0x32: {  	v52 =	vld [tilespmem:s16+$0x8000];
	v8 =	vadd.f32 $0.0e+00, v8;
	v3 =	vsub.f32 v10, v3;
	(xrf2) =	vadd.scan.msk.f32 $0xffff, v53  }
0x33: {  	v17 =	vadd.f32 v0, v0;
	s0 =	spop (v2sf)  }
0x34: {  	v11 =	vsub.f32 v11, v2;
	v3 =	vadd.f32 $0.0e+00, v3;
	v1 =	vmul.f32 v8, v1;
	s0 =	sadd.f32 $0.0e+00, s0  }
0x35: {  	v55 =	vld [tilespmem:s16+$0x8010];
	v57 =	vadd.f32 v2, v2;
	v0 =	vmul.f32 v0, v0;
	v6 =	vsub.f32 v12, v6;
	s17 =	spop (v2sf)  }
0x36: {  	v1 =	vsub.f32 v1, v3;
	s17 =	sadd.f32 $0.0e+00, s17;
	v54 =	vadd.f32 s0, v11;
	s18 =	spop (v2sf)  }
0x37: {  	v0 =	vmul.f32 v52, v0;
	v2 =	vmul.f32 v2, v2;
	v56 =	vsub.f32 v13, v5;
	s0 =	sadd.f32 s18, s0  }
0x38: {  	v1 =	vmul.f32 v1, v17;
	s9 =	spop (v2sf);
	v6 =	vadd.f32 s17, v6;
	v3 =	vmul.f32 v54, v4  }
0x39: {  	v0 =	vmul.f32 $3.333333430e-01, v0;
	v58 =	vsub.f32 v16, v9;
	s17 =	sadd.f32 s9, s17;
	v4 =	vadd.f32 s0, v56  }
0x3a: {  	v60 =	vld [tilespmem:s16+$0x8020];
	v2 =	vmul.f32 v55, v2;
	v1 =	vadd.f32 $0.0e+00, v1;
	v3 =	vsub.f32 v3, v6  }
0x3b: {  	v9 =	vadd.f32 v5, v5;
	v61, _, _ =	vpop (xrf2);
	v6 =	vadd.f32 s17, v58;
	v4 =	vmul.f32 v4, v7;
	s19 =	spop (v2sf)  }
0x3c: {  	v0 =	vadd.f32 v1, v0;
	v63 =	vsub.f32 v61, v14;
	v10, _, _ =	vpop (xrf2);
	v59 =	vmul.f32 v3, v57;
	s0 =	sadd.f32 s19, s0  }
0x3d: {  	v5 =	vmul.f32 v5, v5;
	v4 =	vsub.f32 v4, v6;
	v6 =	vsub.f32 v10, v53;
	s20 =	spop (v2sf)  }
0x3e: {  	v62 =	vmul.f32 $3.333333430e-01, v2;
	v0 =	vadd.f32 v59, v0;
	s17 =	sadd.f32 s20, s17;
	v2 =	vadd.f32 s0, v63  }
0x3f: {  	v12 =	vld [tilespmem:s16+$0x8030];
	v3 =	vmul.f32 v60, v5;
	v11 =	vmul.f32 v4, v9  }
0x40: {  	v0 =	vadd.f32 v0, v62;
	v13 =	vadd.f32 s17, v6;
	v2 =	vmul.f32 v2, v15  }
0x41: {  	v18 =	vmul.f32 v14, v14;
	v17 =	vadd.f32 v14, v14  }
0x42: {  	v16 =	vmul.f32 $3.333333430e-01, v3;
	v0 =	vadd.f32 v11, v0;
	v2 =	vsub.f32 v2, v13;
	_ =	sdelay $0x1  }
0x43: {  	v20 =	vmul.f32 v12, v18;
	v0 =	vadd.f32 v0, v16;
	v19 =	vmul.f32 v2, v17  }
0x44: {  	v21 =	vld [tilespmem:s16+$0x40]  }
0x45: {  	v23 =	vld [tilespmem:s16+$0x4040];
	v22 =	vmul.f32 $3.333333430e-01, v20;
	v0 =	vadd.f32 v19, v0;
	_ =	sdelay $0x1  }
0x46: {  	v0 =	vadd.f32 v0, v22;
	_ =	sdelay $0x1  }
0x47: {  	v24 =	vld [tilespmem:s16+$0x50];
	(xrf2) =	vadd.scan.msk.f32 $0xffff, v0  }
0x48: {  	v26 =	vld [tilespmem:s16+$0x4050];
	v25 =	vmul.f32 v23, v21;
	(xrf2) =	vadd.scan.msk.f32 $0xffff, v21;
	_ =	sdelay $0x1  }
0x49: {  	(xrf2) =	vadd.scan.msk.f32 $0xffff, v25;
	_ =	sdelay $0x1  }
0x4a: {  	v27 =	vld [tilespmem:s16+$0x60]  }
0x4b: {  	v29 =	vld [tilespmem:s16+$0x4060];
	v28 =	vmul.f32 v26, v24;
	(xrf2) =	vadd.scan.msk.f32 $0xffff, v24;
	_ =	sdelay $0x1  }
0x4c: {  	(xrf2) =	vadd.scan.msk.f32 $0xffff, v28;
	_ =	sdelay $0x1  }
0x4d: {  	v30, _, _ =	vpop (xrf2)  }
0x4e: {  	v32 =	vmul.f32 v29, v27;
	v31, _, _ =	vpop (xrf2);
	(xrf2) =	vadd.scan.msk.f32 $0xffff, v27;
	_ =	sdelay $0x1  }
0x4f: {  	(v2sf) =	vpush v30, $0xF;
	v33, _, _ =	vpop (xrf2);
	(xrf2) =	vadd.scan.msk.f32 $0xffff, v32  }
0x50: {  	(v2sf) =	vpush v31, $0xF;
	_ =	sdelay $0x1  }
0x51: {  	(v2sf) =	vpush v33, $0xF;
	v34, _, _ =	vpop (xrf2)  }
0x52: {  	(v2sf) =	vpush v34, $0xF  }
0x53: {  	v35, _, _ =	vpop (xrf2)  }
0x54: {  	(v2sf) =	vpush v35, $0xF  }
0x55: {  	v37 =	vld [tilespmem:s16+$0x70]  }
0x56: {  	v38 =	vld [tilespmem:s16+$0x4070];
	v36, _, _ =	vpop (xrf2)  }
0x57: {  	(v2sf) =	vpush v36, $0xF  }
0x58: {  	v39, _, _ =	vpop (xrf2)  }
0x59: {  	(v2sf) =	vpush v39, $0xF;
	_ =	sdelay $0x1  }
0x5a: {  	v41 =	vmul.f32 v38, v37;
	v8 =	vsub.f32 v31, v21  }
0x5b: {  	(xrf2) =	vadd.scan.msk.f32 $0xffff, v37  }
0x5c: {  	v40 =	vld [tilespmem:s16+$0x8040];
	v1 =	vsub.f32 v33, v25;
	v8 =	vadd.f32 $0.0e+00, v8;
	(xrf2) =	vadd.scan.msk.f32 $0xffff, v41;
	s17 =	spop (v2sf)  }
0x5d: {  	v42 =	vadd.f32 v21, v21;
	s21 =	spop (v2sf)  }
0x5e: {  	v11 =	vsub.f32 v34, v24;
	v1 =	vadd.f32 $0.0e+00, v1;
	v2 =	vmul.f32 v8, v23;
	s0 =	sadd.f32 $0.0e+00, s21  }
0x5f: {  	v43 =	vmul.f32 v21, v21;
	v47 =	vadd.f32 v24, v24;
	v6 =	vsub.f32 v35, v28;
	s22 =	spop (v2sf)  }
0x60: {  	v45 =	vld [tilespmem:s16+$0x8050];
	v1 =	vsub.f32 v2, v1;
	s18 =	sadd.f32 $0.0e+00, s22;
	s19 =	spop (v2sf);
	v44 =	vadd.f32 s0, v11  }
0x61: {  	v53 =	vadd.f32 v27, v27;
	v2 =	vmul.f32 v40, v43;
	v46 =	vsub.f32 v36, v27;
	s0 =	sadd.f32 s19, s0  }
0x62: {  	v1 =	vmul.f32 v1, v42;
	s23 =	spop (v2sf);
	v6 =	vadd.f32 s18, v6;
	v3 =	vmul.f32 v44, v26  }
0x63: {  	v0 =	vmul.f32 v24, v24;
	v48 =	vsub.f32 v39, v32;
	s18 =	sadd.f32 s23, s18;
	v4 =	vadd.f32 s0, v46  }
0x64: {  	v50 =	vld [tilespmem:s16+$0x8060];
	v2 =	vmul.f32 $3.333333430e-01, v2;
	v1 =	vadd.f32 $0.0e+00, v1;
	v3 =	vsub.f32 v3, v6  }
0x65: {  	v0 =	vmul.f32 v45, v0;
	v51, _, _ =	vpop (xrf2);
	v6 =	vadd.f32 s18, v48;
	v4 =	vmul.f32 v4, v29;
	s24 =	spop (v2sf)  }
0x66: {  	v1 =	vadd.f32 v1, v2;
	v52 =	vsub.f32 v51, v37;
	v54, _, _ =	vpop (xrf2);
	v49 =	vmul.f32 v3, v47;
	s0 =	sadd.f32 s24, s0  }
0x67: {  	v5 =	vmul.f32 v27, v27;
	v4 =	vsub.f32 v4, v6;
	v6 =	vsub.f32 v54, v41;
	s25 =	spop (v2sf)  }
0x68: {  	v0 =	vmul.f32 $3.333333430e-01, v0;
	v1 =	vadd.f32 v49, v1;
	s18 =	sadd.f32 s25, s18;
	v2 =	vadd.f32 s0, v52  }
0x69: {  	v56 =	vld [tilespmem:s16+$0x8070];
	v3 =	vmul.f32 v50, v5;
	v55 =	vmul.f32 v4, v53  }
0x6a: {  	v0 =	vadd.f32 v1, v0;
	v57 =	vadd.f32 s18, v6;
	v2 =	vmul.f32 v2, v38  }
0x6b: {  	v60 =	vmul.f32 v37, v37;
	v59 =	vadd.f32 v37, v37  }
0x6c: {  	v58 =	vmul.f32 $3.333333430e-01, v3;
	v0 =	vadd.f32 v55, v0;
	v2 =	vsub.f32 v2, v57;
	_ =	sdelay $0x1  }
0x6d: {  	v62 =	vmul.f32 v56, v60;
	v0 =	vadd.f32 v0, v58;
	v61 =	vmul.f32 v2, v59  }
0x6e: {  	v20 =	vld [tilespmem:s16+$0x4080]  }
0x6f: {  	v63 =	vld [tilespmem:s16+$0x80];
	v19 =	vmul.f32 $3.333333430e-01, v62;
	v0 =	vadd.f32 v61, v0;
	_ =	sdelay $0x1  }
0x70: {  	v0 =	vadd.f32 v0, v19;
	_ =	sdelay $0x1  }
0x71: {  	v21 =	vld [tilespmem:s16+$0x90];
	(xrf2) =	vadd.scan.msk.f32 $0xffff, v0  }
0x72: {  	v22 =	vmul.f32 v20, v63;
	v23 =	vld [tilespmem:s16+$0x4090];
	(xrf2) =	vadd.scan.msk.f32 $0xffff, v63;
	_ =	sdelay $0x1  }
0x73: {  	(xrf2) =	vadd.scan.msk.f32 $0xffff, v22;
	_ =	sdelay $0x1  }
0x74: {  	v24 =	vld [tilespmem:s16+$0xA0]  }
0x75: {  	v25 =	vmul.f32 v23, v21;
	v26 =	vld [tilespmem:s16+$0x40A0];
	(xrf2) =	vadd.scan.msk.f32 $0xffff, v21;
	_ =	sdelay $0x1  }
0x76: {  	(xrf2) =	vadd.scan.msk.f32 $0xffff, v25;
	_ =	sdelay $0x1  }
0x77: {  	v27, _, _ =	vpop (xrf2)  }
0x78: {  	v29 =	vmul.f32 v26, v24;
	v28, _, _ =	vpop (xrf2);
	(xrf2) =	vadd.scan.msk.f32 $0xffff, v24;
	_ =	sdelay $0x1  }
0x79: {  	(v2sf) =	vpush v27, $0xF;
	v30, _, _ =	vpop (xrf2);
	(xrf2) =	vadd.scan.msk.f32 $0xffff, v29  }
0x7a: {  	(v2sf) =	vpush v28, $0xF;
	_ =	sdelay $0x1  }
0x7b: {  	(v2sf) =	vpush v30, $0xF;
	v31, _, _ =	vpop (xrf2)  }
0x7c: {  	(v2sf) =	vpush v31, $0xF  }
0x7d: {  	v32, _, _ =	vpop (xrf2)  }
0x7e: {  	(v2sf) =	vpush v32, $0xF  }
0x7f: {  	v34 =	vld [tilespmem:s16+$0xB0]  }
0x80: {  	v35 =	vld [tilespmem:s16+$0x40B0];
	v33, _, _ =	vpop (xrf2)  }
0x81: {  	(v2sf) =	vpush v33, $0xF  }
0x82: {  	v36, _, _ =	vpop (xrf2)  }
0x83: {  	(v2sf) =	vpush v36, $0xF;
	_ =	sdelay $0x1  }
0x84: {  	v38 =	vmul.f32 v35, v34;
	v8 =	vsub.f32 v28, v63  }
0x85: {  	(xrf2) =	vadd.scan.msk.f32 $0xffff, v34  }
0x86: {  	v37 =	vld [tilespmem:s16+$0x8080];
	v1 =	vsub.f32 v30, v22;
	v8 =	vadd.f32 $0.0e+00, v8;
	(xrf2) =	vadd.scan.msk.f32 $0xffff, v38;
	s18 =	spop (v2sf)  }
0x87: {  	v39 =	vadd.f32 v63, v63;
	s26 =	spop (v2sf)  }
0x88: {  	v11 =	vsub.f32 v31, v21;
	v1 =	vadd.f32 $0.0e+00, v1;
	v2 =	vmul.f32 v8, v20;
	s0 =	sadd.f32 $0.0e+00, s26  }
0x89: {  	v40 =	vmul.f32 v63, v63;
	v44 =	vadd.f32 v21, v21;
	v6 =	vsub.f32 v32, v25;
	s28 =	spop (v2sf)  }
0x8a: {  	v42 =	vld [tilespmem:s16+$0x8090];
	v1 =	vsub.f32 v2, v1;
	s19 =	sadd.f32 $0.0e+00, s28;
	s20 =	spop (v2sf);
	v41 =	vadd.f32 s0, v11  }
0x8b: {  	v50 =	vadd.f32 v24, v24;
	v2 =	vmul.f32 v37, v40;
	v43 =	vsub.f32 v33, v24;
	s0 =	sadd.f32 s20, s0  }
0x8c: {  	v1 =	vmul.f32 v1, v39;
	s29 =	spop (v2sf);
	v6 =	vadd.f32 s19, v6;
	v3 =	vmul.f32 v41, v23  }
0x8d: {  	v0 =	vmul.f32 v21, v21;
	v45 =	vsub.f32 v36, v29;
	s19 =	sadd.f32 s29, s19;
	v4 =	vadd.f32 s0, v43  }
0x8e: {  	v47 =	vld [tilespmem:s16+$0x80A0];
	v2 =	vmul.f32 $3.333333430e-01, v2;
	v1 =	vadd.f32 $0.0e+00, v1;
	v3 =	vsub.f32 v3, v6  }
0x8f: {  	v0 =	vmul.f32 v42, v0;
	v48, _, _ =	vpop (xrf2);
	v6 =	vadd.f32 s19, v45;
	v4 =	vmul.f32 v4, v26;
	s30 =	spop (v2sf)  }
0x90: {  	v1 =	vadd.f32 v1, v2;
	v49 =	vsub.f32 v48, v34;
	v51, _, _ =	vpop (xrf2);
	v46 =	vmul.f32 v3, v44;
	s0 =	sadd.f32 s30, s0  }
0x91: {  	v5 =	vmul.f32 v24, v24;
	v4 =	vsub.f32 v4, v6;
	v6 =	vsub.f32 v51, v38;
	s31 =	spop (v2sf)  }
0x92: {  	v0 =	vmul.f32 $3.333333430e-01, v0;
	v1 =	vadd.f32 v46, v1;
	s19 =	sadd.f32 s31, s19;
	v2 =	vadd.f32 s0, v49  }
0x93: {  	v53 =	vld [tilespmem:s16+$0x80B0];
	v3 =	vmul.f32 v47, v5;
	v52 =	vmul.f32 v4, v50  }
0x94: {  	v0 =	vadd.f32 v1, v0;
	v54 =	vadd.f32 s19, v6;
	v2 =	vmul.f32 v2, v35  }
0x95: {  	v56 =	vadd.f32 v34, v34;
	v57 =	vmul.f32 v34, v34  }
0x96: {  	v55 =	vmul.f32 $3.333333430e-01, v3;
	v0 =	vadd.f32 v52, v0;
	v2 =	vsub.f32 v2, v54;
	_ =	sdelay $0x1  }
0x97: {  	v59 =	vmul.f32 v53, v57;
	v0 =	vadd.f32 v0, v55;
	v58 =	vmul.f32 v2, v56  }
0x98: {  	v60 =	vld [tilespmem:s16+$0xC0]  }
0x99: {  	v62 =	vld [tilespmem:s16+$0x40C0];
	v61 =	vmul.f32 $3.333333430e-01, v59;
	v0 =	vadd.f32 v58, v0;
	_ =	sdelay $0x1  }
0x9a: {  	v0 =	vadd.f32 v0, v61;
	_ =	sdelay $0x1  }
0x9b: {  	v63 =	vld [tilespmem:s16+$0xD0];
	(xrf2) =	vadd.scan.msk.f32 $0xffff, v0  }
0x9c: {  	v21 =	vld [tilespmem:s16+$0x40D0];
	v20 =	vmul.f32 v62, v60;
	(xrf2) =	vadd.scan.msk.f32 $0xffff, v60;
	_ =	sdelay $0x1  }
0x9d: {  	(xrf2) =	vadd.scan.msk.f32 $0xffff, v20;
	_ =	sdelay $0x1  }
0x9e: {  	v22 =	vld [tilespmem:s16+$0xE0]  }
0x9f: {  	v24 =	vld [tilespmem:s16+$0x40E0];
	v23 =	vmul.f32 v21, v63;
	(xrf2) =	vadd.scan.msk.f32 $0xffff, v63;
	_ =	sdelay $0x1  }
0xa0: {  	(xrf2) =	vadd.scan.msk.f32 $0xffff, v23;
	_ =	sdelay $0x1  }
0xa1: {  	v25, _, _ =	vpop (xrf2)  }
0xa2: {  	v27 =	vmul.f32 v24, v22;
	v26, _, _ =	vpop (xrf2);
	(xrf2) =	vadd.scan.msk.f32 $0xffff, v22;
	_ =	sdelay $0x1  }
0xa3: {  	(v2sf) =	vpush v25, $0xF;
	v28, _, _ =	vpop (xrf2);
	(xrf2) =	vadd.scan.msk.f32 $0xffff, v27  }
0xa4: {  	(v2sf) =	vpush v26, $0xF;
	_ =	sdelay $0x1  }
0xa5: {  	(v2sf) =	vpush v28, $0xF;
	v29, _, _ =	vpop (xrf2)  }
0xa6: {  	(v2sf) =	vpush v29, $0xF  }
0xa7: {  	v30, _, _ =	vpop (xrf2)  }
0xa8: {  	(v2sf) =	vpush v30, $0xF  }
0xa9: {  	v32 =	vld [tilespmem:s16+$0xF0]  }
0xaa: {  	v33 =	vld [tilespmem:s16+$0x40F0];
	v31, _, _ =	vpop (xrf2)  }
0xab: {  	(v2sf) =	vpush v31, $0xF  }
0xac: {  	v34, _, _ =	vpop (xrf2)  }
0xad: {  	(v2sf) =	vpush v34, $0xF;
	_ =	sdelay $0x1  }
0xae: {  	v36 =	vmul.f32 v33, v32;
	v8 =	vsub.f32 v26, v60  }
0xaf: {  	(xrf2) =	vadd.scan.msk.f32 $0xffff, v32  }
0xb0: {  	v35 =	vld [tilespmem:s16+$0x80C0];
	v1 =	vsub.f32 v28, v20;
	v8 =	vadd.f32 $0.0e+00, v8;
	(xrf2) =	vadd.scan.msk.f32 $0xffff, v36;
	s19 =	spop (v2sf)  }
0xb1: {  	v42 =	vadd.f32 v63, v63;
	s1 =	spop (v2sf)  }
0xb2: {  	v11 =	vsub.f32 v29, v63;
	v1 =	vadd.f32 $0.0e+00, v1;
	v2 =	vmul.f32 v8, v62;
	s0 =	sadd.f32 $0.0e+00, s1  }
0xb3: {  	v37 =	vadd.f32 v60, v60;
	v38 =	vmul.f32 v60, v60;
	v6 =	vsub.f32 v30, v23;
	s8 =	spop (v2sf)  }
0xb4: {  	v40 =	vld [tilespmem:s16+$0x80D0];
	v1 =	vsub.f32 v2, v1;
	s20 =	sadd.f32 $0.0e+00, s8;
	s21 =	spop (v2sf);
	v39 =	vadd.f32 s0, v11  }
0xb5: {  	v48 =	vadd.f32 v22, v22;
	v2 =	vmul.f32 v35, v38;
	v41 =	vsub.f32 v31, v22;
	s0 =	sadd.f32 s21, s0  }
0xb6: {  	v1 =	vmul.f32 v1, v37;
	s9 =	spop (v2sf);
	v6 =	vadd.f32 s20, v6;
	v3 =	vmul.f32 v39, v21  }
0xb7: {  	v0 =	vmul.f32 v63, v63;
	v43 =	vsub.f32 v34, v27;
	s20 =	sadd.f32 s9, s20;
	v4 =	vadd.f32 s0, v41  }
0xb8: {  	v45 =	vld [tilespmem:s16+$0x80E0];
	v2 =	vmul.f32 $3.333333430e-01, v2;
	v1 =	vadd.f32 $0.0e+00, v1;
	v3 =	vsub.f32 v3, v6  }
0xb9: {  	v0 =	vmul.f32 v40, v0;
	v46, _, _ =	vpop (xrf2);
	v6 =	vadd.f32 s20, v43;
	v4 =	vmul.f32 v4, v24;
	s22 =	spop (v2sf)  }
0xba: {  	v1 =	vadd.f32 v1, v2;
	v47 =	vsub.f32 v46, v32;
	v49, _, _ =	vpop (xrf2);
	v44 =	vmul.f32 v3, v42;
	s0 =	sadd.f32 s22, s0  }
0xbb: {  	v5 =	vmul.f32 v22, v22;
	v4 =	vsub.f32 v4, v6;
	v6 =	vsub.f32 v49, v36;
	s23 =	spop (v2sf)  }
0xbc: {  	v0 =	vmul.f32 $3.333333430e-01, v0;
	v1 =	vadd.f32 v44, v1;
	s20 =	sadd.f32 s23, s20;
	v2 =	vadd.f32 s0, v47  }
0xbd: {  	v51 =	vld [tilespmem:s16+$0x80F0];
	v3 =	vmul.f32 v45, v5;
	v50 =	vmul.f32 v4, v48  }
0xbe: {  	v0 =	vadd.f32 v1, v0;
	v52 =	vadd.f32 s20, v6;
	v2 =	vmul.f32 v2, v33  }
0xbf: {  	v54 =	vadd.f32 v32, v32;
	v55 =	vmul.f32 v32, v32  }
0xc0: {  	v53 =	vmul.f32 $3.333333430e-01, v3;
	v0 =	vadd.f32 v50, v0;
	v2 =	vsub.f32 v2, v52;
	_ =	sdelay $0x1  }
0xc1: {  	v59 =	vld [tilespmem:s16+$0x4100];
	v57 =	vmul.f32 v51, v55;
	v0 =	vadd.f32 v0, v53;
	v56 =	vmul.f32 v2, v54  }
0xc2: {  	v58 =	vld [tilespmem:s16+$0x100]  }
0xc3: {  	v61 =	vld [tilespmem:s16+$0x110];
	v60 =	vmul.f32 $3.333333430e-01, v57;
	v0 =	vadd.f32 v56, v0  }
0xc4: {  	v62 =	vld [tilespmem:s16+$0x4110]  }
0xc5: {  	v0 =	vadd.f32 v0, v60;
	_ =	sdelay $0x1  }
0xc6: {  	v63 =	vmul.f32 v59, v58;
	(xrf2) =	vadd.scan.msk.f32 $0xffff, v0  }
0xc7: {  	(xrf2) =	vadd.scan.msk.f32 $0xffff, v58  }
0xc8: {  	v21 =	vmul.f32 v62, v61;
	(xrf2) =	vadd.scan.msk.f32 $0xffff, v63  }
0xc9: {  	(xrf2) =	vadd.scan.msk.f32 $0xffff, v61  }
0xca: {  	(xrf2) =	vadd.scan.msk.f32 $0xffff, v21;
	_ =	sdelay $0x5  }
0xcb: {  	v22, _, _ =	vpop (xrf2)  }
0xcc: {  	(v2sf) =	vpush v22, $0xF;
	v23, _, _ =	vpop (xrf2)  }
0xcd: {  	v25 =	vld [tilespmem:s16+$0x120];
	v24, _, _ =	vpop (xrf2);
	(v2sf) =	vpush v23, $0xF  }
0xce: {  	v27 =	vld [tilespmem:s16+$0x4120];
	(v2sf) =	vpush v24, $0xF;
	v26, _, _ =	vpop (xrf2)  }
0xcf: {  	v28, _, _ =	vpop (xrf2);
	(v2sf) =	vpush v26, $0xF  }
0xd0: {  	(v2sf) =	vpush v28, $0xF;
	_ =	sdelay $0x2  }
0xd1: {  	v29 =	vmul.f32 v27, v25  }
0xd2: {  	(xrf2) =	vadd.scan.msk.f32 $0xffff, v25  }
0xd3: {  	(xrf2) =	vadd.scan.msk.f32 $0xffff, v29;
	_ =	sdelay $0x5  }
0xd4: {  	s20 =	spop (v2sf)  }
0xd5: {  	s24 =	spop (v2sf)  }
0xd6: {  	s25 =	spop (v2sf)  }
0xd7: {  	v30 =	vld [tilespmem:s16+$0x8100];
	v32, _, _ =	vpop (xrf2);
	s22 =	spop (v2sf)  }
0xd8: {  	v31 =	vld [tilespmem:s16+$0x8110];
	v34, _, _ =	vpop (xrf2);
	s23 =	spop (v2sf)  }
0xd9: {  	v33 =	vld [tilespmem:s16+$0x8120];
	(v2sf) =	vpush v32, $0xF  }
0xda: {  	v18 =	vld [tilespmem:s16+$0x130]  }
0xdb: {  	v19 =	vld [tilespmem:s16+$0x4130];
	_ =	sdelay $0x1  }
0xdc: {  	v6 =	vsub.f32 v23, v58;
	(v2sf) =	vpush v34, $0xF;
	_ =	sdelay $0x1  }
0xdd: {  	v0 =	vsub.f32 v24, v63;
	v6 =	vadd.f32 $0.0e+00, v6  }
0xde: {  	v35 =	vmul.f32 v19, v18;
	(xrf2) =	vadd.scan.msk.f32 $0xffff, v18  }
0xdf: {  	v0 =	vadd.f32 $0.0e+00, v0;
	v4 =	vmul.f32 v6, v59  }
0xe0: {  	v36 =	vsub.f32 v26, v61;
	s0 =	sadd.f32 $0.0e+00, s24;
	(xrf2) =	vadd.scan.msk.f32 $0xffff, v35  }
0xe1: {  	v37 =	vadd.f32 v58, v58;
	v3 =	vmul.f32 v58, v58;
	v0 =	vsub.f32 v4, v0  }
0xe2: {  	v1 =	vsub.f32 v28, v21;
	s21 =	sadd.f32 $0.0e+00, s25;
	v7 =	vadd.f32 s0, v36  }
0xe3: {  	v40 =	vadd.f32 v61, v61;
	v3 =	vmul.f32 v30, v3;
	v0 =	vmul.f32 v0, v37  }
0xe4: {  	v39 =	vsub.f32 v32, v25;
	s0 =	sadd.f32 s22, s0;
	v1 =	vadd.f32 s21, v1;
	v38 =	vmul.f32 v7, v62  }
0xe5: {  	v3 =	vmul.f32 $3.333333430e-01, v3;
	v0 =	vadd.f32 $0.0e+00, v0;
	v42 =	vsub.f32 v34, v29  }
0xe6: {  	s21 =	sadd.f32 s23, s21;
	v41 =	vadd.f32 s0, v39;
	v1 =	vsub.f32 v38, v1  }
0xe7: {  	v2 =	vmul.f32 v61, v61;
	v0 =	vadd.f32 v0, v3  }
0xe8: {  	v43 =	vadd.f32 s21, v42;
	v4 =	vmul.f32 v41, v27;
	v1 =	vmul.f32 v1, v40;
	s26 =	spop (v2sf);
	v44, _, _ =	vpop (xrf2)  }
0xe9: {  	v47 =	vadd.f32 v25, v25;
	v2 =	vmul.f32 v31, v2;
	s0 =	sadd.f32 s26, s0;
	v46 =	vsub.f32 v44, v18  }
0xea: {  	v48 =	vmul.f32 v25, v25;
	v3 =	vsub.f32 v4, v43;
	v0 =	vadd.f32 v1, v0;
	s28 =	spop (v2sf);
	v49, _, _ =	vpop (xrf2)  }
0xeb: {  	v45 =	vmul.f32 $3.333333430e-01, v2;
	s21 =	sadd.f32 s28, s21;
	v2 =	vadd.f32 s0, v46;
	v6 =	vsub.f32 v49, v35  }
0xec: {  	v51 =	vmul.f32 v33, v48;
	v52 =	vld [tilespmem:s16+$0x8130];
	v50 =	vmul.f32 v3, v47  }
0xed: {  	v0 =	vadd.f32 v0, v45;
	v53 =	vadd.f32 s21, v6;
	v2 =	vmul.f32 v2, v19  }
0xee: {  	v54 =	vmul.f32 $3.333333430e-01, v51;
	v55 =	vadd.f32 v18, v18  }
0xef: {  	v56 =	vmul.f32 v18, v18;
	v0 =	vadd.f32 v50, v0;
	v2 =	vsub.f32 v2, v53;
	_ =	sdelay $0x1  }
0xf0: {  	v58 =	vmul.f32 v52, v56;
	v0 =	vadd.f32 v0, v54;
	v57 =	vmul.f32 v2, v55  }
0xf1: {  	v59 =	vld [tilespmem:s16+$0x140]  }
0xf2: {  	v61 =	vld [tilespmem:s16+$0x4140];
	v60 =	vmul.f32 $3.333333430e-01, v58;
	v0 =	vadd.f32 v57, v0;
	_ =	sdelay $0x1  }
0xf3: {  	v0 =	vadd.f32 v0, v60;
	_ =	sdelay $0x1  }
0xf4: {  	v62 =	vld [tilespmem:s16+$0x150];
	(xrf2) =	vadd.scan.msk.f32 $0xffff, v0  }
0xf5: {  	v20 =	vld [tilespmem:s16+$0x4150];
	v63 =	vmul.f32 v61, v59;
	(xrf2) =	vadd.scan.msk.f32 $0xffff, v59;
	_ =	sdelay $0x1  }
0xf6: {  	(xrf2) =	vadd.scan.msk.f32 $0xffff, v63;
	_ =	sdelay $0x1  }
0xf7: {  	v21 =	vld [tilespmem:s16+$0x160]  }
0xf8: {  	v23 =	vld [tilespmem:s16+$0x4160];
	v22 =	vmul.f32 v20, v62;
	(xrf2) =	vadd.scan.msk.f32 $0xffff, v62;
	_ =	sdelay $0x1  }
0xf9: {  	(xrf2) =	vadd.scan.msk.f32 $0xffff, v22;
	_ =	sdelay $0x1  }
0xfa: {  	v24, _, _ =	vpop (xrf2)  }
0xfb: {  	v26 =	vmul.f32 v23, v21;
	v25, _, _ =	vpop (xrf2);
	(xrf2) =	vadd.scan.msk.f32 $0xffff, v21;
	_ =	sdelay $0x1  }
0xfc: {  	(v2sf) =	vpush v24, $0xF;
	v27, _, _ =	vpop (xrf2);
	(xrf2) =	vadd.scan.msk.f32 $0xffff, v26  }
0xfd: {  	(v2sf) =	vpush v25, $0xF;
	_ =	sdelay $0x1  }
0xfe: {  	(v2sf) =	vpush v27, $0xF;
	v28, _, _ =	vpop (xrf2)  }
0xff: {  	(v2sf) =	vpush v28, $0xF  }
0x100: {  	v29, _, _ =	vpop (xrf2)  }
0x101: {  	(v2sf) =	vpush v29, $0xF  }
0x102: {  	v31 =	vld [tilespmem:s16+$0x170]  }
0x103: {  	v32 =	vld [tilespmem:s16+$0x4170];
	v30, _, _ =	vpop (xrf2)  }
0x104: {  	(v2sf) =	vpush v30, $0xF  }
0x105: {  	v33, _, _ =	vpop (xrf2)  }
0x106: {  	(v2sf) =	vpush v33, $0xF;
	_ =	sdelay $0x1  }
0x107: {  	v35 =	vmul.f32 v32, v31;
	v8 =	vsub.f32 v25, v59  }
0x108: {  	(xrf2) =	vadd.scan.msk.f32 $0xffff, v31  }
0x109: {  	v34 =	vld [tilespmem:s16+$0x8140];
	v1 =	vsub.f32 v27, v63;
	v8 =	vadd.f32 $0.0e+00, v8;
	(xrf2) =	vadd.scan.msk.f32 $0xffff, v35;
	s21 =	spop (v2sf)  }
0x10a: {  	v36 =	vadd.f32 v59, v59;
	s29 =	spop (v2sf)  }
0x10b: {  	v11 =	vsub.f32 v28, v62;
	v1 =	vadd.f32 $0.0e+00, v1;
	v2 =	vmul.f32 v8, v61;
	s0 =	sadd.f32 $0.0e+00, s29  }
0x10c: {  	v40 =	vadd.f32 v62, v62;
	v3 =	vmul.f32 v59, v59;
	v6 =	vsub.f32 v29, v22;
	s30 =	spop (v2sf)  }
0x10d: {  	v38 =	vld [tilespmem:s16+$0x8150];
	v1 =	vsub.f32 v2, v1;
	s22 =	sadd.f32 $0.0e+00, s30;
	s31 =	spop (v2sf);
	v11 =	vadd.f32 s0, v11  }
0x10e: {  	v47 =	vadd.f32 v21, v21;
	v37 =	vmul.f32 v34, v3;
	v39 =	vsub.f32 v30, v21;
	s0 =	sadd.f32 s31, s0  }
0x10f: {  	v1 =	vmul.f32 v1, v36;
	s1 =	spop (v2sf);
	v6 =	vadd.f32 s22, v6;
	v4 =	vmul.f32 v11, v20  }
0x110: {  	v0 =	vmul.f32 v62, v62;
	v9 =	vsub.f32 v33, v26;
	s22 =	sadd.f32 s1, s22;
	v41 =	vadd.f32 s0, v39  }
0x111: {  	v43 =	vld [tilespmem:s16+$0x8160];
	v2 =	vmul.f32 $3.333333430e-01, v37;
	v1 =	vadd.f32 $0.0e+00, v1;
	v4 =	vsub.f32 v4, v6  }
0x112: {  	v0 =	vmul.f32 v38, v0;
	v45, _, _ =	vpop (xrf2);
	v44 =	vadd.f32 s22, v9;
	v6 =	vmul.f32 v41, v23;
	s8 =	spop (v2sf)  }
0x113: {  	v1 =	vadd.f32 v1, v2;
	v46 =	vsub.f32 v45, v31;
	v48, _, _ =	vpop (xrf2);
	v42 =	vmul.f32 v4, v40;
	s0 =	sadd.f32 s8, s0  }
0x114: {  	v5 =	vmul.f32 v21, v21;
	v4 =	vsub.f32 v6, v44;
	v6 =	vsub.f32 v48, v35;
	s9 =	spop (v2sf)  }
0x115: {  	v0 =	vmul.f32 $3.333333430e-01, v0;
	v1 =	vadd.f32 v42, v1;
	s22 =	sadd.f32 s9, s22;
	v2 =	vadd.f32 s0, v46  }
0x116: {  	v3 =	vmul.f32 v43, v5;
	v50 =	vld [tilespmem:s16+$0x8170];
	v49 =	vmul.f32 v4, v47  }
0x117: {  	v0 =	vadd.f32 v1, v0;
	v51 =	vadd.f32 s22, v6;
	v2 =	vmul.f32 v2, v32  }
0x118: {  	v52 =	vmul.f32 $3.333333430e-01, v3;
	v53 =	vadd.f32 v31, v31  }
0x119: {  	v54 =	vmul.f32 v31, v31;
	v0 =	vadd.f32 v49, v0;
	v2 =	vsub.f32 v2, v51;
	_ =	sdelay $0x1  }
0x11a: {  	v56 =	vmul.f32 v50, v54;
	v0 =	vadd.f32 v0, v52;
	v55 =	vmul.f32 v2, v53  }
0x11b: {  	v57 =	vld [tilespmem:s16+$0x180]  }
0x11c: {  	v58 =	vmul.f32 $3.333333430e-01, v56;
	v59 =	vld [tilespmem:s16+$0x4180];
	v0 =	vadd.f32 v55, v0;
	_ =	sdelay $0x1  }
0x11d: {  	v0 =	vadd.f32 v0, v58;
	_ =	sdelay $0x1  }
0x11e: {  	v60 =	vld [tilespmem:s16+$0x190];
	(xrf2) =	vadd.scan.msk.f32 $0xffff, v0  }
0x11f: {  	v62 =	vld [tilespmem:s16+$0x4190];
	v61 =	vmul.f32 v59, v57;
	(xrf2) =	vadd.scan.msk.f32 $0xffff, v57;
	_ =	sdelay $0x1  }
0x120: {  	(xrf2) =	vadd.scan.msk.f32 $0xffff, v61;
	_ =	sdelay $0x1  }
0x121: {  	v63 =	vld [tilespmem:s16+$0x1A0]  }
0x122: {  	v21 =	vld [tilespmem:s16+$0x41A0];
	v20 =	vmul.f32 v62, v60;
	(xrf2) =	vadd.scan.msk.f32 $0xffff, v60;
	_ =	sdelay $0x1  }
0x123: {  	(xrf2) =	vadd.scan.msk.f32 $0xffff, v20;
	_ =	sdelay $0x1  }
0x124: {  	v22, _, _ =	vpop (xrf2)  }
0x125: {  	v24 =	vmul.f32 v21, v63;
	v23, _, _ =	vpop (xrf2);
	(xrf2) =	vadd.scan.msk.f32 $0xffff, v63;
	_ =	sdelay $0x1  }
0x126: {  	(v2sf) =	vpush v22, $0xF;
	v25, _, _ =	vpop (xrf2);
	(xrf2) =	vadd.scan.msk.f32 $0xffff, v24  }
0x127: {  	(v2sf) =	vpush v23, $0xF;
	_ =	sdelay $0x1  }
0x128: {  	(v2sf) =	vpush v25, $0xF;
	v26, _, _ =	vpop (xrf2)  }
0x129: {  	(v2sf) =	vpush v26, $0xF  }
0x12a: {  	v27, _, _ =	vpop (xrf2)  }
0x12b: {  	(v2sf) =	vpush v27, $0xF  }
0x12c: {  	v29 =	vld [tilespmem:s16+$0x1B0]  }
0x12d: {  	v30 =	vld [tilespmem:s16+$0x41B0];
	v28, _, _ =	vpop (xrf2)  }
0x12e: {  	(v2sf) =	vpush v28, $0xF  }
0x12f: {  	v31, _, _ =	vpop (xrf2)  }
0x130: {  	(v2sf) =	vpush v31, $0xF;
	_ =	sdelay $0x1  }
0x131: {  	v33 =	vmul.f32 v30, v29;
	v8 =	vsub.f32 v23, v57  }
0x132: {  	(xrf2) =	vadd.scan.msk.f32 $0xffff, v29  }
0x133: {  	v32 =	vld [tilespmem:s16+$0x8180];
	v1 =	vsub.f32 v25, v61;
	v8 =	vadd.f32 $0.0e+00, v8;
	(xrf2) =	vadd.scan.msk.f32 $0xffff, v33;
	s22 =	spop (v2sf)  }
0x134: {  	v34 =	vadd.f32 v57, v57;
	s24 =	spop (v2sf)  }
0x135: {  	v11 =	vsub.f32 v26, v60;
	v1 =	vadd.f32 $0.0e+00, v1;
	v2 =	vmul.f32 v8, v59;
	s0 =	sadd.f32 $0.0e+00, s24  }
0x136: {  	v3 =	vmul.f32 v57, v57;
	v38 =	vadd.f32 v60, v60;
	v6 =	vsub.f32 v27, v20;
	s25 =	spop (v2sf)  }
0x137: {  	v36 =	vld [tilespmem:s16+$0x8190];
	v1 =	vsub.f32 v2, v1;
	s23 =	sadd.f32 $0.0e+00, s25;
	s24 =	spop (v2sf);
	v11 =	vadd.f32 s0, v11  }
0x138: {  	v45 =	vadd.f32 v63, v63;
	v35 =	vmul.f32 v32, v3;
	v37 =	vsub.f32 v28, v63;
	s0 =	sadd.f32 s24, s0  }
0x139: {  	v1 =	vmul.f32 v1, v34;
	s26 =	spop (v2sf);
	v6 =	vadd.f32 s23, v6;
	v4 =	vmul.f32 v11, v62  }
0x13a: {  	v0 =	vmul.f32 v60, v60;
	v9 =	vsub.f32 v31, v24;
	s23 =	sadd.f32 s26, s23;
	v39 =	vadd.f32 s0, v37  }
0x13b: {  	v41 =	vld [tilespmem:s16+$0x81A0];
	v2 =	vmul.f32 $3.333333430e-01, v35;
	v1 =	vadd.f32 $0.0e+00, v1;
	v4 =	vsub.f32 v4, v6  }
0x13c: {  	v0 =	vmul.f32 v36, v0;
	v43, _, _ =	vpop (xrf2);
	v42 =	vadd.f32 s23, v9;
	v6 =	vmul.f32 v39, v21;
	s28 =	spop (v2sf)  }
0x13d: {  	v1 =	vadd.f32 v1, v2;
	v44 =	vsub.f32 v43, v29;
	v46, _, _ =	vpop (xrf2);
	v40 =	vmul.f32 v4, v38;
	s0 =	sadd.f32 s28, s0  }
0x13e: {  	v5 =	vmul.f32 v63, v63;
	v4 =	vsub.f32 v6, v42;
	v6 =	vsub.f32 v46, v33;
	s29 =	spop (v2sf)  }
0x13f: {  	v0 =	vmul.f32 $3.333333430e-01, v0;
	v1 =	vadd.f32 v40, v1;
	s23 =	sadd.f32 s29, s23;
	v2 =	vadd.f32 s0, v44  }
0x140: {  	v48 =	vld [tilespmem:s16+$0x81B0];
	v3 =	vmul.f32 v41, v5;
	v47 =	vmul.f32 v4, v45  }
0x141: {  	v0 =	vadd.f32 v1, v0;
	v49 =	vadd.f32 s23, v6;
	v2 =	vmul.f32 v2, v30  }
0x142: {  	v51 =	vadd.f32 v29, v29;
	v52 =	vmul.f32 v29, v29  }
0x143: {  	v50 =	vmul.f32 $3.333333430e-01, v3;
	v0 =	vadd.f32 v47, v0;
	v2 =	vsub.f32 v2, v49;
	_ =	sdelay $0x1  }
0x144: {  	v54 =	vmul.f32 v48, v52;
	v0 =	vadd.f32 v0, v50;
	v53 =	vmul.f32 v2, v51  }
0x145: {  	v55 =	vld [tilespmem:s16+$0x1C0]  }
0x146: {  	v56 =	vmul.f32 $3.333333430e-01, v54;
	v57 =	vld [tilespmem:s16+$0x41C0];
	v0 =	vadd.f32 v53, v0;
	_ =	sdelay $0x1  }
0x147: {  	v0 =	vadd.f32 v0, v56;
	_ =	sdelay $0x1  }
0x148: {  	v58 =	vld [tilespmem:s16+$0x1D0];
	(xrf2) =	vadd.scan.msk.f32 $0xffff, v0  }
0x149: {  	v60 =	vld [tilespmem:s16+$0x41D0];
	v59 =	vmul.f32 v57, v55;
	(xrf2) =	vadd.scan.msk.f32 $0xffff, v55;
	_ =	sdelay $0x1  }
0x14a: {  	(xrf2) =	vadd.scan.msk.f32 $0xffff, v59;
	_ =	sdelay $0x1  }
0x14b: {  	v61 =	vld [tilespmem:s16+$0x1E0]  }
0x14c: {  	v63 =	vld [tilespmem:s16+$0x41E0];
	v62 =	vmul.f32 v60, v58;
	(xrf2) =	vadd.scan.msk.f32 $0xffff, v58;
	_ =	sdelay $0x1  }
0x14d: {  	(xrf2) =	vadd.scan.msk.f32 $0xffff, v62;
	_ =	sdelay $0x1  }
0x14e: {  	v19, _, _ =	vpop (xrf2)  }
0x14f: {  	v21 =	vmul.f32 v63, v61;
	v20, _, _ =	vpop (xrf2);
	(xrf2) =	vadd.scan.msk.f32 $0xffff, v61;
	_ =	sdelay $0x1  }
0x150: {  	(v2sf) =	vpush v19, $0xF;
	v22, _, _ =	vpop (xrf2);
	(xrf2) =	vadd.scan.msk.f32 $0xffff, v21  }
0x151: {  	(v2sf) =	vpush v20, $0xF;
	_ =	sdelay $0x1  }
0x152: {  	(v2sf) =	vpush v22, $0xF;
	v23, _, _ =	vpop (xrf2)  }
0x153: {  	(v2sf) =	vpush v23, $0xF  }
0x154: {  	v24, _, _ =	vpop (xrf2)  }
0x155: {  	(v2sf) =	vpush v24, $0xF  }
0x156: {  	v26 =	vld [tilespmem:s16+$0x1F0]  }
0x157: {  	v27 =	vld [tilespmem:s16+$0x41F0];
	v25, _, _ =	vpop (xrf2)  }
0x158: {  	(v2sf) =	vpush v25, $0xF  }
0x159: {  	v28, _, _ =	vpop (xrf2)  }
0x15a: {  	(v2sf) =	vpush v28, $0xF;
	_ =	sdelay $0x1  }
0x15b: {  	v30 =	vmul.f32 v27, v26;
	v8 =	vsub.f32 v20, v55  }
0x15c: {  	(xrf2) =	vadd.scan.msk.f32 $0xffff, v26  }
0x15d: {  	v29 =	vld [tilespmem:s16+$0x81C0];
	v1 =	vsub.f32 v22, v59;
	v8 =	vadd.f32 $0.0e+00, v8;
	(xrf2) =	vadd.scan.msk.f32 $0xffff, v30;
	s23 =	spop (v2sf)  }
0x15e: {  	v35 =	vadd.f32 v58, v58;
	s30 =	spop (v2sf)  }
0x15f: {  	v11 =	vsub.f32 v23, v58;
	v1 =	vadd.f32 $0.0e+00, v1;
	v2 =	vmul.f32 v8, v57;
	s0 =	sadd.f32 $0.0e+00, s30  }
0x160: {  	v3 =	vmul.f32 v55, v55;
	v31 =	vadd.f32 v55, v55;
	v6 =	vsub.f32 v24, v62;
	s31 =	spop (v2sf)  }
0x161: {  	v33 =	vld [tilespmem:s16+$0x81D0];
	v1 =	vsub.f32 v2, v1;
	s24 =	sadd.f32 $0.0e+00, s31;
	s25 =	spop (v2sf);
	v11 =	vadd.f32 s0, v11  }
0x162: {  	v32 =	vmul.f32 v29, v3;
	v42 =	vadd.f32 v61, v61;
	v34 =	vsub.f32 v25, v61;
	s0 =	sadd.f32 s25, s0  }
0x163: {  	v1 =	vmul.f32 v1, v31;
	s1 =	spop (v2sf);
	v6 =	vadd.f32 s24, v6;
	v4 =	vmul.f32 v11, v60  }
0x164: {  	v0 =	vmul.f32 v58, v58;
	v9 =	vsub.f32 v28, v21;
	s24 =	sadd.f32 s1, s24;
	v36 =	vadd.f32 s0, v34  }
0x165: {  	v38 =	vld [tilespmem:s16+$0x81E0];
	v2 =	vmul.f32 $3.333333430e-01, v32;
	v1 =	vadd.f32 $0.0e+00, v1;
	v4 =	vsub.f32 v4, v6  }
0x166: {  	v0 =	vmul.f32 v33, v0;
	v40, _, _ =	vpop (xrf2);
	v39 =	vadd.f32 s24, v9;
	v6 =	vmul.f32 v36, v63;
	s8 =	spop (v2sf)  }
0x167: {  	v1 =	vadd.f32 v1, v2;
	v41 =	vsub.f32 v40, v26;
	v43, _, _ =	vpop (xrf2);
	v37 =	vmul.f32 v4, v35;
	s0 =	sadd.f32 s8, s0  }
0x168: {  	v5 =	vmul.f32 v61, v61;
	v4 =	vsub.f32 v6, v39;
	v6 =	vsub.f32 v43, v30;
	s9 =	spop (v2sf)  }
0x169: {  	v0 =	vmul.f32 $3.333333430e-01, v0;
	v1 =	vadd.f32 v37, v1;
	s24 =	sadd.f32 s9, s24;
	v2 =	vadd.f32 s0, v41  }
0x16a: {  	v45 =	vld [tilespmem:s16+$0x81F0];
	v3 =	vmul.f32 v38, v5;
	v44 =	vmul.f32 v4, v42  }
0x16b: {  	v0 =	vadd.f32 v1, v0;
	v46 =	vadd.f32 s24, v6;
	v2 =	vmul.f32 v2, v27  }
0x16c: {  	v48 =	vadd.f32 v26, v26;
	v47 =	vmul.f32 $3.333333430e-01, v3  }
0x16d: {  	v49 =	vmul.f32 v26, v26;
	v0 =	vadd.f32 v44, v0;
	v2 =	vsub.f32 v2, v46;
	_ =	sdelay $0x1  }
0x16e: {  	v51 =	vmul.f32 v45, v49;
	v0 =	vadd.f32 v0, v47;
	v50 =	vmul.f32 v2, v48  }
0x16f: {  	v52 =	vld [tilespmem:s16+$0x200]  }
0x170: {  	v54 =	vld [tilespmem:s16+$0x4200];
	v53 =	vmul.f32 $3.333333430e-01, v51;
	v0 =	vadd.f32 v50, v0;
	_ =	sdelay $0x1  }
0x171: {  	v0 =	vadd.f32 v0, v53;
	_ =	sdelay $0x1  }
0x172: {  	v55 =	vld [tilespmem:s16+$0x210];
	(xrf2) =	vadd.scan.msk.f32 $0xffff, v0  }
0x173: {  	v56 =	vmul.f32 v54, v52;
	v57 =	vld [tilespmem:s16+$0x4210];
	(xrf2) =	vadd.scan.msk.f32 $0xffff, v52;
	_ =	sdelay $0x1  }
0x174: {  	(xrf2) =	vadd.scan.msk.f32 $0xffff, v56;
	_ =	sdelay $0x1  }
0x175: {  	v58 =	vld [tilespmem:s16+$0x220]  }
0x176: {  	v59 =	vmul.f32 v57, v55;
	v60 =	vld [tilespmem:s16+$0x4220];
	(xrf2) =	vadd.scan.msk.f32 $0xffff, v55;
	_ =	sdelay $0x1  }
0x177: {  	(xrf2) =	vadd.scan.msk.f32 $0xffff, v59;
	_ =	sdelay $0x1  }
0x178: {  	v61, _, _ =	vpop (xrf2)  }
0x179: {  	v63 =	vmul.f32 v60, v58;
	v62, _, _ =	vpop (xrf2);
	(xrf2) =	vadd.scan.msk.f32 $0xffff, v58;
	_ =	sdelay $0x1  }
0x17a: {  	(v2sf) =	vpush v61, $0xF;
	v20, _, _ =	vpop (xrf2);
	(xrf2) =	vadd.scan.msk.f32 $0xffff, v63  }
0x17b: {  	(v2sf) =	vpush v62, $0xF;
	_ =	sdelay $0x1  }
0x17c: {  	(v2sf) =	vpush v20, $0xF;
	v21, _, _ =	vpop (xrf2)  }
0x17d: {  	(v2sf) =	vpush v21, $0xF  }
0x17e: {  	v22, _, _ =	vpop (xrf2)  }
0x17f: {  	(v2sf) =	vpush v22, $0xF  }
0x180: {  	v24 =	vld [tilespmem:s16+$0x230]  }
0x181: {  	v25 =	vld [tilespmem:s16+$0x4230];
	v23, _, _ =	vpop (xrf2)  }
0x182: {  	(v2sf) =	vpush v23, $0xF  }
0x183: {  	v26, _, _ =	vpop (xrf2)  }
0x184: {  	(v2sf) =	vpush v26, $0xF;
	_ =	sdelay $0x1  }
0x185: {  	v28 =	vmul.f32 v25, v24;
	v8 =	vsub.f32 v62, v52  }
0x186: {  	(xrf2) =	vadd.scan.msk.f32 $0xffff, v24  }
0x187: {  	v27 =	vld [tilespmem:s16+$0x8200];
	v1 =	vsub.f32 v20, v56;
	v8 =	vadd.f32 $0.0e+00, v8;
	(xrf2) =	vadd.scan.msk.f32 $0xffff, v28;
	s24 =	spop (v2sf)  }
0x188: {  	v29 =	vadd.f32 v52, v52;
	s25 =	spop (v2sf)  }
0x189: {  	v11 =	vsub.f32 v21, v55;
	v1 =	vadd.f32 $0.0e+00, v1;
	v2 =	vmul.f32 v8, v54;
	s0 =	sadd.f32 $0.0e+00, s25  }
0x18a: {  	v3 =	vmul.f32 v52, v52;
	v33 =	vadd.f32 v55, v55;
	v6 =	vsub.f32 v22, v59;
	s26 =	spop (v2sf)  }
0x18b: {  	v31 =	vld [tilespmem:s16+$0x8210];
	v1 =	vsub.f32 v2, v1;
	s25 =	sadd.f32 $0.0e+00, s26;
	s26 =	spop (v2sf);
	v11 =	vadd.f32 s0, v11  }
0x18c: {  	v40 =	vadd.f32 v58, v58;
	v30 =	vmul.f32 v27, v3;
	v32 =	vsub.f32 v23, v58;
	s0 =	sadd.f32 s26, s0  }
0x18d: {  	v1 =	vmul.f32 v1, v29;
	s28 =	spop (v2sf);
	v6 =	vadd.f32 s25, v6;
	v4 =	vmul.f32 v11, v57  }
0x18e: {  	v0 =	vmul.f32 v55, v55;
	v9 =	vsub.f32 v26, v63;
	s25 =	sadd.f32 s28, s25;
	v34 =	vadd.f32 s0, v32  }
0x18f: {  	v36 =	vld [tilespmem:s16+$0x8220];
	v2 =	vmul.f32 $3.333333430e-01, v30;
	v1 =	vadd.f32 $0.0e+00, v1;
	v4 =	vsub.f32 v4, v6  }
0x190: {  	v0 =	vmul.f32 v31, v0;
	v38, _, _ =	vpop (xrf2);
	v37 =	vadd.f32 s25, v9;
	v6 =	vmul.f32 v34, v60;
	s29 =	spop (v2sf)  }
0x191: {  	v1 =	vadd.f32 v1, v2;
	v39 =	vsub.f32 v38, v24;
	v41, _, _ =	vpop (xrf2);
	v35 =	vmul.f32 v4, v33;
	s0 =	sadd.f32 s29, s0  }
0x192: {  	v5 =	vmul.f32 v58, v58;
	v4 =	vsub.f32 v6, v37;
	v6 =	vsub.f32 v41, v28;
	s30 =	spop (v2sf)  }
0x193: {  	v0 =	vmul.f32 $3.333333430e-01, v0;
	v1 =	vadd.f32 v35, v1;
	s25 =	sadd.f32 s30, s25;
	v2 =	vadd.f32 s0, v39  }
0x194: {  	v43 =	vld [tilespmem:s16+$0x8230];
	v3 =	vmul.f32 v36, v5;
	v42 =	vmul.f32 v4, v40  }
0x195: {  	v0 =	vadd.f32 v1, v0;
	v44 =	vadd.f32 s25, v6;
	v2 =	vmul.f32 v2, v25  }
0x196: {  	v46 =	vadd.f32 v24, v24;
	v47 =	vmul.f32 v24, v24  }
0x197: {  	v45 =	vmul.f32 $3.333333430e-01, v3;
	v0 =	vadd.f32 v42, v0;
	v2 =	vsub.f32 v2, v44;
	_ =	sdelay $0x1  }
0x198: {  	v49 =	vmul.f32 v43, v47;
	v0 =	vadd.f32 v0, v45;
	v48 =	vmul.f32 v2, v46  }
0x199: {  	v50 =	vld [tilespmem:s16+$0x240]  }
0x19a: {  	v51 =	vmul.f32 $3.333333430e-01, v49;
	v52 =	vld [tilespmem:s16+$0x4240];
	v0 =	vadd.f32 v48, v0;
	_ =	sdelay $0x1  }
0x19b: {  	v0 =	vadd.f32 v0, v51;
	_ =	sdelay $0x1  }
0x19c: {  	v53 =	vld [tilespmem:s16+$0x250];
	(xrf2) =	vadd.scan.msk.f32 $0xffff, v0  }
0x19d: {  	v55 =	vld [tilespmem:s16+$0x4250];
	v54 =	vmul.f32 v52, v50;
	(xrf2) =	vadd.scan.msk.f32 $0xffff, v50;
	_ =	sdelay $0x1  }
0x19e: {  	(xrf2) =	vadd.scan.msk.f32 $0xffff, v54;
	_ =	sdelay $0x1  }
0x19f: {  	v56 =	vld [tilespmem:s16+$0x260]  }
0x1a0: {  	v58 =	vld [tilespmem:s16+$0x4260];
	v57 =	vmul.f32 v55, v53;
	(xrf2) =	vadd.scan.msk.f32 $0xffff, v53;
	_ =	sdelay $0x1  }
0x1a1: {  	(xrf2) =	vadd.scan.msk.f32 $0xffff, v57;
	_ =	sdelay $0x1  }
0x1a2: {  	v59, _, _ =	vpop (xrf2)  }
0x1a3: {  	v61 =	vmul.f32 v58, v56;
	v60, _, _ =	vpop (xrf2);
	(xrf2) =	vadd.scan.msk.f32 $0xffff, v56;
	_ =	sdelay $0x1  }
0x1a4: {  	(v2sf) =	vpush v59, $0xF;
	v62, _, _ =	vpop (xrf2);
	(xrf2) =	vadd.scan.msk.f32 $0xffff, v61  }
0x1a5: {  	(v2sf) =	vpush v60, $0xF;
	_ =	sdelay $0x1  }
0x1a6: {  	(v2sf) =	vpush v62, $0xF;
	v63, _, _ =	vpop (xrf2)  }
0x1a7: {  	(v2sf) =	vpush v63, $0xF  }
0x1a8: {  	v20, _, _ =	vpop (xrf2)  }
0x1a9: {  	(v2sf) =	vpush v20, $0xF  }
0x1aa: {  	v22 =	vld [tilespmem:s16+$0x270]  }
0x1ab: {  	v23 =	vld [tilespmem:s16+$0x4270];
	v21, _, _ =	vpop (xrf2)  }
0x1ac: {  	(v2sf) =	vpush v21, $0xF  }
0x1ad: {  	v24, _, _ =	vpop (xrf2)  }
0x1ae: {  	(v2sf) =	vpush v24, $0xF;
	_ =	sdelay $0x1  }
0x1af: {  	v26 =	vmul.f32 v23, v22;
	v8 =	vsub.f32 v60, v50  }
0x1b0: {  	(xrf2) =	vadd.scan.msk.f32 $0xffff, v22  }
0x1b1: {  	v25 =	vld [tilespmem:s16+$0x8240];
	v1 =	vsub.f32 v62, v54;
	v8 =	vadd.f32 $0.0e+00, v8;
	(xrf2) =	vadd.scan.msk.f32 $0xffff, v26;
	s25 =	spop (v2sf)  }
0x1b2: {  	v27 =	vadd.f32 v50, v50;
	s31 =	spop (v2sf)  }
0x1b3: {  	v11 =	vsub.f32 v63, v53;
	v1 =	vadd.f32 $0.0e+00, v1;
	v2 =	vmul.f32 v8, v52;
	s0 =	sadd.f32 $0.0e+00, s31  }
0x1b4: {  	v3 =	vmul.f32 v50, v50;
	v31 =	vadd.f32 v53, v53;
	v6 =	vsub.f32 v20, v57;
	s1 =	spop (v2sf)  }
0x1b5: {  	v29 =	vld [tilespmem:s16+$0x8250];
	v1 =	vsub.f32 v2, v1;
	s26 =	sadd.f32 $0.0e+00, s1;
	s28 =	spop (v2sf);
	v11 =	vadd.f32 s0, v11  }
0x1b6: {  	v38 =	vadd.f32 v56, v56;
	v28 =	vmul.f32 v25, v3;
	v30 =	vsub.f32 v21, v56;
	s0 =	sadd.f32 s28, s0  }
0x1b7: {  	v1 =	vmul.f32 v1, v27;
	s8 =	spop (v2sf);
	v6 =	vadd.f32 s26, v6;
	v4 =	vmul.f32 v11, v55  }
0x1b8: {  	v0 =	vmul.f32 v53, v53;
	v9 =	vsub.f32 v24, v61;
	s26 =	sadd.f32 s8, s26;
	v32 =	vadd.f32 s0, v30  }
0x1b9: {  	v34 =	vld [tilespmem:s16+$0x8260];
	v2 =	vmul.f32 $3.333333430e-01, v28;
	v1 =	vadd.f32 $0.0e+00, v1;
	v4 =	vsub.f32 v4, v6  }
0x1ba: {  	v0 =	vmul.f32 v29, v0;
	v36, _, _ =	vpop (xrf2);
	v35 =	vadd.f32 s26, v9;
	v6 =	vmul.f32 v32, v58;
	s9 =	spop (v2sf)  }
0x1bb: {  	v1 =	vadd.f32 v1, v2;
	v37 =	vsub.f32 v36, v22;
	v39, _, _ =	vpop (xrf2);
	v33 =	vmul.f32 v4, v31;
	s0 =	sadd.f32 s9, s0  }
0x1bc: {  	v5 =	vmul.f32 v56, v56;
	v4 =	vsub.f32 v6, v35;
	v6 =	vsub.f32 v39, v26;
	s29 =	spop (v2sf)  }
0x1bd: {  	v0 =	vmul.f32 $3.333333430e-01, v0;
	v1 =	vadd.f32 v33, v1;
	s26 =	sadd.f32 s29, s26;
	v2 =	vadd.f32 s0, v37  }
0x1be: {  	v41 =	vld [tilespmem:s16+$0x8270];
	v3 =	vmul.f32 v34, v5;
	v40 =	vmul.f32 v4, v38  }
0x1bf: {  	v0 =	vadd.f32 v1, v0;
	v42 =	vadd.f32 s26, v6;
	v2 =	vmul.f32 v2, v23  }
0x1c0: {  	v44 =	vadd.f32 v22, v22;
	v45 =	vmul.f32 v22, v22  }
0x1c1: {  	v43 =	vmul.f32 $3.333333430e-01, v3;
	v0 =	vadd.f32 v40, v0;
	v2 =	vsub.f32 v2, v42;
	_ =	sdelay $0x1  }
0x1c2: {  	v47 =	vmul.f32 v41, v45;
	v0 =	vadd.f32 v0, v43;
	v46 =	vmul.f32 v2, v44  }
0x1c3: {  	v48 =	vld [tilespmem:s16+$0x280]  }
0x1c4: {  	v49 =	vmul.f32 $3.333333430e-01, v47;
	v50 =	vld [tilespmem:s16+$0x4280];
	v0 =	vadd.f32 v46, v0;
	_ =	sdelay $0x1  }
0x1c5: {  	v0 =	vadd.f32 v0, v49;
	_ =	sdelay $0x1  }
0x1c6: {  	v51 =	vld [tilespmem:s16+$0x290];
	(xrf2) =	vadd.scan.msk.f32 $0xffff, v0  }
0x1c7: {  	v53 =	vld [tilespmem:s16+$0x4290];
	v52 =	vmul.f32 v50, v48;
	(xrf2) =	vadd.scan.msk.f32 $0xffff, v48;
	_ =	sdelay $0x1  }
0x1c8: {  	(xrf2) =	vadd.scan.msk.f32 $0xffff, v52;
	_ =	sdelay $0x1  }
0x1c9: {  	v54 =	vld [tilespmem:s16+$0x2A0]  }
0x1ca: {  	v56 =	vld [tilespmem:s16+$0x42A0];
	v55 =	vmul.f32 v53, v51;
	(xrf2) =	vadd.scan.msk.f32 $0xffff, v51;
	_ =	sdelay $0x1  }
0x1cb: {  	(xrf2) =	vadd.scan.msk.f32 $0xffff, v55;
	_ =	sdelay $0x1  }
0x1cc: {  	v57, _, _ =	vpop (xrf2)  }
0x1cd: {  	v59 =	vmul.f32 v56, v54;
	v58, _, _ =	vpop (xrf2);
	(xrf2) =	vadd.scan.msk.f32 $0xffff, v54;
	_ =	sdelay $0x1  }
0x1ce: {  	(v2sf) =	vpush v57, $0xF;
	v60, _, _ =	vpop (xrf2);
	(xrf2) =	vadd.scan.msk.f32 $0xffff, v59  }
0x1cf: {  	(v2sf) =	vpush v58, $0xF;
	_ =	sdelay $0x1  }
0x1d0: {  	(v2sf) =	vpush v60, $0xF;
	v61, _, _ =	vpop (xrf2)  }
0x1d1: {  	(v2sf) =	vpush v61, $0xF  }
0x1d2: {  	v62, _, _ =	vpop (xrf2)  }
0x1d3: {  	(v2sf) =	vpush v62, $0xF  }
0x1d4: {  	v20 =	vld [tilespmem:s16+$0x2B0]  }
0x1d5: {  	v21 =	vld [tilespmem:s16+$0x42B0];
	v63, _, _ =	vpop (xrf2)  }
0x1d6: {  	(v2sf) =	vpush v63, $0xF  }
0x1d7: {  	v22, _, _ =	vpop (xrf2)  }
0x1d8: {  	(v2sf) =	vpush v22, $0xF;
	_ =	sdelay $0x1  }
0x1d9: {  	v24 =	vmul.f32 v21, v20;
	v8 =	vsub.f32 v58, v48  }
0x1da: {  	(xrf2) =	vadd.scan.msk.f32 $0xffff, v20  }
0x1db: {  	v23 =	vld [tilespmem:s16+$0x8280];
	v1 =	vsub.f32 v60, v52;
	v8 =	vadd.f32 $0.0e+00, v8;
	(xrf2) =	vadd.scan.msk.f32 $0xffff, v24;
	s26 =	spop (v2sf)  }
0x1dc: {  	v25 =	vadd.f32 v48, v48;
	s30 =	spop (v2sf)  }
0x1dd: {  	v11 =	vsub.f32 v61, v51;
	v1 =	vadd.f32 $0.0e+00, v1;
	v2 =	vmul.f32 v8, v50;
	s0 =	sadd.f32 $0.0e+00, s30  }
0x1de: {  	v3 =	vmul.f32 v48, v48;
	v29 =	vadd.f32 v51, v51;
	v6 =	vsub.f32 v62, v55;
	s31 =	spop (v2sf)  }
0x1df: {  	v27 =	vld [tilespmem:s16+$0x8290];
	v1 =	vsub.f32 v2, v1;
	s28 =	sadd.f32 $0.0e+00, s31;
	s29 =	spop (v2sf);
	v11 =	vadd.f32 s0, v11  }
0x1e0: {  	v36 =	vadd.f32 v54, v54;
	v26 =	vmul.f32 v23, v3;
	v28 =	vsub.f32 v63, v54;
	s0 =	sadd.f32 s29, s0  }
0x1e1: {  	v1 =	vmul.f32 v1, v25;
	s1 =	spop (v2sf);
	v6 =	vadd.f32 s28, v6;
	v4 =	vmul.f32 v11, v53  }
0x1e2: {  	v0 =	vmul.f32 v51, v51;
	v9 =	vsub.f32 v22, v59;
	s28 =	sadd.f32 s1, s28;
	v30 =	vadd.f32 s0, v28  }
0x1e3: {  	v32 =	vld [tilespmem:s16+$0x82A0];
	v2 =	vmul.f32 $3.333333430e-01, v26;
	v1 =	vadd.f32 $0.0e+00, v1;
	v4 =	vsub.f32 v4, v6  }
0x1e4: {  	v0 =	vmul.f32 v27, v0;
	v34, _, _ =	vpop (xrf2);
	v33 =	vadd.f32 s28, v9;
	v6 =	vmul.f32 v30, v56;
	s8 =	spop (v2sf)  }
0x1e5: {  	v1 =	vadd.f32 v1, v2;
	v35 =	vsub.f32 v34, v20;
	v37, _, _ =	vpop (xrf2);
	v31 =	vmul.f32 v4, v29;
	s0 =	sadd.f32 s8, s0  }
0x1e6: {  	v5 =	vmul.f32 v54, v54;
	v4 =	vsub.f32 v6, v33;
	v6 =	vsub.f32 v37, v24;
	s9 =	spop (v2sf)  }
0x1e7: {  	v0 =	vmul.f32 $3.333333430e-01, v0;
	v1 =	vadd.f32 v31, v1;
	s28 =	sadd.f32 s9, s28;
	v2 =	vadd.f32 s0, v35  }
0x1e8: {  	v39 =	vld [tilespmem:s16+$0x82B0];
	v3 =	vmul.f32 v32, v5;
	v38 =	vmul.f32 v4, v36  }
0x1e9: {  	v0 =	vadd.f32 v1, v0;
	v40 =	vadd.f32 s28, v6;
	v2 =	vmul.f32 v2, v21  }
0x1ea: {  	v42 =	vadd.f32 v20, v20;
	v43 =	vmul.f32 v20, v20  }
0x1eb: {  	v41 =	vmul.f32 $3.333333430e-01, v3;
	v0 =	vadd.f32 v38, v0;
	v2 =	vsub.f32 v2, v40;
	_ =	sdelay $0x1  }
0x1ec: {  	v45 =	vmul.f32 v39, v43;
	v0 =	vadd.f32 v0, v41;
	v44 =	vmul.f32 v2, v42  }
0x1ed: {  	v46 =	vld [tilespmem:s16+$0x2C0]  }
0x1ee: {  	v47 =	vmul.f32 $3.333333430e-01, v45;
	v48 =	vld [tilespmem:s16+$0x42C0];
	v0 =	vadd.f32 v44, v0;
	_ =	sdelay $0x1  }
0x1ef: {  	v0 =	vadd.f32 v0, v47;
	_ =	sdelay $0x1  }
0x1f0: {  	v49 =	vld [tilespmem:s16+$0x2D0];
	(xrf2) =	vadd.scan.msk.f32 $0xffff, v0  }
0x1f1: {  	v51 =	vld [tilespmem:s16+$0x42D0];
	v50 =	vmul.f32 v48, v46;
	(xrf2) =	vadd.scan.msk.f32 $0xffff, v46;
	_ =	sdelay $0x1  }
0x1f2: {  	(xrf2) =	vadd.scan.msk.f32 $0xffff, v50;
	_ =	sdelay $0x1  }
0x1f3: {  	v52 =	vld [tilespmem:s16+$0x2E0]  }
0x1f4: {  	v54 =	vld [tilespmem:s16+$0x42E0];
	v53 =	vmul.f32 v51, v49;
	(xrf2) =	vadd.scan.msk.f32 $0xffff, v49;
	_ =	sdelay $0x1  }
0x1f5: {  	(xrf2) =	vadd.scan.msk.f32 $0xffff, v53;
	_ =	sdelay $0x1  }
0x1f6: {  	v55, _, _ =	vpop (xrf2)  }
0x1f7: {  	v57 =	vmul.f32 v54, v52;
	v56, _, _ =	vpop (xrf2);
	(xrf2) =	vadd.scan.msk.f32 $0xffff, v52;
	_ =	sdelay $0x1  }
0x1f8: {  	(v2sf) =	vpush v55, $0xF;
	v58, _, _ =	vpop (xrf2);
	(xrf2) =	vadd.scan.msk.f32 $0xffff, v57  }
0x1f9: {  	(v2sf) =	vpush v56, $0xF;
	_ =	sdelay $0x1  }
0x1fa: {  	(v2sf) =	vpush v58, $0xF;
	v59, _, _ =	vpop (xrf2)  }
0x1fb: {  	(v2sf) =	vpush v59, $0xF  }
0x1fc: {  	v60, _, _ =	vpop (xrf2)  }
0x1fd: {  	(v2sf) =	vpush v60, $0xF  }
0x1fe: {  	v62 =	vld [tilespmem:s16+$0x2F0]  }
0x1ff: {  	v63 =	vld [tilespmem:s16+$0x42F0];
	v61, _, _ =	vpop (xrf2)  }
0x200: {  	(v2sf) =	vpush v61, $0xF  }
0x201: {  	v20, _, _ =	vpop (xrf2)  }
0x202: {  	(v2sf) =	vpush v20, $0xF;
	_ =	sdelay $0x1  }
0x203: {  	v22 =	vmul.f32 v63, v62;
	v8 =	vsub.f32 v56, v46  }
0x204: {  	(xrf2) =	vadd.scan.msk.f32 $0xffff, v62  }
0x205: {  	v21 =	vld [tilespmem:s16+$0x82C0];
	v1 =	vsub.f32 v58, v50;
	v8 =	vadd.f32 $0.0e+00, v8;
	(xrf2) =	vadd.scan.msk.f32 $0xffff, v22;
	s28 =	spop (v2sf)  }
0x206: {  	v23 =	vadd.f32 v46, v46;
	s30 =	spop (v2sf)  }
0x207: {  	v11 =	vsub.f32 v59, v49;
	v1 =	vadd.f32 $0.0e+00, v1;
	v2 =	vmul.f32 v8, v48;
	s0 =	sadd.f32 $0.0e+00, s30  }
0x208: {  	v3 =	vmul.f32 v46, v46;
	v27 =	vadd.f32 v49, v49;
	v6 =	vsub.f32 v60, v53;
	s31 =	spop (v2sf)  }
0x209: {  	v25 =	vld [tilespmem:s16+$0x82D0];
	v1 =	vsub.f32 v2, v1;
	s29 =	sadd.f32 $0.0e+00, s31;
	s30 =	spop (v2sf);
	v11 =	vadd.f32 s0, v11  }
0x20a: {  	v34 =	vadd.f32 v52, v52;
	v24 =	vmul.f32 v21, v3;
	v26 =	vsub.f32 v61, v52;
	s0 =	sadd.f32 s30, s0  }
0x20b: {  	v1 =	vmul.f32 v1, v23;
	s1 =	spop (v2sf);
	v6 =	vadd.f32 s29, v6;
	v4 =	vmul.f32 v11, v51  }
0x20c: {  	v0 =	vmul.f32 v49, v49;
	v9 =	vsub.f32 v20, v57;
	s29 =	sadd.f32 s1, s29;
	v28 =	vadd.f32 s0, v26  }
0x20d: {  	v30 =	vld [tilespmem:s16+$0x82E0];
	v2 =	vmul.f32 $3.333333430e-01, v24;
	v1 =	vadd.f32 $0.0e+00, v1;
	v4 =	vsub.f32 v4, v6  }
0x20e: {  	v0 =	vmul.f32 v25, v0;
	v32, _, _ =	vpop (xrf2);
	v31 =	vadd.f32 s29, v9;
	v6 =	vmul.f32 v28, v54;
	s8 =	spop (v2sf)  }
0x20f: {  	v1 =	vadd.f32 v1, v2;
	v33 =	vsub.f32 v32, v62;
	v35, _, _ =	vpop (xrf2);
	v29 =	vmul.f32 v4, v27;
	s0 =	sadd.f32 s8, s0  }
0x210: {  	v5 =	vmul.f32 v52, v52;
	v4 =	vsub.f32 v6, v31;
	v6 =	vsub.f32 v35, v22;
	s9 =	spop (v2sf)  }
0x211: {  	v0 =	vmul.f32 $3.333333430e-01, v0;
	v1 =	vadd.f32 v29, v1;
	s29 =	sadd.f32 s9, s29;
	v2 =	vadd.f32 s0, v33  }
0x212: {  	v37 =	vld [tilespmem:s16+$0x82F0];
	v3 =	vmul.f32 v30, v5;
	v36 =	vmul.f32 v4, v34  }
0x213: {  	v0 =	vadd.f32 v1, v0;
	v38 =	vadd.f32 s29, v6;
	v2 =	vmul.f32 v2, v63  }
0x214: {  	v40 =	vadd.f32 v62, v62;
	v41 =	vmul.f32 v62, v62  }
0x215: {  	v39 =	vmul.f32 $3.333333430e-01, v3;
	v0 =	vadd.f32 v36, v0;
	v2 =	vsub.f32 v2, v38;
	_ =	sdelay $0x1  }
0x216: {  	v43 =	vmul.f32 v37, v41;
	v0 =	vadd.f32 v0, v39;
	v42 =	vmul.f32 v2, v40  }
0x217: {  	v44 =	vld [tilespmem:s16+$0x300]  }
0x218: {  	v45 =	vmul.f32 $3.333333430e-01, v43;
	v46 =	vld [tilespmem:s16+$0x4300];
	v0 =	vadd.f32 v42, v0;
	_ =	sdelay $0x1  }
0x219: {  	v0 =	vadd.f32 v0, v45;
	_ =	sdelay $0x1  }
0x21a: {  	v47 =	vld [tilespmem:s16+$0x310];
	(xrf2) =	vadd.scan.msk.f32 $0xffff, v0  }
0x21b: {  	v49 =	vld [tilespmem:s16+$0x4310];
	v48 =	vmul.f32 v46, v44;
	(xrf2) =	vadd.scan.msk.f32 $0xffff, v44;
	_ =	sdelay $0x1  }
0x21c: {  	(xrf2) =	vadd.scan.msk.f32 $0xffff, v48;
	_ =	sdelay $0x1  }
0x21d: {  	v50 =	vld [tilespmem:s16+$0x320]  }
0x21e: {  	v52 =	vld [tilespmem:s16+$0x4320];
	v51 =	vmul.f32 v49, v47;
	(xrf2) =	vadd.scan.msk.f32 $0xffff, v47;
	_ =	sdelay $0x1  }
0x21f: {  	(xrf2) =	vadd.scan.msk.f32 $0xffff, v51;
	_ =	sdelay $0x1  }
0x220: {  	v53, _, _ =	vpop (xrf2)  }
0x221: {  	v55 =	vmul.f32 v52, v50;
	v54, _, _ =	vpop (xrf2);
	(xrf2) =	vadd.scan.msk.f32 $0xffff, v50;
	_ =	sdelay $0x1  }
0x222: {  	(v2sf) =	vpush v53, $0xF;
	v56, _, _ =	vpop (xrf2);
	(xrf2) =	vadd.scan.msk.f32 $0xffff, v55  }
0x223: {  	(v2sf) =	vpush v54, $0xF;
	_ =	sdelay $0x1  }
0x224: {  	(v2sf) =	vpush v56, $0xF;
	v57, _, _ =	vpop (xrf2)  }
0x225: {  	(v2sf) =	vpush v57, $0xF  }
0x226: {  	v58, _, _ =	vpop (xrf2)  }
0x227: {  	(v2sf) =	vpush v58, $0xF  }
0x228: {  	v60 =	vld [tilespmem:s16+$0x330]  }
0x229: {  	v61 =	vld [tilespmem:s16+$0x4330];
	v59, _, _ =	vpop (xrf2)  }
0x22a: {  	(v2sf) =	vpush v59, $0xF  }
0x22b: {  	v62, _, _ =	vpop (xrf2)  }
0x22c: {  	(v2sf) =	vpush v62, $0xF;
	_ =	sdelay $0x1  }
0x22d: {  	v17 =	vmul.f32 v61, v60;
	v8 =	vsub.f32 v54, v44  }
0x22e: {  	(xrf2) =	vadd.scan.msk.f32 $0xffff, v60  }
0x22f: {  	v63 =	vld [tilespmem:s16+$0x8300];
	v1 =	vsub.f32 v56, v48;
	v8 =	vadd.f32 $0.0e+00, v8;
	(xrf2) =	vadd.scan.msk.f32 $0xffff, v17;
	s29 =	spop (v2sf)  }
0x230: {  	v18 =	vadd.f32 v44, v44;
	s30 =	spop (v2sf)  }
0x231: {  	v11 =	vsub.f32 v57, v47;
	v1 =	vadd.f32 $0.0e+00, v1;
	v2 =	vmul.f32 v8, v46;
	s0 =	sadd.f32 $0.0e+00, s30  }
0x232: {  	v3 =	vmul.f32 v44, v44;
	v22 =	vadd.f32 v47, v47;
	v6 =	vsub.f32 v58, v51;
	s31 =	spop (v2sf)  }
0x233: {  	v20 =	vld [tilespmem:s16+$0x8310];
	v1 =	vsub.f32 v2, v1;
	s30 =	sadd.f32 $0.0e+00, s31;
	s31 =	spop (v2sf);
	v11 =	vadd.f32 s0, v11  }
0x234: {  	v29 =	vadd.f32 v50, v50;
	v19 =	vmul.f32 v63, v3;
	v21 =	vsub.f32 v59, v50;
	s0 =	sadd.f32 s31, s0  }
0x235: {  	v1 =	vmul.f32 v1, v18;
	s1 =	spop (v2sf);
	v6 =	vadd.f32 s30, v6;
	v4 =	vmul.f32 v11, v49  }
0x236: {  	v0 =	vmul.f32 v47, v47;
	v9 =	vsub.f32 v62, v55;
	s30 =	sadd.f32 s1, s30;
	v23 =	vadd.f32 s0, v21  }
0x237: {  	v25 =	vld [tilespmem:s16+$0x8320];
	v2 =	vmul.f32 $3.333333430e-01, v19;
	v1 =	vadd.f32 $0.0e+00, v1;
	v4 =	vsub.f32 v4, v6  }
0x238: {  	v0 =	vmul.f32 v20, v0;
	v27, _, _ =	vpop (xrf2);
	v26 =	vadd.f32 s30, v9;
	v6 =	vmul.f32 v23, v52;
	s8 =	spop (v2sf)  }
0x239: {  	v1 =	vadd.f32 v1, v2;
	v28 =	vsub.f32 v27, v60;
	v30, _, _ =	vpop (xrf2);
	v24 =	vmul.f32 v4, v22;
	s0 =	sadd.f32 s8, s0  }
0x23a: {  	v5 =	vmul.f32 v50, v50;
	v4 =	vsub.f32 v6, v26;
	v6 =	vsub.f32 v30, v17;
	s9 =	spop (v2sf)  }
0x23b: {  	v0 =	vmul.f32 $3.333333430e-01, v0;
	v1 =	vadd.f32 v24, v1;
	s30 =	sadd.f32 s9, s30;
	v2 =	vadd.f32 s0, v28  }
0x23c: {  	v32 =	vld [tilespmem:s16+$0x8330];
	v3 =	vmul.f32 v25, v5;
	v31 =	vmul.f32 v4, v29  }
0x23d: {  	v0 =	vadd.f32 v1, v0;
	v33 =	vadd.f32 s30, v6;
	v2 =	vmul.f32 v2, v61  }
0x23e: {  	v35 =	vadd.f32 v60, v60;
	v36 =	vmul.f32 v60, v60  }
0x23f: {  	v34 =	vmul.f32 $3.333333430e-01, v3;
	v0 =	vadd.f32 v31, v0;
	v2 =	vsub.f32 v2, v33;
	_ =	sdelay $0x1  }
0x240: {  	v38 =	vmul.f32 v32, v36;
	v0 =	vadd.f32 v0, v34;
	v37 =	vmul.f32 v2, v35  }
0x241: {  	v41 =	vld [tilespmem:s16+$0x4340]  }
0x242: {  	v39 =	vld [tilespmem:s16+$0x340];
	v40 =	vmul.f32 $3.333333430e-01, v38;
	v0 =	vadd.f32 v37, v0;
	_ =	sdelay $0x1  }
0x243: {  	v0 =	vadd.f32 v0, v40;
	_ =	sdelay $0x1  }
0x244: {  	v42 =	vld [tilespmem:s16+$0x350];
	(xrf2) =	vadd.scan.msk.f32 $0xffff, v0  }
0x245: {  	v43 =	vmul.f32 v41, v39;
	v44 =	vld [tilespmem:s16+$0x4350];
	(xrf2) =	vadd.scan.msk.f32 $0xffff, v39;
	_ =	sdelay $0x1  }
0x246: {  	(xrf2) =	vadd.scan.msk.f32 $0xffff, v43;
	_ =	sdelay $0x1  }
0x247: {  	v45 =	vld [tilespmem:s16+$0x360]  }
0x248: {  	v47 =	vld [tilespmem:s16+$0x4360];
	v46 =	vmul.f32 v44, v42;
	(xrf2) =	vadd.scan.msk.f32 $0xffff, v42;
	_ =	sdelay $0x1  }
0x249: {  	(xrf2) =	vadd.scan.msk.f32 $0xffff, v46;
	_ =	sdelay $0x1  }
0x24a: {  	v48, _, _ =	vpop (xrf2)  }
0x24b: {  	v50 =	vmul.f32 v47, v45;
	v49, _, _ =	vpop (xrf2);
	(xrf2) =	vadd.scan.msk.f32 $0xffff, v45;
	_ =	sdelay $0x1  }
0x24c: {  	(v2sf) =	vpush v48, $0xF;
	v51, _, _ =	vpop (xrf2);
	(xrf2) =	vadd.scan.msk.f32 $0xffff, v50  }
0x24d: {  	(v2sf) =	vpush v49, $0xF;
	_ =	sdelay $0x1  }
0x24e: {  	(v2sf) =	vpush v51, $0xF;
	v52, _, _ =	vpop (xrf2)  }
0x24f: {  	(v2sf) =	vpush v52, $0xF  }
0x250: {  	v53, _, _ =	vpop (xrf2)  }
0x251: {  	(v2sf) =	vpush v53, $0xF  }
0x252: {  	v56 =	vld [tilespmem:s16+$0x4370]  }
0x253: {  	v55 =	vld [tilespmem:s16+$0x370];
	v54, _, _ =	vpop (xrf2)  }
0x254: {  	(v2sf) =	vpush v54, $0xF  }
0x255: {  	v57, _, _ =	vpop (xrf2)  }
0x256: {  	(v2sf) =	vpush v57, $0xF;
	_ =	sdelay $0x1  }
0x257: {  	v59 =	vmul.f32 v56, v55;
	v8 =	vsub.f32 v49, v39  }
0x258: {  	(xrf2) =	vadd.scan.msk.f32 $0xffff, v55  }
0x259: {  	v58 =	vld [tilespmem:s16+$0x8340];
	v1 =	vsub.f32 v51, v43;
	v8 =	vadd.f32 $0.0e+00, v8;
	(xrf2) =	vadd.scan.msk.f32 $0xffff, v59;
	s30 =	spop (v2sf)  }
0x25a: {  	v12 =	vadd.f32 v42, v42;
	s1 =	spop (v2sf)  }
0x25b: {  	v11 =	vsub.f32 v52, v42;
	v1 =	vadd.f32 $0.0e+00, v1;
	v2 =	vmul.f32 v8, v41;
	s0 =	sadd.f32 $0.0e+00, s1  }
0x25c: {  	v3 =	vmul.f32 v39, v39;
	v60 =	vadd.f32 v39, v39;
	v6 =	vsub.f32 v53, v46;
	s8 =	spop (v2sf)  }
0x25d: {  	v62 =	vld [tilespmem:s16+$0x8350];
	v1 =	vsub.f32 v2, v1;
	s31 =	sadd.f32 $0.0e+00, s8;
	s1 =	spop (v2sf);
	v11 =	vadd.f32 s0, v11  }
0x25e: {  	v22 =	vadd.f32 v45, v45;
	v61 =	vmul.f32 v58, v3;
	v63 =	vsub.f32 v54, v45;
	s0 =	sadd.f32 s1, s0  }
0x25f: {  	v1 =	vmul.f32 v1, v60;
	s9 =	spop (v2sf);
	v6 =	vadd.f32 s31, v6;
	v4 =	vmul.f32 v11, v44  }
0x260: {  	v0 =	vmul.f32 v42, v42;
	v9 =	vsub.f32 v57, v50;
	s1 =	sadd.f32 s9, s31;
	v13 =	vadd.f32 s0, v63  }
0x261: {  	v18 =	vld [tilespmem:s16+$0x8360];
	v2 =	vmul.f32 $3.333333430e-01, v61;
	v1 =	vadd.f32 $0.0e+00, v1;
	v4 =	vsub.f32 v4, v6  }
0x262: {  	v0 =	vmul.f32 v62, v0;
	v20, _, _ =	vpop (xrf2);
	v19 =	vadd.f32 s1, v9;
	v6 =	vmul.f32 v13, v47;
	s8 =	spop (v2sf)  }
0x263: {  	v1 =	vadd.f32 v1, v2;
	v21 =	vsub.f32 v20, v55;
	v23, _, _ =	vpop (xrf2);
	v17 =	vmul.f32 v4, v12;
	s0 =	sadd.f32 s8, s0  }
0x264: {  	v5 =	vmul.f32 v45, v45;
	v4 =	vsub.f32 v6, v19;
	v6 =	vsub.f32 v23, v59;
	s9 =	spop (v2sf)  }
0x265: {  	v0 =	vmul.f32 $3.333333430e-01, v0;
	v1 =	vadd.f32 v17, v1;
	s1 =	sadd.f32 s9, s1;
	v2 =	vadd.f32 s0, v21  }
0x266: {  	v25 =	vld [tilespmem:s16+$0x8370];
	v3 =	vmul.f32 v18, v5;
	v24 =	vmul.f32 v4, v22  }
0x267: {  	v0 =	vadd.f32 v1, v0;
	v26 =	vadd.f32 s1, v6;
	v2 =	vmul.f32 v2, v56  }
0x268: {  	v29 =	vmul.f32 v55, v55;
	v28 =	vadd.f32 v55, v55  }
0x269: {  	v27 =	vmul.f32 $3.333333430e-01, v3;
	v0 =	vadd.f32 v24, v0;
	v2 =	vsub.f32 v2, v26;
	_ =	sdelay $0x1  }
0x26a: {  	v31 =	vmul.f32 v25, v29;
	v0 =	vadd.f32 v0, v27;
	v30 =	vmul.f32 v2, v28  }
0x26b: {  	v32 =	vld [tilespmem:s16+$0x380]  }
0x26c: {  	v33 =	vmul.f32 $3.333333430e-01, v31;
	v34 =	vld [tilespmem:s16+$0x4380];
	v0 =	vadd.f32 v30, v0;
	_ =	sdelay $0x1  }
0x26d: {  	v0 =	vadd.f32 v0, v33;
	_ =	sdelay $0x1  }
0x26e: {  	v35 =	vld [tilespmem:s16+$0x390];
	(xrf2) =	vadd.scan.msk.f32 $0xffff, v0  }
0x26f: {  	v37 =	vld [tilespmem:s16+$0x4390];
	v36 =	vmul.f32 v34, v32;
	(xrf2) =	vadd.scan.msk.f32 $0xffff, v32;
	_ =	sdelay $0x1  }
0x270: {  	(xrf2) =	vadd.scan.msk.f32 $0xffff, v36;
	_ =	sdelay $0x1  }
0x271: {  	v38 =	vld [tilespmem:s16+$0x3A0]  }
0x272: {  	v40 =	vld [tilespmem:s16+$0x43A0];
	v39 =	vmul.f32 v37, v35;
	(xrf2) =	vadd.scan.msk.f32 $0xffff, v35;
	_ =	sdelay $0x1  }
0x273: {  	(xrf2) =	vadd.scan.msk.f32 $0xffff, v39;
	_ =	sdelay $0x1  }
0x274: {  	v41, _, _ =	vpop (xrf2)  }
0x275: {  	v43 =	vmul.f32 v40, v38;
	v42, _, _ =	vpop (xrf2);
	(xrf2) =	vadd.scan.msk.f32 $0xffff, v38;
	_ =	sdelay $0x1  }
0x276: {  	(v2sf) =	vpush v41, $0xF;
	v44, _, _ =	vpop (xrf2);
	(xrf2) =	vadd.scan.msk.f32 $0xffff, v43  }
0x277: {  	(v2sf) =	vpush v42, $0xF;
	_ =	sdelay $0x1  }
0x278: {  	(v2sf) =	vpush v44, $0xF;
	v45, _, _ =	vpop (xrf2)  }
0x279: {  	(v2sf) =	vpush v45, $0xF  }
0x27a: {  	v46, _, _ =	vpop (xrf2)  }
0x27b: {  	(v2sf) =	vpush v46, $0xF  }
0x27c: {  	v48 =	vld [tilespmem:s16+$0x3B0]  }
0x27d: {  	v49 =	vld [tilespmem:s16+$0x43B0];
	v47, _, _ =	vpop (xrf2)  }
0x27e: {  	(v2sf) =	vpush v47, $0xF  }
0x27f: {  	v50, _, _ =	vpop (xrf2)  }
0x280: {  	v8 =	vsub.f32 v42, v32;
	(v2sf) =	vpush v50, $0xF;
	_ =	sdelay $0x1  }
0x281: {  	v52 =	vmul.f32 v49, v48;
	v1 =	vsub.f32 v44, v36;
	v8 =	vadd.f32 $0.0e+00, v8  }
0x282: {  	(xrf2) =	vadd.scan.msk.f32 $0xffff, v48  }
0x283: {  	v51 =	vld [tilespmem:s16+$0x8380];
	(xrf2) =	vadd.scan.msk.f32 $0xffff, v52;
	v1 =	vadd.f32 $0.0e+00, v1;
	v2 =	vmul.f32 v8, v34;
	s31 =	spop (v2sf)  }
0x284: {  	v53 =	vadd.f32 v32, v32;
	s1 =	spop (v2sf)  }
0x285: {  	v11 =	vsub.f32 v45, v35;
	v1 =	vsub.f32 v2, v1;
	s0 =	sadd.f32 $0.0e+00, s1  }
0x286: {  	v3 =	vmul.f32 v32, v32;
	v55 =	vld [tilespmem:s16+$0x8390];
	s8 =	spop (v2sf)  }
0x287: {  	v6 =	vsub.f32 v46, v39;
	v1 =	vmul.f32 v1, v53;
	s1 =	sadd.f32 $0.0e+00, s8;
	s8 =	spop (v2sf);
	v11 =	vadd.f32 s0, v11  }
0x288: {  	v54 =	vmul.f32 v51, v3;
	v0 =	vmul.f32 v35, v35;
	v56 =	vsub.f32 v47, v38;
	s0 =	sadd.f32 s8, s0  }
0x289: {  	v1 =	vadd.f32 $0.0e+00, v1;
	s9 =	spop (v2sf);
	v6 =	vadd.f32 s1, v6;
	v4 =	vmul.f32 v11, v37  }
0x28a: {  	v2 =	vmul.f32 $3.333333430e-01, v54;
	v9 =	vsub.f32 v50, v43;
	s1 =	sadd.f32 s9, s1;
	v58 =	vadd.f32 s0, v56  }
0x28b: {  	v60 =	vld [tilespmem:s16+$0x83A0];
	v57 =	vadd.f32 v35, v35;
	v0 =	vmul.f32 v55, v0;
	v4 =	vsub.f32 v4, v6  }
0x28c: {  	v62, _, _ =	vpop (xrf2);
	v1 =	vadd.f32 v1, v2;
	v61 =	vadd.f32 s1, v9;
	v6 =	vmul.f32 v58, v40;
	s9 =	spop (v2sf)  }
0x28d: {  	v63 =	vsub.f32 v62, v48;
	v10, _, _ =	vpop (xrf2);
	v9 =	vadd.f32 v38, v38;
	v59 =	vmul.f32 v4, v57;
	s0 =	sadd.f32 s9, s0  }
0x28e: {  	v5 =	vmul.f32 v38, v38;
	v4 =	vsub.f32 v6, v61;
	v6 =	vsub.f32 v10, v52;
	s9 =	spop (v2sf)  }
0x28f: {  	v0 =	vmul.f32 $3.333333430e-01, v0;
	v1 =	vadd.f32 v59, v1;
	s1 =	sadd.f32 s9, s1;
	v2 =	vadd.f32 s0, v63  }
0x290: {  	v3 =	vmul.f32 v60, v5;
	v12 =	vld [tilespmem:s16+$0x83B0];
	v11 =	vmul.f32 v4, v9  }
0x291: {  	v0 =	vadd.f32 v1, v0;
	v13 =	vadd.f32 s1, v6;
	v2 =	vmul.f32 v2, v49  }
0x292: {  	v16 =	vadd.f32 v48, v48;
	v15 =	vmul.f32 $3.333333430e-01, v3  }
0x293: {  	v17 =	vmul.f32 v48, v48;
	v0 =	vadd.f32 v11, v0;
	v2 =	vsub.f32 v2, v13;
	_ =	sdelay $0x1  }
0x294: {  	v19 =	vmul.f32 v12, v17;
	v0 =	vadd.f32 v0, v15;
	v18 =	vmul.f32 v2, v16;
	_ =	sdelay $0x1  }
0x295: {  	v20 =	vld [tilespmem:s16+$0x3C0];
	v21 =	vmul.f32 $3.333333430e-01, v19;
	v0 =	vadd.f32 v18, v0  }
0x296: {  	v22 =	vld [tilespmem:s16+$0x43C0]  }
0x297: {  	v0 =	vadd.f32 v0, v21  }
0x298: {  	v25 =	vld [tilespmem:s16+$0x43D0]  }
0x299: {  	v23 =	vld [tilespmem:s16+$0x3D0];
	(xrf2) =	vadd.scan.msk.f32 $0xffff, v0;
	_ =	sdelay $0x1  }
0x29a: {  	v24 =	vmul.f32 v22, v20;
	(xrf2) =	vadd.scan.msk.f32 $0xffff, v20;
	_ =	sdelay $0x1  }
0x29b: {  	v26 =	vld [tilespmem:s16+$0x3E0];
	(xrf2) =	vadd.scan.msk.f32 $0xffff, v24  }
0x29c: {  	v27 =	vmul.f32 v25, v23;
	v28 =	vld [tilespmem:s16+$0x43E0];
	(xrf2) =	vadd.scan.msk.f32 $0xffff, v23;
	_ =	sdelay $0x1  }
0x29d: {  	(xrf2) =	vadd.scan.msk.f32 $0xffff, v27;
	_ =	sdelay $0x2  }
0x29e: {  	v31 =	vmul.f32 v28, v26;
	v29, _, _ =	vpop (xrf2);
	(xrf2) =	vadd.scan.msk.f32 $0xffff, v26;
	_ =	sdelay $0x1  }
0x29f: {  	(v2sf) =	vpush v29, $0xF;
	v30, _, _ =	vpop (xrf2);
	(xrf2) =	vadd.scan.msk.f32 $0xffff, v31  }
0x2a0: {  	(v2sf) =	vpush v30, $0xF  }
0x2a1: {  	v32, _, _ =	vpop (xrf2)  }
0x2a2: {  	(v2sf) =	vpush v32, $0xF;
	v33, _, _ =	vpop (xrf2)  }
0x2a3: {  	(v2sf) =	vpush v33, $0xF  }
0x2a4: {  	v34, _, _ =	vpop (xrf2)  }
0x2a5: {  	(v2sf) =	vpush v34, $0xF  }
0x2a6: {  	v36 =	vld [tilespmem:s16+$0x3F0]  }
0x2a7: {  	v37 =	vld [tilespmem:s16+$0x43F0];
	v35, _, _ =	vpop (xrf2)  }
0x2a8: {  	(v2sf) =	vpush v35, $0xF  }
0x2a9: {  	v38, _, _ =	vpop (xrf2)  }
0x2aa: {  	(v2sf) =	vpush v38, $0xF;
	_ =	sdelay $0x1  }
0x2ab: {  	v40 =	vmul.f32 v37, v36;
	v8 =	vsub.f32 v30, v20  }
0x2ac: {  	(xrf2) =	vadd.scan.msk.f32 $0xffff, v36  }
0x2ad: {  	v39 =	vld [tilespmem:s16+$0x83C0];
	v1 =	vsub.f32 v32, v24;
	v8 =	vadd.f32 $0.0e+00, v8;
	(xrf2) =	vadd.scan.msk.f32 $0xffff, v40;
	s0 =	spop (v2sf)  }
0x2ae: {  	v41 =	vadd.f32 v20, v20;
	s8 =	spop (v2sf)  }
0x2af: {  	v11 =	vsub.f32 v33, v23;
	v1 =	vadd.f32 $0.0e+00, v1;
	v2 =	vmul.f32 v8, v22;
	s1 =	sadd.f32 $0.0e+00, s8  }
0x2b0: {  	v3 =	vmul.f32 v20, v20;
	v45 =	vadd.f32 v23, v23;
	v6 =	vsub.f32 v34, v27;
	s9 =	spop (v2sf)  }
0x2b1: {  	v43 =	vld [tilespmem:s16+$0x83D0];
	v1 =	vsub.f32 v2, v1;
	s8 =	sadd.f32 $0.0e+00, s9;
	s9 =	spop (v2sf);
	v11 =	vadd.f32 s1, v11  }
0x2b2: {  	v42 =	vmul.f32 v39, v3;
	v52 =	vadd.f32 v26, v26;
	v44 =	vsub.f32 v35, v26;
	s1 =	sadd.f32 s9, s1  }
0x2b3: {  	v1 =	vmul.f32 v1, v41;
	s9 =	spop (v2sf);
	v6 =	vadd.f32 s8, v6;
	v4 =	vmul.f32 v11, v25  }
0x2b4: {  	v0 =	vmul.f32 v23, v23;
	v9 =	vsub.f32 v38, v31;
	s8 =	sadd.f32 s9, s8;
	v10 =	vadd.f32 s1, v44  }
0x2b5: {  	v47 =	vld [tilespmem:s16+$0x83E0];
	v2 =	vmul.f32 $3.333333430e-01, v42;
	v1 =	vadd.f32 $0.0e+00, v1;
	v4 =	vsub.f32 v4, v6  }
0x2b6: {  	v0 =	vmul.f32 v43, v0;
	v48, _, _ =	vpop (xrf2);
	v50 =	vadd.f32 s8, v9;
	v49 =	vmul.f32 v10, v28;
	s9 =	spop (v2sf)  }
0x2b7: {  	v1 =	vadd.f32 v1, v2;
	v51 =	vsub.f32 v48, v36;
	v53, _, _ =	vpop (xrf2);
	v46 =	vmul.f32 v4, v45;
	s1 =	sadd.f32 s9, s1  }
0x2b8: {  	v5 =	vmul.f32 v26, v26;
	v7 =	vsub.f32 v53, v40;
	v6 =	vsub.f32 v49, v50;
	s9 =	spop (v2sf)  }
0x2b9: {  	v0 =	vmul.f32 $3.333333430e-01, v0;
	v1 =	vadd.f32 v46, v1;
	s8 =	sadd.f32 s9, s8;
	v2 =	vadd.f32 s1, v51  }
0x2ba: {  	v55 =	vld [tilespmem:s16+$0x83F0];
	v3 =	vmul.f32 v47, v5;
	v54 =	vmul.f32 v6, v52  }
0x2bb: {  	v0 =	vadd.f32 v1, v0;
	v56 =	vadd.f32 s8, v7;
	v2 =	vmul.f32 v2, v37  }
0x2bc: {  	v58 =	vadd.f32 v36, v36;
	v57 =	vmul.f32 $3.333333430e-01, v3  }
0x2bd: {  	v59 =	vmul.f32 v36, v36;
	v0 =	vadd.f32 v54, v0;
	v2 =	vsub.f32 v2, v56;
	_ =	sdelay $0x1  }
0x2be: {  	v61 =	vmul.f32 v55, v59;
	v0 =	vadd.f32 v0, v57;
	v60 =	vmul.f32 v2, v58;
	_ =	sdelay $0x1  }
0x2bf: {  	v62 =	vmul.f32 $3.333333430e-01, v61;
	v0 =	vadd.f32 v60, v0;
	_ =	sdelay $0x1  }
0x2c0: {  	v0 =	vadd.f32 v0, v62;
	_ =	sdelay $0x1  }
0x2c1: {  	(xrf2) =	vadd.scan.msk.f32 $0xffff, v0;
	_ =	sdelay $0x9  }
0x2c2: {  	v0, _, _ =	vpop (xrf2)  }
0x2c3: {  	(v2sf) =	vpush v0, $0xF;
	_ =	sdelay $0xe  }
0x2c4: {  	s16 =	spop (v2sf)  }
0x2c5: {  	s1 =	smul.f32 $1.000000050e-03, s16  }
0x2c6: {  	s17 =	smul.f32 $1.000000050e-03, s17  }
0x2c7: {  	s18 =	smul.f32 $1.000000050e-03, s18;
	v63 =	vmov s1  }
0x2c8: {  	s19 =	smul.f32 $1.000000050e-03, s19;
	v0 =	vsel vm0, s17, v63  }
0x2c9: {  	s20 =	smul.f32 $1.000000050e-03, s20;
	v0 =	vsel vm1, s18, v0  }
0x2ca: {  	s21 =	smul.f32 $1.000000050e-03, s21;
	v0 =	vsel vm2, s19, v0  }
0x2cb: {  	s22 =	smul.f32 $1.000000050e-03, s22;
	v0 =	vsel vm3, s20, v0  }
0x2cc: {  	s23 =	smul.f32 $1.000000050e-03, s23;
	v0 =	vsel vm4, s21, v0  }
0x2cd: {  	s24 =	smul.f32 $1.000000050e-03, s24;
	v0 =	vsel vm5, s22, v0  }
0x2ce: {  	s25 =	smul.f32 $1.000000050e-03, s25;
	v0 =	vsel vm6, s23, v0  }
0x2cf: {  	s26 =	smul.f32 $1.000000050e-03, s26;
	v0 =	vsel vm7, s24, v0  }
0x2d0: {  	s28 =	smul.f32 $1.000000050e-03, s28;
	v0 =	vsel vm8, s25, v0  }
0x2d1: {  	s29 =	smul.f32 $1.000000050e-03, s29;
	v0 =	vsel vm9, s26, v0  }
0x2d2: {  	s30 =	smul.f32 $1.000000050e-03, s30;
	v0 =	vsel vm10, s28, v0  }
0x2d3: {  	s31 =	smul.f32 $1.000000050e-03, s31;
	v0 =	vsel vm11, s29, v0  }
0x2d4: {  	p0 =	sne.s32 s15, $0xF000;
	s0 =	smul.f32 $1.000000050e-03, s0;
	v0 =	vsel vm12, s30, v0  }
.Ltmp0:
0x2d5: {  	v0 =	vsel vm13, s31, v0;
	(pc) =	sbr.rel @p0 .LBB2_2-.Ltmp0, $3  }
0x2d6: {  	v0 =	vsel vm14, s0, v0  }
0x2d7: {  	v0 =	vadd.f32 $0.0e+00, v0;
	_ =	sdelay $0x1  }
0x2d8: {  	s15 =	sadd.s32 $0x1000, s15;
	[tilespmem:s14+$0x0] =	vst v0;
	s14 =	sadd.s32 $0x10, s14  }
0x2d9: {  	s13 =	sadd.s32 $0x1, s13  }
0x2da: {  	p0 =	sne.s32 s13, s7  }
.Ltmp1:
0x2db: {  	_ = 	snop;
	(pc) =	sbr.rel @p0 .LBB2_1-.Ltmp1, $4  }
0x2dc: {  	[hbm4b:s6+s2] =	stream.linear.scatter [tilespmem:s11], [sflag:$0x2], $0x100, $0x38;
	[tilespmem:$0xC100] =	vst v63  }
0x2dd: {  	_ =	swait.ge [sflag:s12], $0x100  }
0x2de: {  	[sflag:s12] =	ssyncset.done $0x0  }
0x2df: {  	[sflag:s12] =	ssyncadd.s32 $0xFFFFFF00  }
0x2e0: {  	_ =	sfence.sel $0x180000  }
0x2e1: {  	[bflag:$0x0] =	sbarrier.arrive $0xFFFF  }
0x2e2: {  	_ =	strace $0x90000047  }
0x2e3: {  	s0 =	stileid.u32;
	[bflag:$0x2] =	sbarrier.arrive $0xFFFF  }
0x2e4: {  	p0 =	sne.s32 s0, $0x0;
	s0 =	rddreg [dreg:$0x4]  }
0x2e5: {  	s0 =	sadd.s32 @!p0 $0x100000, s0  }
0x2e6: {  	[sflag:s0] =	ssyncadd.tile.s32 @!p0 $0x1;
	_ =	shalt  }
.Lfunc_end2:
_tile_overlayer_lowered:
.L_overlay_start_2:
0x2e7: {  	(tag) =	ssettag $0x2  }
0x2e8: {  	s0 =	rddreg [dreg:$0x0];
	s2 =	stileid.u32  }
0x2e9: {  	s1 =	rddreg [dreg:$0x1];
	p0 =	sne.s32 s2, $0x0  }
0x2ea: {  	s3 =	rddreg [dreg:$0x2];
	[bflag:$0x3] =	sbarrier.arrive $0xFFFF;
	s2 =	simm.s32 @!p0 $0x1C02  }
0x2eb: {  	[timem:s3], [sflag:s2] =	dma.local @!p0 [hbm:s0], s1  }
0x2ec: {  	s0 =	simm.s32 @!p0 $0x2  }
0x2ed: {  	_ =	swait.ge @!p0 [sflag:s0], s1  }
0x2ee: {  	s1 =	ssub.s32 @!p0 $0x0, s1;
	[sflag:s0] =	ssyncset.done @!p0 $0x0  }
0x2ef: {  	[sflag:s0] =	ssyncadd.s32 @!p0 s1  }
0x2f0: {  	[bflag:$0x3] =	sbarrier.arrive $0xFFFF  }
0x2f1: {  	_ =	shalt  }

</sc_bundles>
